<compile_context>
chip_gen: v7x
topology: tpu7x:2x2x1
jax: 0.10.2.dev20260603
libtpu: 0.0.44.dev20260713+nightly
codegen_flags: <defaults>
</compile_context>

<pallas_src>
import functools

import jax
import jax.numpy as jnp
from jax import lax
from jax.experimental import pallas as pl
from jax.experimental.pallas import tpu as pltpu
from jax.experimental.pallas import tpu_sc as plsc

K = 16
PPAD = 16


def _proj_kernel(q_ref, k_ref, v_ref, pp_ref, wq_ref, wk_ref, wv_ref, t_ref):
    f32 = jnp.float32
    d = (jnp.dot(q_ref[...], wq_ref[...], preferred_element_type=f32)
         - jnp.dot(k_ref[...], wk_ref[...], preferred_element_type=f32))
    v = jnp.dot(v_ref[...], wv_ref[...], preferred_element_type=f32)
    t_ref[...] = jnp.concatenate([d, v, pp_ref[...]], axis=1)


def _knn_kernel(crows_ref, ccols_ref, idx_ref, *, n, rb, k, boffset):
    cr = crows_ref[...]
    ca = ccols_ref[...]
    crb = cr.astype(jnp.bfloat16).astype(jnp.float32)
    cab = ca.astype(jnp.bfloat16).astype(jnp.float32)
    dot = lax.dot_general(crb, cab, (((1,), (0,)), ((), ())),
                          precision=lax.Precision.HIGHEST,
                          preferred_element_type=jnp.float32)
    d2r = jnp.sum(cr * cr, axis=1, keepdims=True)
    d2a = jnp.sum(ca * ca, axis=0, keepdims=True)
    dist = d2r + d2a - 2.0 * dot
    dshift = dist + 0.5
    seg = 256
    g_iota = lax.broadcasted_iota(jnp.int32, (rb, n), 1)
    vclass = lax.shift_right_logical(g_iota, 8)
    c = lax.bitcast_convert_type(
        (lax.bitcast_convert_type(dshift, jnp.int32) & jnp.int32(~0xF)) | vclass,
        jnp.float32)
    nseg = n // seg
    iotaseg = lax.broadcasted_iota(jnp.int32, (rb, seg), 1).astype(jnp.float32)
    removed = jnp.float32(jnp.inf)
    mprev = jnp.zeros((rb, 1), dtype=jnp.float32)
    cols = []
    for _ in range(k):
        s = jnp.where(c[:, 0:seg] > mprev, c[:, 0:seg], removed)
        for j in range(1, nseg):
            cj = c[:, j * seg:(j + 1) * seg]
            s = jnp.minimum(s, jnp.where(cj > mprev, cj, removed))
        m = jnp.min(s, axis=1, keepdims=True)
        lane = jnp.min(jnp.where(s == m, iotaseg, jnp.float32(seg)),
                       axis=1, keepdims=True)
        mb = lax.bitcast_convert_type(m, jnp.int32)
        am = ((mb & jnp.int32(15)) << 8) | lane.astype(jnp.int32)
        cols.append(am)
        mprev = m
    idxf = jnp.concatenate(cols, axis=1)
    idx_ref[...] = idxf + boffset


def _mlp_kernel(g_ref, pr_ref, p1_ref, pb1_ref, p2_ref, pb2_ref,
                a1_ref, ab1_ref, a2_ref, ab2_ref, wo_ref, bo_ref, out_ref, *, rb, k):
    f32 = jnp.float32
    g = g_ref[...]
    inner_w = p2_ref.shape[1]
    gd = g[:, 0:inner_w]
    gv = g[:, inner_w:2 * inner_w]
    gp = g[:, 2 * inner_w:2 * inner_w + PPAD]
    pc = pr_ref[...]
    rel = gp - jnp.broadcast_to(pc[:, None, :], (rb, k, PPAD)).reshape(rb * k, PPAD)
    h1 = jnp.maximum(jnp.dot(rel, p1_ref[...], preferred_element_type=f32)
                     + pb1_ref[...], 0.0)
    rpe = jnp.dot(h1, p2_ref[...], preferred_element_type=f32) + pb2_ref[...]
    s = jnp.dot(gd + rpe, a1_ref[...], preferred_element_type=f32) + ab1_ref[...]
    s = jnp.maximum(s, 0.0)
    sim = jnp.dot(s, a2_ref[...], preferred_element_type=f32) + ab2_ref[...]
    e = jnp.exp(sim)
    p = e / jnp.sum(e, axis=-1, keepdims=True)
    vg = gv + rpe
    inner = sim.shape[-1]
    p3 = p.reshape(rb, k, inner)
    vg3 = vg.reshape(rb, k, inner)
    num = jnp.sum(p3 * vg3, axis=1)
    ssq = jnp.sum(p3 * p3, axis=1)
    agg = num / jnp.maximum(jnp.sqrt(ssq), 1e-12)
    out_ref[...] = jnp.dot(agg, wo_ref[...], preferred_element_type=f32) + bo_ref[...]


def _make_gather(nrows, width):
    info = plsc.get_sparse_core_info()
    nc, ns = info.num_cores, info.num_subcores
    nw = nc * ns
    chunk = 128
    per_w = nrows // nw
    nchunk = per_w // chunk
    f32 = jnp.float32
    mesh = plsc.VectorSubcoreMesh(core_axis_name="c", subcore_axis_name="s")

    @functools.partial(
        pl.kernel, mesh=mesh,
        out_type=jax.ShapeDtypeStruct((nrows, width), f32),
        scratch_types=[pltpu.VMEM((chunk,), jnp.int32),
                       pltpu.VMEM((chunk, width), f32),
                       pltpu.SemaphoreType.DMA])
    def gather(tab, idx_hbm, out, idxv, buf, s_g):
        wid = lax.axis_index("s") * nc + lax.axis_index("c")
        base = wid * per_w

        def body(c, carry):
            off = base + c * chunk
            pltpu.sync_copy(idx_hbm.at[pl.ds(off, chunk)], idxv)
            pltpu.async_copy(tab.at[idxv], buf, s_g).wait()
            pltpu.sync_copy(buf, out.at[pl.ds(off, chunk)])
            return carry

        lax.fori_loop(0, nchunk, body, 0)

    return gather


def kernel(query, key, value, canonical, Wq, Wk, Wv, Wo, bo, P1, pb1, P2, pb2, A1, ab1, A2, ab2):
    bs, n, emb = query.shape
    inner = Wq.shape[0]
    ah = A1.shape[0]
    ph = P1.shape[0]
    k = K
    bn = bs * n
    f32 = jnp.float32

    qf = query.reshape(bn, emb)
    kf = key.reshape(bn, emb)
    vf = value.reshape(bn, emb)
    cf = canonical.reshape(bn, 3)

    width = 2 * inner + emb
    pospad = jnp.pad(cf, ((0, 0), (0, emb - 3)))
    rb1 = 512
    tab = pl.pallas_call(
        _proj_kernel,
        grid=(bn // rb1,),
        in_specs=[pl.BlockSpec((rb1, emb), lambda i: (i, 0))] * 4
        + [pl.BlockSpec((emb, inner), lambda i: (0, 0))] * 3,
        out_specs=pl.BlockSpec((rb1, width), lambda i: (i, 0)),
        out_shape=jax.ShapeDtypeStruct((bn, width), f32),
    )(qf, kf, vf, pospad, Wq.T, Wk.T, Wv.T)

    rb2 = 128
    nb2 = n // rb2
    ct = jnp.transpose(canonical, (0, 2, 1))
    pos16 = jnp.pad(cf, ((0, 0), (0, PPAD - 3)))
    p1ext = jnp.pad(P1.T, ((0, PPAD - 3), (0, 0)))
    rb4 = 128
    rows4 = rb4 * k
    gather_fn = _make_gather(n * k, width)

    outs = []
    for b in range(bs):
        idx_b = pl.pallas_call(
            functools.partial(_knn_kernel, n=n, rb=rb2, k=k, boffset=b * n),
            grid=(nb2,),
            in_specs=[pl.BlockSpec((rb2, 3), lambda i: (i, 0)),
                      pl.BlockSpec((3, n), lambda i: (0, 0))],
            out_specs=pl.BlockSpec((rb2, k), lambda i: (i, 0)),
            out_shape=jax.ShapeDtypeStruct((n, k), jnp.int32),
        )(canonical[b], ct[b])

        g_b = gather_fn(tab, idx_b.reshape(n * k))

        out_b = pl.pallas_call(
            functools.partial(_mlp_kernel, rb=rb4, k=k),
            grid=(n // rb4,),
            in_specs=[
                pl.BlockSpec((rows4, width), lambda i: (i, 0)),
                pl.BlockSpec((rb4, PPAD), lambda i: (i, 0)),
                pl.BlockSpec((PPAD, ph), lambda i: (0, 0)),
                pl.BlockSpec((1, ph), lambda i: (0, 0)),
                pl.BlockSpec((ph, inner), lambda i: (0, 0)),
                pl.BlockSpec((1, inner), lambda i: (0, 0)),
                pl.BlockSpec((inner, ah), lambda i: (0, 0)),
                pl.BlockSpec((1, ah), lambda i: (0, 0)),
                pl.BlockSpec((ah, inner), lambda i: (0, 0)),
                pl.BlockSpec((1, inner), lambda i: (0, 0)),
                pl.BlockSpec((inner, emb), lambda i: (0, 0)),
                pl.BlockSpec((1, emb), lambda i: (0, 0)),
            ],
            out_specs=pl.BlockSpec((rb4, emb), lambda i: (i, 0)),
            out_shape=jax.ShapeDtypeStruct((n, emb), f32),
        )(g_b, pos16[b * n:(b + 1) * n], p1ext, pb1.reshape(1, ph), P2.T, pb2.reshape(1, inner),
          A1.T, ab1.reshape(1, ah), A2.T, ab2.reshape(1, inner), Wo.T,
          bo.reshape(1, emb))
        outs.append(out_b)

    return jnp.stack(outs).reshape(bs, n, emb)

# --- scband reference (transcript-rebuilt; emitter-appended) ---
"""Pipeline reference for scband-vector-attention-14654428414536 (READ-ONLY COPY).

The authoritative reference and input builder live on the scoring server;
editing this copy changes nothing except your own understanding.
"""

import jax, jax.numpy as jnp
import numpy as np

BS, N, K = 2, 4096, 16
EMB, INNER = 128, 64
PH = 64
AH = INNER * 4


def _knn_idx(canonical, k):
    # canonical: [bs, n, 3]; returns flattened indices into [bs*n] with batch offsets
    d2 = jnp.sum(canonical * canonical, axis=-1)  # [bs, n]
    dist = d2[:, :, None] + d2[:, None, :] - 2.0 * jnp.einsum('bnd,bmd->bnm', canonical, canonical)
    _, idx = jax.lax.top_k(-dist, k)  # [bs, n, k] nearest (includes self)
    bs, n = canonical.shape[0], canonical.shape[1]
    idx = idx + (jnp.arange(bs) * n)[:, None, None]
    return idx.reshape(-1)


def setup_inputs(seed: int = 0) -> dict:
    key = jax.random.key(seed)
    ks = jax.random.split(key, 20)
    s = 0.05
    inp = {
        'query': jax.random.normal(ks[0], (BS, N, EMB), dtype=jnp.float32),
        'key': jax.random.normal(ks[1], (BS, N, EMB), dtype=jnp.float32),
        'value': jax.random.normal(ks[2], (BS, N, EMB), dtype=jnp.float32),
        'canonical': jax.random.normal(ks[3], (BS, N, 3), dtype=jnp.float32),
        'Wq': jax.random.normal(ks[4], (INNER, EMB), dtype=jnp.float32) * s,
        'Wk': jax.random.normal(ks[5], (INNER, EMB), dtype=jnp.float32) * s,
        'Wv': jax.random.normal(ks[6], (INNER, EMB), dtype=jnp.float32) * s,
        'Wo': jax.random.normal(ks[7], (EMB, INNER), dtype=jnp.float32) * s,
        'bo': jnp.zeros((EMB,), dtype=jnp.float32),
        'P1': jax.random.normal(ks[8], (PH, 3), dtype=jnp.float32) * s,
        'pb1': jnp.zeros((PH,), dtype=jnp.float32),
        'P2': jax.random.normal(ks[9], (INNER, PH), dtype=jnp.float32) * s,
        'pb2': jnp.zeros((INNER,), dtype=jnp.float32),
        'A1': jax.random.normal(ks[10], (AH, INNER), dtype=jnp.float32) * s,
        'ab1': jnp.zeros((AH,), dtype=jnp.float32),
        'A2': jax.random.normal(ks[11], (INNER, AH), dtype=jnp.float32) * s,
        'ab2': jnp.zeros((INNER,), dtype=jnp.float32),
    }
    return inp


def reference(query, key, value, canonical, Wq, Wk, Wv, Wo, bo, P1, pb1, P2, pb2, A1, ab1, A2, ab2):
    bs, n, k = query.shape[0], query.shape[1], K
    q = query @ Wq.T
    kk = key @ Wk.T
    v = value @ Wv.T
    idx = _knn_idx(canonical, k)  # [bs*n*k]
    pos_nn = canonical.reshape(bs * n, 3)[idx, :].reshape(bs, n, k, 3)
    pos_repeat = jnp.broadcast_to(canonical[:, :, None, :], (bs, n, k, 3))
    rel = pos_nn - pos_repeat
    rel_pos_emb = jax.nn.relu(rel @ P1.T + pb1) @ P2.T + pb2
    qg = q.reshape(bs * n, -1)[idx, :].reshape(bs, n, k, -1)
    kg = kk.reshape(bs * n, -1)[idx, :].reshape(bs, n, k, -1)
    qk_rel = qg - kg
    vg = v.reshape(bs * n, -1)[idx, :].reshape(bs, n, k, -1)
    vg = vg + rel_pos_emb
    sim = jax.nn.relu((qk_rel + rel_pos_emb) @ A1.T + ab1) @ A2.T + ab2
    attn = jax.nn.softmax(sim, axis=-1)
    norm = jnp.sqrt(jnp.sum(attn * attn, axis=-2, keepdims=True))
    attn = attn / jnp.maximum(norm, 1e-12)
    agg = jnp.einsum('bijd,bijd->bid', attn, vg)
    return agg @ Wo.T + bo

if __name__ == "__main__":
    import jax
    _d = setup_inputs()
    print(jax.jit(kernel)(*tuple(_d.values())))

</pallas_src>

<mosaic_0001>
#map = affine_map<(d0, d1) -> (0, 0)>
#map1 = affine_map<(d0, d1) -> (0)>
module attributes {stable_mosaic.version = 14 : i64} {
  func.func @gather(%arg0: i32, %arg1: i32, %arg2: memref<8192x256xf32, #tpu.memory_space<hbm>>, %arg3: memref<65536xi32, #tpu.memory_space<hbm>>, %arg4: memref<65536x256xf32, #tpu.memory_space<hbm>>, %arg5: memref<128xi32, #tpu.memory_space<vmem>>, %arg6: memref<128x256xf32, #tpu.memory_space<vmem>>, %arg7: memref<!tpu.dma_semaphore, #tpu.memory_space<semaphore_mem>>) attributes {dimension_semantics = [#tpu.dimension_semantics<core_parallel>, #tpu.dimension_semantics<subcore_parallel>], iteration_bounds = array<i64: 2, 16>, scalar_prefetch = 0 : i64, scratch_operands = 3 : i64, tpu.core_type = #tpu.core_type<sc_vector_subcore>, window_params = [{transform_indices = #map}, {transform_indices = #map1}, {transform_indices = #map}]} {
    %mul3A = arith.constant 2 : i32
    %mul3A_0 = arith.muli %arg1, %mul3A : i32
    %add3A = arith.addi %mul3A_0, %arg0 : i32
    %mul3A_1 = arith.constant 2048 : i32
    %mul3A_2 = arith.muli %add3A, %mul3A_1 : i32
    %scan3A = arith.constant 0 : i32
    %scan3A_3 = arith.constant 0 : i32
    %scan3A_4 = arith.constant 16 : i32
    %scan3A_5 = arith.addi %scan3A_3, %scan3A_4 : i32
    %scan3A_6 = arith.constant 1 : i32
    scf.for %scan3A_8 = %scan3A_3 to %scan3A_5 step %scan3A_6  : i32 {
      %mul3A_9 = arith.constant 128 : i32
      %mul3A_10 = arith.muli %scan3A_8, %mul3A_9 : i32
      %add3A_11 = arith.addi %mul3A_2, %mul3A_10 : i32
      "tpu.region"() ({
        %run_scoped3A = tpu.sem_alloc : memref<!tpu.dma_semaphore, #tpu.memory_space<semaphore_mem>>
        %dma_start3A_16 = tpu.memref_slice %arg3[%add3A_11] : memref<65536xi32, #tpu.memory_space<hbm>> -> memref<128xi32, #tpu.memory_space<hbm>>
        %dma_start3A_17 = tpu.memref_slice %arg3[%add3A_11] : memref<65536xi32, #tpu.memory_space<hbm>> -> memref<128xi32, #tpu.memory_space<hbm>>
        tpu.enqueue_dma source(%dma_start3A_17 : memref<128xi32, #tpu.memory_space<hbm>>) target(%arg5 : memref<128xi32, #tpu.memory_space<vmem>>) target_semaphore(%run_scoped3A : memref<!tpu.dma_semaphore, #tpu.memory_space<semaphore_mem>>)
        %dma_wait3A_18 = tpu.memref_slice %arg3[%add3A_11] : memref<65536xi32, #tpu.memory_space<hbm>> -> memref<128xi32, #tpu.memory_space<hbm>>
        %dma_wait3A_19 = tpu.memref_slice %arg3[%add3A_11] : memref<65536xi32, #tpu.memory_space<hbm>> -> memref<128xi32, #tpu.memory_space<hbm>>
        tpu.wait_dma2 semaphore(%run_scoped3A : memref<!tpu.dma_semaphore, #tpu.memory_space<semaphore_mem>>) src(%dma_wait3A_19 : memref<128xi32, #tpu.memory_space<hbm>>) dst(%arg5 : memref<128xi32, #tpu.memory_space<vmem>>)
        tpu.yield
      }) : () -> ()
      %dma_start3A = arith.constant 0 : i32
      %dma_start3A_12 = arith.constant 0 : i32
      %dma_start3A_13 = tpu.memref_slice %arg2[%dma_start3A, %dma_start3A_12] : memref<8192x256xf32, #tpu.memory_space<hbm>> -> memref<8192x256xf32, #tpu.memory_space<hbm>>
      tpu.enqueue_indirect_dma source(%dma_start3A_13 : memref<8192x256xf32, #tpu.memory_space<hbm>>) target(%arg6 : memref<128x256xf32, #tpu.memory_space<vmem>>) offsets(%arg5 : memref<128xi32, #tpu.memory_space<vmem>>) semaphore(%arg7 : memref<!tpu.dma_semaphore, #tpu.memory_space<semaphore_mem>>)
      %dma_wait3A = arith.constant 0 : i32
      %dma_wait3A_14 = arith.constant 0 : i32
      %dma_wait3A_15 = tpu.memref_slice %arg2[%dma_wait3A, %dma_wait3A_14] : memref<8192x256xf32, #tpu.memory_space<hbm>> -> memref<8192x256xf32, #tpu.memory_space<hbm>>
      tpu.wait_indirect_dma semaphore(%arg7 : memref<!tpu.dma_semaphore, #tpu.memory_space<semaphore_mem>>) src(%dma_wait3A_15 : memref<8192x256xf32, #tpu.memory_space<hbm>>) dst(%arg6 : memref<128x256xf32, #tpu.memory_space<vmem>>)
      "tpu.region"() ({
        %run_scoped3A = tpu.sem_alloc : memref<!tpu.dma_semaphore, #tpu.memory_space<semaphore_mem>>
        %dma_start3A_16 = arith.constant 0 : i32
        %dma_start3A_17 = tpu.memref_slice %arg4[%add3A_11, %dma_start3A_16] : memref<65536x256xf32, #tpu.memory_space<hbm>> -> memref<128x256xf32, #tpu.memory_space<hbm>>
        %dma_start3A_18 = arith.constant 0 : i32
        %dma_start3A_19 = tpu.memref_slice %arg4[%add3A_11, %dma_start3A_18] : memref<65536x256xf32, #tpu.memory_space<hbm>> -> memref<128x256xf32, #tpu.memory_space<hbm>>
        tpu.enqueue_dma source(%arg6 : memref<128x256xf32, #tpu.memory_space<vmem>>) target(%dma_start3A_19 : memref<128x256xf32, #tpu.memory_space<hbm>>) target_semaphore(%run_scoped3A : memref<!tpu.dma_semaphore, #tpu.memory_space<semaphore_mem>>)
        %dma_wait3A_20 = arith.constant 0 : i32
        %dma_wait3A_21 = tpu.memref_slice %arg4[%add3A_11, %dma_wait3A_20] : memref<65536x256xf32, #tpu.memory_space<hbm>> -> memref<128x256xf32, #tpu.memory_space<hbm>>
        %dma_wait3A_22 = arith.constant 0 : i32
        %dma_wait3A_23 = tpu.memref_slice %arg4[%add3A_11, %dma_wait3A_22] : memref<65536x256xf32, #tpu.memory_space<hbm>> -> memref<128x256xf32, #tpu.memory_space<hbm>>
        tpu.wait_dma2 semaphore(%run_scoped3A : memref<!tpu.dma_semaphore, #tpu.memory_space<semaphore_mem>>) src(%arg6 : memref<128x256xf32, #tpu.memory_space<vmem>>) dst(%dma_wait3A_23 : memref<128x256xf32, #tpu.memory_space<hbm>>)
        tpu.yield
      }) : () -> ()
    }
    %scan3A_7 = arith.constant 16 : i32
    return
  }
}

#map = affine_map<(d0, d1) -> (0, 0)>
#map1 = affine_map<(d0, d1) -> (0)>
module attributes {stable_mosaic.version = 14 : i64} {
  func.func @gather(%arg0: i32, %arg1: i32, %arg2: memref<8192x256xf32, #tpu.memory_space<hbm>>, %arg3: memref<65536xi32, #tpu.memory_space<hbm>>, %arg4: memref<65536x256xf32, #tpu.memory_space<hbm>>, %arg5: memref<128xi32, #tpu.memory_space<vmem>>, %arg6: memref<128x256xf32, #tpu.memory_space<vmem>>, %arg7: memref<!tpu.dma_semaphore, #tpu.memory_space<semaphore_mem>>) attributes {dimension_semantics = [#tpu.dimension_semantics<core_parallel>, #tpu.dimension_semantics<subcore_parallel>], iteration_bounds = array<i64: 2, 16>, scalar_prefetch = 0 : i64, scratch_operands = 3 : i64, tpu.core_type = #tpu.core_type<sc_vector_subcore>, window_params = [{transform_indices = #map}, {transform_indices = #map1}, {transform_indices = #map}]} {
    %mul3A = arith.constant 2 : i32
    %mul3A_0 = arith.muli %arg1, %mul3A : i32
    %add3A = arith.addi %mul3A_0, %arg0 : i32
    %mul3A_1 = arith.constant 2048 : i32
    %mul3A_2 = arith.muli %add3A, %mul3A_1 : i32
    %scan3A = arith.constant 0 : i32
    %scan3A_3 = arith.constant 0 : i32
    %scan3A_4 = arith.constant 16 : i32
    %scan3A_5 = arith.addi %scan3A_3, %scan3A_4 : i32
    %scan3A_6 = arith.constant 1 : i32
    scf.for %scan3A_8 = %scan3A_3 to %scan3A_5 step %scan3A_6  : i32 {
      %mul3A_9 = arith.constant 128 : i32
      %mul3A_10 = arith.muli %scan3A_8, %mul3A_9 : i32
      %add3A_11 = arith.addi %mul3A_2, %mul3A_10 : i32
      "tpu.region"() ({
        %run_scoped3A = tpu.sem_alloc : memref<!tpu.dma_semaphore, #tpu.memory_space<semaphore_mem>>
        %dma_start3A_16 = tpu.memref_slice %arg3[%add3A_11] : memref<65536xi32, #tpu.memory_space<hbm>> -> memref<128xi32, #tpu.memory_space<hbm>>
        %dma_start3A_17 = tpu.memref_slice %arg3[%add3A_11] : memref<65536xi32, #tpu.memory_space<hbm>> -> memref<128xi32, #tpu.memory_space<hbm>>
        tpu.enqueue_dma source(%dma_start3A_17 : memref<128xi32, #tpu.memory_space<hbm>>) target(%arg5 : memref<128xi32, #tpu.memory_space<vmem>>) target_semaphore(%run_scoped3A : memref<!tpu.dma_semaphore, #tpu.memory_space<semaphore_mem>>)
        %dma_wait3A_18 = tpu.memref_slice %arg3[%add3A_11] : memref<65536xi32, #tpu.memory_space<hbm>> -> memref<128xi32, #tpu.memory_space<hbm>>
        %dma_wait3A_19 = tpu.memref_slice %arg3[%add3A_11] : memref<65536xi32, #tpu.memory_space<hbm>> -> memref<128xi32, #tpu.memory_space<hbm>>
        tpu.wait_dma2 semaphore(%run_scoped3A : memref<!tpu.dma_semaphore, #tpu.memory_space<semaphore_mem>>) src(%dma_wait3A_19 : memref<128xi32, #tpu.memory_space<hbm>>) dst(%arg5 : memref<128xi32, #tpu.memory_space<vmem>>)
        tpu.yield
      }) : () -> ()
      %dma_start3A = arith.constant 0 : i32
      %dma_start3A_12 = arith.constant 0 : i32
      %dma_start3A_13 = tpu.memref_slice %arg2[%dma_start3A, %dma_start3A_12] : memref<8192x256xf32, #tpu.memory_space<hbm>> -> memref<8192x256xf32, #tpu.memory_space<hbm>>
      tpu.enqueue_indirect_dma source(%dma_start3A_13 : memref<8192x256xf32, #tpu.memory_space<hbm>>) target(%arg6 : memref<128x256xf32, #tpu.memory_space<vmem>>) offsets(%arg5 : memref<128xi32, #tpu.memory_space<vmem>>) semaphore(%arg7 : memref<!tpu.dma_semaphore, #tpu.memory_space<semaphore_mem>>)
      %dma_wait3A = arith.constant 0 : i32
      %dma_wait3A_14 = arith.constant 0 : i32
      %dma_wait3A_15 = tpu.memref_slice %arg2[%dma_wait3A, %dma_wait3A_14] : memref<8192x256xf32, #tpu.memory_space<hbm>> -> memref<8192x256xf32, #tpu.memory_space<hbm>>
      tpu.wait_indirect_dma semaphore(%arg7 : memref<!tpu.dma_semaphore, #tpu.memory_space<semaphore_mem>>) src(%dma_wait3A_15 : memref<8192x256xf32, #tpu.memory_space<hbm>>) dst(%arg6 : memref<128x256xf32, #tpu.memory_space<vmem>>)
      "tpu.region"() ({
        %run_scoped3A = tpu.sem_alloc : memref<!tpu.dma_semaphore, #tpu.memory_space<semaphore_mem>>
        %dma_start3A_16 = arith.constant 0 : i32
        %dma_start3A_17 = tpu.memref_slice %arg4[%add3A_11, %dma_start3A_16] : memref<65536x256xf32, #tpu.memory_space<hbm>> -> memref<128x256xf32, #tpu.memory_space<hbm>>
        %dma_start3A_18 = arith.constant 0 : i32
        %dma_start3A_19 = tpu.memref_slice %arg4[%add3A_11, %dma_start3A_18] : memref<65536x256xf32, #tpu.memory_space<hbm>> -> memref<128x256xf32, #tpu.memory_space<hbm>>
        tpu.enqueue_dma source(%arg6 : memref<128x256xf32, #tpu.memory_space<vmem>>) target(%dma_start3A_19 : memref<128x256xf32, #tpu.memory_space<hbm>>) target_semaphore(%run_scoped3A : memref<!tpu.dma_semaphore, #tpu.memory_space<semaphore_mem>>)
        %dma_wait3A_20 = arith.constant 0 : i32
        %dma_wait3A_21 = tpu.memref_slice %arg4[%add3A_11, %dma_wait3A_20] : memref<65536x256xf32, #tpu.memory_space<hbm>> -> memref<128x256xf32, #tpu.memory_space<hbm>>
        %dma_wait3A_22 = arith.constant 0 : i32
        %dma_wait3A_23 = tpu.memref_slice %arg4[%add3A_11, %dma_wait3A_22] : memref<65536x256xf32, #tpu.memory_space<hbm>> -> memref<128x256xf32, #tpu.memory_space<hbm>>
        tpu.wait_dma2 semaphore(%run_scoped3A : memref<!tpu.dma_semaphore, #tpu.memory_space<semaphore_mem>>) src(%arg6 : memref<128x256xf32, #tpu.memory_space<vmem>>) dst(%dma_wait3A_23 : memref<128x256xf32, #tpu.memory_space<hbm>>)
        tpu.yield
      }) : () -> ()
    }
    %scan3A_7 = arith.constant 16 : i32
    return
  }
}

module attributes {stable_mosaic.version = 14 : i64} {
  func.func @_knn_kernel(%arg0: i32, %arg1: memref<128x3xf32, #tpu.memory_space<vmem>>, %arg2: memref<3x4096xf32, #tpu.memory_space<vmem>>, %arg3: memref<128x16xi32, #tpu.memory_space<vmem>>) attributes {dimension_semantics = [#tpu.dimension_semantics<arbitrary>], iteration_bounds = array<i64: 32>, scalar_prefetch = 0 : i64, scratch_operands = 0 : i64, tpu.core_type = #tpu.core_type<tc>, window_params = [{transform_indices = @transform_0, window_bounds = array<i64: 128, 3>}, {pipeline_mode = #tpu.pipeline_mode<synchronous>, transform_indices = @transform_1, window_bounds = array<i64: 3, 4096>}, {transform_indices = @transform_2, window_bounds = array<i64: 128, 16>}]} {
    %get3A = arith.constant 0 : index
    %get3A_0 = arith.constant 0 : index
    %get3A_1 = vector.load %arg1[%get3A, %get3A_0] : memref<128x3xf32, #tpu.memory_space<vmem>>, vector<128x3xf32>
    %get3A_2 = arith.constant 0 : index
    %get3A_3 = arith.constant 0 : index
    %get3A_4 = vector.load %arg2[%get3A_2, %get3A_3] : memref<3x4096xf32, #tpu.memory_space<vmem>>, vector<3x4096xf32>
    %convert_element_type3A = arith.truncf %get3A_1 : vector<128x3xf32> to vector<128x3xbf16>
    %convert_element_type3A_5 = arith.extf %convert_element_type3A : vector<128x3xbf16> to vector<128x3xf32>
    %convert_element_type3A_6 = arith.truncf %get3A_4 : vector<3x4096xf32> to vector<3x4096xbf16>
    %convert_element_type3A_7 = arith.extf %convert_element_type3A_6 : vector<3x4096xbf16> to vector<3x4096xf32>
    %dot_general3A = arith.constant dense<0.000000e+00> : vector<128x4096xf32>
    %dot_general3A_8 = tpu.matmul %convert_element_type3A_5, %convert_element_type3A_7, %dot_general3A {dimension_numbers = #tpu.dot_dimension_numbers<[1], [0], [0], [1], [0, 0, 1, 1], [], []>, precision = #tpu.contract_precision<fp32>, transpose_lhs_hint = false} : vector<128x3xf32>, vector<3x4096xf32>, vector<128x4096xf32> -> vector<128x4096xf32>
    %mul3A = arith.mulf %get3A_1, %get3A_1 : vector<128x3xf32>
    %reduce_sum3A = arith.constant dense<0.000000e+00> : vector<128xf32>
    %reduce_sum3A_9 = vector.multi_reduction <add>, %mul3A, %reduce_sum3A [1] : vector<128x3xf32> to vector<128xf32>
    %broadcast_in_dim3A = vector.shape_cast %reduce_sum3A_9 : vector<128xf32> to vector<128x1xf32>
    %mul3A_10 = arith.mulf %get3A_4, %get3A_4 : vector<3x4096xf32>
    %reduce_sum3A_11 = arith.constant dense<0.000000e+00> : vector<4096xf32>
    %reduce_sum3A_12 = vector.multi_reduction <add>, %mul3A_10, %reduce_sum3A_11 [0] : vector<3x4096xf32> to vector<4096xf32>
    %broadcast_in_dim3A_13 = vector.shape_cast %reduce_sum3A_12 : vector<4096xf32> to vector<1x4096xf32>
    %add3A = vector.broadcast %broadcast_in_dim3A : vector<128x1xf32> to vector<128x4096xf32>
    %add3A_14 = vector.broadcast %broadcast_in_dim3A_13 : vector<1x4096xf32> to vector<128x4096xf32>
    %add3A_15 = arith.addf %add3A, %add3A_14 : vector<128x4096xf32>
    %mul3A_16 = arith.constant 2.000000e+00 : f32
    %mul3A_17 = vector.broadcast %mul3A_16 : f32 to vector<128x4096xf32>
    %mul3A_18 = arith.mulf %mul3A_17, %dot_general3A_8 : vector<128x4096xf32>
    %sub3A = arith.subf %add3A_15, %mul3A_18 : vector<128x4096xf32>
    %add3A_19 = arith.constant 5.000000e-01 : f32
    %add3A_20 = vector.broadcast %add3A_19 : f32 to vector<128x4096xf32>
    %add3A_21 = arith.addf %sub3A, %add3A_20 : vector<128x4096xf32>
    %iota3A = tpu.iota {dimensions = array<i32: 1>} : vector<128x4096xi32>
    %shift_right_logical3A = arith.constant 8 : i32
    %shift_right_logical3A_22 = vector.broadcast %shift_right_logical3A : i32 to vector<128x4096xi32>
    %shift_right_logical3A_23 = arith.shrui %iota3A, %shift_right_logical3A_22 : vector<128x4096xi32>
    %bitcast_convert_type3A = tpu.bitcast %add3A_21 : vector<128x4096xf32> -> vector<128x4096xi32>
    %and3A = arith.constant -16 : i32
    %and3A_24 = vector.broadcast %and3A : i32 to vector<128x4096xi32>
    %and3A_25 = arith.andi %bitcast_convert_type3A, %and3A_24 : vector<128x4096xi32>
    %or3A = arith.ori %and3A_25, %shift_right_logical3A_23 : vector<128x4096xi32>
    %bitcast_convert_type3A_26 = tpu.bitcast %or3A : vector<128x4096xi32> -> vector<128x4096xf32>
    %iota3A_27 = tpu.iota {dimensions = array<i32: 1>} : vector<128x256xi32>
    %convert_element_type3A_28 = arith.sitofp %iota3A_27 : vector<128x256xi32> to vector<128x256xf32>
    %broadcast_in_dim3A_29 = arith.constant 0.000000e+00 : f32
    %broadcast_in_dim3A_30 = vector.broadcast %broadcast_in_dim3A_29 : f32 to vector<128x1xf32>
    %slice3A = vector.extract_strided_slice %bitcast_convert_type3A_26 {offsets = [0, 0], sizes = [128, 256], strides = [1, 1]} : vector<128x4096xf32> to vector<128x256xf32>
    %gt3A = vector.broadcast %broadcast_in_dim3A_30 : vector<128x1xf32> to vector<128x256xf32>
    %gt3A_31 = arith.cmpf ogt, %slice3A, %gt3A : vector<128x256xf32>
    %slice3A_32 = vector.extract_strided_slice %bitcast_convert_type3A_26 {offsets = [0, 0], sizes = [128, 256], strides = [1, 1]} : vector<128x4096xf32> to vector<128x256xf32>
    %jit3A = arith.constant 0x7F800000 : f32
    %broadcast_in_dim3A_33 = vector.broadcast %jit3A : f32 to vector<128x256xf32>
    %select_n3A = arith.select %gt3A_31, %slice3A_32, %broadcast_in_dim3A_33 : vector<128x256xi1>, vector<128x256xf32>
    %slice3A_34 = vector.extract_strided_slice %bitcast_convert_type3A_26 {offsets = [0, 256], sizes = [128, 256], strides = [1, 1]} : vector<128x4096xf32> to vector<128x256xf32>
    %gt3A_35 = vector.broadcast %broadcast_in_dim3A_30 : vector<128x1xf32> to vector<128x256xf32>
    %gt3A_36 = arith.cmpf ogt, %slice3A_34, %gt3A_35 : vector<128x256xf32>
    %jit3A_37 = arith.constant 0x7F800000 : f32
    %broadcast_in_dim3A_38 = vector.broadcast %jit3A_37 : f32 to vector<128x256xf32>
    %select_n3A_39 = arith.select %gt3A_36, %slice3A_34, %broadcast_in_dim3A_38 : vector<128x256xi1>, vector<128x256xf32>
    %min3A = arith.minimumf %select_n3A, %select_n3A_39 : vector<128x256xf32>
    %slice3A_40 = vector.extract_strided_slice %bitcast_convert_type3A_26 {offsets = [0, 512], sizes = [128, 256], strides = [1, 1]} : vector<128x4096xf32> to vector<128x256xf32>
    %gt3A_41 = vector.broadcast %broadcast_in_dim3A_30 : vector<128x1xf32> to vector<128x256xf32>
    %gt3A_42 = arith.cmpf ogt, %slice3A_40, %gt3A_41 : vector<128x256xf32>
    %jit3A_43 = arith.constant 0x7F800000 : f32
    %broadcast_in_dim3A_44 = vector.broadcast %jit3A_43 : f32 to vector<128x256xf32>
    %select_n3A_45 = arith.select %gt3A_42, %slice3A_40, %broadcast_in_dim3A_44 : vector<128x256xi1>, vector<128x256xf32>
    %min3A_46 = arith.minimumf %min3A, %select_n3A_45 : vector<128x256xf32>
    %slice3A_47 = vector.extract_strided_slice %bitcast_convert_type3A_26 {offsets = [0, 768], sizes = [128, 256], strides = [1, 1]} : vector<128x4096xf32> to vector<128x256xf32>
    %gt3A_48 = vector.broadcast %broadcast_in_dim3A_30 : vector<128x1xf32> to vector<128x256xf32>
    %gt3A_49 = arith.cmpf ogt, %slice3A_47, %gt3A_48 : vector<128x256xf32>
    %jit3A_50 = arith.constant 0x7F800000 : f32
    %broadcast_in_dim3A_51 = vector.broadcast %jit3A_50 : f32 to vector<128x256xf32>
    %select_n3A_52 = arith.select %gt3A_49, %slice3A_47, %broadcast_in_dim3A_51 : vector<128x256xi1>, vector<128x256xf32>
    %min3A_53 = arith.minimumf %min3A_46, %select_n3A_52 : vector<128x256xf32>
    %slice3A_54 = vector.extract_strided_slice %bitcast_convert_type3A_26 {offsets = [0, 1024], sizes = [128, 256], strides = [1, 1]} : vector<128x4096xf32> to vector<128x256xf32>
    %gt3A_55 = vector.broadcast %broadcast_in_dim3A_30 : vector<128x1xf32> to vector<128x256xf32>
    %gt3A_56 = arith.cmpf ogt, %slice3A_54, %gt3A_55 : vector<128x256xf32>
    %jit3A_57 = arith.constant 0x7F800000 : f32
    %broadcast_in_dim3A_58 = vector.broadcast %jit3A_57 : f32 to vector<128x256xf32>
    %select_n3A_59 = arith.select %gt3A_56, %slice3A_54, %broadcast_in_dim3A_58 : vector<128x256xi1>, vector<128x256xf32>
    %min3A_60 = arith.minimumf %min3A_53, %select_n3A_59 : vector<128x256xf32>
    %slice3A_61 = vector.extract_strided_slice %bitcast_convert_type3A_26 {offsets = [0, 1280], sizes = [128, 256], strides = [1, 1]} : vector<128x4096xf32> to vector<128x256xf32>
    %gt3A_62 = vector.broadcast %broadcast_in_dim3A_30 : vector<128x1xf32> to vector<128x256xf32>
    %gt3A_63 = arith.cmpf ogt, %slice3A_61, %gt3A_62 : vector<128x256xf32>
    %jit3A_64 = arith.constant 0x7F800000 : f32
    %broadcast_in_dim3A_65 = vector.broadcast %jit3A_64 : f32 to vector<128x256xf32>
    %select_n3A_66 = arith.select %gt3A_63, %slice3A_61, %broadcast_in_dim3A_65 : vector<128x256xi1>, vector<128x256xf32>
    %min3A_67 = arith.minimumf %min3A_60, %select_n3A_66 : vector<128x256xf32>
    %slice3A_68 = vector.extract_strided_slice %bitcast_convert_type3A_26 {offsets = [0, 1536], sizes = [128, 256], strides = [1, 1]} : vector<128x4096xf32> to vector<128x256xf32>
    %gt3A_69 = vector.broadcast %broadcast_in_dim3A_30 : vector<128x1xf32> to vector<128x256xf32>
    %gt3A_70 = arith.cmpf ogt, %slice3A_68, %gt3A_69 : vector<128x256xf32>
    %jit3A_71 = arith.constant 0x7F800000 : f32
    %broadcast_in_dim3A_72 = vector.broadcast %jit3A_71 : f32 to vector<128x256xf32>
    %select_n3A_73 = arith.select %gt3A_70, %slice3A_68, %broadcast_in_dim3A_72 : vector<128x256xi1>, vector<128x256xf32>
    %min3A_74 = arith.minimumf %min3A_67, %select_n3A_73 : vector<128x256xf32>
    %slice3A_75 = vector.extract_strided_slice %bitcast_convert_type3A_26 {offsets = [0, 1792], sizes = [128, 256], strides = [1, 1]} : vector<128x4096xf32> to vector<128x256xf32>
    %gt3A_76 = vector.broadcast %broadcast_in_dim3A_30 : vector<128x1xf32> to vector<128x256xf32>
    %gt3A_77 = arith.cmpf ogt, %slice3A_75, %gt3A_76 : vector<128x256xf32>
    %jit3A_78 = arith.constant 0x7F800000 : f32
    %broadcast_in_dim3A_79 = vector.broadcast %jit3A_78 : f32 to vector<128x256xf32>
    %select_n3A_80 = arith.select %gt3A_77, %slice3A_75, %broadcast_in_dim3A_79 : vector<128x256xi1>, vector<128x256xf32>
    %min3A_81 = arith.minimumf %min3A_74, %select_n3A_80 : vector<128x256xf32>
    %slice3A_82 = vector.extract_strided_slice %bitcast_convert_type3A_26 {offsets = [0, 2048], sizes = [128, 256], strides = [1, 1]} : vector<128x4096xf32> to vector<128x256xf32>
    %gt3A_83 = vector.broadcast %broadcast_in_dim3A_30 : vector<128x1xf32> to vector<128x256xf32>
    %gt3A_84 = arith.cmpf ogt, %slice3A_82, %gt3A_83 : vector<128x256xf32>
    %jit3A_85 = arith.constant 0x7F800000 : f32
    %broadcast_in_dim3A_86 = vector.broadcast %jit3A_85 : f32 to vector<128x256xf32>
    %select_n3A_87 = arith.select %gt3A_84, %slice3A_82, %broadcast_in_dim3A_86 : vector<128x256xi1>, vector<128x256xf32>
    %min3A_88 = arith.minimumf %min3A_81, %select_n3A_87 : vector<128x256xf32>
    %slice3A_89 = vector.extract_strided_slice %bitcast_convert_type3A_26 {offsets = [0, 2304], sizes = [128, 256], strides = [1, 1]} : vector<128x4096xf32> to vector<128x256xf32>
    %gt3A_90 = vector.broadcast %broadcast_in_dim3A_30 : vector<128x1xf32> to vector<128x256xf32>
    %gt3A_91 = arith.cmpf ogt, %slice3A_89, %gt3A_90 : vector<128x256xf32>
    %jit3A_92 = arith.constant 0x7F800000 : f32
    %broadcast_in_dim3A_93 = vector.broadcast %jit3A_92 : f32 to vector<128x256xf32>
    %select_n3A_94 = arith.select %gt3A_91, %slice3A_89, %broadcast_in_dim3A_93 : vector<128x256xi1>, vector<128x256xf32>
    %min3A_95 = arith.minimumf %min3A_88, %select_n3A_94 : vector<128x256xf32>
    %slice3A_96 = vector.extract_strided_slice %bitcast_convert_type3A_26 {offsets = [0, 2560], sizes = [128, 256], strides = [1, 1]} : vector<128x4096xf32> to vector<128x256xf32>
    %gt3A_97 = vector.broadcast %broadcast_in_dim3A_30 : vector<128x1xf32> to vector<128x256xf32>
    %gt3A_98 = arith.cmpf ogt, %slice3A_96, %gt3A_97 : vector<128x256xf32>
    %jit3A_99 = arith.constant 0x7F800000 : f32
    %broadcast_in_dim3A_100 = vector.broadcast %jit3A_99 : f32 to vector<128x256xf32>
    %select_n3A_101 = arith.select %gt3A_98, %slice3A_96, %broadcast_in_dim3A_100 : vector<128x256xi1>, vector<128x256xf32>
    %min3A_102 = arith.minimumf %min3A_95, %select_n3A_101 : vector<128x256xf32>
    %slice3A_103 = vector.extract_strided_slice %bitcast_convert_type3A_26 {offsets = [0, 2816], sizes = [128, 256], strides = [1, 1]} : vector<128x4096xf32> to vector<128x256xf32>
    %gt3A_104 = vector.broadcast %broadcast_in_dim3A_30 : vector<128x1xf32> to vector<128x256xf32>
    %gt3A_105 = arith.cmpf ogt, %slice3A_103, %gt3A_104 : vector<128x256xf32>
    %jit3A_106 = arith.constant 0x7F800000 : f32
    %broadcast_in_dim3A_107 = vector.broadcast %jit3A_106 : f32 to vector<128x256xf32>
    %select_n3A_108 = arith.select %gt3A_105, %slice3A_103, %broadcast_in_dim3A_107 : vector<128x256xi1>, vector<128x256xf32>
    %min3A_109 = arith.minimumf %min3A_102, %select_n3A_108 : vector<128x256xf32>
    %slice3A_110 = vector.extract_strided_slice %bitcast_convert_type3A_26 {offsets = [0, 3072], sizes = [128, 256], strides = [1, 1]} : vector<128x4096xf32> to vector<128x256xf32>
    %gt3A_111 = vector.broadcast %broadcast_in_dim3A_30 : vector<128x1xf32> to vector<128x256xf32>
    %gt3A_112 = arith.cmpf ogt, %slice3A_110, %gt3A_111 : vector<128x256xf32>
    %jit3A_113 = arith.constant 0x7F800000 : f32
    %broadcast_in_dim3A_114 = vector.broadcast %jit3A_113 : f32 to vector<128x256xf32>
    %select_n3A_115 = arith.select %gt3A_112, %slice3A_110, %broadcast_in_dim3A_114 : vector<128x256xi1>, vector<128x256xf32>
    %min3A_116 = arith.minimumf %min3A_109, %select_n3A_115 : vector<128x256xf32>
    %slice3A_117 = vector.extract_strided_slice %bitcast_convert_type3A_26 {offsets = [0, 3328], sizes = [128, 256], strides = [1, 1]} : vector<128x4096xf32> to vector<128x256xf32>
    %gt3A_118 = vector.broadcast %broadcast_in_dim3A_30 : vector<128x1xf32> to vector<128x256xf32>
    %gt3A_119 = arith.cmpf ogt, %slice3A_117, %gt3A_118 : vector<128x256xf32>
    %jit3A_120 = arith.constant 0x7F800000 : f32
    %broadcast_in_dim3A_121 = vector.broadcast %jit3A_120 : f32 to vector<128x256xf32>
    %select_n3A_122 = arith.select %gt3A_119, %slice3A_117, %broadcast_in_dim3A_121 : vector<128x256xi1>, vector<128x256xf32>
    %min3A_123 = arith.minimumf %min3A_116, %select_n3A_122 : vector<128x256xf32>
    %slice3A_124 = vector.extract_strided_slice %bitcast_convert_type3A_26 {offsets = [0, 3584], sizes = [128, 256], strides = [1, 1]} : vector<128x4096xf32> to vector<128x256xf32>
    %gt3A_125 = vector.broadcast %broadcast_in_dim3A_30 : vector<128x1xf32> to vector<128x256xf32>
    %gt3A_126 = arith.cmpf ogt, %slice3A_124, %gt3A_125 : vector<128x256xf32>
    %jit3A_127 = arith.constant 0x7F800000 : f32
    %broadcast_in_dim3A_128 = vector.broadcast %jit3A_127 : f32 to vector<128x256xf32>
    %select_n3A_129 = arith.select %gt3A_126, %slice3A_124, %broadcast_in_dim3A_128 : vector<128x256xi1>, vector<128x256xf32>
    %min3A_130 = arith.minimumf %min3A_123, %select_n3A_129 : vector<128x256xf32>
    %slice3A_131 = vector.extract_strided_slice %bitcast_convert_type3A_26 {offsets = [0, 3840], sizes = [128, 256], strides = [1, 1]} : vector<128x4096xf32> to vector<128x256xf32>
    %gt3A_132 = vector.broadcast %broadcast_in_dim3A_30 : vector<128x1xf32> to vector<128x256xf32>
    %gt3A_133 = arith.cmpf ogt, %slice3A_131, %gt3A_132 : vector<128x256xf32>
    %jit3A_134 = arith.constant 0x7F800000 : f32
    %broadcast_in_dim3A_135 = vector.broadcast %jit3A_134 : f32 to vector<128x256xf32>
    %select_n3A_136 = arith.select %gt3A_133, %slice3A_131, %broadcast_in_dim3A_135 : vector<128x256xi1>, vector<128x256xf32>
    %min3A_137 = arith.minimumf %min3A_130, %select_n3A_136 : vector<128x256xf32>
    %reduce_min3A = arith.constant dense<0x7F800000> : vector<128xf32>
    %reduce_min3A_138 = vector.multi_reduction <minimumf>, %min3A_137, %reduce_min3A [1] : vector<128x256xf32> to vector<128xf32>
    %broadcast_in_dim3A_139 = vector.shape_cast %reduce_min3A_138 : vector<128xf32> to vector<128x1xf32>
    %eq3A = vector.broadcast %broadcast_in_dim3A_139 : vector<128x1xf32> to vector<128x256xf32>
    %eq3A_140 = arith.cmpf oeq, %min3A_137, %eq3A : vector<128x256xf32>
    %jit3A_141 = arith.constant 2.560000e+02 : f32
    %broadcast_in_dim3A_142 = vector.broadcast %jit3A_141 : f32 to vector<128x256xf32>
    %select_n3A_143 = arith.select %eq3A_140, %convert_element_type3A_28, %broadcast_in_dim3A_142 : vector<128x256xi1>, vector<128x256xf32>
    %reduce_min3A_144 = arith.constant dense<0x7F800000> : vector<128xf32>
    %reduce_min3A_145 = vector.multi_reduction <minimumf>, %select_n3A_143, %reduce_min3A_144 [1] : vector<128x256xf32> to vector<128xf32>
    %broadcast_in_dim3A_146 = vector.shape_cast %reduce_min3A_145 : vector<128xf32> to vector<128x1xf32>
    %bitcast_convert_type3A_147 = tpu.bitcast %broadcast_in_dim3A_139 : vector<128x1xf32> -> vector<128x1xi32>
    %and3A_148 = arith.constant 15 : i32
    %and3A_149 = vector.broadcast %and3A_148 : i32 to vector<128x1xi32>
    %and3A_150 = arith.andi %bitcast_convert_type3A_147, %and3A_149 : vector<128x1xi32>
    %shift_left3A = arith.constant 8 : i32
    %shift_left3A_151 = vector.broadcast %shift_left3A : i32 to vector<128x1xi32>
    %shift_left3A_152 = arith.shli %and3A_150, %shift_left3A_151 : vector<128x1xi32>
    %convert_element_type3A_153 = arith.fptosi %broadcast_in_dim3A_146 : vector<128x1xf32> to vector<128x1xi32>
    %or3A_154 = arith.ori %shift_left3A_152, %convert_element_type3A_153 : vector<128x1xi32>
    %slice3A_155 = vector.extract_strided_slice %bitcast_convert_type3A_26 {offsets = [0, 0], sizes = [128, 256], strides = [1, 1]} : vector<128x4096xf32> to vector<128x256xf32>
    %gt3A_156 = vector.broadcast %broadcast_in_dim3A_139 : vector<128x1xf32> to vector<128x256xf32>
    %gt3A_157 = arith.cmpf ogt, %slice3A_155, %gt3A_156 : vector<128x256xf32>
    %slice3A_158 = vector.extract_strided_slice %bitcast_convert_type3A_26 {offsets = [0, 0], sizes = [128, 256], strides = [1, 1]} : vector<128x4096xf32> to vector<128x256xf32>
    %jit3A_159 = arith.constant 0x7F800000 : f32
    %broadcast_in_dim3A_160 = vector.broadcast %jit3A_159 : f32 to vector<128x256xf32>
    %select_n3A_161 = arith.select %gt3A_157, %slice3A_158, %broadcast_in_dim3A_160 : vector<128x256xi1>, vector<128x256xf32>
    %slice3A_162 = vector.extract_strided_slice %bitcast_convert_type3A_26 {offsets = [0, 256], sizes = [128, 256], strides = [1, 1]} : vector<128x4096xf32> to vector<128x256xf32>
    %gt3A_163 = vector.broadcast %broadcast_in_dim3A_139 : vector<128x1xf32> to vector<128x256xf32>
    %gt3A_164 = arith.cmpf ogt, %slice3A_162, %gt3A_163 : vector<128x256xf32>
    %jit3A_165 = arith.constant 0x7F800000 : f32
    %broadcast_in_dim3A_166 = vector.broadcast %jit3A_165 : f32 to vector<128x256xf32>
    %select_n3A_167 = arith.select %gt3A_164, %slice3A_162, %broadcast_in_dim3A_166 : vector<128x256xi1>, vector<128x256xf32>
    %min3A_168 = arith.minimumf %select_n3A_161, %select_n3A_167 : vector<128x256xf32>
    %slice3A_169 = vector.extract_strided_slice %bitcast_convert_type3A_26 {offsets = [0, 512], sizes = [128, 256], strides = [1, 1]} : vector<128x4096xf32> to vector<128x256xf32>
    %gt3A_170 = vector.broadcast %broadcast_in_dim3A_139 : vector<128x1xf32> to vector<128x256xf32>
    %gt3A_171 = arith.cmpf ogt, %slice3A_169, %gt3A_170 : vector<128x256xf32>
    %jit3A_172 = arith.constant 0x7F800000 : f32
    %broadcast_in_dim3A_173 = vector.broadcast %jit3A_172 : f32 to vector<128x256xf32>
    %select_n3A_174 = arith.select %gt3A_171, %slice3A_169, %broadcast_in_dim3A_173 : vector<128x256xi1>, vector<128x256xf32>
    %min3A_175 = arith.minimumf %min3A_168, %select_n3A_174 : vector<128x256xf32>
    %slice3A_176 = vector.extract_strided_slice %bitcast_convert_type3A_26 {offsets = [0, 768], sizes = [128, 256], strides = [1, 1]} : vector<128x4096xf32> to vector<128x256xf32>
    %gt3A_177 = vector.broadcast %broadcast_in_dim3A_139 : vector<128x1xf32> to vector<128x256xf32>
    %gt3A_178 = arith.cmpf ogt, %slice3A_176, %gt3A_177 : vector<128x256xf32>
    %jit3A_179 = arith.constant 0x7F800000 : f32
    %broadcast_in_dim3A_180 = vector.broadcast %jit3A_179 : f32 to vector<128x256xf32>
    %select_n3A_181 = arith.select %gt3A_178, %slice3A_176, %broadcast_in_dim3A_180 : vector<128x256xi1>, vector<128x256xf32>
    %min3A_182 = arith.minimumf %min3A_175, %select_n3A_181 : vector<128x256xf32>
    %slice3A_183 = vector.extract_strided_slice %bitcast_convert_type3A_26 {offsets = [0, 1024], sizes = [128, 256], strides = [1, 1]} : vector<128x4096xf32> to vector<128x256xf32>
    %gt3A_184 = vector.broadcast %broadcast_in_dim3A_139 : vector<128x1xf32> to vector<128x256xf32>
    %gt3A_185 = arith.cmpf ogt, %slice3A_183, %gt3A_184 : vector<128x256xf32>
    %jit3A_186 = arith.constant 0x7F800000 : f32
    %broadcast_in_dim3A_187 = vector.broadcast %jit3A_186 : f32 to vector<128x256xf32>
    %select_n3A_188 = arith.select %gt3A_185, %slice3A_183, %broadcast_in_dim3A_187 : vector<128x256xi1>, vector<128x256xf32>
    %min3A_189 = arith.minimumf %min3A_182, %select_n3A_188 : vector<128x256xf32>
    %slice3A_190 = vector.extract_strided_slice %bitcast_convert_type3A_26 {offsets = [0, 1280], sizes = [128, 256], strides = [1, 1]} : vector<128x4096xf32> to vector<128x256xf32>
    %gt3A_191 = vector.broadcast %broadcast_in_dim3A_139 : vector<128x1xf32> to vector<128x256xf32>
    %gt3A_192 = arith.cmpf ogt, %slice3A_190, %gt3A_191 : vector<128x256xf32>
    %jit3A_193 = arith.constant 0x7F800000 : f32
    %broadcast_in_dim3A_194 = vector.broadcast %jit3A_193 : f32 to vector<128x256xf32>
    %select_n3A_195 = arith.select %gt3A_192, %slice3A_190, %broadcast_in_dim3A_194 : vector<128x256xi1>, vector<128x256xf32>
    %min3A_196 = arith.minimumf %min3A_189, %select_n3A_195 : vector<128x256xf32>
    %slice3A_197 = vector.extract_strided_slice %bitcast_convert_type3A_26 {offsets = [0, 1536], sizes = [128, 256], strides = [1, 1]} : vector<128x4096xf32> to vector<128x256xf32>
    %gt3A_198 = vector.broadcast %broadcast_in_dim3A_139 : vector<128x1xf32> to vector<128x256xf32>
    %gt3A_199 = arith.cmpf ogt, %slice3A_197, %gt3A_198 : vector<128x256xf32>
    %jit3A_200 = arith.constant 0x7F800000 : f32
    %broadcast_in_dim3A_201 = vector.broadcast %jit3A_200 : f32 to vector<128x256xf32>
    %select_n3A_202 = arith.select %gt3A_199, %slice3A_197, %broadcast_in_dim3A_201 : vector<128x256xi1>, vector<128x256xf32>
    %min3A_203 = arith.minimumf %min3A_196, %select_n3A_202 : vector<128x256xf32>
    %slice3A_204 = vector.extract_strided_slice %bitcast_convert_type3A_26 {offsets = [0, 1792], sizes = [128, 256], strides = [1, 1]} : vector<128x4096xf32> to vector<128x256xf32>
    %gt3A_205 = vector.broadcast %broadcast_in_dim3A_139 : vector<128x1xf32> to vector<128x256xf32>
    %gt3A_206 = arith.cmpf ogt, %slice3A_204, %gt3A_205 : vector<128x256xf32>
    %jit3A_207 = arith.constant 0x7F800000 : f32
    %broadcast_in_dim3A_208 = vector.broadcast %jit3A_207 : f32 to vector<128x256xf32>
    %select_n3A_209 = arith.select %gt3A_206, %slice3A_204, %broadcast_in_dim3A_208 : vector<128x256xi1>, vector<128x256xf32>
    %min3A_210 = arith.minimumf %min3A_203, %select_n3A_209 : vector<128x256xf32>
    %slice3A_211 = vector.extract_strided_slice %bitcast_convert_type3A_26 {offsets = [0, 2048], sizes = [128, 256], strides = [1, 1]} : vector<128x4096xf32> to vector<128x256xf32>
    %gt3A_212 = vector.broadcast %broadcast_in_dim3A_139 : vector<128x1xf32> to vector<128x256xf32>
    %gt3A_213 = arith.cmpf ogt, %slice3A_211, %gt3A_212 : vector<128x256xf32>
    %jit3A_214 = arith.constant 0x7F800000 : f32
    %broadcast_in_dim3A_215 = vector.broadcast %jit3A_214 : f32 to vector<128x256xf32>
    %select_n3A_216 = arith.select %gt3A_213, %slice3A_211, %broadcast_in_dim3A_215 : vector<128x256xi1>, vector<128x256xf32>
    %min3A_217 = arith.minimumf %min3A_210, %select_n3A_216 : vector<128x256xf32>
    %slice3A_218 = vector.extract_strided_slice %bitcast_convert_type3A_26 {offsets = [0, 2304], sizes = [128, 256], strides = [1, 1]} : vector<128x4096xf32> to vector<128x256xf32>
    %gt3A_219 = vector.broadcast %broadcast_in_dim3A_139 : vector<128x1xf32> to vector<128x256xf32>
    %gt3A_220 = arith.cmpf ogt, %slice3A_218, %gt3A_219 : vector<128x256xf32>
    %jit3A_221 = arith.constant 0x7F800000 : f32
    %broadcast_in_dim3A_222 = vector.broadcast %jit3A_221 : f32 to vector<128x256xf32>
    %select_n3A_223 = arith.select %gt3A_220, %slice3A_218, %broadcast_in_dim3A_222 : vector<128x256xi1>, vector<128x256xf32>
    %min3A_224 = arith.minimumf %min3A_217, %select_n3A_223 : vector<128x256xf32>
    %slice3A_225 = vector.extract_strided_slice %bitcast_convert_type3A_26 {offsets = [0, 2560], sizes = [128, 256], strides = [1, 1]} : vector<128x4096xf32> to vector<128x256xf32>
    %gt3A_226 = vector.broadcast %broadcast_in_dim3A_139 : vector<128x1xf32> to vector<128x256xf32>
    %gt3A_227 = arith.cmpf ogt, %slice3A_225, %gt3A_226 : vector<128x256xf32>
    %jit3A_228 = arith.constant 0x7F800000 : f32
    %broadcast_in_dim3A_229 = vector.broadcast %jit3A_228 : f32 to vector<128x256xf32>
    %select_n3A_230 = arith.select %gt3A_227, %slice3A_225, %broadcast_in_dim3A_229 : vector<128x256xi1>, vector<128x256xf32>
    %min3A_231 = arith.minimumf %min3A_224, %select_n3A_230 : vector<128x256xf32>
    %slice3A_232 = vector.extract_strided_slice %bitcast_convert_type3A_26 {offsets = [0, 2816], sizes = [128, 256], strides = [1, 1]} : vector<128x4096xf32> to vector<128x256xf32>
    %gt3A_233 = vector.broadcast %broadcast_in_dim3A_139 : vector<128x1xf32> to vector<128x256xf32>
    %gt3A_234 = arith.cmpf ogt, %slice3A_232, %gt3A_233 : vector<128x256xf32>
    %jit3A_235 = arith.constant 0x7F800000 : f32
    %broadcast_in_dim3A_236 = vector.broadcast %jit3A_235 : f32 to vector<128x256xf32>
    %select_n3A_237 = arith.select %gt3A_234, %slice3A_232, %broadcast_in_dim3A_236 : vector<128x256xi1>, vector<128x256xf32>
    %min3A_238 = arith.minimumf %min3A_231, %select_n3A_237 : vector<128x256xf32>
    %slice3A_239 = vector.extract_strided_slice %bitcast_convert_type3A_26 {offsets = [0, 3072], sizes = [128, 256], strides = [1, 1]} : vector<128x4096xf32> to vector<128x256xf32>
    %gt3A_240 = vector.broadcast %broadcast_in_dim3A_139 : vector<128x1xf32> to vector<128x256xf32>
    %gt3A_241 = arith.cmpf ogt, %slice3A_239, %gt3A_240 : vector<128x256xf32>
    %jit3A_242 = arith.constant 0x7F800000 : f32
    %broadcast_in_dim3A_243 = vector.broadcast %jit3A_242 : f32 to vector<128x256xf32>
    %select_n3A_244 = arith.select %gt3A_241, %slice3A_239, %broadcast_in_dim3A_243 : vector<128x256xi1>, vector<128x256xf32>
    %min3A_245 = arith.minimumf %min3A_238, %select_n3A_244 : vector<128x256xf32>
    %slice3A_246 = vector.extract_strided_slice %bitcast_convert_type3A_26 {offsets = [0, 3328], sizes = [128, 256], strides = [1, 1]} : vector<128x4096xf32> to vector<128x256xf32>
    %gt3A_247 = vector.broadcast %broadcast_in_dim3A_139 : vector<128x1xf32> to vector<128x256xf32>
    %gt3A_248 = arith.cmpf ogt, %slice3A_246, %gt3A_247 : vector<128x256xf32>
    %jit3A_249 = arith.constant 0x7F800000 : f32
    %broadcast_in_dim3A_250 = vector.broadcast %jit3A_249 : f32 to vector<128x256xf32>
    %select_n3A_251 = arith.select %gt3A_248, %slice3A_246, %broadcast_in_dim3A_250 : vector<128x256xi1>, vector<128x256xf32>
    %min3A_252 = arith.minimumf %min3A_245, %select_n3A_251 : vector<128x256xf32>
    %slice3A_253 = vector.extract_strided_slice %bitcast_convert_type3A_26 {offsets = [0, 3584], sizes = [128, 256], strides = [1, 1]} : vector<128x4096xf32> to vector<128x256xf32>
    %gt3A_254 = vector.broadcast %broadcast_in_dim3A_139 : vector<128x1xf32> to vector<128x256xf32>
    %gt3A_255 = arith.cmpf ogt, %slice3A_253, %gt3A_254 : vector<128x256xf32>
    %jit3A_256 = arith.constant 0x7F800000 : f32
    %broadcast_in_dim3A_257 = vector.broadcast %jit3A_256 : f32 to vector<128x256xf32>
    %select_n3A_258 = arith.select %gt3A_255, %slice3A_253, %broadcast_in_dim3A_257 : vector<128x256xi1>, vector<128x256xf32>
    %min3A_259 = arith.minimumf %min3A_252, %select_n3A_258 : vector<128x256xf32>
    %slice3A_260 = vector.extract_strided_slice %bitcast_convert_type3A_26 {offsets = [0, 3840], sizes = [128, 256], strides = [1, 1]} : vector<128x4096xf32> to vector<128x256xf32>
    %gt3A_261 = vector.broadcast %broadcast_in_dim3A_139 : vector<128x1xf32> to vector<128x256xf32>
    %gt3A_262 = arith.cmpf ogt, %slice3A_260, %gt3A_261 : vector<128x256xf32>
    %jit3A_263 = arith.constant 0x7F800000 : f32
    %broadcast_in_dim3A_264 = vector.broadcast %jit3A_263 : f32 to vector<128x256xf32>
    %select_n3A_265 = arith.select %gt3A_262, %slice3A_260, %broadcast_in_dim3A_264 : vector<128x256xi1>, vector<128x256xf32>
    %min3A_266 = arith.minimumf %min3A_259, %select_n3A_265 : vector<128x256xf32>
    %reduce_min3A_267 = arith.constant dense<0x7F800000> : vector<128xf32>
    %reduce_min3A_268 = vector.multi_reduction <minimumf>, %min3A_266, %reduce_min3A_267 [1] : vector<128x256xf32> to vector<128xf32>
    %broadcast_in_dim3A_269 = vector.shape_cast %reduce_min3A_268 : vector<128xf32> to vector<128x1xf32>
    %eq3A_270 = vector.broadcast %broadcast_in_dim3A_269 : vector<128x1xf32> to vector<128x256xf32>
    %eq3A_271 = arith.cmpf oeq, %min3A_266, %eq3A_270 : vector<128x256xf32>
    %jit3A_272 = arith.constant 2.560000e+02 : f32
    %broadcast_in_dim3A_273 = vector.broadcast %jit3A_272 : f32 to vector<128x256xf32>
    %select_n3A_274 = arith.select %eq3A_271, %convert_element_type3A_28, %broadcast_in_dim3A_273 : vector<128x256xi1>, vector<128x256xf32>
    %reduce_min3A_275 = arith.constant dense<0x7F800000> : vector<128xf32>
    %reduce_min3A_276 = vector.multi_reduction <minimumf>, %select_n3A_274, %reduce_min3A_275 [1] : vector<128x256xf32> to vector<128xf32>
    %broadcast_in_dim3A_277 = vector.shape_cast %reduce_min3A_276 : vector<128xf32> to vector<128x1xf32>
    %bitcast_convert_type3A_278 = tpu.bitcast %broadcast_in_dim3A_269 : vector<128x1xf32> -> vector<128x1xi32>
    %and3A_279 = arith.constant 15 : i32
    %and3A_280 = vector.broadcast %and3A_279 : i32 to vector<128x1xi32>
    %and3A_281 = arith.andi %bitcast_convert_type3A_278, %and3A_280 : vector<128x1xi32>
    %shift_left3A_282 = arith.constant 8 : i32
    %shift_left3A_283 = vector.broadcast %shift_left3A_282 : i32 to vector<128x1xi32>
    %shift_left3A_284 = arith.shli %and3A_281, %shift_left3A_283 : vector<128x1xi32>
    %convert_element_type3A_285 = arith.fptosi %broadcast_in_dim3A_277 : vector<128x1xf32> to vector<128x1xi32>
    %or3A_286 = arith.ori %shift_left3A_284, %convert_element_type3A_285 : vector<128x1xi32>
    %slice3A_287 = vector.extract_strided_slice %bitcast_convert_type3A_26 {offsets = [0, 0], sizes = [128, 256], strides = [1, 1]} : vector<128x4096xf32> to vector<128x256xf32>
    %gt3A_288 = vector.broadcast %broadcast_in_dim3A_269 : vector<128x1xf32> to vector<128x256xf32>
    %gt3A_289 = arith.cmpf ogt, %slice3A_287, %gt3A_288 : vector<128x256xf32>
    %slice3A_290 = vector.extract_strided_slice %bitcast_convert_type3A_26 {offsets = [0, 0], sizes = [128, 256], strides = [1, 1]} : vector<128x4096xf32> to vector<128x256xf32>
    %jit3A_291 = arith.constant 0x7F800000 : f32
    %broadcast_in_dim3A_292 = vector.broadcast %jit3A_291 : f32 to vector<128x256xf32>
    %select_n3A_293 = arith.select %gt3A_289, %slice3A_290, %broadcast_in_dim3A_292 : vector<128x256xi1>, vector<128x256xf32>
    %slice3A_294 = vector.extract_strided_slice %bitcast_convert_type3A_26 {offsets = [0, 256], sizes = [128, 256], strides = [1, 1]} : vector<128x4096xf32> to vector<128x256xf32>
    %gt3A_295 = vector.broadcast %broadcast_in_dim3A_269 : vector<128x1xf32> to vector<128x256xf32>
    %gt3A_296 = arith.cmpf ogt, %slice3A_294, %gt3A_295 : vector<128x256xf32>
    %jit3A_297 = arith.constant 0x7F800000 : f32
    %broadcast_in_dim3A_298 = vector.broadcast %jit3A_297 : f32 to vector<128x256xf32>
    %select_n3A_299 = arith.select %gt3A_296, %slice3A_294, %broadcast_in_dim3A_298 : vector<128x256xi1>, vector<128x256xf32>
    %min3A_300 = arith.minimumf %select_n3A_293, %select_n3A_299 : vector<128x256xf32>
    %slice3A_301 = vector.extract_strided_slice %bitcast_convert_type3A_26 {offsets = [0, 512], sizes = [128, 256], strides = [1, 1]} : vector<128x4096xf32> to vector<128x256xf32>
    %gt3A_302 = vector.broadcast %broadcast_in_dim3A_269 : vector<128x1xf32> to vector<128x256xf32>
    %gt3A_303 = arith.cmpf ogt, %slice3A_301, %gt3A_302 : vector<128x256xf32>
    %jit3A_304 = arith.constant 0x7F800000 : f32
    %broadcast_in_dim3A_305 = vector.broadcast %jit3A_304 : f32 to vector<128x256xf32>
    %select_n3A_306 = arith.select %gt3A_303, %slice3A_301, %broadcast_in_dim3A_305 : vector<128x256xi1>, vector<128x256xf32>
    %min3A_307 = arith.minimumf %min3A_300, %select_n3A_306 : vector<128x256xf32>
    %slice3A_308 = vector.extract_strided_slice %bitcast_convert_type3A_26 {offsets = [0, 768], sizes = [128, 256], strides = [1, 1]} : vector<128x4096xf32> to vector<128x256xf32>
    %gt3A_309 = vector.broadcast %broadcast_in_dim3A_269 : vector<128x1xf32> to vector<128x256xf32>
    %gt3A_310 = arith.cmpf ogt, %slice3A_308, %gt3A_309 : vector<128x256xf32>
    %jit3A_311 = arith.constant 0x7F800000 : f32
    %broadcast_in_dim3A_312 = vector.broadcast %jit3A_311 : f32 to vector<128x256xf32>
    %select_n3A_313 = arith.select %gt3A_310, %slice3A_308, %broadcast_in_dim3A_312 : vector<128x256xi1>, vector<128x256xf32>
    %min3A_314 = arith.minimumf %min3A_307, %select_n3A_313 : vector<128x256xf32>
    %slice3A_315 = vector.extract_strided_slice %bitcast_convert_type3A_26 {offsets = [0, 1024], sizes = [128, 256], strides = [1, 1]} : vector<128x4096xf32> to vector<128x256xf32>
    %gt3A_316 = vector.broadcast %broadcast_in_dim3A_269 : vector<128x1xf32> to vector<128x256xf32>
    %gt3A_317 = arith.cmpf ogt, %slice3A_315, %gt3A_316 : vector<128x256xf32>
    %jit3A_318 = arith.constant 0x7F800000 : f32
    %broadcast_in_dim3A_319 = vector.broadcast %jit3A_318 : f32 to vector<128x256xf32>
    %select_n3A_320 = arith.select %gt3A_317, %slice3A_315, %broadcast_in_dim3A_319 : vector<128x256xi1>, vector<128x256xf32>
    %min3A_321 = arith.minimumf %min3A_314, %select_n3A_320 : vector<128x256xf32>
    %slice3A_322 = vector.extract_strided_slice %bitcast_convert_type3A_26 {offsets = [0, 1280], sizes = [128, 256], strides = [1, 1]} : vector<128x4096xf32> to vector<128x256xf32>
    %gt3A_323 = vector.broadcast %broadcast_in_dim3A_269 : vector<128x1xf32> to vector<128x256xf32>
    %gt3A_324 = arith.cmpf ogt, %slice3A_322, %gt3A_323 : vector<128x256xf32>
    %jit3A_325 = arith.constant 0x7F800000 : f32
    %broadcast_in_dim3A_326 = vector.broadcast %jit3A_325 : f32 to vector<128x256xf32>
    %select_n3A_327 = arith.select %gt3A_324, %slice3A_322, %broadcast_in_dim3A_326 : vector<128x256xi1>, vector<128x256xf32>
    %min3A_328 = arith.minimumf %min3A_321, %select_n3A_327 : vector<128x256xf32>
    %slice3A_329 = vector.extract_strided_slice %bitcast_convert_type3A_26 {offsets = [0, 1536], sizes = [128, 256], strides = [1, 1]} : vector<128x4096xf32> to vector<128x256xf32>
    %gt3A_330 = vector.broadcast %broadcast_in_dim3A_269 : vector<128x1xf32> to vector<128x256xf32>
    %gt3A_331 = arith.cmpf ogt, %slice3A_329, %gt3A_330 : vector<128x256xf32>
    %jit3A_332 = arith.constant 0x7F800000 : f32
    %broadcast_in_dim3A_333 = vector.broadcast %jit3A_332 : f32 to vector<128x256xf32>
    %select_n3A_334 = arith.select %gt3A_331, %slice3A_329, %broadcast_in_dim3A_333 : vector<128x256xi1>, vector<128x256xf32>
    %min3A_335 = arith.minimumf %min3A_328, %select_n3A_334 : vector<128x256xf32>
    %slice3A_336 = vector.extract_strided_slice %bitcast_convert_type3A_26 {offsets = [0, 1792], sizes = [128, 256], strides = [1, 1]} : vector<128x4096xf32> to vector<128x256xf32>
    %gt3A_337 = vector.broadcast %broadcast_in_dim3A_269 : vector<128x1xf32> to vector<128x256xf32>
    %gt3A_338 = arith.cmpf ogt, %slice3A_336, %gt3A_337 : vector<128x256xf32>
    %jit3A_339 = arith.constant 0x7F800000 : f32
    %broadcast_in_dim3A_340 = vector.broadcast %jit3A_339 : f32 to vector<128x256xf32>
    %select_n3A_341 = arith.select %gt3A_338, %slice3A_336, %broadcast_in_dim3A_340 : vector<128x256xi1>, vector<128x256xf32>
    %min3A_342 = arith.minimumf %min3A_335, %select_n3A_341 : vector<128x256xf32>
    %slice3A_343 = vector.extract_strided_slice %bitcast_convert_type3A_26 {offsets = [0, 2048], sizes = [128, 256], strides = [1, 1]} : vector<128x4096xf32> to vector<128x256xf32>
    %gt3A_344 = vector.broadcast %broadcast_in_dim3A_269 : vector<128x1xf32> to vector<128x256xf32>
    %gt3A_345 = arith.cmpf ogt, %slice3A_343, %gt3A_344 : vector<128x256xf32>
    %jit3A_346 = arith.constant 0x7F800000 : f32
    %broadcast_in_dim3A_347 = vector.broadcast %jit3A_346 : f32 to vector<128x256xf32>
    %select_n3A_348 = arith.select %gt3A_345, %slice3A_343, %broadcast_in_dim3A_347 : vector<128x256xi1>, vector<128x256xf32>
    %min3A_349 = arith.minimumf %min3A_342, %select_n3A_348 : vector<128x256xf32>
    %slice3A_350 = vector.extract_strided_slice %bitcast_convert_type3A_26 {offsets = [0, 2304], sizes = [128, 256], strides = [1, 1]} : vector<128x4096xf32> to vector<128x256xf32>
    %gt3A_351 = vector.broadcast %broadcast_in_dim3A_269 : vector<128x1xf32> to vector<128x256xf32>
    %gt3A_352 = arith.cmpf ogt, %slice3A_350, %gt3A_351 : vector<128x256xf32>
    %jit3A_353 = arith.constant 0x7F800000 : f32
    %broadcast_in_dim3A_354 = vector.broadcast %jit3A_353 : f32 to vector<128x256xf32>
    %select_n3A_355 = arith.select %gt3A_352, %slice3A_350, %broadcast_in_dim3A_354 : vector<128x256xi1>, vector<128x256xf32>
    %min3A_356 = arith.minimumf %min3A_349, %select_n3A_355 : vector<128x256xf32>
    %slice3A_357 = vector.extract_strided_slice %bitcast_convert_type3A_26 {offsets = [0, 2560], sizes = [128, 256], strides = [1, 1]} : vector<128x4096xf32> to vector<128x256xf32>
    %gt3A_358 = vector.broadcast %broadcast_in_dim3A_269 : vector<128x1xf32> to vector<128x256xf32>
    %gt3A_359 = arith.cmpf ogt, %slice3A_357, %gt3A_358 : vector<128x256xf32>
    %jit3A_360 = arith.constant 0x7F800000 : f32
    %broadcast_in_dim3A_361 = vector.broadcast %jit3A_360 : f32 to vector<128x256xf32>
    %select_n3A_362 = arith.select %gt3A_359, %slice3A_357, %broadcast_in_dim3A_361 : vector<128x256xi1>, vector<128x256xf32>
    %min3A_363 = arith.minimumf %min3A_356, %select_n3A_362 : vector<128x256xf32>
    %slice3A_364 = vector.extract_strided_slice %bitcast_convert_type3A_26 {offsets = [0, 2816], sizes = [128, 256], strides = [1, 1]} : vector<128x4096xf32> to vector<128x256xf32>
    %gt3A_365 = vector.broadcast %broadcast_in_dim3A_269 : vector<128x1xf32> to vector<128x256xf32>
    %gt3A_366 = arith.cmpf ogt, %slice3A_364, %gt3A_365 : vector<128x256xf32>
    %jit3A_367 = arith.constant 0x7F800000 : f32
    %broadcast_in_dim3A_368 = vector.broadcast %jit3A_367 : f32 to vector<128x256xf32>
    %select_n3A_369 = arith.select %gt3A_366, %slice3A_364, %broadcast_in_dim3A_368 : vector<128x256xi1>, vector<128x256xf32>
    %min3A_370 = arith.minimumf %min3A_363, %select_n3A_369 : vector<128x256xf32>
    %slice3A_371 = vector.extract_strided_slice %bitcast_convert_type3A_26 {offsets = [0, 3072], sizes = [128, 256], strides = [1, 1]} : vector<128x4096xf32> to vector<128x256xf32>
    %gt3A_372 = vector.broadcast %broadcast_in_dim3A_269 : vector<128x1xf32> to vector<128x256xf32>
    %gt3A_373 = arith.cmpf ogt, %slice3A_371, %gt3A_372 : vector<128x256xf32>
    %jit3A_374 = arith.constant 0x7F800000 : f32
    %broadcast_in_dim3A_375 = vector.broadcast %jit3A_374 : f32 to vector<128x256xf32>
    %select_n3A_376 = arith.select %gt3A_373, %slice3A_371, %broadcast_in_dim3A_375 : vector<128x256xi1>, vector<128x256xf32>
    %min3A_377 = arith.minimumf %min3A_370, %select_n3A_376 : vector<128x256xf32>
    %slice3A_378 = vector.extract_strided_slice %bitcast_convert_type3A_26 {offsets = [0, 3328], sizes = [128, 256], strides = [1, 1]} : vector<128x4096xf32> to vector<128x256xf32>
    %gt3A_379 = vector.broadcast %broadcast_in_dim3A_269 : vector<128x1xf32> to vector<128x256xf32>
    %gt3A_380 = arith.cmpf ogt, %slice3A_378, %gt3A_379 : vector<128x256xf32>
    %jit3A_381 = arith.constant 0x7F800000 : f32
    %broadcast_in_dim3A_382 = vector.broadcast %jit3A_381 : f32 to vector<128x256xf32>
    %select_n3A_383 = arith.select %gt3A_380, %slice3A_378, %broadcast_in_dim3A_382 : vector<128x256xi1>, vector<128x256xf32>
    %min3A_384 = arith.minimumf %min3A_377, %select_n3A_383 : vector<128x256xf32>
    %slice3A_385 = vector.extract_strided_slice %bitcast_convert_type3A_26 {offsets = [0, 3584], sizes = [128, 256], strides = [1, 1]} : vector<128x4096xf32> to vector<128x256xf32>
    %gt3A_386 = vector.broadcast %broadcast_in_dim3A_269 : vector<128x1xf32> to vector<128x256xf32>
    %gt3A_387 = arith.cmpf ogt, %slice3A_385, %gt3A_386 : vector<128x256xf32>
    %jit3A_388 = arith.constant 0x7F800000 : f32
    %broadcast_in_dim3A_389 = vector.broadcast %jit3A_388 : f32 to vector<128x256xf32>
    %select_n3A_390 = arith.select %gt3A_387, %slice3A_385, %broadcast_in_dim3A_389 : vector<128x256xi1>, vector<128x256xf32>
    %min3A_391 = arith.minimumf %min3A_384, %select_n3A_390 : vector<128x256xf32>
    %slice3A_392 = vector.extract_strided_slice %bitcast_convert_type3A_26 {offsets = [0, 3840], sizes = [128, 256], strides = [1, 1]} : vector<128x4096xf32> to vector<128x256xf32>
    %gt3A_393 = vector.broadcast %broadcast_in_dim3A_269 : vector<128x1xf32> to vector<128x256xf32>
    %gt3A_394 = arith.cmpf ogt, %slice3A_392, %gt3A_393 : vector<128x256xf32>
    %jit3A_395 = arith.constant 0x7F800000 : f32
    %broadcast_in_dim3A_396 = vector.broadcast %jit3A_395 : f32 to vector<128x256xf32>
    %select_n3A_397 = arith.select %gt3A_394, %slice3A_392, %broadcast_in_dim3A_396 : vector<128x256xi1>, vector<128x256xf32>
    %min3A_398 = arith.minimumf %min3A_391, %select_n3A_397 : vector<128x256xf32>
    %reduce_min3A_399 = arith.constant dense<0x7F800000> : vector<128xf32>
    %reduce_min3A_400 = vector.multi_reduction <minimumf>, %min3A_398, %reduce_min3A_399 [1] : vector<128x256xf32> to vector<128xf32>
    %broadcast_in_dim3A_401 = vector.shape_cast %reduce_min3A_400 : vector<128xf32> to vector<128x1xf32>
    %eq3A_402 = vector.broadcast %broadcast_in_dim3A_401 : vector<128x1xf32> to vector<128x256xf32>
    %eq3A_403 = arith.cmpf oeq, %min3A_398, %eq3A_402 : vector<128x256xf32>
    %jit3A_404 = arith.constant 2.560000e+02 : f32
    %broadcast_in_dim3A_405 = vector.broadcast %jit3A_404 : f32 to vector<128x256xf32>
    %select_n3A_406 = arith.select %eq3A_403, %convert_element_type3A_28, %broadcast_in_dim3A_405 : vector<128x256xi1>, vector<128x256xf32>
    %reduce_min3A_407 = arith.constant dense<0x7F800000> : vector<128xf32>
    %reduce_min3A_408 = vector.multi_reduction <minimumf>, %select_n3A_406, %reduce_min3A_407 [1] : vector<128x256xf32> to vector<128xf32>
    %broadcast_in_dim3A_409 = vector.shape_cast %reduce_min3A_408 : vector<128xf32> to vector<128x1xf32>
    %bitcast_convert_type3A_410 = tpu.bitcast %broadcast_in_dim3A_401 : vector<128x1xf32> -> vector<128x1xi32>
    %and3A_411 = arith.constant 15 : i32
    %and3A_412 = vector.broadcast %and3A_411 : i32 to vector<128x1xi32>
    %and3A_413 = arith.andi %bitcast_convert_type3A_410, %and3A_412 : vector<128x1xi32>
    %shift_left3A_414 = arith.constant 8 : i32
    %shift_left3A_415 = vector.broadcast %shift_left3A_414 : i32 to vector<128x1xi32>
    %shift_left3A_416 = arith.shli %and3A_413, %shift_left3A_415 : vector<128x1xi32>
    %convert_element_type3A_417 = arith.fptosi %broadcast_in_dim3A_409 : vector<128x1xf32> to vector<128x1xi32>
    %or3A_418 = arith.ori %shift_left3A_416, %convert_element_type3A_417 : vector<128x1xi32>
    %slice3A_419 = vector.extract_strided_slice %bitcast_convert_type3A_26 {offsets = [0, 0], sizes = [128, 256], strides = [1, 1]} : vector<128x4096xf32> to vector<128x256xf32>
    %gt3A_420 = vector.broadcast %broadcast_in_dim3A_401 : vector<128x1xf32> to vector<128x256xf32>
    %gt3A_421 = arith.cmpf ogt, %slice3A_419, %gt3A_420 : vector<128x256xf32>
    %slice3A_422 = vector.extract_strided_slice %bitcast_convert_type3A_26 {offsets = [0, 0], sizes = [128, 256], strides = [1, 1]} : vector<128x4096xf32> to vector<128x256xf32>
    %jit3A_423 = arith.constant 0x7F800000 : f32
    %broadcast_in_dim3A_424 = vector.broadcast %jit3A_423 : f32 to vector<128x256xf32>
    %select_n3A_425 = arith.select %gt3A_421, %slice3A_422, %broadcast_in_dim3A_424 : vector<128x256xi1>, vector<128x256xf32>
    %slice3A_426 = vector.extract_strided_slice %bitcast_convert_type3A_26 {offsets = [0, 256], sizes = [128, 256], strides = [1, 1]} : vector<128x4096xf32> to vector<128x256xf32>
    %gt3A_427 = vector.broadcast %broadcast_in_dim3A_401 : vector<128x1xf32> to vector<128x256xf32>
    %gt3A_428 = arith.cmpf ogt, %slice3A_426, %gt3A_427 : vector<128x256xf32>
    %jit3A_429 = arith.constant 0x7F800000 : f32
    %broadcast_in_dim3A_430 = vector.broadcast %jit3A_429 : f32 to vector<128x256xf32>
    %select_n3A_431 = arith.select %gt3A_428, %slice3A_426, %broadcast_in_dim3A_430 : vector<128x256xi1>, vector<128x256xf32>
    %min3A_432 = arith.minimumf %select_n3A_425, %select_n3A_431 : vector<128x256xf32>
    %slice3A_433 = vector.extract_strided_slice %bitcast_convert_type3A_26 {offsets = [0, 512], sizes = [128, 256], strides = [1, 1]} : vector<128x4096xf32> to vector<128x256xf32>
    %gt3A_434 = vector.broadcast %broadcast_in_dim3A_401 : vector<128x1xf32> to vector<128x256xf32>
    %gt3A_435 = arith.cmpf ogt, %slice3A_433, %gt3A_434 : vector<128x256xf32>
    %jit3A_436 = arith.constant 0x7F800000 : f32
    %broadcast_in_dim3A_437 = vector.broadcast %jit3A_436 : f32 to vector<128x256xf32>
    %select_n3A_438 = arith.select %gt3A_435, %slice3A_433, %broadcast_in_dim3A_437 : vector<128x256xi1>, vector<128x256xf32>
    %min3A_439 = arith.minimumf %min3A_432, %select_n3A_438 : vector<128x256xf32>
    %slice3A_440 = vector.extract_strided_slice %bitcast_convert_type3A_26 {offsets = [0, 768], sizes = [128, 256], strides = [1, 1]} : vector<128x4096xf32> to vector<128x256xf32>
    %gt3A_441 = vector.broadcast %broadcast_in_dim3A_401 : vector<128x1xf32> to vector<128x256xf32>
    %gt3A_442 = arith.cmpf ogt, %slice3A_440, %gt3A_441 : vector<128x256xf32>
    %jit3A_443 = arith.constant 0x7F800000 : f32
    %broadcast_in_dim3A_444 = vector.broadcast %jit3A_443 : f32 to vector<128x256xf32>
    %select_n3A_445 = arith.select %gt3A_442, %slice3A_440, %broadcast_in_dim3A_444 : vector<128x256xi1>, vector<128x256xf32>
    %min3A_446 = arith.minimumf %min3A_439, %select_n3A_445 : vector<128x256xf32>
    %slice3A_447 = vector.extract_strided_slice %bitcast_convert_type3A_26 {offsets = [0, 1024], sizes = [128, 256], strides = [1, 1]} : vector<128x4096xf32> to vector<128x256xf32>
    %gt3A_448 = vector.broadcast %broadcast_in_dim3A_401 : vector<128x1xf32> to vector<128x256xf32>
    %gt3A_449 = arith.cmpf ogt, %slice3A_447, %gt3A_448 : vector<128x256xf32>
    %jit3A_450 = arith.constant 0x7F800000 : f32
    %broadcast_in_dim3A_451 = vector.broadcast %jit3A_450 : f32 to vector<128x256xf32>
    %select_n3A_452 = arith.select %gt3A_449, %slice3A_447, %broadcast_in_dim3A_451 : vector<128x256xi1>, vector<128x256xf32>
    %min3A_453 = arith.minimumf %min3A_446, %select_n3A_452 : vector<128x256xf32>
    %slice3A_454 = vector.extract_strided_slice %bitcast_convert_type3A_26 {offsets = [0, 1280], sizes = [128, 256], strides = [1, 1]} : vector<128x4096xf32> to vector<128x256xf32>
    %gt3A_455 = vector.broadcast %broadcast_in_dim3A_401 : vector<128x1xf32> to vector<128x256xf32>
    %gt3A_456 = arith.cmpf ogt, %slice3A_454, %gt3A_455 : vector<128x256xf32>
    %jit3A_457 = arith.constant 0x7F800000 : f32
    %broadcast_in_dim3A_458 = vector.broadcast %jit3A_457 : f32 to vector<128x256xf32>
    %select_n3A_459 = arith.select %gt3A_456, %slice3A_454, %broadcast_in_dim3A_458 : vector<128x256xi1>, vector<128x256xf32>
    %min3A_460 = arith.minimumf %min3A_453, %select_n3A_459 : vector<128x256xf32>
    %slice3A_461 = vector.extract_strided_slice %bitcast_convert_type3A_26 {offsets = [0, 1536], sizes = [128, 256], strides = [1, 1]} : vector<128x4096xf32> to vector<128x256xf32>
    %gt3A_462 = vector.broadcast %broadcast_in_dim3A_401 : vector<128x1xf32> to vector<128x256xf32>
    %gt3A_463 = arith.cmpf ogt, %slice3A_461, %gt3A_462 : vector<128x256xf32>
    %jit3A_464 = arith.constant 0x7F800000 : f32
    %broadcast_in_dim3A_465 = vector.broadcast %jit3A_464 : f32 to vector<128x256xf32>
    %select_n3A_466 = arith.select %gt3A_463, %slice3A_461, %broadcast_in_dim3A_465 : vector<128x256xi1>, vector<128x256xf32>
    %min3A_467 = arith.minimumf %min3A_460, %select_n3A_466 : vector<128x256xf32>
    %slice3A_468 = vector.extract_strided_slice %bitcast_convert_type3A_26 {offsets = [0, 1792], sizes = [128, 256], strides = [1, 1]} : vector<128x4096xf32> to vector<128x256xf32>
    %gt3A_469 = vector.broadcast %broadcast_in_dim3A_401 : vector<128x1xf32> to vector<128x256xf32>
    %gt3A_470 = arith.cmpf ogt, %slice3A_468, %gt3A_469 : vector<128x256xf32>
    %jit3A_471 = arith.constant 0x7F800000 : f32
    %broadcast_in_dim3A_472 = vector.broadcast %jit3A_471 : f32 to vector<128x256xf32>
    %select_n3A_473 = arith.select %gt3A_470, %slice3A_468, %broadcast_in_dim3A_472 : vector<128x256xi1>, vector<128x256xf32>
    %min3A_474 = arith.minimumf %min3A_467, %select_n3A_473 : vector<128x256xf32>
    %slice3A_475 = vector.extract_strided_slice %bitcast_convert_type3A_26 {offsets = [0, 2048], sizes = [128, 256], strides = [1, 1]} : vector<128x4096xf32> to vector<128x256xf32>
    %gt3A_476 = vector.broadcast %broadcast_in_dim3A_401 : vector<128x1xf32> to vector<128x256xf32>
    %gt3A_477 = arith.cmpf ogt, %slice3A_475, %gt3A_476 : vector<128x256xf32>
    %jit3A_478 = arith.constant 0x7F800000 : f32
    %broadcast_in_dim3A_479 = vector.broadcast %jit3A_478 : f32 to vector<128x256xf32>
    %select_n3A_480 = arith.select %gt3A_477, %slice3A_475, %broadcast_in_dim3A_479 : vector<128x256xi1>, vector<128x256xf32>
    %min3A_481 = arith.minimumf %min3A_474, %select_n3A_480 : vector<128x256xf32>
    %slice3A_482 = vector.extract_strided_slice %bitcast_convert_type3A_26 {offsets = [0, 2304], sizes = [128, 256], strides = [1, 1]} : vector<128x4096xf32> to vector<128x256xf32>
    %gt3A_483 = vector.broadcast %broadcast_in_dim3A_401 : vector<128x1xf32> to vector<128x256xf32>
    %gt3A_484 = arith.cmpf ogt, %slice3A_482, %gt3A_483 : vector<128x256xf32>
    %jit3A_485 = arith.constant 0x7F800000 : f32
    %broadcast_in_dim3A_486 = vector.broadcast %jit3A_485 : f32 to vector<128x256xf32>
    %select_n3A_487 = arith.select %gt3A_484, %slice3A_482, %broadcast_in_dim3A_486 : vector<128x256xi1>, vector<128x256xf32>
    %min3A_488 = arith.minimumf %min3A_481, %select_n3A_487 : vector<128x256xf32>
    %slice3A_489 = vector.extract_strided_slice %bitcast_convert_type3A_26 {offsets = [0, 2560], sizes = [128, 256], strides = [1, 1]} : vector<128x4096xf32> to vector<128x256xf32>
    %gt3A_490 = vector.broadcast %broadcast_in_dim3A_401 : vector<128x1xf32> to vector<128x256xf32>
    %gt3A_491 = arith.cmpf ogt, %slice3A_489, %gt3A_490 : vector<128x256xf32>
    %jit3A_492 = arith.constant 0x7F800000 : f32
    %broadcast_in_dim3A_493 = vector.broadcast %jit3A_492 : f32 to vector<128x256xf32>
    %select_n3A_494 = arith.select %gt3A_491, %slice3A_489, %broadcast_in_dim3A_493 : vector<128x256xi1>, vector<128x256xf32>
    %min3A_495 = arith.minimumf %min3A_488, %select_n3A_494 : vector<128x256xf32>
    %slice3A_496 = vector.extract_strided_slice %bitcast_convert_type3A_26 {offsets = [0, 2816], sizes = [128, 256], strides = [1, 1]} : vector<128x4096xf32> to vector<128x256xf32>
    %gt3A_497 = vector.broadcast %broadcast_in_dim3A_401 : vector<128x1xf32> to vector<128x256xf32>
    %gt3A_498 = arith.cmpf ogt, %slice3A_496, %gt3A_497 : vector<128x256xf32>
    %jit3A_499 = arith.constant 0x7F800000 : f32
    %broadcast_in_dim3A_500 = vector.broadcast %jit3A_499 : f32 to vector<128x256xf32>
    %select_n3A_501 = arith.select %gt3A_498, %slice3A_496, %broadcast_in_dim3A_500 : vector<128x256xi1>, vector<128x256xf32>
    %min3A_502 = arith.minimumf %min3A_495, %select_n3A_501 : vector<128x256xf32>
    %slice3A_503 = vector.extract_strided_slice %bitcast_convert_type3A_26 {offsets = [0, 3072], sizes = [128, 256], strides = [1, 1]} : vector<128x4096xf32> to vector<128x256xf32>
    %gt3A_504 = vector.broadcast %broadcast_in_dim3A_401 : vector<128x1xf32> to vector<128x256xf32>
    %gt3A_505 = arith.cmpf ogt, %slice3A_503, %gt3A_504 : vector<128x256xf32>
    %jit3A_506 = arith.constant 0x7F800000 : f32
    %broadcast_in_dim3A_507 = vector.broadcast %jit3A_506 : f32 to vector<128x256xf32>
    %select_n3A_508 = arith.select %gt3A_505, %slice3A_503, %broadcast_in_dim3A_507 : vector<128x256xi1>, vector<128x256xf32>
    %min3A_509 = arith.minimumf %min3A_502, %select_n3A_508 : vector<128x256xf32>
    %slice3A_510 = vector.extract_strided_slice %bitcast_convert_type3A_26 {offsets = [0, 3328], sizes = [128, 256], strides = [1, 1]} : vector<128x4096xf32> to vector<128x256xf32>
    %gt3A_511 = vector.broadcast %broadcast_in_dim3A_401 : vector<128x1xf32> to vector<128x256xf32>
    %gt3A_512 = arith.cmpf ogt, %slice3A_510, %gt3A_511 : vector<128x256xf32>
    %jit3A_513 = arith.constant 0x7F800000 : f32
    %broadcast_in_dim3A_514 = vector.broadcast %jit3A_513 : f32 to vector<128x256xf32>
    %select_n3A_515 = arith.select %gt3A_512, %slice3A_510, %broadcast_in_dim3A_514 : vector<128x256xi1>, vector<128x256xf32>
    %min3A_516 = arith.minimumf %min3A_509, %select_n3A_515 : vector<128x256xf32>
    %slice3A_517 = vector.extract_strided_slice %bitcast_convert_type3A_26 {offsets = [0, 3584], sizes = [128, 256], strides = [1, 1]} : vector<128x4096xf32> to vector<128x256xf32>
    %gt3A_518 = vector.broadcast %broadcast_in_dim3A_401 : vector<128x1xf32> to vector<128x256xf32>
    %gt3A_519 = arith.cmpf ogt, %slice3A_517, %gt3A_518 : vector<128x256xf32>
    %jit3A_520 = arith.constant 0x7F800000 : f32
    %broadcast_in_dim3A_521 = vector.broadcast %jit3A_520 : f32 to vector<128x256xf32>
    %select_n3A_522 = arith.select %gt3A_519, %slice3A_517, %broadcast_in_dim3A_521 : vector<128x256xi1>, vector<128x256xf32>
    %min3A_523 = arith.minimumf %min3A_516, %select_n3A_522 : vector<128x256xf32>
    %slice3A_524 = vector.extract_strided_slice %bitcast_convert_type3A_26 {offsets = [0, 3840], sizes = [128, 256], strides = [1, 1]} : vector<128x4096xf32> to vector<128x256xf32>
    %gt3A_525 = vector.broadcast %broadcast_in_dim3A_401 : vector<128x1xf32> to vector<128x256xf32>
    %gt3A_526 = arith.cmpf ogt, %slice3A_524, %gt3A_525 : vector<128x256xf32>
    %jit3A_527 = arith.constant 0x7F800000 : f32
    %broadcast_in_dim3A_528 = vector.broadcast %jit3A_527 : f32 to vector<128x256xf32>
    %select_n3A_529 = arith.select %gt3A_526, %slice3A_524, %broadcast_in_dim3A_528 : vector<128x256xi1>, vector<128x256xf32>
    %min3A_530 = arith.minimumf %min3A_523, %select_n3A_529 : vector<128x256xf32>
    %reduce_min3A_531 = arith.constant dense<0x7F800000> : vector<128xf32>
    %reduce_min3A_532 = vector.multi_reduction <minimumf>, %min3A_530, %reduce_min3A_531 [1] : vector<128x256xf32> to vector<128xf32>
    %broadcast_in_dim3A_533 = vector.shape_cast %reduce_min3A_532 : vector<128xf32> to vector<128x1xf32>
    %eq3A_534 = vector.broadcast %broadcast_in_dim3A_533 : vector<128x1xf32> to vector<128x256xf32>
    %eq3A_535 = arith.cmpf oeq, %min3A_530, %eq3A_534 : vector<128x256xf32>
    %jit3A_536 = arith.constant 2.560000e+02 : f32
    %broadcast_in_dim3A_537 = vector.broadcast %jit3A_536 : f32 to vector<128x256xf32>
    %select_n3A_538 = arith.select %eq3A_535, %convert_element_type3A_28, %broadcast_in_dim3A_537 : vector<128x256xi1>, vector<128x256xf32>
    %reduce_min3A_539 = arith.constant dense<0x7F800000> : vector<128xf32>
    %reduce_min3A_540 = vector.multi_reduction <minimumf>, %select_n3A_538, %reduce_min3A_539 [1] : vector<128x256xf32> to vector<128xf32>
    %broadcast_in_dim3A_541 = vector.shape_cast %reduce_min3A_540 : vector<128xf32> to vector<128x1xf32>
    %bitcast_convert_type3A_542 = tpu.bitcast %broadcast_in_dim3A_533 : vector<128x1xf32> -> vector<128x1xi32>
    %and3A_543 = arith.constant 15 : i32
    %and3A_544 = vector.broadcast %and3A_543 : i32 to vector<128x1xi32>
    %and3A_545 = arith.andi %bitcast_convert_type3A_542, %and3A_544 : vector<128x1xi32>
    %shift_left3A_546 = arith.constant 8 : i32
    %shift_left3A_547 = vector.broadcast %shift_left3A_546 : i32 to vector<128x1xi32>
    %shift_left3A_548 = arith.shli %and3A_545, %shift_left3A_547 : vector<128x1xi32>
    %convert_element_type3A_549 = arith.fptosi %broadcast_in_dim3A_541 : vector<128x1xf32> to vector<128x1xi32>
    %or3A_550 = arith.ori %shift_left3A_548, %convert_element_type3A_549 : vector<128x1xi32>
    %slice3A_551 = vector.extract_strided_slice %bitcast_convert_type3A_26 {offsets = [0, 0], sizes = [128, 256], strides = [1, 1]} : vector<128x4096xf32> to vector<128x256xf32>
    %gt3A_552 = vector.broadcast %broadcast_in_dim3A_533 : vector<128x1xf32> to vector<128x256xf32>
    %gt3A_553 = arith.cmpf ogt, %slice3A_551, %gt3A_552 : vector<128x256xf32>
    %slice3A_554 = vector.extract_strided_slice %bitcast_convert_type3A_26 {offsets = [0, 0], sizes = [128, 256], strides = [1, 1]} : vector<128x4096xf32> to vector<128x256xf32>
    %jit3A_555 = arith.constant 0x7F800000 : f32
    %broadcast_in_dim3A_556 = vector.broadcast %jit3A_555 : f32 to vector<128x256xf32>
    %select_n3A_557 = arith.select %gt3A_553, %slice3A_554, %broadcast_in_dim3A_556 : vector<128x256xi1>, vector<128x256xf32>
    %slice3A_558 = vector.extract_strided_slice %bitcast_convert_type3A_26 {offsets = [0, 256], sizes = [128, 256], strides = [1, 1]} : vector<128x4096xf32> to vector<128x256xf32>
    %gt3A_559 = vector.broadcast %broadcast_in_dim3A_533 : vector<128x1xf32> to vector<128x256xf32>
    %gt3A_560 = arith.cmpf ogt, %slice3A_558, %gt3A_559 : vector<128x256xf32>
    %jit3A_561 = arith.constant 0x7F800000 : f32
    %broadcast_in_dim3A_562 = vector.broadcast %jit3A_561 : f32 to vector<128x256xf32>
    %select_n3A_563 = arith.select %gt3A_560, %slice3A_558, %broadcast_in_dim3A_562 : vector<128x256xi1>, vector<128x256xf32>
    %min3A_564 = arith.minimumf %select_n3A_557, %select_n3A_563 : vector<128x256xf32>
    %slice3A_565 = vector.extract_strided_slice %bitcast_convert_type3A_26 {offsets = [0, 512], sizes = [128, 256], strides = [1, 1]} : vector<128x4096xf32> to vector<128x256xf32>
    %gt3A_566 = vector.broadcast %broadcast_in_dim3A_533 : vector<128x1xf32> to vector<128x256xf32>
    %gt3A_567 = arith.cmpf ogt, %slice3A_565, %gt3A_566 : vector<128x256xf32>
    %jit3A_568 = arith.constant 0x7F800000 : f32
    %broadcast_in_dim3A_569 = vector.broadcast %jit3A_568 : f32 to vector<128x256xf32>
    %select_n3A_570 = arith.select %gt3A_567, %slice3A_565, %broadcast_in_dim3A_569 : vector<128x256xi1>, vector<128x256xf32>
    %min3A_571 = arith.minimumf %min3A_564, %select_n3A_570 : vector<128x256xf32>
    %slice3A_572 = vector.extract_strided_slice %bitcast_convert_type3A_26 {offsets = [0, 768], sizes = [128, 256], strides = [1, 1]} : vector<128x4096xf32> to vector<128x256xf32>
    %gt3A_573 = vector.broadcast %broadcast_in_dim3A_533 : vector<128x1xf32> to vector<128x256xf32>
    %gt3A_574 = arith.cmpf ogt, %slice3A_572, %gt3A_573 : vector<128x256xf32>
    %jit3A_575 = arith.constant 0x7F800000 : f32
    %broadcast_in_dim3A_576 = vector.broadcast %jit3A_575 : f32 to vector<128x256xf32>
    %select_n3A_577 = arith.select %gt3A_574, %slice3A_572, %broadcast_in_dim3A_576 : vector<128x256xi1>, vector<128x256xf32>
    %min3A_578 = arith.minimumf %min3A_571, %select_n3A_577 : vector<128x256xf32>
    %slice3A_579 = vector.extract_strided_slice %bitcast_convert_type3A_26 {offsets = [0, 1024], sizes = [128, 256], strides = [1, 1]} : vector<128x4096xf32> to vector<128x256xf32>
    %gt3A_580 = vector.broadcast %broadcast_in_dim3A_533 : vector<128x1xf32> to vector<128x256xf32>
    %gt3A_581 = arith.cmpf ogt, %slice3A_579, %gt3A_580 : vector<128x256xf32>
    %jit3A_582 = arith.constant 0x7F800000 : f32
    %broadcast_in_dim3A_583 = vector.broadcast %jit3A_582 : f32 to vector<128x256xf32>
    %select_n3A_584 = arith.select %gt3A_581, %slice3A_579, %broadcast_in_dim3A_583 : vector<128x256xi1>, vector<128x256xf32>
    %min3A_585 = arith.minimumf %min3A_578, %select_n3A_584 : vector<128x256xf32>
    %slice3A_586 = vector.extract_strided_slice %bitcast_convert_type3A_26 {offsets = [0, 1280], sizes = [128, 256], strides = [1, 1]} : vector<128x4096xf32> to vector<128x256xf32>
    %gt3A_587 = vector.broadcast %broadcast_in_dim3A_533 : vector<128x1xf32> to vector<128x256xf32>
    %gt3A_588 = arith.cmpf ogt, %slice3A_586, %gt3A_587 : vector<128x256xf32>
    %jit3A_589 = arith.constant 0x7F800000 : f32
    %broadcast_in_dim3A_590 = vector.broadcast %jit3A_589 : f32 to vector<128x256xf32>
    %select_n3A_591 = arith.select %gt3A_588, %slice3A_586, %broadcast_in_dim3A_590 : vector<128x256xi1>, vector<128x256xf32>
    %min3A_592 = arith.minimumf %min3A_585, %select_n3A_591 : vector<128x256xf32>
    %slice3A_593 = vector.extract_strided_slice %bitcast_convert_type3A_26 {offsets = [0, 1536], sizes = [128, 256], strides = [1, 1]} : vector<128x4096xf32> to vector<128x256xf32>
    %gt3A_594 = vector.broadcast %broadcast_in_dim3A_533 : vector<128x1xf32> to vector<128x256xf32>
    %gt3A_595 = arith.cmpf ogt, %slice3A_593, %gt3A_594 : vector<128x256xf32>
    %jit3A_596 = arith.constant 0x7F800000 : f32
    %broadcast_in_dim3A_597 = vector.broadcast %jit3A_596 : f32 to vector<128x256xf32>
    %select_n3A_598 = arith.select %gt3A_595, %slice3A_593, %broadcast_in_dim3A_597 : vector<128x256xi1>, vector<128x256xf32>
    %min3A_599 = arith.minimumf %min3A_592, %select_n3A_598 : vector<128x256xf32>
    %slice3A_600 = vector.extract_strided_slice %bitcast_convert_type3A_26 {offsets = [0, 1792], sizes = [128, 256], strides = [1, 1]} : vector<128x4096xf32> to vector<128x256xf32>
    %gt3A_601 = vector.broadcast %broadcast_in_dim3A_533 : vector<128x1xf32> to vector<128x256xf32>
    %gt3A_602 = arith.cmpf ogt, %slice3A_600, %gt3A_601 : vector<128x256xf32>
    %jit3A_603 = arith.constant 0x7F800000 : f32
    %broadcast_in_dim3A_604 = vector.broadcast %jit3A_603 : f32 to vector<128x256xf32>
    %select_n3A_605 = arith.select %gt3A_602, %slice3A_600, %broadcast_in_dim3A_604 : vector<128x256xi1>, vector<128x256xf32>
    %min3A_606 = arith.minimumf %min3A_599, %select_n3A_605 : vector<128x256xf32>
    %slice3A_607 = vector.extract_strided_slice %bitcast_convert_type3A_26 {offsets = [0, 2048], sizes = [128, 256], strides = [1, 1]} : vector<128x4096xf32> to vector<128x256xf32>
    %gt3A_608 = vector.broadcast %broadcast_in_dim3A_533 : vector<128x1xf32> to vector<128x256xf32>
    %gt3A_609 = arith.cmpf ogt, %slice3A_607, %gt3A_608 : vector<128x256xf32>
    %jit3A_610 = arith.constant 0x7F800000 : f32
    %broadcast_in_dim3A_611 = vector.broadcast %jit3A_610 : f32 to vector<128x256xf32>
    %select_n3A_612 = arith.select %gt3A_609, %slice3A_607, %broadcast_in_dim3A_611 : vector<128x256xi1>, vector<128x256xf32>
    %min3A_613 = arith.minimumf %min3A_606, %select_n3A_612 : vector<128x256xf32>
    %slice3A_614 = vector.extract_strided_slice %bitcast_convert_type3A_26 {offsets = [0, 2304], sizes = [128, 256], strides = [1, 1]} : vector<128x4096xf32> to vector<128x256xf32>
    %gt3A_615 = vector.broadcast %broadcast_in_dim3A_533 : vector<128x1xf32> to vector<128x256xf32>
    %gt3A_616 = arith.cmpf ogt, %slice3A_614, %gt3A_615 : vector<128x256xf32>
    %jit3A_617 = arith.constant 0x7F800000 : f32
    %broadcast_in_dim3A_618 = vector.broadcast %jit3A_617 : f32 to vector<128x256xf32>
    %select_n3A_619 = arith.select %gt3A_616, %slice3A_614, %broadcast_in_dim3A_618 : vector<128x256xi1>, vector<128x256xf32>
    %min3A_620 = arith.minimumf %min3A_613, %select_n3A_619 : vector<128x256xf32>
    %slice3A_621 = vector.extract_strided_slice %bitcast_convert_type3A_26 {offsets = [0, 2560], sizes = [128, 256], strides = [1, 1]} : vector<128x4096xf32> to vector<128x256xf32>
    %gt3A_622 = vector.broadcast %broadcast_in_dim3A_533 : vector<128x1xf32> to vector<128x256xf32>
    %gt3A_623 = arith.cmpf ogt, %slice3A_621, %gt3A_622 : vector<128x256xf32>
    %jit3A_624 = arith.constant 0x7F800000 : f32
    %broadcast_in_dim3A_625 = vector.broadcast %jit3A_624 : f32 to vector<128x256xf32>
    %select_n3A_626 = arith.select %gt3A_623, %slice3A_621, %broadcast_in_dim3A_625 : vector<128x256xi1>, vector<128x256xf32>
    %min3A_627 = arith.minimumf %min3A_620, %select_n3A_626 : vector<128x256xf32>
    %slice3A_628 = vector.extract_strided_slice %bitcast_convert_type3A_26 {offsets = [0, 2816], sizes = [128, 256], strides = [1, 1]} : vector<128x4096xf32> to vector<128x256xf32>
    %gt3A_629 = vector.broadcast %broadcast_in_dim3A_533 : vector<128x1xf32> to vector<128x256xf32>
    %gt3A_630 = arith.cmpf ogt, %slice3A_628, %gt3A_629 : vector<128x256xf32>
    %jit3A_631 = arith.constant 0x7F800000 : f32
    %broadcast_in_dim3A_632 = vector.broadcast %jit3A_631 : f32 to vector<128x256xf32>
    %select_n3A_633 = arith.select %gt3A_630, %slice3A_628, %broadcast_in_dim3A_632 : vector<128x256xi1>, vector<128x256xf32>
    %min3A_634 = arith.minimumf %min3A_627, %select_n3A_633 : vector<128x256xf32>
    %slice3A_635 = vector.extract_strided_slice %bitcast_convert_type3A_26 {offsets = [0, 3072], sizes = [128, 256], strides = [1, 1]} : vector<128x4096xf32> to vector<128x256xf32>
    %gt3A_636 = vector.broadcast %broadcast_in_dim3A_533 : vector<128x1xf32> to vector<128x256xf32>
    %gt3A_637 = arith.cmpf ogt, %slice3A_635, %gt3A_636 : vector<128x256xf32>
    %jit3A_638 = arith.constant 0x7F800000 : f32
    %broadcast_in_dim3A_639 = vector.broadcast %jit3A_638 : f32 to vector<128x256xf32>
    %select_n3A_640 = arith.select %gt3A_637, %slice3A_635, %broadcast_in_dim3A_639 : vector<128x256xi1>, vector<128x256xf32>
    %min3A_641 = arith.minimumf %min3A_634, %select_n3A_640 : vector<128x256xf32>
    %slice3A_642 = vector.extract_strided_slice %bitcast_convert_type3A_26 {offsets = [0, 3328], sizes = [128, 256], strides = [1, 1]} : vector<128x4096xf32> to vector<128x256xf32>
    %gt3A_643 = vector.broadcast %broadcast_in_dim3A_533 : vector<128x1xf32> to vector<128x256xf32>
    %gt3A_644 = arith.cmpf ogt, %slice3A_642, %gt3A_643 : vector<128x256xf32>
    %jit3A_645 = arith.constant 0x7F800000 : f32
    %broadcast_in_dim3A_646 = vector.broadcast %jit3A_645 : f32 to vector<128x256xf32>
    %select_n3A_647 = arith.select %gt3A_644, %slice3A_642, %broadcast_in_dim3A_646 : vector<128x256xi1>, vector<128x256xf32>
    %min3A_648 = arith.minimumf %min3A_641, %select_n3A_647 : vector<128x256xf32>
    %slice3A_649 = vector.extract_strided_slice %bitcast_convert_type3A_26 {offsets = [0, 3584], sizes = [128, 256], strides = [1, 1]} : vector<128x4096xf32> to vector<128x256xf32>
    %gt3A_650 = vector.broadcast %broadcast_in_dim3A_533 : vector<128x1xf32> to vector<128x256xf32>
    %gt3A_651 = arith.cmpf ogt, %slice3A_649, %gt3A_650 : vector<128x256xf32>
    %jit3A_652 = arith.constant 0x7F800000 : f32
    %broadcast_in_dim3A_653 = vector.broadcast %jit3A_652 : f32 to vector<128x256xf32>
    %select_n3A_654 = arith.select %gt3A_651, %slice3A_649, %broadcast_in_dim3A_653 : vector<128x256xi1>, vector<128x256xf32>
    %min3A_655 = arith.minimumf %min3A_648, %select_n3A_654 : vector<128x256xf32>
    %slice3A_656 = vector.extract_strided_slice %bitcast_convert_type3A_26 {offsets = [0, 3840], sizes = [128, 256], strides = [1, 1]} : vector<128x4096xf32> to vector<128x256xf32>
    %gt3A_657 = vector.broadcast %broadcast_in_dim3A_533 : vector<128x1xf32> to vector<128x256xf32>
    %gt3A_658 = arith.cmpf ogt, %slice3A_656, %gt3A_657 : vector<128x256xf32>
    %jit3A_659 = arith.constant 0x7F800000 : f32
    %broadcast_in_dim3A_660 = vector.broadcast %jit3A_659 : f32 to vector<128x256xf32>
    %select_n3A_661 = arith.select %gt3A_658, %slice3A_656, %broadcast_in_dim3A_660 : vector<128x256xi1>, vector<128x256xf32>
    %min3A_662 = arith.minimumf %min3A_655, %select_n3A_661 : vector<128x256xf32>
    %reduce_min3A_663 = arith.constant dense<0x7F800000> : vector<128xf32>
    %reduce_min3A_664 = vector.multi_reduction <minimumf>, %min3A_662, %reduce_min3A_663 [1] : vector<128x256xf32> to vector<128xf32>
    %broadcast_in_dim3A_665 = vector.shape_cast %reduce_min3A_664 : vector<128xf32> to vector<128x1xf32>
    %eq3A_666 = vector.broadcast %broadcast_in_dim3A_665 : vector<128x1xf32> to vector<128x256xf32>
    %eq3A_667 = arith.cmpf oeq, %min3A_662, %eq3A_666 : vector<128x256xf32>
    %jit3A_668 = arith.constant 2.560000e+02 : f32
    %broadcast_in_dim3A_669 = vector.broadcast %jit3A_668 : f32 to vector<128x256xf32>
    %select_n3A_670 = arith.select %eq3A_667, %convert_element_type3A_28, %broadcast_in_dim3A_669 : vector<128x256xi1>, vector<128x256xf32>
    %reduce_min3A_671 = arith.constant dense<0x7F800000> : vector<128xf32>
    %reduce_min3A_672 = vector.multi_reduction <minimumf>, %select_n3A_670, %reduce_min3A_671 [1] : vector<128x256xf32> to vector<128xf32>
    %broadcast_in_dim3A_673 = vector.shape_cast %reduce_min3A_672 : vector<128xf32> to vector<128x1xf32>
    %bitcast_convert_type3A_674 = tpu.bitcast %broadcast_in_dim3A_665 : vector<128x1xf32> -> vector<128x1xi32>
    %and3A_675 = arith.constant 15 : i32
    %and3A_676 = vector.broadcast %and3A_675 : i32 to vector<128x1xi32>
    %and3A_677 = arith.andi %bitcast_convert_type3A_674, %and3A_676 : vector<128x1xi32>
    %shift_left3A_678 = arith.constant 8 : i32
    %shift_left3A_679 = vector.broadcast %shift_left3A_678 : i32 to vector<128x1xi32>
    %shift_left3A_680 = arith.shli %and3A_677, %shift_left3A_679 : vector<128x1xi32>
    %convert_element_type3A_681 = arith.fptosi %broadcast_in_dim3A_673 : vector<128x1xf32> to vector<128x1xi32>
    %or3A_682 = arith.ori %shift_left3A_680, %convert_element_type3A_681 : vector<128x1xi32>
    %slice3A_683 = vector.extract_strided_slice %bitcast_convert_type3A_26 {offsets = [0, 0], sizes = [128, 256], strides = [1, 1]} : vector<128x4096xf32> to vector<128x256xf32>
    %gt3A_684 = vector.broadcast %broadcast_in_dim3A_665 : vector<128x1xf32> to vector<128x256xf32>
    %gt3A_685 = arith.cmpf ogt, %slice3A_683, %gt3A_684 : vector<128x256xf32>
    %slice3A_686 = vector.extract_strided_slice %bitcast_convert_type3A_26 {offsets = [0, 0], sizes = [128, 256], strides = [1, 1]} : vector<128x4096xf32> to vector<128x256xf32>
    %jit3A_687 = arith.constant 0x7F800000 : f32
    %broadcast_in_dim3A_688 = vector.broadcast %jit3A_687 : f32 to vector<128x256xf32>
    %select_n3A_689 = arith.select %gt3A_685, %slice3A_686, %broadcast_in_dim3A_688 : vector<128x256xi1>, vector<128x256xf32>
    %slice3A_690 = vector.extract_strided_slice %bitcast_convert_type3A_26 {offsets = [0, 256], sizes = [128, 256], strides = [1, 1]} : vector<128x4096xf32> to vector<128x256xf32>
    %gt3A_691 = vector.broadcast %broadcast_in_dim3A_665 : vector<128x1xf32> to vector<128x256xf32>
    %gt3A_692 = arith.cmpf ogt, %slice3A_690, %gt3A_691 : vector<128x256xf32>
    %jit3A_693 = arith.constant 0x7F800000 : f32
    %broadcast_in_dim3A_694 = vector.broadcast %jit3A_693 : f32 to vector<128x256xf32>
    %select_n3A_695 = arith.select %gt3A_692, %slice3A_690, %broadcast_in_dim3A_694 : vector<128x256xi1>, vector<128x256xf32>
    %min3A_696 = arith.minimumf %select_n3A_689, %select_n3A_695 : vector<128x256xf32>
    %slice3A_697 = vector.extract_strided_slice %bitcast_convert_type3A_26 {offsets = [0, 512], sizes = [128, 256], strides = [1, 1]} : vector<128x4096xf32> to vector<128x256xf32>
    %gt3A_698 = vector.broadcast %broadcast_in_dim3A_665 : vector<128x1xf32> to vector<128x256xf32>
    %gt3A_699 = arith.cmpf ogt, %slice3A_697, %gt3A_698 : vector<128x256xf32>
    %jit3A_700 = arith.constant 0x7F800000 : f32
    %broadcast_in_dim3A_701 = vector.broadcast %jit3A_700 : f32 to vector<128x256xf32>
    %select_n3A_702 = arith.select %gt3A_699, %slice3A_697, %broadcast_in_dim3A_701 : vector<128x256xi1>, vector<128x256xf32>
    %min3A_703 = arith.minimumf %min3A_696, %select_n3A_702 : vector<128x256xf32>
    %slice3A_704 = vector.extract_strided_slice %bitcast_convert_type3A_26 {offsets = [0, 768], sizes = [128, 256], strides = [1, 1]} : vector<128x4096xf32> to vector<128x256xf32>
    %gt3A_705 = vector.broadcast %broadcast_in_dim3A_665 : vector<128x1xf32> to vector<128x256xf32>
    %gt3A_706 = arith.cmpf ogt, %slice3A_704, %gt3A_705 : vector<128x256xf32>
    %jit3A_707 = arith.constant 0x7F800000 : f32
    %broadcast_in_dim3A_708 = vector.broadcast %jit3A_707 : f32 to vector<128x256xf32>
    %select_n3A_709 = arith.select %gt3A_706, %slice3A_704, %broadcast_in_dim3A_708 : vector<128x256xi1>, vector<128x256xf32>
    %min3A_710 = arith.minimumf %min3A_703, %select_n3A_709 : vector<128x256xf32>
    %slice3A_711 = vector.extract_strided_slice %bitcast_convert_type3A_26 {offsets = [0, 1024], sizes = [128, 256], strides = [1, 1]} : vector<128x4096xf32> to vector<128x256xf32>
    %gt3A_712 = vector.broadcast %broadcast_in_dim3A_665 : vector<128x1xf32> to vector<128x256xf32>
    %gt3A_713 = arith.cmpf ogt, %slice3A_711, %gt3A_712 : vector<128x256xf32>
    %jit3A_714 = arith.constant 0x7F800000 : f32
    %broadcast_in_dim3A_715 = vector.broadcast %jit3A_714 : f32 to vector<128x256xf32>
    %select_n3A_716 = arith.select %gt3A_713, %slice3A_711, %broadcast_in_dim3A_715 : vector<128x256xi1>, vector<128x256xf32>
    %min3A_717 = arith.minimumf %min3A_710, %select_n3A_716 : vector<128x256xf32>
    %slice3A_718 = vector.extract_strided_slice %bitcast_convert_type3A_26 {offsets = [0, 1280], sizes = [128, 256], strides = [1, 1]} : vector<128x4096xf32> to vector<128x256xf32>
    %gt3A_719 = vector.broadcast %broadcast_in_dim3A_665 : vector<128x1xf32> to vector<128x256xf32>
    %gt3A_720 = arith.cmpf ogt, %slice3A_718, %gt3A_719 : vector<128x256xf32>
    %jit3A_721 = arith.constant 0x7F800000 : f32
    %broadcast_in_dim3A_722 = vector.broadcast %jit3A_721 : f32 to vector<128x256xf32>
    %select_n3A_723 = arith.select %gt3A_720, %slice3A_718, %broadcast_in_dim3A_722 : vector<128x256xi1>, vector<128x256xf32>
    %min3A_724 = arith.minimumf %min3A_717, %select_n3A_723 : vector<128x256xf32>
    %slice3A_725 = vector.extract_strided_slice %bitcast_convert_type3A_26 {offsets = [0, 1536], sizes = [128, 256], strides = [1, 1]} : vector<128x4096xf32> to vector<128x256xf32>
    %gt3A_726 = vector.broadcast %broadcast_in_dim3A_665 : vector<128x1xf32> to vector<128x256xf32>
    %gt3A_727 = arith.cmpf ogt, %slice3A_725, %gt3A_726 : vector<128x256xf32>
    %jit3A_728 = arith.constant 0x7F800000 : f32
    %broadcast_in_dim3A_729 = vector.broadcast %jit3A_728 : f32 to vector<128x256xf32>
    %select_n3A_730 = arith.select %gt3A_727, %slice3A_725, %broadcast_in_dim3A_729 : vector<128x256xi1>, vector<128x256xf32>
    %min3A_731 = arith.minimumf %min3A_724, %select_n3A_730 : vector<128x256xf32>
    %slice3A_732 = vector.extract_strided_slice %bitcast_convert_type3A_26 {offsets = [0, 1792], sizes = [128, 256], strides = [1, 1]} : vector<128x4096xf32> to vector<128x256xf32>
    %gt3A_733 = vector.broadcast %broadcast_in_dim3A_665 : vector<128x1xf32> to vector<128x256xf32>
    %gt3A_734 = arith.cmpf ogt, %slice3A_732, %gt3A_733 : vector<128x256xf32>
    %jit3A_735 = arith.constant 0x7F800000 : f32
    %broadcast_in_dim3A_736 = vector.broadcast %jit3A_735 : f32 to vector<128x256xf32>
    %select_n3A_737 = arith.select %gt3A_734, %slice3A_732, %broadcast_in_dim3A_736 : vector<128x256xi1>, vector<128x256xf32>
    %min3A_738 = arith.minimumf %min3A_731, %select_n3A_737 : vector<128x256xf32>
    %slice3A_739 = vector.extract_strided_slice %bitcast_convert_type3A_26 {offsets = [0, 2048], sizes = [128, 256], strides = [1, 1]} : vector<128x4096xf32> to vector<128x256xf32>
    %gt3A_740 = vector.broadcast %broadcast_in_dim3A_665 : vector<128x1xf32> to vector<128x256xf32>
    %gt3A_741 = arith.cmpf ogt, %slice3A_739, %gt3A_740 : vector<128x256xf32>
    %jit3A_742 = arith.constant 0x7F800000 : f32
    %broadcast_in_dim3A_743 = vector.broadcast %jit3A_742 : f32 to vector<128x256xf32>
    %select_n3A_744 = arith.select %gt3A_741, %slice3A_739, %broadcast_in_dim3A_743 : vector<128x256xi1>, vector<128x256xf32>
    %min3A_745 = arith.minimumf %min3A_738, %select_n3A_744 : vector<128x256xf32>
    %slice3A_746 = vector.extract_strided_slice %bitcast_convert_type3A_26 {offsets = [0, 2304], sizes = [128, 256], strides = [1, 1]} : vector<128x4096xf32> to vector<128x256xf32>
    %gt3A_747 = vector.broadcast %broadcast_in_dim3A_665 : vector<128x1xf32> to vector<128x256xf32>
    %gt3A_748 = arith.cmpf ogt, %slice3A_746, %gt3A_747 : vector<128x256xf32>
    %jit3A_749 = arith.constant 0x7F800000 : f32
    %broadcast_in_dim3A_750 = vector.broadcast %jit3A_749 : f32 to vector<128x256xf32>
    %select_n3A_751 = arith.select %gt3A_748, %slice3A_746, %broadcast_in_dim3A_750 : vector<128x256xi1>, vector<128x256xf32>
    %min3A_752 = arith.minimumf %min3A_745, %select_n3A_751 : vector<128x256xf32>
    %slice3A_753 = vector.extract_strided_slice %bitcast_convert_type3A_26 {offsets = [0, 2560], sizes = [128, 256], strides = [1, 1]} : vector<128x4096xf32> to vector<128x256xf32>
    %gt3A_754 = vector.broadcast %broadcast_in_dim3A_665 : vector<128x1xf32> to vector<128x256xf32>
    %gt3A_755 = arith.cmpf ogt, %slice3A_753, %gt3A_754 : vector<128x256xf32>
    %jit3A_756 = arith.constant 0x7F800000 : f32
    %broadcast_in_dim3A_757 = vector.broadcast %jit3A_756 : f32 to vector<128x256xf32>
    %select_n3A_758 = arith.select %gt3A_755, %slice3A_753, %broadcast_in_dim3A_757 : vector<128x256xi1>, vector<128x256xf32>
    %min3A_759 = arith.minimumf %min3A_752, %select_n3A_758 : vector<128x256xf32>
    %slice3A_760 = vector.extract_strided_slice %bitcast_convert_type3A_26 {offsets = [0, 2816], sizes = [128, 256], strides = [1, 1]} : vector<128x4096xf32> to vector<128x256xf32>
    %gt3A_761 = vector.broadcast %broadcast_in_dim3A_665 : vector<128x1xf32> to vector<128x256xf32>
    %gt3A_762 = arith.cmpf ogt, %slice3A_760, %gt3A_761 : vector<128x256xf32>
    %jit3A_763 = arith.constant 0x7F800000 : f32
    %broadcast_in_dim3A_764 = vector.broadcast %jit3A_763 : f32 to vector<128x256xf32>
    %select_n3A_765 = arith.select %gt3A_762, %slice3A_760, %broadcast_in_dim3A_764 : vector<128x256xi1>, vector<128x256xf32>
    %min3A_766 = arith.minimumf %min3A_759, %select_n3A_765 : vector<128x256xf32>
    %slice3A_767 = vector.extract_strided_slice %bitcast_convert_type3A_26 {offsets = [0, 3072], sizes = [128, 256], strides = [1, 1]} : vector<128x4096xf32> to vector<128x256xf32>
    %gt3A_768 = vector.broadcast %broadcast_in_dim3A_665 : vector<128x1xf32> to vector<128x256xf32>
    %gt3A_769 = arith.cmpf ogt, %slice3A_767, %gt3A_768 : vector<128x256xf32>
    %jit3A_770 = arith.constant 0x7F800000 : f32
    %broadcast_in_dim3A_771 = vector.broadcast %jit3A_770 : f32 to vector<128x256xf32>
    %select_n3A_772 = arith.select %gt3A_769, %slice3A_767, %broadcast_in_dim3A_771 : vector<128x256xi1>, vector<128x256xf32>
    %min3A_773 = arith.minimumf %min3A_766, %select_n3A_772 : vector<128x256xf32>
    %slice3A_774 = vector.extract_strided_slice %bitcast_convert_type3A_26 {offsets = [0, 3328], sizes = [128, 256], strides = [1, 1]} : vector<128x4096xf32> to vector<128x256xf32>
    %gt3A_775 = vector.broadcast %broadcast_in_dim3A_665 : vector<128x1xf32> to vector<128x256xf32>
    %gt3A_776 = arith.cmpf ogt, %slice3A_774, %gt3A_775 : vector<128x256xf32>
    %jit3A_777 = arith.constant 0x7F800000 : f32
    %broadcast_in_dim3A_778 = vector.broadcast %jit3A_777 : f32 to vector<128x256xf32>
    %select_n3A_779 = arith.select %gt3A_776, %slice3A_774, %broadcast_in_dim3A_778 : vector<128x256xi1>, vector<128x256xf32>
    %min3A_780 = arith.minimumf %min3A_773, %select_n3A_779 : vector<128x256xf32>
    %slice3A_781 = vector.extract_strided_slice %bitcast_convert_type3A_26 {offsets = [0, 3584], sizes = [128, 256], strides = [1, 1]} : vector<128x4096xf32> to vector<128x256xf32>
    %gt3A_782 = vector.broadcast %broadcast_in_dim3A_665 : vector<128x1xf32> to vector<128x256xf32>
    %gt3A_783 = arith.cmpf ogt, %slice3A_781, %gt3A_782 : vector<128x256xf32>
    %jit3A_784 = arith.constant 0x7F800000 : f32
    %broadcast_in_dim3A_785 = vector.broadcast %jit3A_784 : f32 to vector<128x256xf32>
    %select_n3A_786 = arith.select %gt3A_783, %slice3A_781, %broadcast_in_dim3A_785 : vector<128x256xi1>, vector<128x256xf32>
    %min3A_787 = arith.minimumf %min3A_780, %select_n3A_786 : vector<128x256xf32>
    %slice3A_788 = vector.extract_strided_slice %bitcast_convert_type3A_26 {offsets = [0, 3840], sizes = [128, 256], strides = [1, 1]} : vector<128x4096xf32> to vector<128x256xf32>
    %gt3A_789 = vector.broadcast %broadcast_in_dim3A_665 : vector<128x1xf32> to vector<128x256xf32>
    %gt3A_790 = arith.cmpf ogt, %slice3A_788, %gt3A_789 : vector<128x256xf32>
    %jit3A_791 = arith.constant 0x7F800000 : f32
    %broadcast_in_dim3A_792 = vector.broadcast %jit3A_791 : f32 to vector<128x256xf32>
    %select_n3A_793 = arith.select %gt3A_790, %slice3A_788, %broadcast_in_dim3A_792 : vector<128x256xi1>, vector<128x256xf32>
    %min3A_794 = arith.minimumf %min3A_787, %select_n3A_793 : vector<128x256xf32>
    %reduce_min3A_795 = arith.constant dense<0x7F800000> : vector<128xf32>
    %reduce_min3A_796 = vector.multi_reduction <minimumf>, %min3A_794, %reduce_min3A_795 [1] : vector<128x256xf32> to vector<128xf32>
    %broadcast_in_dim3A_797 = vector.shape_cast %reduce_min3A_796 : vector<128xf32> to vector<128x1xf32>
    %eq3A_798 = vector.broadcast %broadcast_in_dim3A_797 : vector<128x1xf32> to vector<128x256xf32>
    %eq3A_799 = arith.cmpf oeq, %min3A_794, %eq3A_798 : vector<128x256xf32>
    %jit3A_800 = arith.constant 2.560000e+02 : f32
    %broadcast_in_dim3A_801 = vector.broadcast %jit3A_800 : f32 to vector<128x256xf32>
    %select_n3A_802 = arith.select %eq3A_799, %convert_element_type3A_28, %broadcast_in_dim3A_801 : vector<128x256xi1>, vector<128x256xf32>
    %reduce_min3A_803 = arith.constant dense<0x7F800000> : vector<128xf32>
    %reduce_min3A_804 = vector.multi_reduction <minimumf>, %select_n3A_802, %reduce_min3A_803 [1] : vector<128x256xf32> to vector<128xf32>
    %broadcast_in_dim3A_805 = vector.shape_cast %reduce_min3A_804 : vector<128xf32> to vector<128x1xf32>
    %bitcast_convert_type3A_806 = tpu.bitcast %broadcast_in_dim3A_797 : vector<128x1xf32> -> vector<128x1xi32>
    %and3A_807 = arith.constant 15 : i32
    %and3A_808 = vector.broadcast %and3A_807 : i32 to vector<128x1xi32>
    %and3A_809 = arith.andi %bitcast_convert_type3A_806, %and3A_808 : vector<128x1xi32>
    %shift_left3A_810 = arith.constant 8 : i32
    %shift_left3A_811 = vector.broadcast %shift_left3A_810 : i32 to vector<128x1xi32>
    %shift_left3A_812 = arith.shli %and3A_809, %shift_left3A_811 : vector<128x1xi32>
    %convert_element_type3A_813 = arith.fptosi %broadcast_in_dim3A_805 : vector<128x1xf32> to vector<128x1xi32>
    %or3A_814 = arith.ori %shift_left3A_812, %convert_element_type3A_813 : vector<128x1xi32>
    %slice3A_815 = vector.extract_strided_slice %bitcast_convert_type3A_26 {offsets = [0, 0], sizes = [128, 256], strides = [1, 1]} : vector<128x4096xf32> to vector<128x256xf32>
    %gt3A_816 = vector.broadcast %broadcast_in_dim3A_797 : vector<128x1xf32> to vector<128x256xf32>
    %gt3A_817 = arith.cmpf ogt, %slice3A_815, %gt3A_816 : vector<128x256xf32>
    %slice3A_818 = vector.extract_strided_slice %bitcast_convert_type3A_26 {offsets = [0, 0], sizes = [128, 256], strides = [1, 1]} : vector<128x4096xf32> to vector<128x256xf32>
    %jit3A_819 = arith.constant 0x7F800000 : f32
    %broadcast_in_dim3A_820 = vector.broadcast %jit3A_819 : f32 to vector<128x256xf32>
    %select_n3A_821 = arith.select %gt3A_817, %slice3A_818, %broadcast_in_dim3A_820 : vector<128x256xi1>, vector<128x256xf32>
    %slice3A_822 = vector.extract_strided_slice %bitcast_convert_type3A_26 {offsets = [0, 256], sizes = [128, 256], strides = [1, 1]} : vector<128x4096xf32> to vector<128x256xf32>
    %gt3A_823 = vector.broadcast %broadcast_in_dim3A_797 : vector<128x1xf32> to vector<128x256xf32>
    %gt3A_824 = arith.cmpf ogt, %slice3A_822, %gt3A_823 : vector<128x256xf32>
    %jit3A_825 = arith.constant 0x7F800000 : f32
    %broadcast_in_dim3A_826 = vector.broadcast %jit3A_825 : f32 to vector<128x256xf32>
    %select_n3A_827 = arith.select %gt3A_824, %slice3A_822, %broadcast_in_dim3A_826 : vector<128x256xi1>, vector<128x256xf32>
    %min3A_828 = arith.minimumf %select_n3A_821, %select_n3A_827 : vector<128x256xf32>
    %slice3A_829 = vector.extract_strided_slice %bitcast_convert_type3A_26 {offsets = [0, 512], sizes = [128, 256], strides = [1, 1]} : vector<128x4096xf32> to vector<128x256xf32>
    %gt3A_830 = vector.broadcast %broadcast_in_dim3A_797 : vector<128x1xf32> to vector<128x256xf32>
    %gt3A_831 = arith.cmpf ogt, %slice3A_829, %gt3A_830 : vector<128x256xf32>
    %jit3A_832 = arith.constant 0x7F800000 : f32
    %broadcast_in_dim3A_833 = vector.broadcast %jit3A_832 : f32 to vector<128x256xf32>
    %select_n3A_834 = arith.select %gt3A_831, %slice3A_829, %broadcast_in_dim3A_833 : vector<128x256xi1>, vector<128x256xf32>
    %min3A_835 = arith.minimumf %min3A_828, %select_n3A_834 : vector<128x256xf32>
    %slice3A_836 = vector.extract_strided_slice %bitcast_convert_type3A_26 {offsets = [0, 768], sizes = [128, 256], strides = [1, 1]} : vector<128x4096xf32> to vector<128x256xf32>
    %gt3A_837 = vector.broadcast %broadcast_in_dim3A_797 : vector<128x1xf32> to vector<128x256xf32>
    %gt3A_838 = arith.cmpf ogt, %slice3A_836, %gt3A_837 : vector<128x256xf32>
    %jit3A_839 = arith.constant 0x7F800000 : f32
    %broadcast_in_dim3A_840 = vector.broadcast %jit3A_839 : f32 to vector<128x256xf32>
    %select_n3A_841 = arith.select %gt3A_838, %slice3A_836, %broadcast_in_dim3A_840 : vector<128x256xi1>, vector<128x256xf32>
    %min3A_842 = arith.minimumf %min3A_835, %select_n3A_841 : vector<128x256xf32>
    %slice3A_843 = vector.extract_strided_slice %bitcast_convert_type3A_26 {offsets = [0, 1024], sizes = [128, 256], strides = [1, 1]} : vector<128x4096xf32> to vector<128x256xf32>
    %gt3A_844 = vector.broadcast %broadcast_in_dim3A_797 : vector<128x1xf32> to vector<128x256xf32>
    %gt3A_845 = arith.cmpf ogt, %slice3A_843, %gt3A_844 : vector<128x256xf32>
    %jit3A_846 = arith.constant 0x7F800000 : f32
    %broadcast_in_dim3A_847 = vector.broadcast %jit3A_846 : f32 to vector<128x256xf32>
    %select_n3A_848 = arith.select %gt3A_845, %slice3A_843, %broadcast_in_dim3A_847 : vector<128x256xi1>, vector<128x256xf32>
    %min3A_849 = arith.minimumf %min3A_842, %select_n3A_848 : vector<128x256xf32>
    %slice3A_850 = vector.extract_strided_slice %bitcast_convert_type3A_26 {offsets = [0, 1280], sizes = [128, 256], strides = [1, 1]} : vector<128x4096xf32> to vector<128x256xf32>
    %gt3A_851 = vector.broadcast %broadcast_in_dim3A_797 : vector<128x1xf32> to vector<128x256xf32>
    %gt3A_852 = arith.cmpf ogt, %slice3A_850, %gt3A_851 : vector<128x256xf32>
    %jit3A_853 = arith.constant 0x7F800000 : f32
    %broadcast_in_dim3A_854 = vector.broadcast %jit3A_853 : f32 to vector<128x256xf32>
    %select_n3A_855 = arith.select %gt3A_852, %slice3A_850, %broadcast_in_dim3A_854 : vector<128x256xi1>, vector<128x256xf32>
    %min3A_856 = arith.minimumf %min3A_849, %select_n3A_855 : vector<128x256xf32>
    %slice3A_857 = vector.extract_strided_slice %bitcast_convert_type3A_26 {offsets = [0, 1536], sizes = [128, 256], strides = [1, 1]} : vector<128x4096xf32> to vector<128x256xf32>
    %gt3A_858 = vector.broadcast %broadcast_in_dim3A_797 : vector<128x1xf32> to vector<128x256xf32>
    %gt3A_859 = arith.cmpf ogt, %slice3A_857, %gt3A_858 : vector<128x256xf32>
    %jit3A_860 = arith.constant 0x7F800000 : f32
    %broadcast_in_dim3A_861 = vector.broadcast %jit3A_860 : f32 to vector<128x256xf32>
    %select_n3A_862 = arith.select %gt3A_859, %slice3A_857, %broadcast_in_dim3A_861 : vector<128x256xi1>, vector<128x256xf32>
    %min3A_863 = arith.minimumf %min3A_856, %select_n3A_862 : vector<128x256xf32>
    %slice3A_864 = vector.extract_strided_slice %bitcast_convert_type3A_26 {offsets = [0, 1792], sizes = [128, 256], strides = [1, 1]} : vector<128x4096xf32> to vector<128x256xf32>
    %gt3A_865 = vector.broadcast %broadcast_in_dim3A_797 : vector<128x1xf32> to vector<128x256xf32>
    %gt3A_866 = arith.cmpf ogt, %slice3A_864, %gt3A_865 : vector<128x256xf32>
    %jit3A_867 = arith.constant 0x7F800000 : f32
    %broadcast_in_dim3A_868 = vector.broadcast %jit3A_867 : f32 to vector<128x256xf32>
    %select_n3A_869 = arith.select %gt3A_866, %slice3A_864, %broadcast_in_dim3A_868 : vector<128x256xi1>, vector<128x256xf32>
    %min3A_870 = arith.minimumf %min3A_863, %select_n3A_869 : vector<128x256xf32>
    %slice3A_871 = vector.extract_strided_slice %bitcast_convert_type3A_26 {offsets = [0, 2048], sizes = [128, 256], strides = [1, 1]} : vector<128x4096xf32> to vector<128x256xf32>
    %gt3A_872 = vector.broadcast %broadcast_in_dim3A_797 : vector<128x1xf32> to vector<128x256xf32>
    %gt3A_873 = arith.cmpf ogt, %slice3A_871, %gt3A_872 : vector<128x256xf32>
    %jit3A_874 = arith.constant 0x7F800000 : f32
    %broadcast_in_dim3A_875 = vector.broadcast %jit3A_874 : f32 to vector<128x256xf32>
    %select_n3A_876 = arith.select %gt3A_873, %slice3A_871, %broadcast_in_dim3A_875 : vector<128x256xi1>, vector<128x256xf32>
    %min3A_877 = arith.minimumf %min3A_870, %select_n3A_876 : vector<128x256xf32>
    %slice3A_878 = vector.extract_strided_slice %bitcast_convert_type3A_26 {offsets = [0, 2304], sizes = [128, 256], strides = [1, 1]} : vector<128x4096xf32> to vector<128x256xf32>
    %gt3A_879 = vector.broadcast %broadcast_in_dim3A_797 : vector<128x1xf32> to vector<128x256xf32>
    %gt3A_880 = arith.cmpf ogt, %slice3A_878, %gt3A_879 : vector<128x256xf32>
    %jit3A_881 = arith.constant 0x7F800000 : f32
    %broadcast_in_dim3A_882 = vector.broadcast %jit3A_881 : f32 to vector<128x256xf32>
    %select_n3A_883 = arith.select %gt3A_880, %slice3A_878, %broadcast_in_dim3A_882 : vector<128x256xi1>, vector<128x256xf32>
    %min3A_884 = arith.minimumf %min3A_877, %select_n3A_883 : vector<128x256xf32>
    %slice3A_885 = vector.extract_strided_slice %bitcast_convert_type3A_26 {offsets = [0, 2560], sizes = [128, 256], strides = [1, 1]} : vector<128x4096xf32> to vector<128x256xf32>
    %gt3A_886 = vector.broadcast %broadcast_in_dim3A_797 : vector<128x1xf32> to vector<128x256xf32>
    %gt3A_887 = arith.cmpf ogt, %slice3A_885, %gt3A_886 : vector<128x256xf32>
    %jit3A_888 = arith.constant 0x7F800000 : f32
    %broadcast_in_dim3A_889 = vector.broadcast %jit3A_888 : f32 to vector<128x256xf32>
    %select_n3A_890 = arith.select %gt3A_887, %slice3A_885, %broadcast_in_dim3A_889 : vector<128x256xi1>, vector<128x256xf32>
    %min3A_891 = arith.minimumf %min3A_884, %select_n3A_890 : vector<128x256xf32>
    %slice3A_892 = vector.extract_strided_slice %bitcast_convert_type3A_26 {offsets = [0, 2816], sizes = [128, 256], strides = [1, 1]} : vector<128x4096xf32> to vector<128x256xf32>
    %gt3A_893 = vector.broadcast %broadcast_in_dim3A_797 : vector<128x1xf32> to vector<128x256xf32>
    %gt3A_894 = arith.cmpf ogt, %slice3A_892, %gt3A_893 : vector<128x256xf32>
    %jit3A_895 = arith.constant 0x7F800000 : f32
    %broadcast_in_dim3A_896 = vector.broadcast %jit3A_895 : f32 to vector<128x256xf32>
    %select_n3A_897 = arith.select %gt3A_894, %slice3A_892, %broadcast_in_dim3A_896 : vector<128x256xi1>, vector<128x256xf32>
    %min3A_898 = arith.minimumf %min3A_891, %select_n3A_897 : vector<128x256xf32>
    %slice3A_899 = vector.extract_strided_slice %bitcast_convert_type3A_26 {offsets = [0, 3072], sizes = [128, 256], strides = [1, 1]} : vector<128x4096xf32> to vector<128x256xf32>
    %gt3A_900 = vector.broadcast %broadcast_in_dim3A_797 : vector<128x1xf32> to vector<128x256xf32>
    %gt3A_901 = arith.cmpf ogt, %slice3A_899, %gt3A_900 : vector<128x256xf32>
    %jit3A_902 = arith.constant 0x7F800000 : f32
    %broadcast_in_dim3A_903 = vector.broadcast %jit3A_902 : f32 to vector<128x256xf32>
    %select_n3A_904 = arith.select %gt3A_901, %slice3A_899, %broadcast_in_dim3A_903 : vector<128x256xi1>, vector<128x256xf32>
    %min3A_905 = arith.minimumf %min3A_898, %select_n3A_904 : vector<128x256xf32>
    %slice3A_906 = vector.extract_strided_slice %bitcast_convert_type3A_26 {offsets = [0, 3328], sizes = [128, 256], strides = [1, 1]} : vector<128x4096xf32> to vector<128x256xf32>
    %gt3A_907 = vector.broadcast %broadcast_in_dim3A_797 : vector<128x1xf32> to vector<128x256xf32>
    %gt3A_908 = arith.cmpf ogt, %slice3A_906, %gt3A_907 : vector<128x256xf32>
    %jit3A_909 = arith.constant 0x7F800000 : f32
    %broadcast_in_dim3A_910 = vector.broadcast %jit3A_909 : f32 to vector<128x256xf32>
    %select_n3A_911 = arith.select %gt3A_908, %slice3A_906, %broadcast_in_dim3A_910 : vector<128x256xi1>, vector<128x256xf32>
    %min3A_912 = arith.minimumf %min3A_905, %select_n3A_911 : vector<128x256xf32>
    %slice3A_913 = vector.extract_strided_slice %bitcast_convert_type3A_26 {offsets = [0, 3584], sizes = [128, 256], strides = [1, 1]} : vector<128x4096xf32> to vector<128x256xf32>
    %gt3A_914 = vector.broadcast %broadcast_in_dim3A_797 : vector<128x1xf32> to vector<128x256xf32>
    %gt3A_915 = arith.cmpf ogt, %slice3A_913, %gt3A_914 : vector<128x256xf32>
    %jit3A_916 = arith.constant 0x7F800000 : f32
    %broadcast_in_dim3A_917 = vector.broadcast %jit3A_916 : f32 to vector<128x256xf32>
    %select_n3A_918 = arith.select %gt3A_915, %slice3A_913, %broadcast_in_dim3A_917 : vector<128x256xi1>, vector<128x256xf32>
    %min3A_919 = arith.minimumf %min3A_912, %select_n3A_918 : vector<128x256xf32>
    %slice3A_920 = vector.extract_strided_slice %bitcast_convert_type3A_26 {offsets = [0, 3840], sizes = [128, 256], strides = [1, 1]} : vector<128x4096xf32> to vector<128x256xf32>
    %gt3A_921 = vector.broadcast %broadcast_in_dim3A_797 : vector<128x1xf32> to vector<128x256xf32>
    %gt3A_922 = arith.cmpf ogt, %slice3A_920, %gt3A_921 : vector<128x256xf32>
    %jit3A_923 = arith.constant 0x7F800000 : f32
    %broadcast_in_dim3A_924 = vector.broadcast %jit3A_923 : f32 to vector<128x256xf32>
    %select_n3A_925 = arith.select %gt3A_922, %slice3A_920, %broadcast_in_dim3A_924 : vector<128x256xi1>, vector<128x256xf32>
    %min3A_926 = arith.minimumf %min3A_919, %select_n3A_925 : vector<128x256xf32>
    %reduce_min3A_927 = arith.constant dense<0x7F800000> : vector<128xf32>
    %reduce_min3A_928 = vector.multi_reduction <minimumf>, %min3A_926, %reduce_min3A_927 [1] : vector<128x256xf32> to vector<128xf32>
    %broadcast_in_dim3A_929 = vector.shape_cast %reduce_min3A_928 : vector<128xf32> to vector<128x1xf32>
    %eq3A_930 = vector.broadcast %broadcast_in_dim3A_929 : vector<128x1xf32> to vector<128x256xf32>
    %eq3A_931 = arith.cmpf oeq, %min3A_926, %eq3A_930 : vector<128x256xf32>
    %jit3A_932 = arith.constant 2.560000e+02 : f32
    %broadcast_in_dim3A_933 = vector.broadcast %jit3A_932 : f32 to vector<128x256xf32>
    %select_n3A_934 = arith.select %eq3A_931, %convert_element_type3A_28, %broadcast_in_dim3A_933 : vector<128x256xi1>, vector<128x256xf32>
    %reduce_min3A_935 = arith.constant dense<0x7F800000> : vector<128xf32>
    %reduce_min3A_936 = vector.multi_reduction <minimumf>, %select_n3A_934, %reduce_min3A_935 [1] : vector<128x256xf32> to vector<128xf32>
    %broadcast_in_dim3A_937 = vector.shape_cast %reduce_min3A_936 : vector<128xf32> to vector<128x1xf32>
    %bitcast_convert_type3A_938 = tpu.bitcast %broadcast_in_dim3A_929 : vector<128x1xf32> -> vector<128x1xi32>
    %and3A_939 = arith.constant 15 : i32
    %and3A_940 = vector.broadcast %and3A_939 : i32 to vector<128x1xi32>
    %and3A_941 = arith.andi %bitcast_convert_type3A_938, %and3A_940 : vector<128x1xi32>
    %shift_left3A_942 = arith.constant 8 : i32
    %shift_left3A_943 = vector.broadcast %shift_left3A_942 : i32 to vector<128x1xi32>
    %shift_left3A_944 = arith.shli %and3A_941, %shift_left3A_943 : vector<128x1xi32>
    %convert_element_type3A_945 = arith.fptosi %broadcast_in_dim3A_937 : vector<128x1xf32> to vector<128x1xi32>
    %or3A_946 = arith.ori %shift_left3A_944, %convert_element_type3A_945 : vector<128x1xi32>
    %slice3A_947 = vector.extract_strided_slice %bitcast_convert_type3A_26 {offsets = [0, 0], sizes = [128, 256], strides = [1, 1]} : vector<128x4096xf32> to vector<128x256xf32>
    %gt3A_948 = vector.broadcast %broadcast_in_dim3A_929 : vector<128x1xf32> to vector<128x256xf32>
    %gt3A_949 = arith.cmpf ogt, %slice3A_947, %gt3A_948 : vector<128x256xf32>
    %slice3A_950 = vector.extract_strided_slice %bitcast_convert_type3A_26 {offsets = [0, 0], sizes = [128, 256], strides = [1, 1]} : vector<128x4096xf32> to vector<128x256xf32>
    %jit3A_951 = arith.constant 0x7F800000 : f32
    %broadcast_in_dim3A_952 = vector.broadcast %jit3A_951 : f32 to vector<128x256xf32>
    %select_n3A_953 = arith.select %gt3A_949, %slice3A_950, %broadcast_in_dim3A_952 : vector<128x256xi1>, vector<128x256xf32>
    %slice3A_954 = vector.extract_strided_slice %bitcast_convert_type3A_26 {offsets = [0, 256], sizes = [128, 256], strides = [1, 1]} : vector<128x4096xf32> to vector<128x256xf32>
    %gt3A_955 = vector.broadcast %broadcast_in_dim3A_929 : vector<128x1xf32> to vector<128x256xf32>
    %gt3A_956 = arith.cmpf ogt, %slice3A_954, %gt3A_955 : vector<128x256xf32>
    %jit3A_957 = arith.constant 0x7F800000 : f32
    %broadcast_in_dim3A_958 = vector.broadcast %jit3A_957 : f32 to vector<128x256xf32>
    %select_n3A_959 = arith.select %gt3A_956, %slice3A_954, %broadcast_in_dim3A_958 : vector<128x256xi1>, vector<128x256xf32>
    %min3A_960 = arith.minimumf %select_n3A_953, %select_n3A_959 : vector<128x256xf32>
    %slice3A_961 = vector.extract_strided_slice %bitcast_convert_type3A_26 {offsets = [0, 512], sizes = [128, 256], strides = [1, 1]} : vector<128x4096xf32> to vector<128x256xf32>
    %gt3A_962 = vector.broadcast %broadcast_in_dim3A_929 : vector<128x1xf32> to vector<128x256xf32>
    %gt3A_963 = arith.cmpf ogt, %slice3A_961, %gt3A_962 : vector<128x256xf32>
    %jit3A_964 = arith.constant 0x7F800000 : f32
    %broadcast_in_dim3A_965 = vector.broadcast %jit3A_964 : f32 to vector<128x256xf32>
    %select_n3A_966 = arith.select %gt3A_963, %slice3A_961, %broadcast_in_dim3A_965 : vector<128x256xi1>, vector<128x256xf32>
    %min3A_967 = arith.minimumf %min3A_960, %select_n3A_966 : vector<128x256xf32>
    %slice3A_968 = vector.extract_strided_slice %bitcast_convert_type3A_26 {offsets = [0, 768], sizes = [128, 256], strides = [1, 1]} : vector<128x4096xf32> to vector<128x256xf32>
    %gt3A_969 = vector.broadcast %broadcast_in_dim3A_929 : vector<128x1xf32> to vector<128x256xf32>
    %gt3A_970 = arith.cmpf ogt, %slice3A_968, %gt3A_969 : vector<128x256xf32>
    %jit3A_971 = arith.constant 0x7F800000 : f32
    %broadcast_in_dim3A_972 = vector.broadcast %jit3A_971 : f32 to vector<128x256xf32>
    %select_n3A_973 = arith.select %gt3A_970, %slice3A_968, %broadcast_in_dim3A_972 : vector<128x256xi1>, vector<128x256xf32>
    %min3A_974 = arith.minimumf %min3A_967, %select_n3A_973 : vector<128x256xf32>
    %slice3A_975 = vector.extract_strided_slice %bitcast_convert_type3A_26 {offsets = [0, 1024], sizes = [128, 256], strides = [1, 1]} : vector<128x4096xf32> to vector<128x256xf32>
    %gt3A_976 = vector.broadcast %broadcast_in_dim3A_929 : vector<128x1xf32> to vector<128x256xf32>
    %gt3A_977 = arith.cmpf ogt, %slice3A_975, %gt3A_976 : vector<128x256xf32>
    %jit3A_978 = arith.constant 0x7F800000 : f32
    %broadcast_in_dim3A_979 = vector.broadcast %jit3A_978 : f32 to vector<128x256xf32>
    %select_n3A_980 = arith.select %gt3A_977, %slice3A_975, %broadcast_in_dim3A_979 : vector<128x256xi1>, vector<128x256xf32>
    %min3A_981 = arith.minimumf %min3A_974, %select_n3A_980 : vector<128x256xf32>
    %slice3A_982 = vector.extract_strided_slice %bitcast_convert_type3A_26 {offsets = [0, 1280], sizes = [128, 256], strides = [1, 1]} : vector<128x4096xf32> to vector<128x256xf32>
    %gt3A_983 = vector.broadcast %broadcast_in_dim3A_929 : vector<128x1xf32> to vector<128x256xf32>
    %gt3A_984 = arith.cmpf ogt, %slice3A_982, %gt3A_983 : vector<128x256xf32>
    %jit3A_985 = arith.constant 0x7F800000 : f32
    %broadcast_in_dim3A_986 = vector.broadcast %jit3A_985 : f32 to vector<128x256xf32>
    %select_n3A_987 = arith.select %gt3A_984, %slice3A_982, %broadcast_in_dim3A_986 : vector<128x256xi1>, vector<128x256xf32>
    %min3A_988 = arith.minimumf %min3A_981, %select_n3A_987 : vector<128x256xf32>
    %slice3A_989 = vector.extract_strided_slice %bitcast_convert_type3A_26 {offsets = [0, 1536], sizes = [128, 256], strides = [1, 1]} : vector<128x4096xf32> to vector<128x256xf32>
    %gt3A_990 = vector.broadcast %broadcast_in_dim3A_929 : vector<128x1xf32> to vector<128x256xf32>
    %gt3A_991 = arith.cmpf ogt, %slice3A_989, %gt3A_990 : vector<128x256xf32>
    %jit3A_992 = arith.constant 0x7F800000 : f32
    %broadcast_in_dim3A_993 = vector.broadcast %jit3A_992 : f32 to vector<128x256xf32>
    %select_n3A_994 = arith.select %gt3A_991, %slice3A_989, %broadcast_in_dim3A_993 : vector<128x256xi1>, vector<128x256xf32>
    %min3A_995 = arith.minimumf %min3A_988, %select_n3A_994 : vector<128x256xf32>
    %slice3A_996 = vector.extract_strided_slice %bitcast_convert_type3A_26 {offsets = [0, 1792], sizes = [128, 256], strides = [1, 1]} : vector<128x4096xf32> to vector<128x256xf32>
    %gt3A_997 = vector.broadcast %broadcast_in_dim3A_929 : vector<128x1xf32> to vector<128x256xf32>
    %gt3A_998 = arith.cmpf ogt, %slice3A_996, %gt3A_997 : vector<128x256xf32>
    %jit3A_999 = arith.constant 0x7F800000 : f32
    %broadcast_in_dim3A_1000 = vector.broadcast %jit3A_999 : f32 to vector<128x256xf32>
    %select_n3A_1001 = arith.select %gt3A_998, %slice3A_996, %broadcast_in_dim3A_1000 : vector<128x256xi1>, vector<128x256xf32>
    %min3A_1002 = arith.minimumf %min3A_995, %select_n3A_1001 : vector<128x256xf32>
    %slice3A_1003 = vector.extract_strided_slice %bitcast_convert_type3A_26 {offsets = [0, 2048], sizes = [128, 256], strides = [1, 1]} : vector<128x4096xf32> to vector<128x256xf32>
    %gt3A_1004 = vector.broadcast %broadcast_in_dim3A_929 : vector<128x1xf32> to vector<128x256xf32>
    %gt3A_1005 = arith.cmpf ogt, %slice3A_1003, %gt3A_1004 : vector<128x256xf32>
    %jit3A_1006 = arith.constant 0x7F800000 : f32
    %broadcast_in_dim3A_1007 = vector.broadcast %jit3A_1006 : f32 to vector<128x256xf32>
    %select_n3A_1008 = arith.select %gt3A_1005, %slice3A_1003, %broadcast_in_dim3A_1007 : vector<128x256xi1>, vector<128x256xf32>
    %min3A_1009 = arith.minimumf %min3A_1002, %select_n3A_1008 : vector<128x256xf32>
    %slice3A_1010 = vector.extract_strided_slice %bitcast_convert_type3A_26 {offsets = [0, 2304], sizes = [128, 256], strides = [1, 1]} : vector<128x4096xf32> to vector<128x256xf32>
    %gt3A_1011 = vector.broadcast %broadcast_in_dim3A_929 : vector<128x1xf32> to vector<128x256xf32>
    %gt3A_1012 = arith.cmpf ogt, %slice3A_1010, %gt3A_1011 : vector<128x256xf32>
    %jit3A_1013 = arith.constant 0x7F800000 : f32
    %broadcast_in_dim3A_1014 = vector.broadcast %jit3A_1013 : f32 to vector<128x256xf32>
    %select_n3A_1015 = arith.select %gt3A_1012, %slice3A_1010, %broadcast_in_dim3A_1014 : vector<128x256xi1>, vector<128x256xf32>
    %min3A_1016 = arith.minimumf %min3A_1009, %select_n3A_1015 : vector<128x256xf32>
    %slice3A_1017 = vector.extract_strided_slice %bitcast_convert_type3A_26 {offsets = [0, 2560], sizes = [128, 256], strides = [1, 1]} : vector<128x4096xf32> to vector<128x256xf32>
    %gt3A_1018 = vector.broadcast %broadcast_in_dim3A_929 : vector<128x1xf32> to vector<128x256xf32>
    %gt3A_1019 = arith.cmpf ogt, %slice3A_1017, %gt3A_1018 : vector<128x256xf32>
    %jit3A_1020 = arith.constant 0x7F800000 : f32
    %broadcast_in_dim3A_1021 = vector.broadcast %jit3A_1020 : f32 to vector<128x256xf32>
    %select_n3A_1022 = arith.select %gt3A_1019, %slice3A_1017, %broadcast_in_dim3A_1021 : vector<128x256xi1>, vector<128x256xf32>
    %min3A_1023 = arith.minimumf %min3A_1016, %select_n3A_1022 : vector<128x256xf32>
    %slice3A_1024 = vector.extract_strided_slice %bitcast_convert_type3A_26 {offsets = [0, 2816], sizes = [128, 256], strides = [1, 1]} : vector<128x4096xf32> to vector<128x256xf32>
    %gt3A_1025 = vector.broadcast %broadcast_in_dim3A_929 : vector<128x1xf32> to vector<128x256xf32>
    %gt3A_1026 = arith.cmpf ogt, %slice3A_1024, %gt3A_1025 : vector<128x256xf32>
    %jit3A_1027 = arith.constant 0x7F800000 : f32
    %broadcast_in_dim3A_1028 = vector.broadcast %jit3A_1027 : f32 to vector<128x256xf32>
    %select_n3A_1029 = arith.select %gt3A_1026, %slice3A_1024, %broadcast_in_dim3A_1028 : vector<128x256xi1>, vector<128x256xf32>
    %min3A_1030 = arith.minimumf %min3A_1023, %select_n3A_1029 : vector<128x256xf32>
    %slice3A_1031 = vector.extract_strided_slice %bitcast_convert_type3A_26 {offsets = [0, 3072], sizes = [128, 256], strides = [1, 1]} : vector<128x4096xf32> to vector<128x256xf32>
    %gt3A_1032 = vector.broadcast %broadcast_in_dim3A_929 : vector<128x1xf32> to vector<128x256xf32>
    %gt3A_1033 = arith.cmpf ogt, %slice3A_1031, %gt3A_1032 : vector<128x256xf32>
    %jit3A_1034 = arith.constant 0x7F800000 : f32
    %broadcast_in_dim3A_1035 = vector.broadcast %jit3A_1034 : f32 to vector<128x256xf32>
    %select_n3A_1036 = arith.select %gt3A_1033, %slice3A_1031, %broadcast_in_dim3A_1035 : vector<128x256xi1>, vector<128x256xf32>
    %min3A_1037 = arith.minimumf %min3A_1030, %select_n3A_1036 : vector<128x256xf32>
    %slice3A_1038 = vector.extract_strided_slice %bitcast_convert_type3A_26 {offsets = [0, 3328], sizes = [128, 256], strides = [1, 1]} : vector<128x4096xf32> to vector<128x256xf32>
    %gt3A_1039 = vector.broadcast %broadcast_in_dim3A_929 : vector<128x1xf32> to vector<128x256xf32>
    %gt3A_1040 = arith.cmpf ogt, %slice3A_1038, %gt3A_1039 : vector<128x256xf32>
    %jit3A_1041 = arith.constant 0x7F800000 : f32
    %broadcast_in_dim3A_1042 = vector.broadcast %jit3A_1041 : f32 to vector<128x256xf32>
    %select_n3A_1043 = arith.select %gt3A_1040, %slice3A_1038, %broadcast_in_dim3A_1042 : vector<128x256xi1>, vector<128x256xf32>
    %min3A_1044 = arith.minimumf %min3A_1037, %select_n3A_1043 : vector<128x256xf32>
    %slice3A_1045 = vector.extract_strided_slice %bitcast_convert_type3A_26 {offsets = [0, 3584], sizes = [128, 256], strides = [1, 1]} : vector<128x4096xf32> to vector<128x256xf32>
    %gt3A_1046 = vector.broadcast %broadcast_in_dim3A_929 : vector<128x1xf32> to vector<128x256xf32>
    %gt3A_1047 = arith.cmpf ogt, %slice3A_1045, %gt3A_1046 : vector<128x256xf32>
    %jit3A_1048 = arith.constant 0x7F800000 : f32
    %broadcast_in_dim3A_1049 = vector.broadcast %jit3A_1048 : f32 to vector<128x256xf32>
    %select_n3A_1050 = arith.select %gt3A_1047, %slice3A_1045, %broadcast_in_dim3A_1049 : vector<128x256xi1>, vector<128x256xf32>
    %min3A_1051 = arith.minimumf %min3A_1044, %select_n3A_1050 : vector<128x256xf32>
    %slice3A_1052 = vector.extract_strided_slice %bitcast_convert_type3A_26 {offsets = [0, 3840], sizes = [128, 256], strides = [1, 1]} : vector<128x4096xf32> to vector<128x256xf32>
    %gt3A_1053 = vector.broadcast %broadcast_in_dim3A_929 : vector<128x1xf32> to vector<128x256xf32>
    %gt3A_1054 = arith.cmpf ogt, %slice3A_1052, %gt3A_1053 : vector<128x256xf32>
    %jit3A_1055 = arith.constant 0x7F800000 : f32
    %broadcast_in_dim3A_1056 = vector.broadcast %jit3A_1055 : f32 to vector<128x256xf32>
    %select_n3A_1057 = arith.select %gt3A_1054, %slice3A_1052, %broadcast_in_dim3A_1056 : vector<128x256xi1>, vector<128x256xf32>
    %min3A_1058 = arith.minimumf %min3A_1051, %select_n3A_1057 : vector<128x256xf32>
    %reduce_min3A_1059 = arith.constant dense<0x7F800000> : vector<128xf32>
    %reduce_min3A_1060 = vector.multi_reduction <minimumf>, %min3A_1058, %reduce_min3A_1059 [1] : vector<128x256xf32> to vector<128xf32>
    %broadcast_in_dim3A_1061 = vector.shape_cast %reduce_min3A_1060 : vector<128xf32> to vector<128x1xf32>
    %eq3A_1062 = vector.broadcast %broadcast_in_dim3A_1061 : vector<128x1xf32> to vector<128x256xf32>
    %eq3A_1063 = arith.cmpf oeq, %min3A_1058, %eq3A_1062 : vector<128x256xf32>
    %jit3A_1064 = arith.constant 2.560000e+02 : f32
    %broadcast_in_dim3A_1065 = vector.broadcast %jit3A_1064 : f32 to vector<128x256xf32>
    %select_n3A_1066 = arith.select %eq3A_1063, %convert_element_type3A_28, %broadcast_in_dim3A_1065 : vector<128x256xi1>, vector<128x256xf32>
    %reduce_min3A_1067 = arith.constant dense<0x7F800000> : vector<128xf32>
    %reduce_min3A_1068 = vector.multi_reduction <minimumf>, %select_n3A_1066, %reduce_min3A_1067 [1] : vector<128x256xf32> to vector<128xf32>
    %broadcast_in_dim3A_1069 = vector.shape_cast %reduce_min3A_1068 : vector<128xf32> to vector<128x1xf32>
    %bitcast_convert_type3A_1070 = tpu.bitcast %broadcast_in_dim3A_1061 : vector<128x1xf32> -> vector<128x1xi32>
    %and3A_1071 = arith.constant 15 : i32
    %and3A_1072 = vector.broadcast %and3A_1071 : i32 to vector<128x1xi32>
    %and3A_1073 = arith.andi %bitcast_convert_type3A_1070, %and3A_1072 : vector<128x1xi32>
    %shift_left3A_1074 = arith.constant 8 : i32
    %shift_left3A_1075 = vector.broadcast %shift_left3A_1074 : i32 to vector<128x1xi32>
    %shift_left3A_1076 = arith.shli %and3A_1073, %shift_left3A_1075 : vector<128x1xi32>
    %convert_element_type3A_1077 = arith.fptosi %broadcast_in_dim3A_1069 : vector<128x1xf32> to vector<128x1xi32>
    %or3A_1078 = arith.ori %shift_left3A_1076, %convert_element_type3A_1077 : vector<128x1xi32>
    %slice3A_1079 = vector.extract_strided_slice %bitcast_convert_type3A_26 {offsets = [0, 0], sizes = [128, 256], strides = [1, 1]} : vector<128x4096xf32> to vector<128x256xf32>
    %gt3A_1080 = vector.broadcast %broadcast_in_dim3A_1061 : vector<128x1xf32> to vector<128x256xf32>
    %gt3A_1081 = arith.cmpf ogt, %slice3A_1079, %gt3A_1080 : vector<128x256xf32>
    %slice3A_1082 = vector.extract_strided_slice %bitcast_convert_type3A_26 {offsets = [0, 0], sizes = [128, 256], strides = [1, 1]} : vector<128x4096xf32> to vector<128x256xf32>
    %jit3A_1083 = arith.constant 0x7F800000 : f32
    %broadcast_in_dim3A_1084 = vector.broadcast %jit3A_1083 : f32 to vector<128x256xf32>
    %select_n3A_1085 = arith.select %gt3A_1081, %slice3A_1082, %broadcast_in_dim3A_1084 : vector<128x256xi1>, vector<128x256xf32>
    %slice3A_1086 = vector.extract_strided_slice %bitcast_convert_type3A_26 {offsets = [0, 256], sizes = [128, 256], strides = [1, 1]} : vector<128x4096xf32> to vector<128x256xf32>
    %gt3A_1087 = vector.broadcast %broadcast_in_dim3A_1061 : vector<128x1xf32> to vector<128x256xf32>
    %gt3A_1088 = arith.cmpf ogt, %slice3A_1086, %gt3A_1087 : vector<128x256xf32>
    %jit3A_1089 = arith.constant 0x7F800000 : f32
    %broadcast_in_dim3A_1090 = vector.broadcast %jit3A_1089 : f32 to vector<128x256xf32>
    %select_n3A_1091 = arith.select %gt3A_1088, %slice3A_1086, %broadcast_in_dim3A_1090 : vector<128x256xi1>, vector<128x256xf32>
    %min3A_1092 = arith.minimumf %select_n3A_1085, %select_n3A_1091 : vector<128x256xf32>
    %slice3A_1093 = vector.extract_strided_slice %bitcast_convert_type3A_26 {offsets = [0, 512], sizes = [128, 256], strides = [1, 1]} : vector<128x4096xf32> to vector<128x256xf32>
    %gt3A_1094 = vector.broadcast %broadcast_in_dim3A_1061 : vector<128x1xf32> to vector<128x256xf32>
    %gt3A_1095 = arith.cmpf ogt, %slice3A_1093, %gt3A_1094 : vector<128x256xf32>
    %jit3A_1096 = arith.constant 0x7F800000 : f32
    %broadcast_in_dim3A_1097 = vector.broadcast %jit3A_1096 : f32 to vector<128x256xf32>
    %select_n3A_1098 = arith.select %gt3A_1095, %slice3A_1093, %broadcast_in_dim3A_1097 : vector<128x256xi1>, vector<128x256xf32>
    %min3A_1099 = arith.minimumf %min3A_1092, %select_n3A_1098 : vector<128x256xf32>
    %slice3A_1100 = vector.extract_strided_slice %bitcast_convert_type3A_26 {offsets = [0, 768], sizes = [128, 256], strides = [1, 1]} : vector<128x4096xf32> to vector<128x256xf32>
    %gt3A_1101 = vector.broadcast %broadcast_in_dim3A_1061 : vector<128x1xf32> to vector<128x256xf32>
    %gt3A_1102 = arith.cmpf ogt, %slice3A_1100, %gt3A_1101 : vector<128x256xf32>
    %jit3A_1103 = arith.constant 0x7F800000 : f32
    %broadcast_in_dim3A_1104 = vector.broadcast %jit3A_1103 : f32 to vector<128x256xf32>
    %select_n3A_1105 = arith.select %gt3A_1102, %slice3A_1100, %broadcast_in_dim3A_1104 : vector<128x256xi1>, vector<128x256xf32>
    %min3A_1106 = arith.minimumf %min3A_1099, %select_n3A_1105 : vector<128x256xf32>
    %slice3A_1107 = vector.extract_strided_slice %bitcast_convert_type3A_26 {offsets = [0, 1024], sizes = [128, 256], strides = [1, 1]} : vector<128x4096xf32> to vector<128x256xf32>
    %gt3A_1108 = vector.broadcast %broadcast_in_dim3A_1061 : vector<128x1xf32> to vector<128x256xf32>
    %gt3A_1109 = arith.cmpf ogt, %slice3A_1107, %gt3A_1108 : vector<128x256xf32>
    %jit3A_1110 = arith.constant 0x7F800000 : f32
    %broadcast_in_dim3A_1111 = vector.broadcast %jit3A_1110 : f32 to vector<128x256xf32>
    %select_n3A_1112 = arith.select %gt3A_1109, %slice3A_1107, %broadcast_in_dim3A_1111 : vector<128x256xi1>, vector<128x256xf32>
    %min3A_1113 = arith.minimumf %min3A_1106, %select_n3A_1112 : vector<128x256xf32>
    %slice3A_1114 = vector.extract_strided_slice %bitcast_convert_type3A_26 {offsets = [0, 1280], sizes = [128, 256], strides = [1, 1]} : vector<128x4096xf32> to vector<128x256xf32>
    %gt3A_1115 = vector.broadcast %broadcast_in_dim3A_1061 : vector<128x1xf32> to vector<128x256xf32>
    %gt3A_1116 = arith.cmpf ogt, %slice3A_1114, %gt3A_1115 : vector<128x256xf32>
    %jit3A_1117 = arith.constant 0x7F800000 : f32
    %broadcast_in_dim3A_1118 = vector.broadcast %jit3A_1117 : f32 to vector<128x256xf32>
    %select_n3A_1119 = arith.select %gt3A_1116, %slice3A_1114, %broadcast_in_dim3A_1118 : vector<128x256xi1>, vector<128x256xf32>
    %min3A_1120 = arith.minimumf %min3A_1113, %select_n3A_1119 : vector<128x256xf32>
    %slice3A_1121 = vector.extract_strided_slice %bitcast_convert_type3A_26 {offsets = [0, 1536], sizes = [128, 256], strides = [1, 1]} : vector<128x4096xf32> to vector<128x256xf32>
    %gt3A_1122 = vector.broadcast %broadcast_in_dim3A_1061 : vector<128x1xf32> to vector<128x256xf32>
    %gt3A_1123 = arith.cmpf ogt, %slice3A_1121, %gt3A_1122 : vector<128x256xf32>
    %jit3A_1124 = arith.constant 0x7F800000 : f32
    %broadcast_in_dim3A_1125 = vector.broadcast %jit3A_1124 : f32 to vector<128x256xf32>
    %select_n3A_1126 = arith.select %gt3A_1123, %slice3A_1121, %broadcast_in_dim3A_1125 : vector<128x256xi1>, vector<128x256xf32>
    %min3A_1127 = arith.minimumf %min3A_1120, %select_n3A_1126 : vector<128x256xf32>
    %slice3A_1128 = vector.extract_strided_slice %bitcast_convert_type3A_26 {offsets = [0, 1792], sizes = [128, 256], strides = [1, 1]} : vector<128x4096xf32> to vector<128x256xf32>
    %gt3A_1129 = vector.broadcast %broadcast_in_dim3A_1061 : vector<128x1xf32> to vector<128x256xf32>
    %gt3A_1130 = arith.cmpf ogt, %slice3A_1128, %gt3A_1129 : vector<128x256xf32>
    %jit3A_1131 = arith.constant 0x7F800000 : f32
    %broadcast_in_dim3A_1132 = vector.broadcast %jit3A_1131 : f32 to vector<128x256xf32>
    %select_n3A_1133 = arith.select %gt3A_1130, %slice3A_1128, %broadcast_in_dim3A_1132 : vector<128x256xi1>, vector<128x256xf32>
    %min3A_1134 = arith.minimumf %min3A_1127, %select_n3A_1133 : vector<128x256xf32>
    %slice3A_1135 = vector.extract_strided_slice %bitcast_convert_type3A_26 {offsets = [0, 2048], sizes = [128, 256], strides = [1, 1]} : vector<128x4096xf32> to vector<128x256xf32>
    %gt3A_1136 = vector.broadcast %broadcast_in_dim3A_1061 : vector<128x1xf32> to vector<128x256xf32>
    %gt3A_1137 = arith.cmpf ogt, %slice3A_1135, %gt3A_1136 : vector<128x256xf32>
    %jit3A_1138 = arith.constant 0x7F800000 : f32
    %broadcast_in_dim3A_1139 = vector.broadcast %jit3A_1138 : f32 to vector<128x256xf32>
    %select_n3A_1140 = arith.select %gt3A_1137, %slice3A_1135, %broadcast_in_dim3A_1139 : vector<128x256xi1>, vector<128x256xf32>
    %min3A_1141 = arith.minimumf %min3A_1134, %select_n3A_1140 : vector<128x256xf32>
    %slice3A_1142 = vector.extract_strided_slice %bitcast_convert_type3A_26 {offsets = [0, 2304], sizes = [128, 256], strides = [1, 1]} : vector<128x4096xf32> to vector<128x256xf32>
    %gt3A_1143 = vector.broadcast %broadcast_in_dim3A_1061 : vector<128x1xf32> to vector<128x256xf32>
    %gt3A_1144 = arith.cmpf ogt, %slice3A_1142, %gt3A_1143 : vector<128x256xf32>
    %jit3A_1145 = arith.constant 0x7F800000 : f32
    %broadcast_in_dim3A_1146 = vector.broadcast %jit3A_1145 : f32 to vector<128x256xf32>
    %select_n3A_1147 = arith.select %gt3A_1144, %slice3A_1142, %broadcast_in_dim3A_1146 : vector<128x256xi1>, vector<128x256xf32>
    %min3A_1148 = arith.minimumf %min3A_1141, %select_n3A_1147 : vector<128x256xf32>
    %slice3A_1149 = vector.extract_strided_slice %bitcast_convert_type3A_26 {offsets = [0, 2560], sizes = [128, 256], strides = [1, 1]} : vector<128x4096xf32> to vector<128x256xf32>
    %gt3A_1150 = vector.broadcast %broadcast_in_dim3A_1061 : vector<128x1xf32> to vector<128x256xf32>
    %gt3A_1151 = arith.cmpf ogt, %slice3A_1149, %gt3A_1150 : vector<128x256xf32>
    %jit3A_1152 = arith.constant 0x7F800000 : f32
    %broadcast_in_dim3A_1153 = vector.broadcast %jit3A_1152 : f32 to vector<128x256xf32>
    %select_n3A_1154 = arith.select %gt3A_1151, %slice3A_1149, %broadcast_in_dim3A_1153 : vector<128x256xi1>, vector<128x256xf32>
    %min3A_1155 = arith.minimumf %min3A_1148, %select_n3A_1154 : vector<128x256xf32>
    %slice3A_1156 = vector.extract_strided_slice %bitcast_convert_type3A_26 {offsets = [0, 2816], sizes = [128, 256], strides = [1, 1]} : vector<128x4096xf32> to vector<128x256xf32>
    %gt3A_1157 = vector.broadcast %broadcast_in_dim3A_1061 : vector<128x1xf32> to vector<128x256xf32>
    %gt3A_1158 = arith.cmpf ogt, %slice3A_1156, %gt3A_1157 : vector<128x256xf32>
    %jit3A_1159 = arith.constant 0x7F800000 : f32
    %broadcast_in_dim3A_1160 = vector.broadcast %jit3A_1159 : f32 to vector<128x256xf32>
    %select_n3A_1161 = arith.select %gt3A_1158, %slice3A_1156, %broadcast_in_dim3A_1160 : vector<128x256xi1>, vector<128x256xf32>
    %min3A_1162 = arith.minimumf %min3A_1155, %select_n3A_1161 : vector<128x256xf32>
    %slice3A_1163 = vector.extract_strided_slice %bitcast_convert_type3A_26 {offsets = [0, 3072], sizes = [128, 256], strides = [1, 1]} : vector<128x4096xf32> to vector<128x256xf32>
    %gt3A_1164 = vector.broadcast %broadcast_in_dim3A_1061 : vector<128x1xf32> to vector<128x256xf32>
    %gt3A_1165 = arith.cmpf ogt, %slice3A_1163, %gt3A_1164 : vector<128x256xf32>
    %jit3A_1166 = arith.constant 0x7F800000 : f32
    %broadcast_in_dim3A_1167 = vector.broadcast %jit3A_1166 : f32 to vector<128x256xf32>
    %select_n3A_1168 = arith.select %gt3A_1165, %slice3A_1163, %broadcast_in_dim3A_1167 : vector<128x256xi1>, vector<128x256xf32>
    %min3A_1169 = arith.minimumf %min3A_1162, %select_n3A_1168 : vector<128x256xf32>
    %slice3A_1170 = vector.extract_strided_slice %bitcast_convert_type3A_26 {offsets = [0, 3328], sizes = [128, 256], strides = [1, 1]} : vector<128x4096xf32> to vector<128x256xf32>
    %gt3A_1171 = vector.broadcast %broadcast_in_dim3A_1061 : vector<128x1xf32> to vector<128x256xf32>
    %gt3A_1172 = arith.cmpf ogt, %slice3A_1170, %gt3A_1171 : vector<128x256xf32>
    %jit3A_1173 = arith.constant 0x7F800000 : f32
    %broadcast_in_dim3A_1174 = vector.broadcast %jit3A_1173 : f32 to vector<128x256xf32>
    %select_n3A_1175 = arith.select %gt3A_1172, %slice3A_1170, %broadcast_in_dim3A_1174 : vector<128x256xi1>, vector<128x256xf32>
    %min3A_1176 = arith.minimumf %min3A_1169, %select_n3A_1175 : vector<128x256xf32>
    %slice3A_1177 = vector.extract_strided_slice %bitcast_convert_type3A_26 {offsets = [0, 3584], sizes = [128, 256], strides = [1, 1]} : vector<128x4096xf32> to vector<128x256xf32>
    %gt3A_1178 = vector.broadcast %broadcast_in_dim3A_1061 : vector<128x1xf32> to vector<128x256xf32>
    %gt3A_1179 = arith.cmpf ogt, %slice3A_1177, %gt3A_1178 : vector<128x256xf32>
    %jit3A_1180 = arith.constant 0x7F800000 : f32
    %broadcast_in_dim3A_1181 = vector.broadcast %jit3A_1180 : f32 to vector<128x256xf32>
    %select_n3A_1182 = arith.select %gt3A_1179, %slice3A_1177, %broadcast_in_dim3A_1181 : vector<128x256xi1>, vector<128x256xf32>
    %min3A_1183 = arith.minimumf %min3A_1176, %select_n3A_1182 : vector<128x256xf32>
    %slice3A_1184 = vector.extract_strided_slice %bitcast_convert_type3A_26 {offsets = [0, 3840], sizes = [128, 256], strides = [1, 1]} : vector<128x4096xf32> to vector<128x256xf32>
    %gt3A_1185 = vector.broadcast %broadcast_in_dim3A_1061 : vector<128x1xf32> to vector<128x256xf32>
    %gt3A_1186 = arith.cmpf ogt, %slice3A_1184, %gt3A_1185 : vector<128x256xf32>
    %jit3A_1187 = arith.constant 0x7F800000 : f32
    %broadcast_in_dim3A_1188 = vector.broadcast %jit3A_1187 : f32 to vector<128x256xf32>
    %select_n3A_1189 = arith.select %gt3A_1186, %slice3A_1184, %broadcast_in_dim3A_1188 : vector<128x256xi1>, vector<128x256xf32>
    %min3A_1190 = arith.minimumf %min3A_1183, %select_n3A_1189 : vector<128x256xf32>
    %reduce_min3A_1191 = arith.constant dense<0x7F800000> : vector<128xf32>
    %reduce_min3A_1192 = vector.multi_reduction <minimumf>, %min3A_1190, %reduce_min3A_1191 [1] : vector<128x256xf32> to vector<128xf32>
    %broadcast_in_dim3A_1193 = vector.shape_cast %reduce_min3A_1192 : vector<128xf32> to vector<128x1xf32>
    %eq3A_1194 = vector.broadcast %broadcast_in_dim3A_1193 : vector<128x1xf32> to vector<128x256xf32>
    %eq3A_1195 = arith.cmpf oeq, %min3A_1190, %eq3A_1194 : vector<128x256xf32>
    %jit3A_1196 = arith.constant 2.560000e+02 : f32
    %broadcast_in_dim3A_1197 = vector.broadcast %jit3A_1196 : f32 to vector<128x256xf32>
    %select_n3A_1198 = arith.select %eq3A_1195, %convert_element_type3A_28, %broadcast_in_dim3A_1197 : vector<128x256xi1>, vector<128x256xf32>
    %reduce_min3A_1199 = arith.constant dense<0x7F800000> : vector<128xf32>
    %reduce_min3A_1200 = vector.multi_reduction <minimumf>, %select_n3A_1198, %reduce_min3A_1199 [1] : vector<128x256xf32> to vector<128xf32>
    %broadcast_in_dim3A_1201 = vector.shape_cast %reduce_min3A_1200 : vector<128xf32> to vector<128x1xf32>
    %bitcast_convert_type3A_1202 = tpu.bitcast %broadcast_in_dim3A_1193 : vector<128x1xf32> -> vector<128x1xi32>
    %and3A_1203 = arith.constant 15 : i32
    %and3A_1204 = vector.broadcast %and3A_1203 : i32 to vector<128x1xi32>
    %and3A_1205 = arith.andi %bitcast_convert_type3A_1202, %and3A_1204 : vector<128x1xi32>
    %shift_left3A_1206 = arith.constant 8 : i32
    %shift_left3A_1207 = vector.broadcast %shift_left3A_1206 : i32 to vector<128x1xi32>
    %shift_left3A_1208 = arith.shli %and3A_1205, %shift_left3A_1207 : vector<128x1xi32>
    %convert_element_type3A_1209 = arith.fptosi %broadcast_in_dim3A_1201 : vector<128x1xf32> to vector<128x1xi32>
    %or3A_1210 = arith.ori %shift_left3A_1208, %convert_element_type3A_1209 : vector<128x1xi32>
    %slice3A_1211 = vector.extract_strided_slice %bitcast_convert_type3A_26 {offsets = [0, 0], sizes = [128, 256], strides = [1, 1]} : vector<128x4096xf32> to vector<128x256xf32>
    %gt3A_1212 = vector.broadcast %broadcast_in_dim3A_1193 : vector<128x1xf32> to vector<128x256xf32>
    %gt3A_1213 = arith.cmpf ogt, %slice3A_1211, %gt3A_1212 : vector<128x256xf32>
    %slice3A_1214 = vector.extract_strided_slice %bitcast_convert_type3A_26 {offsets = [0, 0], sizes = [128, 256], strides = [1, 1]} : vector<128x4096xf32> to vector<128x256xf32>
    %jit3A_1215 = arith.constant 0x7F800000 : f32
    %broadcast_in_dim3A_1216 = vector.broadcast %jit3A_1215 : f32 to vector<128x256xf32>
    %select_n3A_1217 = arith.select %gt3A_1213, %slice3A_1214, %broadcast_in_dim3A_1216 : vector<128x256xi1>, vector<128x256xf32>
    %slice3A_1218 = vector.extract_strided_slice %bitcast_convert_type3A_26 {offsets = [0, 256], sizes = [128, 256], strides = [1, 1]} : vector<128x4096xf32> to vector<128x256xf32>
    %gt3A_1219 = vector.broadcast %broadcast_in_dim3A_1193 : vector<128x1xf32> to vector<128x256xf32>
    %gt3A_1220 = arith.cmpf ogt, %slice3A_1218, %gt3A_1219 : vector<128x256xf32>
    %jit3A_1221 = arith.constant 0x7F800000 : f32
    %broadcast_in_dim3A_1222 = vector.broadcast %jit3A_1221 : f32 to vector<128x256xf32>
    %select_n3A_1223 = arith.select %gt3A_1220, %slice3A_1218, %broadcast_in_dim3A_1222 : vector<128x256xi1>, vector<128x256xf32>
    %min3A_1224 = arith.minimumf %select_n3A_1217, %select_n3A_1223 : vector<128x256xf32>
    %slice3A_1225 = vector.extract_strided_slice %bitcast_convert_type3A_26 {offsets = [0, 512], sizes = [128, 256], strides = [1, 1]} : vector<128x4096xf32> to vector<128x256xf32>
    %gt3A_1226 = vector.broadcast %broadcast_in_dim3A_1193 : vector<128x1xf32> to vector<128x256xf32>
    %gt3A_1227 = arith.cmpf ogt, %slice3A_1225, %gt3A_1226 : vector<128x256xf32>
    %jit3A_1228 = arith.constant 0x7F800000 : f32
    %broadcast_in_dim3A_1229 = vector.broadcast %jit3A_1228 : f32 to vector<128x256xf32>
    %select_n3A_1230 = arith.select %gt3A_1227, %slice3A_1225, %broadcast_in_dim3A_1229 : vector<128x256xi1>, vector<128x256xf32>
    %min3A_1231 = arith.minimumf %min3A_1224, %select_n3A_1230 : vector<128x256xf32>
    %slice3A_1232 = vector.extract_strided_slice %bitcast_convert_type3A_26 {offsets = [0, 768], sizes = [128, 256], strides = [1, 1]} : vector<128x4096xf32> to vector<128x256xf32>
    %gt3A_1233 = vector.broadcast %broadcast_in_dim3A_1193 : vector<128x1xf32> to vector<128x256xf32>
    %gt3A_1234 = arith.cmpf ogt, %slice3A_1232, %gt3A_1233 : vector<128x256xf32>
    %jit3A_1235 = arith.constant 0x7F800000 : f32
    %broadcast_in_dim3A_1236 = vector.broadcast %jit3A_1235 : f32 to vector<128x256xf32>
    %select_n3A_1237 = arith.select %gt3A_1234, %slice3A_1232, %broadcast_in_dim3A_1236 : vector<128x256xi1>, vector<128x256xf32>
    %min3A_1238 = arith.minimumf %min3A_1231, %select_n3A_1237 : vector<128x256xf32>
    %slice3A_1239 = vector.extract_strided_slice %bitcast_convert_type3A_26 {offsets = [0, 1024], sizes = [128, 256], strides = [1, 1]} : vector<128x4096xf32> to vector<128x256xf32>
    %gt3A_1240 = vector.broadcast %broadcast_in_dim3A_1193 : vector<128x1xf32> to vector<128x256xf32>
    %gt3A_1241 = arith.cmpf ogt, %slice3A_1239, %gt3A_1240 : vector<128x256xf32>
    %jit3A_1242 = arith.constant 0x7F800000 : f32
    %broadcast_in_dim3A_1243 = vector.broadcast %jit3A_1242 : f32 to vector<128x256xf32>
    %select_n3A_1244 = arith.select %gt3A_1241, %slice3A_1239, %broadcast_in_dim3A_1243 : vector<128x256xi1>, vector<128x256xf32>
    %min3A_1245 = arith.minimumf %min3A_1238, %select_n3A_1244 : vector<128x256xf32>
    %slice3A_1246 = vector.extract_strided_slice %bitcast_convert_type3A_26 {offsets = [0, 1280], sizes = [128, 256], strides = [1, 1]} : vector<128x4096xf32> to vector<128x256xf32>
    %gt3A_1247 = vector.broadcast %broadcast_in_dim3A_1193 : vector<128x1xf32> to vector<128x256xf32>
    %gt3A_1248 = arith.cmpf ogt, %slice3A_1246, %gt3A_1247 : vector<128x256xf32>
    %jit3A_1249 = arith.constant 0x7F800000 : f32
    %broadcast_in_dim3A_1250 = vector.broadcast %jit3A_1249 : f32 to vector<128x256xf32>
    %select_n3A_1251 = arith.select %gt3A_1248, %slice3A_1246, %broadcast_in_dim3A_1250 : vector<128x256xi1>, vector<128x256xf32>
    %min3A_1252 = arith.minimumf %min3A_1245, %select_n3A_1251 : vector<128x256xf32>
    %slice3A_1253 = vector.extract_strided_slice %bitcast_convert_type3A_26 {offsets = [0, 1536], sizes = [128, 256], strides = [1, 1]} : vector<128x4096xf32> to vector<128x256xf32>
    %gt3A_1254 = vector.broadcast %broadcast_in_dim3A_1193 : vector<128x1xf32> to vector<128x256xf32>
    %gt3A_1255 = arith.cmpf ogt, %slice3A_1253, %gt3A_1254 : vector<128x256xf32>
    %jit3A_1256 = arith.constant 0x7F800000 : f32
    %broadcast_in_dim3A_1257 = vector.broadcast %jit3A_1256 : f32 to vector<128x256xf32>
    %select_n3A_1258 = arith.select %gt3A_1255, %slice3A_1253, %broadcast_in_dim3A_1257 : vector<128x256xi1>, vector<128x256xf32>
    %min3A_1259 = arith.minimumf %min3A_1252, %select_n3A_1258 : vector<128x256xf32>
    %slice3A_1260 = vector.extract_strided_slice %bitcast_convert_type3A_26 {offsets = [0, 1792], sizes = [128, 256], strides = [1, 1]} : vector<128x4096xf32> to vector<128x256xf32>
    %gt3A_1261 = vector.broadcast %broadcast_in_dim3A_1193 : vector<128x1xf32> to vector<128x256xf32>
    %gt3A_1262 = arith.cmpf ogt, %slice3A_1260, %gt3A_1261 : vector<128x256xf32>
    %jit3A_1263 = arith.constant 0x7F800000 : f32
    %broadcast_in_dim3A_1264 = vector.broadcast %jit3A_1263 : f32 to vector<128x256xf32>
    %select_n3A_1265 = arith.select %gt3A_1262, %slice3A_1260, %broadcast_in_dim3A_1264 : vector<128x256xi1>, vector<128x256xf32>
    %min3A_1266 = arith.minimumf %min3A_1259, %select_n3A_1265 : vector<128x256xf32>
    %slice3A_1267 = vector.extract_strided_slice %bitcast_convert_type3A_26 {offsets = [0, 2048], sizes = [128, 256], strides = [1, 1]} : vector<128x4096xf32> to vector<128x256xf32>
    %gt3A_1268 = vector.broadcast %broadcast_in_dim3A_1193 : vector<128x1xf32> to vector<128x256xf32>
    %gt3A_1269 = arith.cmpf ogt, %slice3A_1267, %gt3A_1268 : vector<128x256xf32>
    %jit3A_1270 = arith.constant 0x7F800000 : f32
    %broadcast_in_dim3A_1271 = vector.broadcast %jit3A_1270 : f32 to vector<128x256xf32>
    %select_n3A_1272 = arith.select %gt3A_1269, %slice3A_1267, %broadcast_in_dim3A_1271 : vector<128x256xi1>, vector<128x256xf32>
    %min3A_1273 = arith.minimumf %min3A_1266, %select_n3A_1272 : vector<128x256xf32>
    %slice3A_1274 = vector.extract_strided_slice %bitcast_convert_type3A_26 {offsets = [0, 2304], sizes = [128, 256], strides = [1, 1]} : vector<128x4096xf32> to vector<128x256xf32>
    %gt3A_1275 = vector.broadcast %broadcast_in_dim3A_1193 : vector<128x1xf32> to vector<128x256xf32>
    %gt3A_1276 = arith.cmpf ogt, %slice3A_1274, %gt3A_1275 : vector<128x256xf32>
    %jit3A_1277 = arith.constant 0x7F800000 : f32
    %broadcast_in_dim3A_1278 = vector.broadcast %jit3A_1277 : f32 to vector<128x256xf32>
    %select_n3A_1279 = arith.select %gt3A_1276, %slice3A_1274, %broadcast_in_dim3A_1278 : vector<128x256xi1>, vector<128x256xf32>
    %min3A_1280 = arith.minimumf %min3A_1273, %select_n3A_1279 : vector<128x256xf32>
    %slice3A_1281 = vector.extract_strided_slice %bitcast_convert_type3A_26 {offsets = [0, 2560], sizes = [128, 256], strides = [1, 1]} : vector<128x4096xf32> to vector<128x256xf32>
    %gt3A_1282 = vector.broadcast %broadcast_in_dim3A_1193 : vector<128x1xf32> to vector<128x256xf32>
    %gt3A_1283 = arith.cmpf ogt, %slice3A_1281, %gt3A_1282 : vector<128x256xf32>
    %jit3A_1284 = arith.constant 0x7F800000 : f32
    %broadcast_in_dim3A_1285 = vector.broadcast %jit3A_1284 : f32 to vector<128x256xf32>
    %select_n3A_1286 = arith.select %gt3A_1283, %slice3A_1281, %broadcast_in_dim3A_1285 : vector<128x256xi1>, vector<128x256xf32>
    %min3A_1287 = arith.minimumf %min3A_1280, %select_n3A_1286 : vector<128x256xf32>
    %slice3A_1288 = vector.extract_strided_slice %bitcast_convert_type3A_26 {offsets = [0, 2816], sizes = [128, 256], strides = [1, 1]} : vector<128x4096xf32> to vector<128x256xf32>
    %gt3A_1289 = vector.broadcast %broadcast_in_dim3A_1193 : vector<128x1xf32> to vector<128x256xf32>
    %gt3A_1290 = arith.cmpf ogt, %slice3A_1288, %gt3A_1289 : vector<128x256xf32>
    %jit3A_1291 = arith.constant 0x7F800000 : f32
    %broadcast_in_dim3A_1292 = vector.broadcast %jit3A_1291 : f32 to vector<128x256xf32>
    %select_n3A_1293 = arith.select %gt3A_1290, %slice3A_1288, %broadcast_in_dim3A_1292 : vector<128x256xi1>, vector<128x256xf32>
    %min3A_1294 = arith.minimumf %min3A_1287, %select_n3A_1293 : vector<128x256xf32>
    %slice3A_1295 = vector.extract_strided_slice %bitcast_convert_type3A_26 {offsets = [0, 3072], sizes = [128, 256], strides = [1, 1]} : vector<128x4096xf32> to vector<128x256xf32>
    %gt3A_1296 = vector.broadcast %broadcast_in_dim3A_1193 : vector<128x1xf32> to vector<128x256xf32>
    %gt3A_1297 = arith.cmpf ogt, %slice3A_1295, %gt3A_1296 : vector<128x256xf32>
    %jit3A_1298 = arith.constant 0x7F800000 : f32
    %broadcast_in_dim3A_1299 = vector.broadcast %jit3A_1298 : f32 to vector<128x256xf32>
    %select_n3A_1300 = arith.select %gt3A_1297, %slice3A_1295, %broadcast_in_dim3A_1299 : vector<128x256xi1>, vector<128x256xf32>
    %min3A_1301 = arith.minimumf %min3A_1294, %select_n3A_1300 : vector<128x256xf32>
    %slice3A_1302 = vector.extract_strided_slice %bitcast_convert_type3A_26 {offsets = [0, 3328], sizes = [128, 256], strides = [1, 1]} : vector<128x4096xf32> to vector<128x256xf32>
    %gt3A_1303 = vector.broadcast %broadcast_in_dim3A_1193 : vector<128x1xf32> to vector<128x256xf32>
    %gt3A_1304 = arith.cmpf ogt, %slice3A_1302, %gt3A_1303 : vector<128x256xf32>
    %jit3A_1305 = arith.constant 0x7F800000 : f32
    %broadcast_in_dim3A_1306 = vector.broadcast %jit3A_1305 : f32 to vector<128x256xf32>
    %select_n3A_1307 = arith.select %gt3A_1304, %slice3A_1302, %broadcast_in_dim3A_1306 : vector<128x256xi1>, vector<128x256xf32>
    %min3A_1308 = arith.minimumf %min3A_1301, %select_n3A_1307 : vector<128x256xf32>
    %slice3A_1309 = vector.extract_strided_slice %bitcast_convert_type3A_26 {offsets = [0, 3584], sizes = [128, 256], strides = [1, 1]} : vector<128x4096xf32> to vector<128x256xf32>
    %gt3A_1310 = vector.broadcast %broadcast_in_dim3A_1193 : vector<128x1xf32> to vector<128x256xf32>
    %gt3A_1311 = arith.cmpf ogt, %slice3A_1309, %gt3A_1310 : vector<128x256xf32>
    %jit3A_1312 = arith.constant 0x7F800000 : f32
    %broadcast_in_dim3A_1313 = vector.broadcast %jit3A_1312 : f32 to vector<128x256xf32>
    %select_n3A_1314 = arith.select %gt3A_1311, %slice3A_1309, %broadcast_in_dim3A_1313 : vector<128x256xi1>, vector<128x256xf32>
    %min3A_1315 = arith.minimumf %min3A_1308, %select_n3A_1314 : vector<128x256xf32>
    %slice3A_1316 = vector.extract_strided_slice %bitcast_convert_type3A_26 {offsets = [0, 3840], sizes = [128, 256], strides = [1, 1]} : vector<128x4096xf32> to vector<128x256xf32>
    %gt3A_1317 = vector.broadcast %broadcast_in_dim3A_1193 : vector<128x1xf32> to vector<128x256xf32>
    %gt3A_1318 = arith.cmpf ogt, %slice3A_1316, %gt3A_1317 : vector<128x256xf32>
    %jit3A_1319 = arith.constant 0x7F800000 : f32
    %broadcast_in_dim3A_1320 = vector.broadcast %jit3A_1319 : f32 to vector<128x256xf32>
    %select_n3A_1321 = arith.select %gt3A_1318, %slice3A_1316, %broadcast_in_dim3A_1320 : vector<128x256xi1>, vector<128x256xf32>
    %min3A_1322 = arith.minimumf %min3A_1315, %select_n3A_1321 : vector<128x256xf32>
    %reduce_min3A_1323 = arith.constant dense<0x7F800000> : vector<128xf32>
    %reduce_min3A_1324 = vector.multi_reduction <minimumf>, %min3A_1322, %reduce_min3A_1323 [1] : vector<128x256xf32> to vector<128xf32>
    %broadcast_in_dim3A_1325 = vector.shape_cast %reduce_min3A_1324 : vector<128xf32> to vector<128x1xf32>
    %eq3A_1326 = vector.broadcast %broadcast_in_dim3A_1325 : vector<128x1xf32> to vector<128x256xf32>
    %eq3A_1327 = arith.cmpf oeq, %min3A_1322, %eq3A_1326 : vector<128x256xf32>
    %jit3A_1328 = arith.constant 2.560000e+02 : f32
    %broadcast_in_dim3A_1329 = vector.broadcast %jit3A_1328 : f32 to vector<128x256xf32>
    %select_n3A_1330 = arith.select %eq3A_1327, %convert_element_type3A_28, %broadcast_in_dim3A_1329 : vector<128x256xi1>, vector<128x256xf32>
    %reduce_min3A_1331 = arith.constant dense<0x7F800000> : vector<128xf32>
    %reduce_min3A_1332 = vector.multi_reduction <minimumf>, %select_n3A_1330, %reduce_min3A_1331 [1] : vector<128x256xf32> to vector<128xf32>
    %broadcast_in_dim3A_1333 = vector.shape_cast %reduce_min3A_1332 : vector<128xf32> to vector<128x1xf32>
    %bitcast_convert_type3A_1334 = tpu.bitcast %broadcast_in_dim3A_1325 : vector<128x1xf32> -> vector<128x1xi32>
    %and3A_1335 = arith.constant 15 : i32
    %and3A_1336 = vector.broadcast %and3A_1335 : i32 to vector<128x1xi32>
    %and3A_1337 = arith.andi %bitcast_convert_type3A_1334, %and3A_1336 : vector<128x1xi32>
    %shift_left3A_1338 = arith.constant 8 : i32
    %shift_left3A_1339 = vector.broadcast %shift_left3A_1338 : i32 to vector<128x1xi32>
    %shift_left3A_1340 = arith.shli %and3A_1337, %shift_left3A_1339 : vector<128x1xi32>
    %convert_element_type3A_1341 = arith.fptosi %broadcast_in_dim3A_1333 : vector<128x1xf32> to vector<128x1xi32>
    %or3A_1342 = arith.ori %shift_left3A_1340, %convert_element_type3A_1341 : vector<128x1xi32>
    %slice3A_1343 = vector.extract_strided_slice %bitcast_convert_type3A_26 {offsets = [0, 0], sizes = [128, 256], strides = [1, 1]} : vector<128x4096xf32> to vector<128x256xf32>
    %gt3A_1344 = vector.broadcast %broadcast_in_dim3A_1325 : vector<128x1xf32> to vector<128x256xf32>
    %gt3A_1345 = arith.cmpf ogt, %slice3A_1343, %gt3A_1344 : vector<128x256xf32>
    %slice3A_1346 = vector.extract_strided_slice %bitcast_convert_type3A_26 {offsets = [0, 0], sizes = [128, 256], strides = [1, 1]} : vector<128x4096xf32> to vector<128x256xf32>
    %jit3A_1347 = arith.constant 0x7F800000 : f32
    %broadcast_in_dim3A_1348 = vector.broadcast %jit3A_1347 : f32 to vector<128x256xf32>
    %select_n3A_1349 = arith.select %gt3A_1345, %slice3A_1346, %broadcast_in_dim3A_1348 : vector<128x256xi1>, vector<128x256xf32>
    %slice3A_1350 = vector.extract_strided_slice %bitcast_convert_type3A_26 {offsets = [0, 256], sizes = [128, 256], strides = [1, 1]} : vector<128x4096xf32> to vector<128x256xf32>
    %gt3A_1351 = vector.broadcast %broadcast_in_dim3A_1325 : vector<128x1xf32> to vector<128x256xf32>
    %gt3A_1352 = arith.cmpf ogt, %slice3A_1350, %gt3A_1351 : vector<128x256xf32>
    %jit3A_1353 = arith.constant 0x7F800000 : f32
    %broadcast_in_dim3A_1354 = vector.broadcast %jit3A_1353 : f32 to vector<128x256xf32>
    %select_n3A_1355 = arith.select %gt3A_1352, %slice3A_1350, %broadcast_in_dim3A_1354 : vector<128x256xi1>, vector<128x256xf32>
    %min3A_1356 = arith.minimumf %select_n3A_1349, %select_n3A_1355 : vector<128x256xf32>
    %slice3A_1357 = vector.extract_strided_slice %bitcast_convert_type3A_26 {offsets = [0, 512], sizes = [128, 256], strides = [1, 1]} : vector<128x4096xf32> to vector<128x256xf32>
    %gt3A_1358 = vector.broadcast %broadcast_in_dim3A_1325 : vector<128x1xf32> to vector<128x256xf32>
    %gt3A_1359 = arith.cmpf ogt, %slice3A_1357, %gt3A_1358 : vector<128x256xf32>
    %jit3A_1360 = arith.constant 0x7F800000 : f32
    %broadcast_in_dim3A_1361 = vector.broadcast %jit3A_1360 : f32 to vector<128x256xf32>
    %select_n3A_1362 = arith.select %gt3A_1359, %slice3A_1357, %broadcast_in_dim3A_1361 : vector<128x256xi1>, vector<128x256xf32>
    %min3A_1363 = arith.minimumf %min3A_1356, %select_n3A_1362 : vector<128x256xf32>
    %slice3A_1364 = vector.extract_strided_slice %bitcast_convert_type3A_26 {offsets = [0, 768], sizes = [128, 256], strides = [1, 1]} : vector<128x4096xf32> to vector<128x256xf32>
    %gt3A_1365 = vector.broadcast %broadcast_in_dim3A_1325 : vector<128x1xf32> to vector<128x256xf32>
    %gt3A_1366 = arith.cmpf ogt, %slice3A_1364, %gt3A_1365 : vector<128x256xf32>
    %jit3A_1367 = arith.constant 0x7F800000 : f32
    %broadcast_in_dim3A_1368 = vector.broadcast %jit3A_1367 : f32 to vector<128x256xf32>
    %select_n3A_1369 = arith.select %gt3A_1366, %slice3A_1364, %broadcast_in_dim3A_1368 : vector<128x256xi1>, vector<128x256xf32>
    %min3A_1370 = arith.minimumf %min3A_1363, %select_n3A_1369 : vector<128x256xf32>
    %slice3A_1371 = vector.extract_strided_slice %bitcast_convert_type3A_26 {offsets = [0, 1024], sizes = [128, 256], strides = [1, 1]} : vector<128x4096xf32> to vector<128x256xf32>
    %gt3A_1372 = vector.broadcast %broadcast_in_dim3A_1325 : vector<128x1xf32> to vector<128x256xf32>
    %gt3A_1373 = arith.cmpf ogt, %slice3A_1371, %gt3A_1372 : vector<128x256xf32>
    %jit3A_1374 = arith.constant 0x7F800000 : f32
    %broadcast_in_dim3A_1375 = vector.broadcast %jit3A_1374 : f32 to vector<128x256xf32>
    %select_n3A_1376 = arith.select %gt3A_1373, %slice3A_1371, %broadcast_in_dim3A_1375 : vector<128x256xi1>, vector<128x256xf32>
    %min3A_1377 = arith.minimumf %min3A_1370, %select_n3A_1376 : vector<128x256xf32>
    %slice3A_1378 = vector.extract_strided_slice %bitcast_convert_type3A_26 {offsets = [0, 1280], sizes = [128, 256], strides = [1, 1]} : vector<128x4096xf32> to vector<128x256xf32>
    %gt3A_1379 = vector.broadcast %broadcast_in_dim3A_1325 : vector<128x1xf32> to vector<128x256xf32>
    %gt3A_1380 = arith.cmpf ogt, %slice3A_1378, %gt3A_1379 : vector<128x256xf32>
    %jit3A_1381 = arith.constant 0x7F800000 : f32
    %broadcast_in_dim3A_1382 = vector.broadcast %jit3A_1381 : f32 to vector<128x256xf32>
    %select_n3A_1383 = arith.select %gt3A_1380, %slice3A_1378, %broadcast_in_dim3A_1382 : vector<128x256xi1>, vector<128x256xf32>
    %min3A_1384 = arith.minimumf %min3A_1377, %select_n3A_1383 : vector<128x256xf32>
    %slice3A_1385 = vector.extract_strided_slice %bitcast_convert_type3A_26 {offsets = [0, 1536], sizes = [128, 256], strides = [1, 1]} : vector<128x4096xf32> to vector<128x256xf32>
    %gt3A_1386 = vector.broadcast %broadcast_in_dim3A_1325 : vector<128x1xf32> to vector<128x256xf32>
    %gt3A_1387 = arith.cmpf ogt, %slice3A_1385, %gt3A_1386 : vector<128x256xf32>
    %jit3A_1388 = arith.constant 0x7F800000 : f32
    %broadcast_in_dim3A_1389 = vector.broadcast %jit3A_1388 : f32 to vector<128x256xf32>
    %select_n3A_1390 = arith.select %gt3A_1387, %slice3A_1385, %broadcast_in_dim3A_1389 : vector<128x256xi1>, vector<128x256xf32>
    %min3A_1391 = arith.minimumf %min3A_1384, %select_n3A_1390 : vector<128x256xf32>
    %slice3A_1392 = vector.extract_strided_slice %bitcast_convert_type3A_26 {offsets = [0, 1792], sizes = [128, 256], strides = [1, 1]} : vector<128x4096xf32> to vector<128x256xf32>
    %gt3A_1393 = vector.broadcast %broadcast_in_dim3A_1325 : vector<128x1xf32> to vector<128x256xf32>
    %gt3A_1394 = arith.cmpf ogt, %slice3A_1392, %gt3A_1393 : vector<128x256xf32>
    %jit3A_1395 = arith.constant 0x7F800000 : f32
    %broadcast_in_dim3A_1396 = vector.broadcast %jit3A_1395 : f32 to vector<128x256xf32>
    %select_n3A_1397 = arith.select %gt3A_1394, %slice3A_1392, %broadcast_in_dim3A_1396 : vector<128x256xi1>, vector<128x256xf32>
    %min3A_1398 = arith.minimumf %min3A_1391, %select_n3A_1397 : vector<128x256xf32>
    %slice3A_1399 = vector.extract_strided_slice %bitcast_convert_type3A_26 {offsets = [0, 2048], sizes = [128, 256], strides = [1, 1]} : vector<128x4096xf32> to vector<128x256xf32>
    %gt3A_1400 = vector.broadcast %broadcast_in_dim3A_1325 : vector<128x1xf32> to vector<128x256xf32>
    %gt3A_1401 = arith.cmpf ogt, %slice3A_1399, %gt3A_1400 : vector<128x256xf32>
    %jit3A_1402 = arith.constant 0x7F800000 : f32
    %broadcast_in_dim3A_1403 = vector.broadcast %jit3A_1402 : f32 to vector<128x256xf32>
    %select_n3A_1404 = arith.select %gt3A_1401, %slice3A_1399, %broadcast_in_dim3A_1403 : vector<128x256xi1>, vector<128x256xf32>
    %min3A_1405 = arith.minimumf %min3A_1398, %select_n3A_1404 : vector<128x256xf32>
    %slice3A_1406 = vector.extract_strided_slice %bitcast_convert_type3A_26 {offsets = [0, 2304], sizes = [128, 256], strides = [1, 1]} : vector<128x4096xf32> to vector<128x256xf32>
    %gt3A_1407 = vector.broadcast %broadcast_in_dim3A_1325 : vector<128x1xf32> to vector<128x256xf32>
    %gt3A_1408 = arith.cmpf ogt, %slice3A_1406, %gt3A_1407 : vector<128x256xf32>
    %jit3A_1409 = arith.constant 0x7F800000 : f32
    %broadcast_in_dim3A_1410 = vector.broadcast %jit3A_1409 : f32 to vector<128x256xf32>
    %select_n3A_1411 = arith.select %gt3A_1408, %slice3A_1406, %broadcast_in_dim3A_1410 : vector<128x256xi1>, vector<128x256xf32>
    %min3A_1412 = arith.minimumf %min3A_1405, %select_n3A_1411 : vector<128x256xf32>
    %slice3A_1413 = vector.extract_strided_slice %bitcast_convert_type3A_26 {offsets = [0, 2560], sizes = [128, 256], strides = [1, 1]} : vector<128x4096xf32> to vector<128x256xf32>
    %gt3A_1414 = vector.broadcast %broadcast_in_dim3A_1325 : vector<128x1xf32> to vector<128x256xf32>
    %gt3A_1415 = arith.cmpf ogt, %slice3A_1413, %gt3A_1414 : vector<128x256xf32>
    %jit3A_1416 = arith.constant 0x7F800000 : f32
    %broadcast_in_dim3A_1417 = vector.broadcast %jit3A_1416 : f32 to vector<128x256xf32>
    %select_n3A_1418 = arith.select %gt3A_1415, %slice3A_1413, %broadcast_in_dim3A_1417 : vector<128x256xi1>, vector<128x256xf32>
    %min3A_1419 = arith.minimumf %min3A_1412, %select_n3A_1418 : vector<128x256xf32>
    %slice3A_1420 = vector.extract_strided_slice %bitcast_convert_type3A_26 {offsets = [0, 2816], sizes = [128, 256], strides = [1, 1]} : vector<128x4096xf32> to vector<128x256xf32>
    %gt3A_1421 = vector.broadcast %broadcast_in_dim3A_1325 : vector<128x1xf32> to vector<128x256xf32>
    %gt3A_1422 = arith.cmpf ogt, %slice3A_1420, %gt3A_1421 : vector<128x256xf32>
    %jit3A_1423 = arith.constant 0x7F800000 : f32
    %broadcast_in_dim3A_1424 = vector.broadcast %jit3A_1423 : f32 to vector<128x256xf32>
    %select_n3A_1425 = arith.select %gt3A_1422, %slice3A_1420, %broadcast_in_dim3A_1424 : vector<128x256xi1>, vector<128x256xf32>
    %min3A_1426 = arith.minimumf %min3A_1419, %select_n3A_1425 : vector<128x256xf32>
    %slice3A_1427 = vector.extract_strided_slice %bitcast_convert_type3A_26 {offsets = [0, 3072], sizes = [128, 256], strides = [1, 1]} : vector<128x4096xf32> to vector<128x256xf32>
    %gt3A_1428 = vector.broadcast %broadcast_in_dim3A_1325 : vector<128x1xf32> to vector<128x256xf32>
    %gt3A_1429 = arith.cmpf ogt, %slice3A_1427, %gt3A_1428 : vector<128x256xf32>
    %jit3A_1430 = arith.constant 0x7F800000 : f32
    %broadcast_in_dim3A_1431 = vector.broadcast %jit3A_1430 : f32 to vector<128x256xf32>
    %select_n3A_1432 = arith.select %gt3A_1429, %slice3A_1427, %broadcast_in_dim3A_1431 : vector<128x256xi1>, vector<128x256xf32>
    %min3A_1433 = arith.minimumf %min3A_1426, %select_n3A_1432 : vector<128x256xf32>
    %slice3A_1434 = vector.extract_strided_slice %bitcast_convert_type3A_26 {offsets = [0, 3328], sizes = [128, 256], strides = [1, 1]} : vector<128x4096xf32> to vector<128x256xf32>
    %gt3A_1435 = vector.broadcast %broadcast_in_dim3A_1325 : vector<128x1xf32> to vector<128x256xf32>
    %gt3A_1436 = arith.cmpf ogt, %slice3A_1434, %gt3A_1435 : vector<128x256xf32>
    %jit3A_1437 = arith.constant 0x7F800000 : f32
    %broadcast_in_dim3A_1438 = vector.broadcast %jit3A_1437 : f32 to vector<128x256xf32>
    %select_n3A_1439 = arith.select %gt3A_1436, %slice3A_1434, %broadcast_in_dim3A_1438 : vector<128x256xi1>, vector<128x256xf32>
    %min3A_1440 = arith.minimumf %min3A_1433, %select_n3A_1439 : vector<128x256xf32>
    %slice3A_1441 = vector.extract_strided_slice %bitcast_convert_type3A_26 {offsets = [0, 3584], sizes = [128, 256], strides = [1, 1]} : vector<128x4096xf32> to vector<128x256xf32>
    %gt3A_1442 = vector.broadcast %broadcast_in_dim3A_1325 : vector<128x1xf32> to vector<128x256xf32>
    %gt3A_1443 = arith.cmpf ogt, %slice3A_1441, %gt3A_1442 : vector<128x256xf32>
    %jit3A_1444 = arith.constant 0x7F800000 : f32
    %broadcast_in_dim3A_1445 = vector.broadcast %jit3A_1444 : f32 to vector<128x256xf32>
    %select_n3A_1446 = arith.select %gt3A_1443, %slice3A_1441, %broadcast_in_dim3A_1445 : vector<128x256xi1>, vector<128x256xf32>
    %min3A_1447 = arith.minimumf %min3A_1440, %select_n3A_1446 : vector<128x256xf32>
    %slice3A_1448 = vector.extract_strided_slice %bitcast_convert_type3A_26 {offsets = [0, 3840], sizes = [128, 256], strides = [1, 1]} : vector<128x4096xf32> to vector<128x256xf32>
    %gt3A_1449 = vector.broadcast %broadcast_in_dim3A_1325 : vector<128x1xf32> to vector<128x256xf32>
    %gt3A_1450 = arith.cmpf ogt, %slice3A_1448, %gt3A_1449 : vector<128x256xf32>
    %jit3A_1451 = arith.constant 0x7F800000 : f32
    %broadcast_in_dim3A_1452 = vector.broadcast %jit3A_1451 : f32 to vector<128x256xf32>
    %select_n3A_1453 = arith.select %gt3A_1450, %slice3A_1448, %broadcast_in_dim3A_1452 : vector<128x256xi1>, vector<128x256xf32>
    %min3A_1454 = arith.minimumf %min3A_1447, %select_n3A_1453 : vector<128x256xf32>
    %reduce_min3A_1455 = arith.constant dense<0x7F800000> : vector<128xf32>
    %reduce_min3A_1456 = vector.multi_reduction <minimumf>, %min3A_1454, %reduce_min3A_1455 [1] : vector<128x256xf32> to vector<128xf32>
    %broadcast_in_dim3A_1457 = vector.shape_cast %reduce_min3A_1456 : vector<128xf32> to vector<128x1xf32>
    %eq3A_1458 = vector.broadcast %broadcast_in_dim3A_1457 : vector<128x1xf32> to vector<128x256xf32>
    %eq3A_1459 = arith.cmpf oeq, %min3A_1454, %eq3A_1458 : vector<128x256xf32>
    %jit3A_1460 = arith.constant 2.560000e+02 : f32
    %broadcast_in_dim3A_1461 = vector.broadcast %jit3A_1460 : f32 to vector<128x256xf32>
    %select_n3A_1462 = arith.select %eq3A_1459, %convert_element_type3A_28, %broadcast_in_dim3A_1461 : vector<128x256xi1>, vector<128x256xf32>
    %reduce_min3A_1463 = arith.constant dense<0x7F800000> : vector<128xf32>
    %reduce_min3A_1464 = vector.multi_reduction <minimumf>, %select_n3A_1462, %reduce_min3A_1463 [1] : vector<128x256xf32> to vector<128xf32>
    %broadcast_in_dim3A_1465 = vector.shape_cast %reduce_min3A_1464 : vector<128xf32> to vector<128x1xf32>
    %bitcast_convert_type3A_1466 = tpu.bitcast %broadcast_in_dim3A_1457 : vector<128x1xf32> -> vector<128x1xi32>
    %and3A_1467 = arith.constant 15 : i32
    %and3A_1468 = vector.broadcast %and3A_1467 : i32 to vector<128x1xi32>
    %and3A_1469 = arith.andi %bitcast_convert_type3A_1466, %and3A_1468 : vector<128x1xi32>
    %shift_left3A_1470 = arith.constant 8 : i32
    %shift_left3A_1471 = vector.broadcast %shift_left3A_1470 : i32 to vector<128x1xi32>
    %shift_left3A_1472 = arith.shli %and3A_1469, %shift_left3A_1471 : vector<128x1xi32>
    %convert_element_type3A_1473 = arith.fptosi %broadcast_in_dim3A_1465 : vector<128x1xf32> to vector<128x1xi32>
    %or3A_1474 = arith.ori %shift_left3A_1472, %convert_element_type3A_1473 : vector<128x1xi32>
    %slice3A_1475 = vector.extract_strided_slice %bitcast_convert_type3A_26 {offsets = [0, 0], sizes = [128, 256], strides = [1, 1]} : vector<128x4096xf32> to vector<128x256xf32>
    %gt3A_1476 = vector.broadcast %broadcast_in_dim3A_1457 : vector<128x1xf32> to vector<128x256xf32>
    %gt3A_1477 = arith.cmpf ogt, %slice3A_1475, %gt3A_1476 : vector<128x256xf32>
    %slice3A_1478 = vector.extract_strided_slice %bitcast_convert_type3A_26 {offsets = [0, 0], sizes = [128, 256], strides = [1, 1]} : vector<128x4096xf32> to vector<128x256xf32>
    %jit3A_1479 = arith.constant 0x7F800000 : f32
    %broadcast_in_dim3A_1480 = vector.broadcast %jit3A_1479 : f32 to vector<128x256xf32>
    %select_n3A_1481 = arith.select %gt3A_1477, %slice3A_1478, %broadcast_in_dim3A_1480 : vector<128x256xi1>, vector<128x256xf32>
    %slice3A_1482 = vector.extract_strided_slice %bitcast_convert_type3A_26 {offsets = [0, 256], sizes = [128, 256], strides = [1, 1]} : vector<128x4096xf32> to vector<128x256xf32>
    %gt3A_1483 = vector.broadcast %broadcast_in_dim3A_1457 : vector<128x1xf32> to vector<128x256xf32>
    %gt3A_1484 = arith.cmpf ogt, %slice3A_1482, %gt3A_1483 : vector<128x256xf32>
    %jit3A_1485 = arith.constant 0x7F800000 : f32
    %broadcast_in_dim3A_1486 = vector.broadcast %jit3A_1485 : f32 to vector<128x256xf32>
    %select_n3A_1487 = arith.select %gt3A_1484, %slice3A_1482, %broadcast_in_dim3A_1486 : vector<128x256xi1>, vector<128x256xf32>
    %min3A_1488 = arith.minimumf %select_n3A_1481, %select_n3A_1487 : vector<128x256xf32>
    %slice3A_1489 = vector.extract_strided_slice %bitcast_convert_type3A_26 {offsets = [0, 512], sizes = [128, 256], strides = [1, 1]} : vector<128x4096xf32> to vector<128x256xf32>
    %gt3A_1490 = vector.broadcast %broadcast_in_dim3A_1457 : vector<128x1xf32> to vector<128x256xf32>
    %gt3A_1491 = arith.cmpf ogt, %slice3A_1489, %gt3A_1490 : vector<128x256xf32>
    %jit3A_1492 = arith.constant 0x7F800000 : f32
    %broadcast_in_dim3A_1493 = vector.broadcast %jit3A_1492 : f32 to vector<128x256xf32>
    %select_n3A_1494 = arith.select %gt3A_1491, %slice3A_1489, %broadcast_in_dim3A_1493 : vector<128x256xi1>, vector<128x256xf32>
    %min3A_1495 = arith.minimumf %min3A_1488, %select_n3A_1494 : vector<128x256xf32>
    %slice3A_1496 = vector.extract_strided_slice %bitcast_convert_type3A_26 {offsets = [0, 768], sizes = [128, 256], strides = [1, 1]} : vector<128x4096xf32> to vector<128x256xf32>
    %gt3A_1497 = vector.broadcast %broadcast_in_dim3A_1457 : vector<128x1xf32> to vector<128x256xf32>
    %gt3A_1498 = arith.cmpf ogt, %slice3A_1496, %gt3A_1497 : vector<128x256xf32>
    %jit3A_1499 = arith.constant 0x7F800000 : f32
    %broadcast_in_dim3A_1500 = vector.broadcast %jit3A_1499 : f32 to vector<128x256xf32>
    %select_n3A_1501 = arith.select %gt3A_1498, %slice3A_1496, %broadcast_in_dim3A_1500 : vector<128x256xi1>, vector<128x256xf32>
    %min3A_1502 = arith.minimumf %min3A_1495, %select_n3A_1501 : vector<128x256xf32>
    %slice3A_1503 = vector.extract_strided_slice %bitcast_convert_type3A_26 {offsets = [0, 1024], sizes = [128, 256], strides = [1, 1]} : vector<128x4096xf32> to vector<128x256xf32>
    %gt3A_1504 = vector.broadcast %broadcast_in_dim3A_1457 : vector<128x1xf32> to vector<128x256xf32>
    %gt3A_1505 = arith.cmpf ogt, %slice3A_1503, %gt3A_1504 : vector<128x256xf32>
    %jit3A_1506 = arith.constant 0x7F800000 : f32
    %broadcast_in_dim3A_1507 = vector.broadcast %jit3A_1506 : f32 to vector<128x256xf32>
    %select_n3A_1508 = arith.select %gt3A_1505, %slice3A_1503, %broadcast_in_dim3A_1507 : vector<128x256xi1>, vector<128x256xf32>
    %min3A_1509 = arith.minimumf %min3A_1502, %select_n3A_1508 : vector<128x256xf32>
    %slice3A_1510 = vector.extract_strided_slice %bitcast_convert_type3A_26 {offsets = [0, 1280], sizes = [128, 256], strides = [1, 1]} : vector<128x4096xf32> to vector<128x256xf32>
    %gt3A_1511 = vector.broadcast %broadcast_in_dim3A_1457 : vector<128x1xf32> to vector<128x256xf32>
    %gt3A_1512 = arith.cmpf ogt, %slice3A_1510, %gt3A_1511 : vector<128x256xf32>
    %jit3A_1513 = arith.constant 0x7F800000 : f32
    %broadcast_in_dim3A_1514 = vector.broadcast %jit3A_1513 : f32 to vector<128x256xf32>
    %select_n3A_1515 = arith.select %gt3A_1512, %slice3A_1510, %broadcast_in_dim3A_1514 : vector<128x256xi1>, vector<128x256xf32>
    %min3A_1516 = arith.minimumf %min3A_1509, %select_n3A_1515 : vector<128x256xf32>
    %slice3A_1517 = vector.extract_strided_slice %bitcast_convert_type3A_26 {offsets = [0, 1536], sizes = [128, 256], strides = [1, 1]} : vector<128x4096xf32> to vector<128x256xf32>
    %gt3A_1518 = vector.broadcast %broadcast_in_dim3A_1457 : vector<128x1xf32> to vector<128x256xf32>
    %gt3A_1519 = arith.cmpf ogt, %slice3A_1517, %gt3A_1518 : vector<128x256xf32>
    %jit3A_1520 = arith.constant 0x7F800000 : f32
    %broadcast_in_dim3A_1521 = vector.broadcast %jit3A_1520 : f32 to vector<128x256xf32>
    %select_n3A_1522 = arith.select %gt3A_1519, %slice3A_1517, %broadcast_in_dim3A_1521 : vector<128x256xi1>, vector<128x256xf32>
    %min3A_1523 = arith.minimumf %min3A_1516, %select_n3A_1522 : vector<128x256xf32>
    %slice3A_1524 = vector.extract_strided_slice %bitcast_convert_type3A_26 {offsets = [0, 1792], sizes = [128, 256], strides = [1, 1]} : vector<128x4096xf32> to vector<128x256xf32>
    %gt3A_1525 = vector.broadcast %broadcast_in_dim3A_1457 : vector<128x1xf32> to vector<128x256xf32>
    %gt3A_1526 = arith.cmpf ogt, %slice3A_1524, %gt3A_1525 : vector<128x256xf32>
    %jit3A_1527 = arith.constant 0x7F800000 : f32
    %broadcast_in_dim3A_1528 = vector.broadcast %jit3A_1527 : f32 to vector<128x256xf32>
    %select_n3A_1529 = arith.select %gt3A_1526, %slice3A_1524, %broadcast_in_dim3A_1528 : vector<128x256xi1>, vector<128x256xf32>
    %min3A_1530 = arith.minimumf %min3A_1523, %select_n3A_1529 : vector<128x256xf32>
    %slice3A_1531 = vector.extract_strided_slice %bitcast_convert_type3A_26 {offsets = [0, 2048], sizes = [128, 256], strides = [1, 1]} : vector<128x4096xf32> to vector<128x256xf32>
    %gt3A_1532 = vector.broadcast %broadcast_in_dim3A_1457 : vector<128x1xf32> to vector<128x256xf32>
    %gt3A_1533 = arith.cmpf ogt, %slice3A_1531, %gt3A_1532 : vector<128x256xf32>
    %jit3A_1534 = arith.constant 0x7F800000 : f32
    %broadcast_in_dim3A_1535 = vector.broadcast %jit3A_1534 : f32 to vector<128x256xf32>
    %select_n3A_1536 = arith.select %gt3A_1533, %slice3A_1531, %broadcast_in_dim3A_1535 : vector<128x256xi1>, vector<128x256xf32>
    %min3A_1537 = arith.minimumf %min3A_1530, %select_n3A_1536 : vector<128x256xf32>
    %slice3A_1538 = vector.extract_strided_slice %bitcast_convert_type3A_26 {offsets = [0, 2304], sizes = [128, 256], strides = [1, 1]} : vector<128x4096xf32> to vector<128x256xf32>
    %gt3A_1539 = vector.broadcast %broadcast_in_dim3A_1457 : vector<128x1xf32> to vector<128x256xf32>
    %gt3A_1540 = arith.cmpf ogt, %slice3A_1538, %gt3A_1539 : vector<128x256xf32>
    %jit3A_1541 = arith.constant 0x7F800000 : f32
    %broadcast_in_dim3A_1542 = vector.broadcast %jit3A_1541 : f32 to vector<128x256xf32>
    %select_n3A_1543 = arith.select %gt3A_1540, %slice3A_1538, %broadcast_in_dim3A_1542 : vector<128x256xi1>, vector<128x256xf32>
    %min3A_1544 = arith.minimumf %min3A_1537, %select_n3A_1543 : vector<128x256xf32>
    %slice3A_1545 = vector.extract_strided_slice %bitcast_convert_type3A_26 {offsets = [0, 2560], sizes = [128, 256], strides = [1, 1]} : vector<128x4096xf32> to vector<128x256xf32>
    %gt3A_1546 = vector.broadcast %broadcast_in_dim3A_1457 : vector<128x1xf32> to vector<128x256xf32>
    %gt3A_1547 = arith.cmpf ogt, %slice3A_1545, %gt3A_1546 : vector<128x256xf32>
    %jit3A_1548 = arith.constant 0x7F800000 : f32
    %broadcast_in_dim3A_1549 = vector.broadcast %jit3A_1548 : f32 to vector<128x256xf32>
    %select_n3A_1550 = arith.select %gt3A_1547, %slice3A_1545, %broadcast_in_dim3A_1549 : vector<128x256xi1>, vector<128x256xf32>
    %min3A_1551 = arith.minimumf %min3A_1544, %select_n3A_1550 : vector<128x256xf32>
    %slice3A_1552 = vector.extract_strided_slice %bitcast_convert_type3A_26 {offsets = [0, 2816], sizes = [128, 256], strides = [1, 1]} : vector<128x4096xf32> to vector<128x256xf32>
    %gt3A_1553 = vector.broadcast %broadcast_in_dim3A_1457 : vector<128x1xf32> to vector<128x256xf32>
    %gt3A_1554 = arith.cmpf ogt, %slice3A_1552, %gt3A_1553 : vector<128x256xf32>
    %jit3A_1555 = arith.constant 0x7F800000 : f32
    %broadcast_in_dim3A_1556 = vector.broadcast %jit3A_1555 : f32 to vector<128x256xf32>
    %select_n3A_1557 = arith.select %gt3A_1554, %slice3A_1552, %broadcast_in_dim3A_1556 : vector<128x256xi1>, vector<128x256xf32>
    %min3A_1558 = arith.minimumf %min3A_1551, %select_n3A_1557 : vector<128x256xf32>
    %slice3A_1559 = vector.extract_strided_slice %bitcast_convert_type3A_26 {offsets = [0, 3072], sizes = [128, 256], strides = [1, 1]} : vector<128x4096xf32> to vector<128x256xf32>
    %gt3A_1560 = vector.broadcast %broadcast_in_dim3A_1457 : vector<128x1xf32> to vector<128x256xf32>
    %gt3A_1561 = arith.cmpf ogt, %slice3A_1559, %gt3A_1560 : vector<128x256xf32>
    %jit3A_1562 = arith.constant 0x7F800000 : f32
    %broadcast_in_dim3A_1563 = vector.broadcast %jit3A_1562 : f32 to vector<128x256xf32>
    %select_n3A_1564 = arith.select %gt3A_1561, %slice3A_1559, %broadcast_in_dim3A_1563 : vector<128x256xi1>, vector<128x256xf32>
    %min3A_1565 = arith.minimumf %min3A_1558, %select_n3A_1564 : vector<128x256xf32>
    %slice3A_1566 = vector.extract_strided_slice %bitcast_convert_type3A_26 {offsets = [0, 3328], sizes = [128, 256], strides = [1, 1]} : vector<128x4096xf32> to vector<128x256xf32>
    %gt3A_1567 = vector.broadcast %broadcast_in_dim3A_1457 : vector<128x1xf32> to vector<128x256xf32>
    %gt3A_1568 = arith.cmpf ogt, %slice3A_1566, %gt3A_1567 : vector<128x256xf32>
    %jit3A_1569 = arith.constant 0x7F800000 : f32
    %broadcast_in_dim3A_1570 = vector.broadcast %jit3A_1569 : f32 to vector<128x256xf32>
    %select_n3A_1571 = arith.select %gt3A_1568, %slice3A_1566, %broadcast_in_dim3A_1570 : vector<128x256xi1>, vector<128x256xf32>
    %min3A_1572 = arith.minimumf %min3A_1565, %select_n3A_1571 : vector<128x256xf32>
    %slice3A_1573 = vector.extract_strided_slice %bitcast_convert_type3A_26 {offsets = [0, 3584], sizes = [128, 256], strides = [1, 1]} : vector<128x4096xf32> to vector<128x256xf32>
    %gt3A_1574 = vector.broadcast %broadcast_in_dim3A_1457 : vector<128x1xf32> to vector<128x256xf32>
    %gt3A_1575 = arith.cmpf ogt, %slice3A_1573, %gt3A_1574 : vector<128x256xf32>
    %jit3A_1576 = arith.constant 0x7F800000 : f32
    %broadcast_in_dim3A_1577 = vector.broadcast %jit3A_1576 : f32 to vector<128x256xf32>
    %select_n3A_1578 = arith.select %gt3A_1575, %slice3A_1573, %broadcast_in_dim3A_1577 : vector<128x256xi1>, vector<128x256xf32>
    %min3A_1579 = arith.minimumf %min3A_1572, %select_n3A_1578 : vector<128x256xf32>
    %slice3A_1580 = vector.extract_strided_slice %bitcast_convert_type3A_26 {offsets = [0, 3840], sizes = [128, 256], strides = [1, 1]} : vector<128x4096xf32> to vector<128x256xf32>
    %gt3A_1581 = vector.broadcast %broadcast_in_dim3A_1457 : vector<128x1xf32> to vector<128x256xf32>
    %gt3A_1582 = arith.cmpf ogt, %slice3A_1580, %gt3A_1581 : vector<128x256xf32>
    %jit3A_1583 = arith.constant 0x7F800000 : f32
    %broadcast_in_dim3A_1584 = vector.broadcast %jit3A_1583 : f32 to vector<128x256xf32>
    %select_n3A_1585 = arith.select %gt3A_1582, %slice3A_1580, %broadcast_in_dim3A_1584 : vector<128x256xi1>, vector<128x256xf32>
    %min3A_1586 = arith.minimumf %min3A_1579, %select_n3A_1585 : vector<128x256xf32>
    %reduce_min3A_1587 = arith.constant dense<0x7F800000> : vector<128xf32>
    %reduce_min3A_1588 = vector.multi_reduction <minimumf>, %min3A_1586, %reduce_min3A_1587 [1] : vector<128x256xf32> to vector<128xf32>
    %broadcast_in_dim3A_1589 = vector.shape_cast %reduce_min3A_1588 : vector<128xf32> to vector<128x1xf32>
    %eq3A_1590 = vector.broadcast %broadcast_in_dim3A_1589 : vector<128x1xf32> to vector<128x256xf32>
    %eq3A_1591 = arith.cmpf oeq, %min3A_1586, %eq3A_1590 : vector<128x256xf32>
    %jit3A_1592 = arith.constant 2.560000e+02 : f32
    %broadcast_in_dim3A_1593 = vector.broadcast %jit3A_1592 : f32 to vector<128x256xf32>
    %select_n3A_1594 = arith.select %eq3A_1591, %convert_element_type3A_28, %broadcast_in_dim3A_1593 : vector<128x256xi1>, vector<128x256xf32>
    %reduce_min3A_1595 = arith.constant dense<0x7F800000> : vector<128xf32>
    %reduce_min3A_1596 = vector.multi_reduction <minimumf>, %select_n3A_1594, %reduce_min3A_1595 [1] : vector<128x256xf32> to vector<128xf32>
    %broadcast_in_dim3A_1597 = vector.shape_cast %reduce_min3A_1596 : vector<128xf32> to vector<128x1xf32>
    %bitcast_convert_type3A_1598 = tpu.bitcast %broadcast_in_dim3A_1589 : vector<128x1xf32> -> vector<128x1xi32>
    %and3A_1599 = arith.constant 15 : i32
    %and3A_1600 = vector.broadcast %and3A_1599 : i32 to vector<128x1xi32>
    %and3A_1601 = arith.andi %bitcast_convert_type3A_1598, %and3A_1600 : vector<128x1xi32>
    %shift_left3A_1602 = arith.constant 8 : i32
    %shift_left3A_1603 = vector.broadcast %shift_left3A_1602 : i32 to vector<128x1xi32>
    %shift_left3A_1604 = arith.shli %and3A_1601, %shift_left3A_1603 : vector<128x1xi32>
    %convert_element_type3A_1605 = arith.fptosi %broadcast_in_dim3A_1597 : vector<128x1xf32> to vector<128x1xi32>
    %or3A_1606 = arith.ori %shift_left3A_1604, %convert_element_type3A_1605 : vector<128x1xi32>
    %slice3A_1607 = vector.extract_strided_slice %bitcast_convert_type3A_26 {offsets = [0, 0], sizes = [128, 256], strides = [1, 1]} : vector<128x4096xf32> to vector<128x256xf32>
    %gt3A_1608 = vector.broadcast %broadcast_in_dim3A_1589 : vector<128x1xf32> to vector<128x256xf32>
    %gt3A_1609 = arith.cmpf ogt, %slice3A_1607, %gt3A_1608 : vector<128x256xf32>
    %slice3A_1610 = vector.extract_strided_slice %bitcast_convert_type3A_26 {offsets = [0, 0], sizes = [128, 256], strides = [1, 1]} : vector<128x4096xf32> to vector<128x256xf32>
    %jit3A_1611 = arith.constant 0x7F800000 : f32
    %broadcast_in_dim3A_1612 = vector.broadcast %jit3A_1611 : f32 to vector<128x256xf32>
    %select_n3A_1613 = arith.select %gt3A_1609, %slice3A_1610, %broadcast_in_dim3A_1612 : vector<128x256xi1>, vector<128x256xf32>
    %slice3A_1614 = vector.extract_strided_slice %bitcast_convert_type3A_26 {offsets = [0, 256], sizes = [128, 256], strides = [1, 1]} : vector<128x4096xf32> to vector<128x256xf32>
    %gt3A_1615 = vector.broadcast %broadcast_in_dim3A_1589 : vector<128x1xf32> to vector<128x256xf32>
    %gt3A_1616 = arith.cmpf ogt, %slice3A_1614, %gt3A_1615 : vector<128x256xf32>
    %jit3A_1617 = arith.constant 0x7F800000 : f32
    %broadcast_in_dim3A_1618 = vector.broadcast %jit3A_1617 : f32 to vector<128x256xf32>
    %select_n3A_1619 = arith.select %gt3A_1616, %slice3A_1614, %broadcast_in_dim3A_1618 : vector<128x256xi1>, vector<128x256xf32>
    %min3A_1620 = arith.minimumf %select_n3A_1613, %select_n3A_1619 : vector<128x256xf32>
    %slice3A_1621 = vector.extract_strided_slice %bitcast_convert_type3A_26 {offsets = [0, 512], sizes = [128, 256], strides = [1, 1]} : vector<128x4096xf32> to vector<128x256xf32>
    %gt3A_1622 = vector.broadcast %broadcast_in_dim3A_1589 : vector<128x1xf32> to vector<128x256xf32>
    %gt3A_1623 = arith.cmpf ogt, %slice3A_1621, %gt3A_1622 : vector<128x256xf32>
    %jit3A_1624 = arith.constant 0x7F800000 : f32
    %broadcast_in_dim3A_1625 = vector.broadcast %jit3A_1624 : f32 to vector<128x256xf32>
    %select_n3A_1626 = arith.select %gt3A_1623, %slice3A_1621, %broadcast_in_dim3A_1625 : vector<128x256xi1>, vector<128x256xf32>
    %min3A_1627 = arith.minimumf %min3A_1620, %select_n3A_1626 : vector<128x256xf32>
    %slice3A_1628 = vector.extract_strided_slice %bitcast_convert_type3A_26 {offsets = [0, 768], sizes = [128, 256], strides = [1, 1]} : vector<128x4096xf32> to vector<128x256xf32>
    %gt3A_1629 = vector.broadcast %broadcast_in_dim3A_1589 : vector<128x1xf32> to vector<128x256xf32>
    %gt3A_1630 = arith.cmpf ogt, %slice3A_1628, %gt3A_1629 : vector<128x256xf32>
    %jit3A_1631 = arith.constant 0x7F800000 : f32
    %broadcast_in_dim3A_1632 = vector.broadcast %jit3A_1631 : f32 to vector<128x256xf32>
    %select_n3A_1633 = arith.select %gt3A_1630, %slice3A_1628, %broadcast_in_dim3A_1632 : vector<128x256xi1>, vector<128x256xf32>
    %min3A_1634 = arith.minimumf %min3A_1627, %select_n3A_1633 : vector<128x256xf32>
    %slice3A_1635 = vector.extract_strided_slice %bitcast_convert_type3A_26 {offsets = [0, 1024], sizes = [128, 256], strides = [1, 1]} : vector<128x4096xf32> to vector<128x256xf32>
    %gt3A_1636 = vector.broadcast %broadcast_in_dim3A_1589 : vector<128x1xf32> to vector<128x256xf32>
    %gt3A_1637 = arith.cmpf ogt, %slice3A_1635, %gt3A_1636 : vector<128x256xf32>
    %jit3A_1638 = arith.constant 0x7F800000 : f32
    %broadcast_in_dim3A_1639 = vector.broadcast %jit3A_1638 : f32 to vector<128x256xf32>
    %select_n3A_1640 = arith.select %gt3A_1637, %slice3A_1635, %broadcast_in_dim3A_1639 : vector<128x256xi1>, vector<128x256xf32>
    %min3A_1641 = arith.minimumf %min3A_1634, %select_n3A_1640 : vector<128x256xf32>
    %slice3A_1642 = vector.extract_strided_slice %bitcast_convert_type3A_26 {offsets = [0, 1280], sizes = [128, 256], strides = [1, 1]} : vector<128x4096xf32> to vector<128x256xf32>
    %gt3A_1643 = vector.broadcast %broadcast_in_dim3A_1589 : vector<128x1xf32> to vector<128x256xf32>
    %gt3A_1644 = arith.cmpf ogt, %slice3A_1642, %gt3A_1643 : vector<128x256xf32>
    %jit3A_1645 = arith.constant 0x7F800000 : f32
    %broadcast_in_dim3A_1646 = vector.broadcast %jit3A_1645 : f32 to vector<128x256xf32>
    %select_n3A_1647 = arith.select %gt3A_1644, %slice3A_1642, %broadcast_in_dim3A_1646 : vector<128x256xi1>, vector<128x256xf32>
    %min3A_1648 = arith.minimumf %min3A_1641, %select_n3A_1647 : vector<128x256xf32>
    %slice3A_1649 = vector.extract_strided_slice %bitcast_convert_type3A_26 {offsets = [0, 1536], sizes = [128, 256], strides = [1, 1]} : vector<128x4096xf32> to vector<128x256xf32>
    %gt3A_1650 = vector.broadcast %broadcast_in_dim3A_1589 : vector<128x1xf32> to vector<128x256xf32>
    %gt3A_1651 = arith.cmpf ogt, %slice3A_1649, %gt3A_1650 : vector<128x256xf32>
    %jit3A_1652 = arith.constant 0x7F800000 : f32
    %broadcast_in_dim3A_1653 = vector.broadcast %jit3A_1652 : f32 to vector<128x256xf32>
    %select_n3A_1654 = arith.select %gt3A_1651, %slice3A_1649, %broadcast_in_dim3A_1653 : vector<128x256xi1>, vector<128x256xf32>
    %min3A_1655 = arith.minimumf %min3A_1648, %select_n3A_1654 : vector<128x256xf32>
    %slice3A_1656 = vector.extract_strided_slice %bitcast_convert_type3A_26 {offsets = [0, 1792], sizes = [128, 256], strides = [1, 1]} : vector<128x4096xf32> to vector<128x256xf32>
    %gt3A_1657 = vector.broadcast %broadcast_in_dim3A_1589 : vector<128x1xf32> to vector<128x256xf32>
    %gt3A_1658 = arith.cmpf ogt, %slice3A_1656, %gt3A_1657 : vector<128x256xf32>
    %jit3A_1659 = arith.constant 0x7F800000 : f32
    %broadcast_in_dim3A_1660 = vector.broadcast %jit3A_1659 : f32 to vector<128x256xf32>
    %select_n3A_1661 = arith.select %gt3A_1658, %slice3A_1656, %broadcast_in_dim3A_1660 : vector<128x256xi1>, vector<128x256xf32>
    %min3A_1662 = arith.minimumf %min3A_1655, %select_n3A_1661 : vector<128x256xf32>
    %slice3A_1663 = vector.extract_strided_slice %bitcast_convert_type3A_26 {offsets = [0, 2048], sizes = [128, 256], strides = [1, 1]} : vector<128x4096xf32> to vector<128x256xf32>
    %gt3A_1664 = vector.broadcast %broadcast_in_dim3A_1589 : vector<128x1xf32> to vector<128x256xf32>
    %gt3A_1665 = arith.cmpf ogt, %slice3A_1663, %gt3A_1664 : vector<128x256xf32>
    %jit3A_1666 = arith.constant 0x7F800000 : f32
    %broadcast_in_dim3A_1667 = vector.broadcast %jit3A_1666 : f32 to vector<128x256xf32>
    %select_n3A_1668 = arith.select %gt3A_1665, %slice3A_1663, %broadcast_in_dim3A_1667 : vector<128x256xi1>, vector<128x256xf32>
    %min3A_1669 = arith.minimumf %min3A_1662, %select_n3A_1668 : vector<128x256xf32>
    %slice3A_1670 = vector.extract_strided_slice %bitcast_convert_type3A_26 {offsets = [0, 2304], sizes = [128, 256], strides = [1, 1]} : vector<128x4096xf32> to vector<128x256xf32>
    %gt3A_1671 = vector.broadcast %broadcast_in_dim3A_1589 : vector<128x1xf32> to vector<128x256xf32>
    %gt3A_1672 = arith.cmpf ogt, %slice3A_1670, %gt3A_1671 : vector<128x256xf32>
    %jit3A_1673 = arith.constant 0x7F800000 : f32
    %broadcast_in_dim3A_1674 = vector.broadcast %jit3A_1673 : f32 to vector<128x256xf32>
    %select_n3A_1675 = arith.select %gt3A_1672, %slice3A_1670, %broadcast_in_dim3A_1674 : vector<128x256xi1>, vector<128x256xf32>
    %min3A_1676 = arith.minimumf %min3A_1669, %select_n3A_1675 : vector<128x256xf32>
    %slice3A_1677 = vector.extract_strided_slice %bitcast_convert_type3A_26 {offsets = [0, 2560], sizes = [128, 256], strides = [1, 1]} : vector<128x4096xf32> to vector<128x256xf32>
    %gt3A_1678 = vector.broadcast %broadcast_in_dim3A_1589 : vector<128x1xf32> to vector<128x256xf32>
    %gt3A_1679 = arith.cmpf ogt, %slice3A_1677, %gt3A_1678 : vector<128x256xf32>
    %jit3A_1680 = arith.constant 0x7F800000 : f32
    %broadcast_in_dim3A_1681 = vector.broadcast %jit3A_1680 : f32 to vector<128x256xf32>
    %select_n3A_1682 = arith.select %gt3A_1679, %slice3A_1677, %broadcast_in_dim3A_1681 : vector<128x256xi1>, vector<128x256xf32>
    %min3A_1683 = arith.minimumf %min3A_1676, %select_n3A_1682 : vector<128x256xf32>
    %slice3A_1684 = vector.extract_strided_slice %bitcast_convert_type3A_26 {offsets = [0, 2816], sizes = [128, 256], strides = [1, 1]} : vector<128x4096xf32> to vector<128x256xf32>
    %gt3A_1685 = vector.broadcast %broadcast_in_dim3A_1589 : vector<128x1xf32> to vector<128x256xf32>
    %gt3A_1686 = arith.cmpf ogt, %slice3A_1684, %gt3A_1685 : vector<128x256xf32>
    %jit3A_1687 = arith.constant 0x7F800000 : f32
    %broadcast_in_dim3A_1688 = vector.broadcast %jit3A_1687 : f32 to vector<128x256xf32>
    %select_n3A_1689 = arith.select %gt3A_1686, %slice3A_1684, %broadcast_in_dim3A_1688 : vector<128x256xi1>, vector<128x256xf32>
    %min3A_1690 = arith.minimumf %min3A_1683, %select_n3A_1689 : vector<128x256xf32>
    %slice3A_1691 = vector.extract_strided_slice %bitcast_convert_type3A_26 {offsets = [0, 3072], sizes = [128, 256], strides = [1, 1]} : vector<128x4096xf32> to vector<128x256xf32>
    %gt3A_1692 = vector.broadcast %broadcast_in_dim3A_1589 : vector<128x1xf32> to vector<128x256xf32>
    %gt3A_1693 = arith.cmpf ogt, %slice3A_1691, %gt3A_1692 : vector<128x256xf32>
    %jit3A_1694 = arith.constant 0x7F800000 : f32
    %broadcast_in_dim3A_1695 = vector.broadcast %jit3A_1694 : f32 to vector<128x256xf32>
    %select_n3A_1696 = arith.select %gt3A_1693, %slice3A_1691, %broadcast_in_dim3A_1695 : vector<128x256xi1>, vector<128x256xf32>
    %min3A_1697 = arith.minimumf %min3A_1690, %select_n3A_1696 : vector<128x256xf32>
    %slice3A_1698 = vector.extract_strided_slice %bitcast_convert_type3A_26 {offsets = [0, 3328], sizes = [128, 256], strides = [1, 1]} : vector<128x4096xf32> to vector<128x256xf32>
    %gt3A_1699 = vector.broadcast %broadcast_in_dim3A_1589 : vector<128x1xf32> to vector<128x256xf32>
    %gt3A_1700 = arith.cmpf ogt, %slice3A_1698, %gt3A_1699 : vector<128x256xf32>
    %jit3A_1701 = arith.constant 0x7F800000 : f32
    %broadcast_in_dim3A_1702 = vector.broadcast %jit3A_1701 : f32 to vector<128x256xf32>
    %select_n3A_1703 = arith.select %gt3A_1700, %slice3A_1698, %broadcast_in_dim3A_1702 : vector<128x256xi1>, vector<128x256xf32>
    %min3A_1704 = arith.minimumf %min3A_1697, %select_n3A_1703 : vector<128x256xf32>
    %slice3A_1705 = vector.extract_strided_slice %bitcast_convert_type3A_26 {offsets = [0, 3584], sizes = [128, 256], strides = [1, 1]} : vector<128x4096xf32> to vector<128x256xf32>
    %gt3A_1706 = vector.broadcast %broadcast_in_dim3A_1589 : vector<128x1xf32> to vector<128x256xf32>
    %gt3A_1707 = arith.cmpf ogt, %slice3A_1705, %gt3A_1706 : vector<128x256xf32>
    %jit3A_1708 = arith.constant 0x7F800000 : f32
    %broadcast_in_dim3A_1709 = vector.broadcast %jit3A_1708 : f32 to vector<128x256xf32>
    %select_n3A_1710 = arith.select %gt3A_1707, %slice3A_1705, %broadcast_in_dim3A_1709 : vector<128x256xi1>, vector<128x256xf32>
    %min3A_1711 = arith.minimumf %min3A_1704, %select_n3A_1710 : vector<128x256xf32>
    %slice3A_1712 = vector.extract_strided_slice %bitcast_convert_type3A_26 {offsets = [0, 3840], sizes = [128, 256], strides = [1, 1]} : vector<128x4096xf32> to vector<128x256xf32>
    %gt3A_1713 = vector.broadcast %broadcast_in_dim3A_1589 : vector<128x1xf32> to vector<128x256xf32>
    %gt3A_1714 = arith.cmpf ogt, %slice3A_1712, %gt3A_1713 : vector<128x256xf32>
    %jit3A_1715 = arith.constant 0x7F800000 : f32
    %broadcast_in_dim3A_1716 = vector.broadcast %jit3A_1715 : f32 to vector<128x256xf32>
    %select_n3A_1717 = arith.select %gt3A_1714, %slice3A_1712, %broadcast_in_dim3A_1716 : vector<128x256xi1>, vector<128x256xf32>
    %min3A_1718 = arith.minimumf %min3A_1711, %select_n3A_1717 : vector<128x256xf32>
    %reduce_min3A_1719 = arith.constant dense<0x7F800000> : vector<128xf32>
    %reduce_min3A_1720 = vector.multi_reduction <minimumf>, %min3A_1718, %reduce_min3A_1719 [1] : vector<128x256xf32> to vector<128xf32>
    %broadcast_in_dim3A_1721 = vector.shape_cast %reduce_min3A_1720 : vector<128xf32> to vector<128x1xf32>
    %eq3A_1722 = vector.broadcast %broadcast_in_dim3A_1721 : vector<128x1xf32> to vector<128x256xf32>
    %eq3A_1723 = arith.cmpf oeq, %min3A_1718, %eq3A_1722 : vector<128x256xf32>
    %jit3A_1724 = arith.constant 2.560000e+02 : f32
    %broadcast_in_dim3A_1725 = vector.broadcast %jit3A_1724 : f32 to vector<128x256xf32>
    %select_n3A_1726 = arith.select %eq3A_1723, %convert_element_type3A_28, %broadcast_in_dim3A_1725 : vector<128x256xi1>, vector<128x256xf32>
    %reduce_min3A_1727 = arith.constant dense<0x7F800000> : vector<128xf32>
    %reduce_min3A_1728 = vector.multi_reduction <minimumf>, %select_n3A_1726, %reduce_min3A_1727 [1] : vector<128x256xf32> to vector<128xf32>
    %broadcast_in_dim3A_1729 = vector.shape_cast %reduce_min3A_1728 : vector<128xf32> to vector<128x1xf32>
    %bitcast_convert_type3A_1730 = tpu.bitcast %broadcast_in_dim3A_1721 : vector<128x1xf32> -> vector<128x1xi32>
    %and3A_1731 = arith.constant 15 : i32
    %and3A_1732 = vector.broadcast %and3A_1731 : i32 to vector<128x1xi32>
    %and3A_1733 = arith.andi %bitcast_convert_type3A_1730, %and3A_1732 : vector<128x1xi32>
    %shift_left3A_1734 = arith.constant 8 : i32
    %shift_left3A_1735 = vector.broadcast %shift_left3A_1734 : i32 to vector<128x1xi32>
    %shift_left3A_1736 = arith.shli %and3A_1733, %shift_left3A_1735 : vector<128x1xi32>
    %convert_element_type3A_1737 = arith.fptosi %broadcast_in_dim3A_1729 : vector<128x1xf32> to vector<128x1xi32>
    %or3A_1738 = arith.ori %shift_left3A_1736, %convert_element_type3A_1737 : vector<128x1xi32>
    %slice3A_1739 = vector.extract_strided_slice %bitcast_convert_type3A_26 {offsets = [0, 0], sizes = [128, 256], strides = [1, 1]} : vector<128x4096xf32> to vector<128x256xf32>
    %gt3A_1740 = vector.broadcast %broadcast_in_dim3A_1721 : vector<128x1xf32> to vector<128x256xf32>
    %gt3A_1741 = arith.cmpf ogt, %slice3A_1739, %gt3A_1740 : vector<128x256xf32>
    %slice3A_1742 = vector.extract_strided_slice %bitcast_convert_type3A_26 {offsets = [0, 0], sizes = [128, 256], strides = [1, 1]} : vector<128x4096xf32> to vector<128x256xf32>
    %jit3A_1743 = arith.constant 0x7F800000 : f32
    %broadcast_in_dim3A_1744 = vector.broadcast %jit3A_1743 : f32 to vector<128x256xf32>
    %select_n3A_1745 = arith.select %gt3A_1741, %slice3A_1742, %broadcast_in_dim3A_1744 : vector<128x256xi1>, vector<128x256xf32>
    %slice3A_1746 = vector.extract_strided_slice %bitcast_convert_type3A_26 {offsets = [0, 256], sizes = [128, 256], strides = [1, 1]} : vector<128x4096xf32> to vector<128x256xf32>
    %gt3A_1747 = vector.broadcast %broadcast_in_dim3A_1721 : vector<128x1xf32> to vector<128x256xf32>
    %gt3A_1748 = arith.cmpf ogt, %slice3A_1746, %gt3A_1747 : vector<128x256xf32>
    %jit3A_1749 = arith.constant 0x7F800000 : f32
    %broadcast_in_dim3A_1750 = vector.broadcast %jit3A_1749 : f32 to vector<128x256xf32>
    %select_n3A_1751 = arith.select %gt3A_1748, %slice3A_1746, %broadcast_in_dim3A_1750 : vector<128x256xi1>, vector<128x256xf32>
    %min3A_1752 = arith.minimumf %select_n3A_1745, %select_n3A_1751 : vector<128x256xf32>
    %slice3A_1753 = vector.extract_strided_slice %bitcast_convert_type3A_26 {offsets = [0, 512], sizes = [128, 256], strides = [1, 1]} : vector<128x4096xf32> to vector<128x256xf32>
    %gt3A_1754 = vector.broadcast %broadcast_in_dim3A_1721 : vector<128x1xf32> to vector<128x256xf32>
    %gt3A_1755 = arith.cmpf ogt, %slice3A_1753, %gt3A_1754 : vector<128x256xf32>
    %jit3A_1756 = arith.constant 0x7F800000 : f32
    %broadcast_in_dim3A_1757 = vector.broadcast %jit3A_1756 : f32 to vector<128x256xf32>
    %select_n3A_1758 = arith.select %gt3A_1755, %slice3A_1753, %broadcast_in_dim3A_1757 : vector<128x256xi1>, vector<128x256xf32>
    %min3A_1759 = arith.minimumf %min3A_1752, %select_n3A_1758 : vector<128x256xf32>
    %slice3A_1760 = vector.extract_strided_slice %bitcast_convert_type3A_26 {offsets = [0, 768], sizes = [128, 256], strides = [1, 1]} : vector<128x4096xf32> to vector<128x256xf32>
    %gt3A_1761 = vector.broadcast %broadcast_in_dim3A_1721 : vector<128x1xf32> to vector<128x256xf32>
    %gt3A_1762 = arith.cmpf ogt, %slice3A_1760, %gt3A_1761 : vector<128x256xf32>
    %jit3A_1763 = arith.constant 0x7F800000 : f32
    %broadcast_in_dim3A_1764 = vector.broadcast %jit3A_1763 : f32 to vector<128x256xf32>
    %select_n3A_1765 = arith.select %gt3A_1762, %slice3A_1760, %broadcast_in_dim3A_1764 : vector<128x256xi1>, vector<128x256xf32>
    %min3A_1766 = arith.minimumf %min3A_1759, %select_n3A_1765 : vector<128x256xf32>
    %slice3A_1767 = vector.extract_strided_slice %bitcast_convert_type3A_26 {offsets = [0, 1024], sizes = [128, 256], strides = [1, 1]} : vector<128x4096xf32> to vector<128x256xf32>
    %gt3A_1768 = vector.broadcast %broadcast_in_dim3A_1721 : vector<128x1xf32> to vector<128x256xf32>
    %gt3A_1769 = arith.cmpf ogt, %slice3A_1767, %gt3A_1768 : vector<128x256xf32>
    %jit3A_1770 = arith.constant 0x7F800000 : f32
    %broadcast_in_dim3A_1771 = vector.broadcast %jit3A_1770 : f32 to vector<128x256xf32>
    %select_n3A_1772 = arith.select %gt3A_1769, %slice3A_1767, %broadcast_in_dim3A_1771 : vector<128x256xi1>, vector<128x256xf32>
    %min3A_1773 = arith.minimumf %min3A_1766, %select_n3A_1772 : vector<128x256xf32>
    %slice3A_1774 = vector.extract_strided_slice %bitcast_convert_type3A_26 {offsets = [0, 1280], sizes = [128, 256], strides = [1, 1]} : vector<128x4096xf32> to vector<128x256xf32>
    %gt3A_1775 = vector.broadcast %broadcast_in_dim3A_1721 : vector<128x1xf32> to vector<128x256xf32>
    %gt3A_1776 = arith.cmpf ogt, %slice3A_1774, %gt3A_1775 : vector<128x256xf32>
    %jit3A_1777 = arith.constant 0x7F800000 : f32
    %broadcast_in_dim3A_1778 = vector.broadcast %jit3A_1777 : f32 to vector<128x256xf32>
    %select_n3A_1779 = arith.select %gt3A_1776, %slice3A_1774, %broadcast_in_dim3A_1778 : vector<128x256xi1>, vector<128x256xf32>
    %min3A_1780 = arith.minimumf %min3A_1773, %select_n3A_1779 : vector<128x256xf32>
    %slice3A_1781 = vector.extract_strided_slice %bitcast_convert_type3A_26 {offsets = [0, 1536], sizes = [128, 256], strides = [1, 1]} : vector<128x4096xf32> to vector<128x256xf32>
    %gt3A_1782 = vector.broadcast %broadcast_in_dim3A_1721 : vector<128x1xf32> to vector<128x256xf32>
    %gt3A_1783 = arith.cmpf ogt, %slice3A_1781, %gt3A_1782 : vector<128x256xf32>
    %jit3A_1784 = arith.constant 0x7F800000 : f32
    %broadcast_in_dim3A_1785 = vector.broadcast %jit3A_1784 : f32 to vector<128x256xf32>
    %select_n3A_1786 = arith.select %gt3A_1783, %slice3A_1781, %broadcast_in_dim3A_1785 : vector<128x256xi1>, vector<128x256xf32>
    %min3A_1787 = arith.minimumf %min3A_1780, %select_n3A_1786 : vector<128x256xf32>
    %slice3A_1788 = vector.extract_strided_slice %bitcast_convert_type3A_26 {offsets = [0, 1792], sizes = [128, 256], strides = [1, 1]} : vector<128x4096xf32> to vector<128x256xf32>
    %gt3A_1789 = vector.broadcast %broadcast_in_dim3A_1721 : vector<128x1xf32> to vector<128x256xf32>
    %gt3A_1790 = arith.cmpf ogt, %slice3A_1788, %gt3A_1789 : vector<128x256xf32>
    %jit3A_1791 = arith.constant 0x7F800000 : f32
    %broadcast_in_dim3A_1792 = vector.broadcast %jit3A_1791 : f32 to vector<128x256xf32>
    %select_n3A_1793 = arith.select %gt3A_1790, %slice3A_1788, %broadcast_in_dim3A_1792 : vector<128x256xi1>, vector<128x256xf32>
    %min3A_1794 = arith.minimumf %min3A_1787, %select_n3A_1793 : vector<128x256xf32>
    %slice3A_1795 = vector.extract_strided_slice %bitcast_convert_type3A_26 {offsets = [0, 2048], sizes = [128, 256], strides = [1, 1]} : vector<128x4096xf32> to vector<128x256xf32>
    %gt3A_1796 = vector.broadcast %broadcast_in_dim3A_1721 : vector<128x1xf32> to vector<128x256xf32>
    %gt3A_1797 = arith.cmpf ogt, %slice3A_1795, %gt3A_1796 : vector<128x256xf32>
    %jit3A_1798 = arith.constant 0x7F800000 : f32
    %broadcast_in_dim3A_1799 = vector.broadcast %jit3A_1798 : f32 to vector<128x256xf32>
    %select_n3A_1800 = arith.select %gt3A_1797, %slice3A_1795, %broadcast_in_dim3A_1799 : vector<128x256xi1>, vector<128x256xf32>
    %min3A_1801 = arith.minimumf %min3A_1794, %select_n3A_1800 : vector<128x256xf32>
    %slice3A_1802 = vector.extract_strided_slice %bitcast_convert_type3A_26 {offsets = [0, 2304], sizes = [128, 256], strides = [1, 1]} : vector<128x4096xf32> to vector<128x256xf32>
    %gt3A_1803 = vector.broadcast %broadcast_in_dim3A_1721 : vector<128x1xf32> to vector<128x256xf32>
    %gt3A_1804 = arith.cmpf ogt, %slice3A_1802, %gt3A_1803 : vector<128x256xf32>
    %jit3A_1805 = arith.constant 0x7F800000 : f32
    %broadcast_in_dim3A_1806 = vector.broadcast %jit3A_1805 : f32 to vector<128x256xf32>
    %select_n3A_1807 = arith.select %gt3A_1804, %slice3A_1802, %broadcast_in_dim3A_1806 : vector<128x256xi1>, vector<128x256xf32>
    %min3A_1808 = arith.minimumf %min3A_1801, %select_n3A_1807 : vector<128x256xf32>
    %slice3A_1809 = vector.extract_strided_slice %bitcast_convert_type3A_26 {offsets = [0, 2560], sizes = [128, 256], strides = [1, 1]} : vector<128x4096xf32> to vector<128x256xf32>
    %gt3A_1810 = vector.broadcast %broadcast_in_dim3A_1721 : vector<128x1xf32> to vector<128x256xf32>
    %gt3A_1811 = arith.cmpf ogt, %slice3A_1809, %gt3A_1810 : vector<128x256xf32>
    %jit3A_1812 = arith.constant 0x7F800000 : f32
    %broadcast_in_dim3A_1813 = vector.broadcast %jit3A_1812 : f32 to vector<128x256xf32>
    %select_n3A_1814 = arith.select %gt3A_1811, %slice3A_1809, %broadcast_in_dim3A_1813 : vector<128x256xi1>, vector<128x256xf32>
    %min3A_1815 = arith.minimumf %min3A_1808, %select_n3A_1814 : vector<128x256xf32>
    %slice3A_1816 = vector.extract_strided_slice %bitcast_convert_type3A_26 {offsets = [0, 2816], sizes = [128, 256], strides = [1, 1]} : vector<128x4096xf32> to vector<128x256xf32>
    %gt3A_1817 = vector.broadcast %broadcast_in_dim3A_1721 : vector<128x1xf32> to vector<128x256xf32>
    %gt3A_1818 = arith.cmpf ogt, %slice3A_1816, %gt3A_1817 : vector<128x256xf32>
    %jit3A_1819 = arith.constant 0x7F800000 : f32
    %broadcast_in_dim3A_1820 = vector.broadcast %jit3A_1819 : f32 to vector<128x256xf32>
    %select_n3A_1821 = arith.select %gt3A_1818, %slice3A_1816, %broadcast_in_dim3A_1820 : vector<128x256xi1>, vector<128x256xf32>
    %min3A_1822 = arith.minimumf %min3A_1815, %select_n3A_1821 : vector<128x256xf32>
    %slice3A_1823 = vector.extract_strided_slice %bitcast_convert_type3A_26 {offsets = [0, 3072], sizes = [128, 256], strides = [1, 1]} : vector<128x4096xf32> to vector<128x256xf32>
    %gt3A_1824 = vector.broadcast %broadcast_in_dim3A_1721 : vector<128x1xf32> to vector<128x256xf32>
    %gt3A_1825 = arith.cmpf ogt, %slice3A_1823, %gt3A_1824 : vector<128x256xf32>
    %jit3A_1826 = arith.constant 0x7F800000 : f32
    %broadcast_in_dim3A_1827 = vector.broadcast %jit3A_1826 : f32 to vector<128x256xf32>
    %select_n3A_1828 = arith.select %gt3A_1825, %slice3A_1823, %broadcast_in_dim3A_1827 : vector<128x256xi1>, vector<128x256xf32>
    %min3A_1829 = arith.minimumf %min3A_1822, %select_n3A_1828 : vector<128x256xf32>
    %slice3A_1830 = vector.extract_strided_slice %bitcast_convert_type3A_26 {offsets = [0, 3328], sizes = [128, 256], strides = [1, 1]} : vector<128x4096xf32> to vector<128x256xf32>
    %gt3A_1831 = vector.broadcast %broadcast_in_dim3A_1721 : vector<128x1xf32> to vector<128x256xf32>
    %gt3A_1832 = arith.cmpf ogt, %slice3A_1830, %gt3A_1831 : vector<128x256xf32>
    %jit3A_1833 = arith.constant 0x7F800000 : f32
    %broadcast_in_dim3A_1834 = vector.broadcast %jit3A_1833 : f32 to vector<128x256xf32>
    %select_n3A_1835 = arith.select %gt3A_1832, %slice3A_1830, %broadcast_in_dim3A_1834 : vector<128x256xi1>, vector<128x256xf32>
    %min3A_1836 = arith.minimumf %min3A_1829, %select_n3A_1835 : vector<128x256xf32>
    %slice3A_1837 = vector.extract_strided_slice %bitcast_convert_type3A_26 {offsets = [0, 3584], sizes = [128, 256], strides = [1, 1]} : vector<128x4096xf32> to vector<128x256xf32>
    %gt3A_1838 = vector.broadcast %broadcast_in_dim3A_1721 : vector<128x1xf32> to vector<128x256xf32>
    %gt3A_1839 = arith.cmpf ogt, %slice3A_1837, %gt3A_1838 : vector<128x256xf32>
    %jit3A_1840 = arith.constant 0x7F800000 : f32
    %broadcast_in_dim3A_1841 = vector.broadcast %jit3A_1840 : f32 to vector<128x256xf32>
    %select_n3A_1842 = arith.select %gt3A_1839, %slice3A_1837, %broadcast_in_dim3A_1841 : vector<128x256xi1>, vector<128x256xf32>
    %min3A_1843 = arith.minimumf %min3A_1836, %select_n3A_1842 : vector<128x256xf32>
    %slice3A_1844 = vector.extract_strided_slice %bitcast_convert_type3A_26 {offsets = [0, 3840], sizes = [128, 256], strides = [1, 1]} : vector<128x4096xf32> to vector<128x256xf32>
    %gt3A_1845 = vector.broadcast %broadcast_in_dim3A_1721 : vector<128x1xf32> to vector<128x256xf32>
    %gt3A_1846 = arith.cmpf ogt, %slice3A_1844, %gt3A_1845 : vector<128x256xf32>
    %jit3A_1847 = arith.constant 0x7F800000 : f32
    %broadcast_in_dim3A_1848 = vector.broadcast %jit3A_1847 : f32 to vector<128x256xf32>
    %select_n3A_1849 = arith.select %gt3A_1846, %slice3A_1844, %broadcast_in_dim3A_1848 : vector<128x256xi1>, vector<128x256xf32>
    %min3A_1850 = arith.minimumf %min3A_1843, %select_n3A_1849 : vector<128x256xf32>
    %reduce_min3A_1851 = arith.constant dense<0x7F800000> : vector<128xf32>
    %reduce_min3A_1852 = vector.multi_reduction <minimumf>, %min3A_1850, %reduce_min3A_1851 [1] : vector<128x256xf32> to vector<128xf32>
    %broadcast_in_dim3A_1853 = vector.shape_cast %reduce_min3A_1852 : vector<128xf32> to vector<128x1xf32>
    %eq3A_1854 = vector.broadcast %broadcast_in_dim3A_1853 : vector<128x1xf32> to vector<128x256xf32>
    %eq3A_1855 = arith.cmpf oeq, %min3A_1850, %eq3A_1854 : vector<128x256xf32>
    %jit3A_1856 = arith.constant 2.560000e+02 : f32
    %broadcast_in_dim3A_1857 = vector.broadcast %jit3A_1856 : f32 to vector<128x256xf32>
    %select_n3A_1858 = arith.select %eq3A_1855, %convert_element_type3A_28, %broadcast_in_dim3A_1857 : vector<128x256xi1>, vector<128x256xf32>
    %reduce_min3A_1859 = arith.constant dense<0x7F800000> : vector<128xf32>
    %reduce_min3A_1860 = vector.multi_reduction <minimumf>, %select_n3A_1858, %reduce_min3A_1859 [1] : vector<128x256xf32> to vector<128xf32>
    %broadcast_in_dim3A_1861 = vector.shape_cast %reduce_min3A_1860 : vector<128xf32> to vector<128x1xf32>
    %bitcast_convert_type3A_1862 = tpu.bitcast %broadcast_in_dim3A_1853 : vector<128x1xf32> -> vector<128x1xi32>
    %and3A_1863 = arith.constant 15 : i32
    %and3A_1864 = vector.broadcast %and3A_1863 : i32 to vector<128x1xi32>
    %and3A_1865 = arith.andi %bitcast_convert_type3A_1862, %and3A_1864 : vector<128x1xi32>
    %shift_left3A_1866 = arith.constant 8 : i32
    %shift_left3A_1867 = vector.broadcast %shift_left3A_1866 : i32 to vector<128x1xi32>
    %shift_left3A_1868 = arith.shli %and3A_1865, %shift_left3A_1867 : vector<128x1xi32>
    %convert_element_type3A_1869 = arith.fptosi %broadcast_in_dim3A_1861 : vector<128x1xf32> to vector<128x1xi32>
    %or3A_1870 = arith.ori %shift_left3A_1868, %convert_element_type3A_1869 : vector<128x1xi32>
    %slice3A_1871 = vector.extract_strided_slice %bitcast_convert_type3A_26 {offsets = [0, 0], sizes = [128, 256], strides = [1, 1]} : vector<128x4096xf32> to vector<128x256xf32>
    %gt3A_1872 = vector.broadcast %broadcast_in_dim3A_1853 : vector<128x1xf32> to vector<128x256xf32>
    %gt3A_1873 = arith.cmpf ogt, %slice3A_1871, %gt3A_1872 : vector<128x256xf32>
    %slice3A_1874 = vector.extract_strided_slice %bitcast_convert_type3A_26 {offsets = [0, 0], sizes = [128, 256], strides = [1, 1]} : vector<128x4096xf32> to vector<128x256xf32>
    %jit3A_1875 = arith.constant 0x7F800000 : f32
    %broadcast_in_dim3A_1876 = vector.broadcast %jit3A_1875 : f32 to vector<128x256xf32>
    %select_n3A_1877 = arith.select %gt3A_1873, %slice3A_1874, %broadcast_in_dim3A_1876 : vector<128x256xi1>, vector<128x256xf32>
    %slice3A_1878 = vector.extract_strided_slice %bitcast_convert_type3A_26 {offsets = [0, 256], sizes = [128, 256], strides = [1, 1]} : vector<128x4096xf32> to vector<128x256xf32>
    %gt3A_1879 = vector.broadcast %broadcast_in_dim3A_1853 : vector<128x1xf32> to vector<128x256xf32>
    %gt3A_1880 = arith.cmpf ogt, %slice3A_1878, %gt3A_1879 : vector<128x256xf32>
    %jit3A_1881 = arith.constant 0x7F800000 : f32
    %broadcast_in_dim3A_1882 = vector.broadcast %jit3A_1881 : f32 to vector<128x256xf32>
    %select_n3A_1883 = arith.select %gt3A_1880, %slice3A_1878, %broadcast_in_dim3A_1882 : vector<128x256xi1>, vector<128x256xf32>
    %min3A_1884 = arith.minimumf %select_n3A_1877, %select_n3A_1883 : vector<128x256xf32>
    %slice3A_1885 = vector.extract_strided_slice %bitcast_convert_type3A_26 {offsets = [0, 512], sizes = [128, 256], strides = [1, 1]} : vector<128x4096xf32> to vector<128x256xf32>
    %gt3A_1886 = vector.broadcast %broadcast_in_dim3A_1853 : vector<128x1xf32> to vector<128x256xf32>
    %gt3A_1887 = arith.cmpf ogt, %slice3A_1885, %gt3A_1886 : vector<128x256xf32>
    %jit3A_1888 = arith.constant 0x7F800000 : f32
    %broadcast_in_dim3A_1889 = vector.broadcast %jit3A_1888 : f32 to vector<128x256xf32>
    %select_n3A_1890 = arith.select %gt3A_1887, %slice3A_1885, %broadcast_in_dim3A_1889 : vector<128x256xi1>, vector<128x256xf32>
    %min3A_1891 = arith.minimumf %min3A_1884, %select_n3A_1890 : vector<128x256xf32>
    %slice3A_1892 = vector.extract_strided_slice %bitcast_convert_type3A_26 {offsets = [0, 768], sizes = [128, 256], strides = [1, 1]} : vector<128x4096xf32> to vector<128x256xf32>
    %gt3A_1893 = vector.broadcast %broadcast_in_dim3A_1853 : vector<128x1xf32> to vector<128x256xf32>
    %gt3A_1894 = arith.cmpf ogt, %slice3A_1892, %gt3A_1893 : vector<128x256xf32>
    %jit3A_1895 = arith.constant 0x7F800000 : f32
    %broadcast_in_dim3A_1896 = vector.broadcast %jit3A_1895 : f32 to vector<128x256xf32>
    %select_n3A_1897 = arith.select %gt3A_1894, %slice3A_1892, %broadcast_in_dim3A_1896 : vector<128x256xi1>, vector<128x256xf32>
    %min3A_1898 = arith.minimumf %min3A_1891, %select_n3A_1897 : vector<128x256xf32>
    %slice3A_1899 = vector.extract_strided_slice %bitcast_convert_type3A_26 {offsets = [0, 1024], sizes = [128, 256], strides = [1, 1]} : vector<128x4096xf32> to vector<128x256xf32>
    %gt3A_1900 = vector.broadcast %broadcast_in_dim3A_1853 : vector<128x1xf32> to vector<128x256xf32>
    %gt3A_1901 = arith.cmpf ogt, %slice3A_1899, %gt3A_1900 : vector<128x256xf32>
    %jit3A_1902 = arith.constant 0x7F800000 : f32
    %broadcast_in_dim3A_1903 = vector.broadcast %jit3A_1902 : f32 to vector<128x256xf32>
    %select_n3A_1904 = arith.select %gt3A_1901, %slice3A_1899, %broadcast_in_dim3A_1903 : vector<128x256xi1>, vector<128x256xf32>
    %min3A_1905 = arith.minimumf %min3A_1898, %select_n3A_1904 : vector<128x256xf32>
    %slice3A_1906 = vector.extract_strided_slice %bitcast_convert_type3A_26 {offsets = [0, 1280], sizes = [128, 256], strides = [1, 1]} : vector<128x4096xf32> to vector<128x256xf32>
    %gt3A_1907 = vector.broadcast %broadcast_in_dim3A_1853 : vector<128x1xf32> to vector<128x256xf32>
    %gt3A_1908 = arith.cmpf ogt, %slice3A_1906, %gt3A_1907 : vector<128x256xf32>
    %jit3A_1909 = arith.constant 0x7F800000 : f32
    %broadcast_in_dim3A_1910 = vector.broadcast %jit3A_1909 : f32 to vector<128x256xf32>
    %select_n3A_1911 = arith.select %gt3A_1908, %slice3A_1906, %broadcast_in_dim3A_1910 : vector<128x256xi1>, vector<128x256xf32>
    %min3A_1912 = arith.minimumf %min3A_1905, %select_n3A_1911 : vector<128x256xf32>
    %slice3A_1913 = vector.extract_strided_slice %bitcast_convert_type3A_26 {offsets = [0, 1536], sizes = [128, 256], strides = [1, 1]} : vector<128x4096xf32> to vector<128x256xf32>
    %gt3A_1914 = vector.broadcast %broadcast_in_dim3A_1853 : vector<128x1xf32> to vector<128x256xf32>
    %gt3A_1915 = arith.cmpf ogt, %slice3A_1913, %gt3A_1914 : vector<128x256xf32>
    %jit3A_1916 = arith.constant 0x7F800000 : f32
    %broadcast_in_dim3A_1917 = vector.broadcast %jit3A_1916 : f32 to vector<128x256xf32>
    %select_n3A_1918 = arith.select %gt3A_1915, %slice3A_1913, %broadcast_in_dim3A_1917 : vector<128x256xi1>, vector<128x256xf32>
    %min3A_1919 = arith.minimumf %min3A_1912, %select_n3A_1918 : vector<128x256xf32>
    %slice3A_1920 = vector.extract_strided_slice %bitcast_convert_type3A_26 {offsets = [0, 1792], sizes = [128, 256], strides = [1, 1]} : vector<128x4096xf32> to vector<128x256xf32>
    %gt3A_1921 = vector.broadcast %broadcast_in_dim3A_1853 : vector<128x1xf32> to vector<128x256xf32>
    %gt3A_1922 = arith.cmpf ogt, %slice3A_1920, %gt3A_1921 : vector<128x256xf32>
    %jit3A_1923 = arith.constant 0x7F800000 : f32
    %broadcast_in_dim3A_1924 = vector.broadcast %jit3A_1923 : f32 to vector<128x256xf32>
    %select_n3A_1925 = arith.select %gt3A_1922, %slice3A_1920, %broadcast_in_dim3A_1924 : vector<128x256xi1>, vector<128x256xf32>
    %min3A_1926 = arith.minimumf %min3A_1919, %select_n3A_1925 : vector<128x256xf32>
    %slice3A_1927 = vector.extract_strided_slice %bitcast_convert_type3A_26 {offsets = [0, 2048], sizes = [128, 256], strides = [1, 1]} : vector<128x4096xf32> to vector<128x256xf32>
    %gt3A_1928 = vector.broadcast %broadcast_in_dim3A_1853 : vector<128x1xf32> to vector<128x256xf32>
    %gt3A_1929 = arith.cmpf ogt, %slice3A_1927, %gt3A_1928 : vector<128x256xf32>
    %jit3A_1930 = arith.constant 0x7F800000 : f32
    %broadcast_in_dim3A_1931 = vector.broadcast %jit3A_1930 : f32 to vector<128x256xf32>
    %select_n3A_1932 = arith.select %gt3A_1929, %slice3A_1927, %broadcast_in_dim3A_1931 : vector<128x256xi1>, vector<128x256xf32>
    %min3A_1933 = arith.minimumf %min3A_1926, %select_n3A_1932 : vector<128x256xf32>
    %slice3A_1934 = vector.extract_strided_slice %bitcast_convert_type3A_26 {offsets = [0, 2304], sizes = [128, 256], strides = [1, 1]} : vector<128x4096xf32> to vector<128x256xf32>
    %gt3A_1935 = vector.broadcast %broadcast_in_dim3A_1853 : vector<128x1xf32> to vector<128x256xf32>
    %gt3A_1936 = arith.cmpf ogt, %slice3A_1934, %gt3A_1935 : vector<128x256xf32>
    %jit3A_1937 = arith.constant 0x7F800000 : f32
    %broadcast_in_dim3A_1938 = vector.broadcast %jit3A_1937 : f32 to vector<128x256xf32>
    %select_n3A_1939 = arith.select %gt3A_1936, %slice3A_1934, %broadcast_in_dim3A_1938 : vector<128x256xi1>, vector<128x256xf32>
    %min3A_1940 = arith.minimumf %min3A_1933, %select_n3A_1939 : vector<128x256xf32>
    %slice3A_1941 = vector.extract_strided_slice %bitcast_convert_type3A_26 {offsets = [0, 2560], sizes = [128, 256], strides = [1, 1]} : vector<128x4096xf32> to vector<128x256xf32>
    %gt3A_1942 = vector.broadcast %broadcast_in_dim3A_1853 : vector<128x1xf32> to vector<128x256xf32>
    %gt3A_1943 = arith.cmpf ogt, %slice3A_1941, %gt3A_1942 : vector<128x256xf32>
    %jit3A_1944 = arith.constant 0x7F800000 : f32
    %broadcast_in_dim3A_1945 = vector.broadcast %jit3A_1944 : f32 to vector<128x256xf32>
    %select_n3A_1946 = arith.select %gt3A_1943, %slice3A_1941, %broadcast_in_dim3A_1945 : vector<128x256xi1>, vector<128x256xf32>
    %min3A_1947 = arith.minimumf %min3A_1940, %select_n3A_1946 : vector<128x256xf32>
    %slice3A_1948 = vector.extract_strided_slice %bitcast_convert_type3A_26 {offsets = [0, 2816], sizes = [128, 256], strides = [1, 1]} : vector<128x4096xf32> to vector<128x256xf32>
    %gt3A_1949 = vector.broadcast %broadcast_in_dim3A_1853 : vector<128x1xf32> to vector<128x256xf32>
    %gt3A_1950 = arith.cmpf ogt, %slice3A_1948, %gt3A_1949 : vector<128x256xf32>
    %jit3A_1951 = arith.constant 0x7F800000 : f32
    %broadcast_in_dim3A_1952 = vector.broadcast %jit3A_1951 : f32 to vector<128x256xf32>
    %select_n3A_1953 = arith.select %gt3A_1950, %slice3A_1948, %broadcast_in_dim3A_1952 : vector<128x256xi1>, vector<128x256xf32>
    %min3A_1954 = arith.minimumf %min3A_1947, %select_n3A_1953 : vector<128x256xf32>
    %slice3A_1955 = vector.extract_strided_slice %bitcast_convert_type3A_26 {offsets = [0, 3072], sizes = [128, 256], strides = [1, 1]} : vector<128x4096xf32> to vector<128x256xf32>
    %gt3A_1956 = vector.broadcast %broadcast_in_dim3A_1853 : vector<128x1xf32> to vector<128x256xf32>
    %gt3A_1957 = arith.cmpf ogt, %slice3A_1955, %gt3A_1956 : vector<128x256xf32>
    %jit3A_1958 = arith.constant 0x7F800000 : f32
    %broadcast_in_dim3A_1959 = vector.broadcast %jit3A_1958 : f32 to vector<128x256xf32>
    %select_n3A_1960 = arith.select %gt3A_1957, %slice3A_1955, %broadcast_in_dim3A_1959 : vector<128x256xi1>, vector<128x256xf32>
    %min3A_1961 = arith.minimumf %min3A_1954, %select_n3A_1960 : vector<128x256xf32>
    %slice3A_1962 = vector.extract_strided_slice %bitcast_convert_type3A_26 {offsets = [0, 3328], sizes = [128, 256], strides = [1, 1]} : vector<128x4096xf32> to vector<128x256xf32>
    %gt3A_1963 = vector.broadcast %broadcast_in_dim3A_1853 : vector<128x1xf32> to vector<128x256xf32>
    %gt3A_1964 = arith.cmpf ogt, %slice3A_1962, %gt3A_1963 : vector<128x256xf32>
    %jit3A_1965 = arith.constant 0x7F800000 : f32
    %broadcast_in_dim3A_1966 = vector.broadcast %jit3A_1965 : f32 to vector<128x256xf32>
    %select_n3A_1967 = arith.select %gt3A_1964, %slice3A_1962, %broadcast_in_dim3A_1966 : vector<128x256xi1>, vector<128x256xf32>
    %min3A_1968 = arith.minimumf %min3A_1961, %select_n3A_1967 : vector<128x256xf32>
    %slice3A_1969 = vector.extract_strided_slice %bitcast_convert_type3A_26 {offsets = [0, 3584], sizes = [128, 256], strides = [1, 1]} : vector<128x4096xf32> to vector<128x256xf32>
    %gt3A_1970 = vector.broadcast %broadcast_in_dim3A_1853 : vector<128x1xf32> to vector<128x256xf32>
    %gt3A_1971 = arith.cmpf ogt, %slice3A_1969, %gt3A_1970 : vector<128x256xf32>
    %jit3A_1972 = arith.constant 0x7F800000 : f32
    %broadcast_in_dim3A_1973 = vector.broadcast %jit3A_1972 : f32 to vector<128x256xf32>
    %select_n3A_1974 = arith.select %gt3A_1971, %slice3A_1969, %broadcast_in_dim3A_1973 : vector<128x256xi1>, vector<128x256xf32>
    %min3A_1975 = arith.minimumf %min3A_1968, %select_n3A_1974 : vector<128x256xf32>
    %slice3A_1976 = vector.extract_strided_slice %bitcast_convert_type3A_26 {offsets = [0, 3840], sizes = [128, 256], strides = [1, 1]} : vector<128x4096xf32> to vector<128x256xf32>
    %gt3A_1977 = vector.broadcast %broadcast_in_dim3A_1853 : vector<128x1xf32> to vector<128x256xf32>
    %gt3A_1978 = arith.cmpf ogt, %slice3A_1976, %gt3A_1977 : vector<128x256xf32>
    %jit3A_1979 = arith.constant 0x7F800000 : f32
    %broadcast_in_dim3A_1980 = vector.broadcast %jit3A_1979 : f32 to vector<128x256xf32>
    %select_n3A_1981 = arith.select %gt3A_1978, %slice3A_1976, %broadcast_in_dim3A_1980 : vector<128x256xi1>, vector<128x256xf32>
    %min3A_1982 = arith.minimumf %min3A_1975, %select_n3A_1981 : vector<128x256xf32>
    %reduce_min3A_1983 = arith.constant dense<0x7F800000> : vector<128xf32>
    %reduce_min3A_1984 = vector.multi_reduction <minimumf>, %min3A_1982, %reduce_min3A_1983 [1] : vector<128x256xf32> to vector<128xf32>
    %broadcast_in_dim3A_1985 = vector.shape_cast %reduce_min3A_1984 : vector<128xf32> to vector<128x1xf32>
    %eq3A_1986 = vector.broadcast %broadcast_in_dim3A_1985 : vector<128x1xf32> to vector<128x256xf32>
    %eq3A_1987 = arith.cmpf oeq, %min3A_1982, %eq3A_1986 : vector<128x256xf32>
    %jit3A_1988 = arith.constant 2.560000e+02 : f32
    %broadcast_in_dim3A_1989 = vector.broadcast %jit3A_1988 : f32 to vector<128x256xf32>
    %select_n3A_1990 = arith.select %eq3A_1987, %convert_element_type3A_28, %broadcast_in_dim3A_1989 : vector<128x256xi1>, vector<128x256xf32>
    %reduce_min3A_1991 = arith.constant dense<0x7F800000> : vector<128xf32>
    %reduce_min3A_1992 = vector.multi_reduction <minimumf>, %select_n3A_1990, %reduce_min3A_1991 [1] : vector<128x256xf32> to vector<128xf32>
    %broadcast_in_dim3A_1993 = vector.shape_cast %reduce_min3A_1992 : vector<128xf32> to vector<128x1xf32>
    %bitcast_convert_type3A_1994 = tpu.bitcast %broadcast_in_dim3A_1985 : vector<128x1xf32> -> vector<128x1xi32>
    %and3A_1995 = arith.constant 15 : i32
    %and3A_1996 = vector.broadcast %and3A_1995 : i32 to vector<128x1xi32>
    %and3A_1997 = arith.andi %bitcast_convert_type3A_1994, %and3A_1996 : vector<128x1xi32>
    %shift_left3A_1998 = arith.constant 8 : i32
    %shift_left3A_1999 = vector.broadcast %shift_left3A_1998 : i32 to vector<128x1xi32>
    %shift_left3A_2000 = arith.shli %and3A_1997, %shift_left3A_1999 : vector<128x1xi32>
    %convert_element_type3A_2001 = arith.fptosi %broadcast_in_dim3A_1993 : vector<128x1xf32> to vector<128x1xi32>
    %or3A_2002 = arith.ori %shift_left3A_2000, %convert_element_type3A_2001 : vector<128x1xi32>
    %slice3A_2003 = vector.extract_strided_slice %bitcast_convert_type3A_26 {offsets = [0, 0], sizes = [128, 256], strides = [1, 1]} : vector<128x4096xf32> to vector<128x256xf32>
    %gt3A_2004 = vector.broadcast %broadcast_in_dim3A_1985 : vector<128x1xf32> to vector<128x256xf32>
    %gt3A_2005 = arith.cmpf ogt, %slice3A_2003, %gt3A_2004 : vector<128x256xf32>
    %slice3A_2006 = vector.extract_strided_slice %bitcast_convert_type3A_26 {offsets = [0, 0], sizes = [128, 256], strides = [1, 1]} : vector<128x4096xf32> to vector<128x256xf32>
    %jit3A_2007 = arith.constant 0x7F800000 : f32
    %broadcast_in_dim3A_2008 = vector.broadcast %jit3A_2007 : f32 to vector<128x256xf32>
    %select_n3A_2009 = arith.select %gt3A_2005, %slice3A_2006, %broadcast_in_dim3A_2008 : vector<128x256xi1>, vector<128x256xf32>
    %slice3A_2010 = vector.extract_strided_slice %bitcast_convert_type3A_26 {offsets = [0, 256], sizes = [128, 256], strides = [1, 1]} : vector<128x4096xf32> to vector<128x256xf32>
    %gt3A_2011 = vector.broadcast %broadcast_in_dim3A_1985 : vector<128x1xf32> to vector<128x256xf32>
    %gt3A_2012 = arith.cmpf ogt, %slice3A_2010, %gt3A_2011 : vector<128x256xf32>
    %jit3A_2013 = arith.constant 0x7F800000 : f32
    %broadcast_in_dim3A_2014 = vector.broadcast %jit3A_2013 : f32 to vector<128x256xf32>
    %select_n3A_2015 = arith.select %gt3A_2012, %slice3A_2010, %broadcast_in_dim3A_2014 : vector<128x256xi1>, vector<128x256xf32>
    %min3A_2016 = arith.minimumf %select_n3A_2009, %select_n3A_2015 : vector<128x256xf32>
    %slice3A_2017 = vector.extract_strided_slice %bitcast_convert_type3A_26 {offsets = [0, 512], sizes = [128, 256], strides = [1, 1]} : vector<128x4096xf32> to vector<128x256xf32>
    %gt3A_2018 = vector.broadcast %broadcast_in_dim3A_1985 : vector<128x1xf32> to vector<128x256xf32>
    %gt3A_2019 = arith.cmpf ogt, %slice3A_2017, %gt3A_2018 : vector<128x256xf32>
    %jit3A_2020 = arith.constant 0x7F800000 : f32
    %broadcast_in_dim3A_2021 = vector.broadcast %jit3A_2020 : f32 to vector<128x256xf32>
    %select_n3A_2022 = arith.select %gt3A_2019, %slice3A_2017, %broadcast_in_dim3A_2021 : vector<128x256xi1>, vector<128x256xf32>
    %min3A_2023 = arith.minimumf %min3A_2016, %select_n3A_2022 : vector<128x256xf32>
    %slice3A_2024 = vector.extract_strided_slice %bitcast_convert_type3A_26 {offsets = [0, 768], sizes = [128, 256], strides = [1, 1]} : vector<128x4096xf32> to vector<128x256xf32>
    %gt3A_2025 = vector.broadcast %broadcast_in_dim3A_1985 : vector<128x1xf32> to vector<128x256xf32>
    %gt3A_2026 = arith.cmpf ogt, %slice3A_2024, %gt3A_2025 : vector<128x256xf32>
    %jit3A_2027 = arith.constant 0x7F800000 : f32
    %broadcast_in_dim3A_2028 = vector.broadcast %jit3A_2027 : f32 to vector<128x256xf32>
    %select_n3A_2029 = arith.select %gt3A_2026, %slice3A_2024, %broadcast_in_dim3A_2028 : vector<128x256xi1>, vector<128x256xf32>
    %min3A_2030 = arith.minimumf %min3A_2023, %select_n3A_2029 : vector<128x256xf32>
    %slice3A_2031 = vector.extract_strided_slice %bitcast_convert_type3A_26 {offsets = [0, 1024], sizes = [128, 256], strides = [1, 1]} : vector<128x4096xf32> to vector<128x256xf32>
    %gt3A_2032 = vector.broadcast %broadcast_in_dim3A_1985 : vector<128x1xf32> to vector<128x256xf32>
    %gt3A_2033 = arith.cmpf ogt, %slice3A_2031, %gt3A_2032 : vector<128x256xf32>
    %jit3A_2034 = arith.constant 0x7F800000 : f32
    %broadcast_in_dim3A_2035 = vector.broadcast %jit3A_2034 : f32 to vector<128x256xf32>
    %select_n3A_2036 = arith.select %gt3A_2033, %slice3A_2031, %broadcast_in_dim3A_2035 : vector<128x256xi1>, vector<128x256xf32>
    %min3A_2037 = arith.minimumf %min3A_2030, %select_n3A_2036 : vector<128x256xf32>
    %slice3A_2038 = vector.extract_strided_slice %bitcast_convert_type3A_26 {offsets = [0, 1280], sizes = [128, 256], strides = [1, 1]} : vector<128x4096xf32> to vector<128x256xf32>
    %gt3A_2039 = vector.broadcast %broadcast_in_dim3A_1985 : vector<128x1xf32> to vector<128x256xf32>
    %gt3A_2040 = arith.cmpf ogt, %slice3A_2038, %gt3A_2039 : vector<128x256xf32>
    %jit3A_2041 = arith.constant 0x7F800000 : f32
    %broadcast_in_dim3A_2042 = vector.broadcast %jit3A_2041 : f32 to vector<128x256xf32>
    %select_n3A_2043 = arith.select %gt3A_2040, %slice3A_2038, %broadcast_in_dim3A_2042 : vector<128x256xi1>, vector<128x256xf32>
    %min3A_2044 = arith.minimumf %min3A_2037, %select_n3A_2043 : vector<128x256xf32>
    %slice3A_2045 = vector.extract_strided_slice %bitcast_convert_type3A_26 {offsets = [0, 1536], sizes = [128, 256], strides = [1, 1]} : vector<128x4096xf32> to vector<128x256xf32>
    %gt3A_2046 = vector.broadcast %broadcast_in_dim3A_1985 : vector<128x1xf32> to vector<128x256xf32>
    %gt3A_2047 = arith.cmpf ogt, %slice3A_2045, %gt3A_2046 : vector<128x256xf32>
    %jit3A_2048 = arith.constant 0x7F800000 : f32
    %broadcast_in_dim3A_2049 = vector.broadcast %jit3A_2048 : f32 to vector<128x256xf32>
    %select_n3A_2050 = arith.select %gt3A_2047, %slice3A_2045, %broadcast_in_dim3A_2049 : vector<128x256xi1>, vector<128x256xf32>
    %min3A_2051 = arith.minimumf %min3A_2044, %select_n3A_2050 : vector<128x256xf32>
    %slice3A_2052 = vector.extract_strided_slice %bitcast_convert_type3A_26 {offsets = [0, 1792], sizes = [128, 256], strides = [1, 1]} : vector<128x4096xf32> to vector<128x256xf32>
    %gt3A_2053 = vector.broadcast %broadcast_in_dim3A_1985 : vector<128x1xf32> to vector<128x256xf32>
    %gt3A_2054 = arith.cmpf ogt, %slice3A_2052, %gt3A_2053 : vector<128x256xf32>
    %jit3A_2055 = arith.constant 0x7F800000 : f32
    %broadcast_in_dim3A_2056 = vector.broadcast %jit3A_2055 : f32 to vector<128x256xf32>
    %select_n3A_2057 = arith.select %gt3A_2054, %slice3A_2052, %broadcast_in_dim3A_2056 : vector<128x256xi1>, vector<128x256xf32>
    %min3A_2058 = arith.minimumf %min3A_2051, %select_n3A_2057 : vector<128x256xf32>
    %slice3A_2059 = vector.extract_strided_slice %bitcast_convert_type3A_26 {offsets = [0, 2048], sizes = [128, 256], strides = [1, 1]} : vector<128x4096xf32> to vector<128x256xf32>
    %gt3A_2060 = vector.broadcast %broadcast_in_dim3A_1985 : vector<128x1xf32> to vector<128x256xf32>
    %gt3A_2061 = arith.cmpf ogt, %slice3A_2059, %gt3A_2060 : vector<128x256xf32>
    %jit3A_2062 = arith.constant 0x7F800000 : f32
    %broadcast_in_dim3A_2063 = vector.broadcast %jit3A_2062 : f32 to vector<128x256xf32>
    %select_n3A_2064 = arith.select %gt3A_2061, %slice3A_2059, %broadcast_in_dim3A_2063 : vector<128x256xi1>, vector<128x256xf32>
    %min3A_2065 = arith.minimumf %min3A_2058, %select_n3A_2064 : vector<128x256xf32>
    %slice3A_2066 = vector.extract_strided_slice %bitcast_convert_type3A_26 {offsets = [0, 2304], sizes = [128, 256], strides = [1, 1]} : vector<128x4096xf32> to vector<128x256xf32>
    %gt3A_2067 = vector.broadcast %broadcast_in_dim3A_1985 : vector<128x1xf32> to vector<128x256xf32>
    %gt3A_2068 = arith.cmpf ogt, %slice3A_2066, %gt3A_2067 : vector<128x256xf32>
    %jit3A_2069 = arith.constant 0x7F800000 : f32
    %broadcast_in_dim3A_2070 = vector.broadcast %jit3A_2069 : f32 to vector<128x256xf32>
    %select_n3A_2071 = arith.select %gt3A_2068, %slice3A_2066, %broadcast_in_dim3A_2070 : vector<128x256xi1>, vector<128x256xf32>
    %min3A_2072 = arith.minimumf %min3A_2065, %select_n3A_2071 : vector<128x256xf32>
    %slice3A_2073 = vector.extract_strided_slice %bitcast_convert_type3A_26 {offsets = [0, 2560], sizes = [128, 256], strides = [1, 1]} : vector<128x4096xf32> to vector<128x256xf32>
    %gt3A_2074 = vector.broadcast %broadcast_in_dim3A_1985 : vector<128x1xf32> to vector<128x256xf32>
    %gt3A_2075 = arith.cmpf ogt, %slice3A_2073, %gt3A_2074 : vector<128x256xf32>
    %jit3A_2076 = arith.constant 0x7F800000 : f32
    %broadcast_in_dim3A_2077 = vector.broadcast %jit3A_2076 : f32 to vector<128x256xf32>
    %select_n3A_2078 = arith.select %gt3A_2075, %slice3A_2073, %broadcast_in_dim3A_2077 : vector<128x256xi1>, vector<128x256xf32>
    %min3A_2079 = arith.minimumf %min3A_2072, %select_n3A_2078 : vector<128x256xf32>
    %slice3A_2080 = vector.extract_strided_slice %bitcast_convert_type3A_26 {offsets = [0, 2816], sizes = [128, 256], strides = [1, 1]} : vector<128x4096xf32> to vector<128x256xf32>
    %gt3A_2081 = vector.broadcast %broadcast_in_dim3A_1985 : vector<128x1xf32> to vector<128x256xf32>
    %gt3A_2082 = arith.cmpf ogt, %slice3A_2080, %gt3A_2081 : vector<128x256xf32>
    %jit3A_2083 = arith.constant 0x7F800000 : f32
    %broadcast_in_dim3A_2084 = vector.broadcast %jit3A_2083 : f32 to vector<128x256xf32>
    %select_n3A_2085 = arith.select %gt3A_2082, %slice3A_2080, %broadcast_in_dim3A_2084 : vector<128x256xi1>, vector<128x256xf32>
    %min3A_2086 = arith.minimumf %min3A_2079, %select_n3A_2085 : vector<128x256xf32>
    %slice3A_2087 = vector.extract_strided_slice %bitcast_convert_type3A_26 {offsets = [0, 3072], sizes = [128, 256], strides = [1, 1]} : vector<128x4096xf32> to vector<128x256xf32>
    %gt3A_2088 = vector.broadcast %broadcast_in_dim3A_1985 : vector<128x1xf32> to vector<128x256xf32>
    %gt3A_2089 = arith.cmpf ogt, %slice3A_2087, %gt3A_2088 : vector<128x256xf32>
    %jit3A_2090 = arith.constant 0x7F800000 : f32
    %broadcast_in_dim3A_2091 = vector.broadcast %jit3A_2090 : f32 to vector<128x256xf32>
    %select_n3A_2092 = arith.select %gt3A_2089, %slice3A_2087, %broadcast_in_dim3A_2091 : vector<128x256xi1>, vector<128x256xf32>
    %min3A_2093 = arith.minimumf %min3A_2086, %select_n3A_2092 : vector<128x256xf32>
    %slice3A_2094 = vector.extract_strided_slice %bitcast_convert_type3A_26 {offsets = [0, 3328], sizes = [128, 256], strides = [1, 1]} : vector<128x4096xf32> to vector<128x256xf32>
    %gt3A_2095 = vector.broadcast %broadcast_in_dim3A_1985 : vector<128x1xf32> to vector<128x256xf32>
    %gt3A_2096 = arith.cmpf ogt, %slice3A_2094, %gt3A_2095 : vector<128x256xf32>
    %jit3A_2097 = arith.constant 0x7F800000 : f32
    %broadcast_in_dim3A_2098 = vector.broadcast %jit3A_2097 : f32 to vector<128x256xf32>
    %select_n3A_2099 = arith.select %gt3A_2096, %slice3A_2094, %broadcast_in_dim3A_2098 : vector<128x256xi1>, vector<128x256xf32>
    %min3A_2100 = arith.minimumf %min3A_2093, %select_n3A_2099 : vector<128x256xf32>
    %slice3A_2101 = vector.extract_strided_slice %bitcast_convert_type3A_26 {offsets = [0, 3584], sizes = [128, 256], strides = [1, 1]} : vector<128x4096xf32> to vector<128x256xf32>
    %gt3A_2102 = vector.broadcast %broadcast_in_dim3A_1985 : vector<128x1xf32> to vector<128x256xf32>
    %gt3A_2103 = arith.cmpf ogt, %slice3A_2101, %gt3A_2102 : vector<128x256xf32>
    %jit3A_2104 = arith.constant 0x7F800000 : f32
    %broadcast_in_dim3A_2105 = vector.broadcast %jit3A_2104 : f32 to vector<128x256xf32>
    %select_n3A_2106 = arith.select %gt3A_2103, %slice3A_2101, %broadcast_in_dim3A_2105 : vector<128x256xi1>, vector<128x256xf32>
    %min3A_2107 = arith.minimumf %min3A_2100, %select_n3A_2106 : vector<128x256xf32>
    %slice3A_2108 = vector.extract_strided_slice %bitcast_convert_type3A_26 {offsets = [0, 3840], sizes = [128, 256], strides = [1, 1]} : vector<128x4096xf32> to vector<128x256xf32>
    %gt3A_2109 = vector.broadcast %broadcast_in_dim3A_1985 : vector<128x1xf32> to vector<128x256xf32>
    %gt3A_2110 = arith.cmpf ogt, %slice3A_2108, %gt3A_2109 : vector<128x256xf32>
    %jit3A_2111 = arith.constant 0x7F800000 : f32
    %broadcast_in_dim3A_2112 = vector.broadcast %jit3A_2111 : f32 to vector<128x256xf32>
    %select_n3A_2113 = arith.select %gt3A_2110, %slice3A_2108, %broadcast_in_dim3A_2112 : vector<128x256xi1>, vector<128x256xf32>
    %min3A_2114 = arith.minimumf %min3A_2107, %select_n3A_2113 : vector<128x256xf32>
    %reduce_min3A_2115 = arith.constant dense<0x7F800000> : vector<128xf32>
    %reduce_min3A_2116 = vector.multi_reduction <minimumf>, %min3A_2114, %reduce_min3A_2115 [1] : vector<128x256xf32> to vector<128xf32>
    %broadcast_in_dim3A_2117 = vector.shape_cast %reduce_min3A_2116 : vector<128xf32> to vector<128x1xf32>
    %eq3A_2118 = vector.broadcast %broadcast_in_dim3A_2117 : vector<128x1xf32> to vector<128x256xf32>
    %eq3A_2119 = arith.cmpf oeq, %min3A_2114, %eq3A_2118 : vector<128x256xf32>
    %jit3A_2120 = arith.constant 2.560000e+02 : f32
    %broadcast_in_dim3A_2121 = vector.broadcast %jit3A_2120 : f32 to vector<128x256xf32>
    %select_n3A_2122 = arith.select %eq3A_2119, %convert_element_type3A_28, %broadcast_in_dim3A_2121 : vector<128x256xi1>, vector<128x256xf32>
    %reduce_min3A_2123 = arith.constant dense<0x7F800000> : vector<128xf32>
    %reduce_min3A_2124 = vector.multi_reduction <minimumf>, %select_n3A_2122, %reduce_min3A_2123 [1] : vector<128x256xf32> to vector<128xf32>
    %broadcast_in_dim3A_2125 = vector.shape_cast %reduce_min3A_2124 : vector<128xf32> to vector<128x1xf32>
    %bitcast_convert_type3A_2126 = tpu.bitcast %broadcast_in_dim3A_2117 : vector<128x1xf32> -> vector<128x1xi32>
    %and3A_2127 = arith.constant 15 : i32
    %and3A_2128 = vector.broadcast %and3A_2127 : i32 to vector<128x1xi32>
    %and3A_2129 = arith.andi %bitcast_convert_type3A_2126, %and3A_2128 : vector<128x1xi32>
    %shift_left3A_2130 = arith.constant 8 : i32
    %shift_left3A_2131 = vector.broadcast %shift_left3A_2130 : i32 to vector<128x1xi32>
    %shift_left3A_2132 = arith.shli %and3A_2129, %shift_left3A_2131 : vector<128x1xi32>
    %convert_element_type3A_2133 = arith.fptosi %broadcast_in_dim3A_2125 : vector<128x1xf32> to vector<128x1xi32>
    %or3A_2134 = arith.ori %shift_left3A_2132, %convert_element_type3A_2133 : vector<128x1xi32>
    %concatenate3A = tpu.concatenate %or3A_154, %or3A_286, %or3A_418, %or3A_550, %or3A_682, %or3A_814, %or3A_946, %or3A_1078, %or3A_1210, %or3A_1342, %or3A_1474, %or3A_1606, %or3A_1738, %or3A_1870, %or3A_2002, %or3A_2134 in 1 : vector<128x1xi32>, vector<128x1xi32>, vector<128x1xi32>, vector<128x1xi32>, vector<128x1xi32>, vector<128x1xi32>, vector<128x1xi32>, vector<128x1xi32>, vector<128x1xi32>, vector<128x1xi32>, vector<128x1xi32>, vector<128x1xi32>, vector<128x1xi32>, vector<128x1xi32>, vector<128x1xi32>, vector<128x1xi32> -> vector<128x16xi32>
    %add3A_2135 = arith.constant 4096 : i32
    %add3A_2136 = vector.broadcast %add3A_2135 : i32 to vector<128x16xi32>
    %add3A_2137 = arith.addi %concatenate3A, %add3A_2136 : vector<128x16xi32>
    %swap3A = arith.constant 0 : index
    %swap3A_2138 = arith.constant 0 : index
    %swap3A_2139 = vector.load %arg3[%swap3A, %swap3A_2138] : memref<128x16xi32, #tpu.memory_space<vmem>>, vector<128x16xi32>
    tpu.vector_store %arg3[%swap3A, %swap3A_2138], %add3A_2137 {strides = array<i32>} : memref<128x16xi32, #tpu.memory_space<vmem>>, vector<128x16xi32>,
    return
  }
  func.func @transform_0(%arg0: i32) -> (i32, i32) {
    %c0_i32 = arith.constant 0 : i32
    %c0_i32_0 = arith.constant 0 : i32
    return %arg0, %c0_i32 : i32, i32
  }
  func.func @transform_1(%arg0: i32) -> (i32, i32) {
    %c0_i32 = arith.constant 0 : i32
    %c0_i32_0 = arith.constant 0 : i32
    %c0_i32_1 = arith.constant 0 : i32
    return %c0_i32, %c0_i32_0 : i32, i32
  }
  func.func @transform_2(%arg0: i32) -> (i32, i32) {
    %c0_i32 = arith.constant 0 : i32
    %c0_i32_0 = arith.constant 0 : i32
    return %arg0, %c0_i32 : i32, i32
  }
}

module attributes {stable_mosaic.version = 14 : i64} {
  func.func @_proj_kernel(%arg0: i32, %arg1: memref<512x128xf32, #tpu.memory_space<vmem>>, %arg2: memref<512x128xf32, #tpu.memory_space<vmem>>, %arg3: memref<512x128xf32, #tpu.memory_space<vmem>>, %arg4: memref<512x128xf32, #tpu.memory_space<vmem>>, %arg5: memref<128x64xf32, #tpu.memory_space<vmem>>, %arg6: memref<128x64xf32, #tpu.memory_space<vmem>>, %arg7: memref<128x64xf32, #tpu.memory_space<vmem>>, %arg8: memref<512x256xf32, #tpu.memory_space<vmem>>) attributes {dimension_semantics = [#tpu.dimension_semantics<arbitrary>], iteration_bounds = array<i64: 16>, scalar_prefetch = 0 : i64, scratch_operands = 0 : i64, tpu.core_type = #tpu.core_type<tc>, window_params = [{transform_indices = @transform_0, window_bounds = array<i64: 512, 128>}, {transform_indices = @transform_1, window_bounds = array<i64: 512, 128>}, {transform_indices = @transform_2, window_bounds = array<i64: 512, 128>}, {transform_indices = @transform_3, window_bounds = array<i64: 512, 128>}, {pipeline_mode = #tpu.pipeline_mode<synchronous>, transform_indices = @transform_4, window_bounds = array<i64: 128, 64>}, {pipeline_mode = #tpu.pipeline_mode<synchronous>, transform_indices = @transform_5, window_bounds = array<i64: 128, 64>}, {pipeline_mode = #tpu.pipeline_mode<synchronous>, transform_indices = @transform_6, window_bounds = array<i64: 128, 64>}, {transform_indices = @transform_7, window_bounds = array<i64: 512, 256>}]} {
    %get3A = arith.constant 0 : index
    %get3A_0 = arith.constant 0 : index
    %get3A_1 = vector.load %arg1[%get3A, %get3A_0] : memref<512x128xf32, #tpu.memory_space<vmem>>, vector<512x128xf32>
    %get3A_2 = arith.constant 0 : index
    %get3A_3 = arith.constant 0 : index
    %get3A_4 = vector.load %arg5[%get3A_2, %get3A_3] : memref<128x64xf32, #tpu.memory_space<vmem>>, vector<128x64xf32>
    %dot_general3A = arith.constant dense<0.000000e+00> : vector<512x64xf32>
    %dot_general3A_5 = tpu.matmul %get3A_1, %get3A_4, %dot_general3A {dimension_numbers = #tpu.dot_dimension_numbers<[1], [0], [0], [1], [0, 0, 1, 1], [], []>, transpose_lhs_hint = false} : vector<512x128xf32>, vector<128x64xf32>, vector<512x64xf32> -> vector<512x64xf32>
    %get3A_6 = arith.constant 0 : index
    %get3A_7 = arith.constant 0 : index
    %get3A_8 = vector.load %arg2[%get3A_6, %get3A_7] : memref<512x128xf32, #tpu.memory_space<vmem>>, vector<512x128xf32>
    %get3A_9 = arith.constant 0 : index
    %get3A_10 = arith.constant 0 : index
    %get3A_11 = vector.load %arg6[%get3A_9, %get3A_10] : memref<128x64xf32, #tpu.memory_space<vmem>>, vector<128x64xf32>
    %dot_general3A_12 = arith.constant dense<0.000000e+00> : vector<512x64xf32>
    %dot_general3A_13 = tpu.matmul %get3A_8, %get3A_11, %dot_general3A_12 {dimension_numbers = #tpu.dot_dimension_numbers<[1], [0], [0], [1], [0, 0, 1, 1], [], []>, transpose_lhs_hint = false} : vector<512x128xf32>, vector<128x64xf32>, vector<512x64xf32> -> vector<512x64xf32>
    %sub3A = arith.subf %dot_general3A_5, %dot_general3A_13 : vector<512x64xf32>
    %get3A_14 = arith.constant 0 : index
    %get3A_15 = arith.constant 0 : index
    %get3A_16 = vector.load %arg3[%get3A_14, %get3A_15] : memref<512x128xf32, #tpu.memory_space<vmem>>, vector<512x128xf32>
    %get3A_17 = arith.constant 0 : index
    %get3A_18 = arith.constant 0 : index
    %get3A_19 = vector.load %arg7[%get3A_17, %get3A_18] : memref<128x64xf32, #tpu.memory_space<vmem>>, vector<128x64xf32>
    %dot_general3A_20 = arith.constant dense<0.000000e+00> : vector<512x64xf32>
    %dot_general3A_21 = tpu.matmul %get3A_16, %get3A_19, %dot_general3A_20 {dimension_numbers = #tpu.dot_dimension_numbers<[1], [0], [0], [1], [0, 0, 1, 1], [], []>, transpose_lhs_hint = false} : vector<512x128xf32>, vector<128x64xf32>, vector<512x64xf32> -> vector<512x64xf32>
    %get3A_22 = arith.constant 0 : index
    %get3A_23 = arith.constant 0 : index
    %get3A_24 = vector.load %arg4[%get3A_22, %get3A_23] : memref<512x128xf32, #tpu.memory_space<vmem>>, vector<512x128xf32>
    %concatenate3A = tpu.concatenate %sub3A, %dot_general3A_21, %get3A_24 in 1 : vector<512x64xf32>, vector<512x64xf32>, vector<512x128xf32> -> vector<512x256xf32>
    %swap3A = arith.constant 0 : index
    %swap3A_25 = arith.constant 0 : index
    %swap3A_26 = vector.load %arg8[%swap3A, %swap3A_25] : memref<512x256xf32, #tpu.memory_space<vmem>>, vector<512x256xf32>
    tpu.vector_store %arg8[%swap3A, %swap3A_25], %concatenate3A {strides = array<i32>} : memref<512x256xf32, #tpu.memory_space<vmem>>, vector<512x256xf32>,
    return
  }
  func.func @transform_0(%arg0: i32) -> (i32, i32) {
    %c0_i32 = arith.constant 0 : i32
    %c0_i32_0 = arith.constant 0 : i32
    return %arg0, %c0_i32 : i32, i32
  }
  func.func @transform_1(%arg0: i32) -> (i32, i32) {
    %c0_i32 = arith.constant 0 : i32
    %c0_i32_0 = arith.constant 0 : i32
    return %arg0, %c0_i32 : i32, i32
  }
  func.func @transform_2(%arg0: i32) -> (i32, i32) {
    %c0_i32 = arith.constant 0 : i32
    %c0_i32_0 = arith.constant 0 : i32
    return %arg0, %c0_i32 : i32, i32
  }
  func.func @transform_3(%arg0: i32) -> (i32, i32) {
    %c0_i32 = arith.constant 0 : i32
    %c0_i32_0 = arith.constant 0 : i32
    return %arg0, %c0_i32 : i32, i32
  }
  func.func @transform_4(%arg0: i32) -> (i32, i32) {
    %c0_i32 = arith.constant 0 : i32
    %c0_i32_0 = arith.constant 0 : i32
    %c0_i32_1 = arith.constant 0 : i32
    return %c0_i32, %c0_i32_0 : i32, i32
  }
  func.func @transform_5(%arg0: i32) -> (i32, i32) {
    %c0_i32 = arith.constant 0 : i32
    %c0_i32_0 = arith.constant 0 : i32
    %c0_i32_1 = arith.constant 0 : i32
    return %c0_i32, %c0_i32_0 : i32, i32
  }
  func.func @transform_6(%arg0: i32) -> (i32, i32) {
    %c0_i32 = arith.constant 0 : i32
    %c0_i32_0 = arith.constant 0 : i32
    %c0_i32_1 = arith.constant 0 : i32
    return %c0_i32, %c0_i32_0 : i32, i32
  }
  func.func @transform_7(%arg0: i32) -> (i32, i32) {
    %c0_i32 = arith.constant 0 : i32
    %c0_i32_0 = arith.constant 0 : i32
    return %arg0, %c0_i32 : i32, i32
  }
}

module attributes {stable_mosaic.version = 14 : i64} {
  func.func @_knn_kernel(%arg0: i32, %arg1: memref<128x3xf32, #tpu.memory_space<vmem>>, %arg2: memref<3x4096xf32, #tpu.memory_space<vmem>>, %arg3: memref<128x16xi32, #tpu.memory_space<vmem>>) attributes {dimension_semantics = [#tpu.dimension_semantics<arbitrary>], iteration_bounds = array<i64: 32>, scalar_prefetch = 0 : i64, scratch_operands = 0 : i64, tpu.core_type = #tpu.core_type<tc>, window_params = [{transform_indices = @transform_0, window_bounds = array<i64: 128, 3>}, {pipeline_mode = #tpu.pipeline_mode<synchronous>, transform_indices = @transform_1, window_bounds = array<i64: 3, 4096>}, {transform_indices = @transform_2, window_bounds = array<i64: 128, 16>}]} {
    %get3A = arith.constant 0 : index
    %get3A_0 = arith.constant 0 : index
    %get3A_1 = vector.load %arg1[%get3A, %get3A_0] : memref<128x3xf32, #tpu.memory_space<vmem>>, vector<128x3xf32>
    %get3A_2 = arith.constant 0 : index
    %get3A_3 = arith.constant 0 : index
    %get3A_4 = vector.load %arg2[%get3A_2, %get3A_3] : memref<3x4096xf32, #tpu.memory_space<vmem>>, vector<3x4096xf32>
    %convert_element_type3A = arith.truncf %get3A_1 : vector<128x3xf32> to vector<128x3xbf16>
    %convert_element_type3A_5 = arith.extf %convert_element_type3A : vector<128x3xbf16> to vector<128x3xf32>
    %convert_element_type3A_6 = arith.truncf %get3A_4 : vector<3x4096xf32> to vector<3x4096xbf16>
    %convert_element_type3A_7 = arith.extf %convert_element_type3A_6 : vector<3x4096xbf16> to vector<3x4096xf32>
    %dot_general3A = arith.constant dense<0.000000e+00> : vector<128x4096xf32>
    %dot_general3A_8 = tpu.matmul %convert_element_type3A_5, %convert_element_type3A_7, %dot_general3A {dimension_numbers = #tpu.dot_dimension_numbers<[1], [0], [0], [1], [0, 0, 1, 1], [], []>, precision = #tpu.contract_precision<fp32>, transpose_lhs_hint = false} : vector<128x3xf32>, vector<3x4096xf32>, vector<128x4096xf32> -> vector<128x4096xf32>
    %mul3A = arith.mulf %get3A_1, %get3A_1 : vector<128x3xf32>
    %reduce_sum3A = arith.constant dense<0.000000e+00> : vector<128xf32>
    %reduce_sum3A_9 = vector.multi_reduction <add>, %mul3A, %reduce_sum3A [1] : vector<128x3xf32> to vector<128xf32>
    %broadcast_in_dim3A = vector.shape_cast %reduce_sum3A_9 : vector<128xf32> to vector<128x1xf32>
    %mul3A_10 = arith.mulf %get3A_4, %get3A_4 : vector<3x4096xf32>
    %reduce_sum3A_11 = arith.constant dense<0.000000e+00> : vector<4096xf32>
    %reduce_sum3A_12 = vector.multi_reduction <add>, %mul3A_10, %reduce_sum3A_11 [0] : vector<3x4096xf32> to vector<4096xf32>
    %broadcast_in_dim3A_13 = vector.shape_cast %reduce_sum3A_12 : vector<4096xf32> to vector<1x4096xf32>
    %add3A = vector.broadcast %broadcast_in_dim3A : vector<128x1xf32> to vector<128x4096xf32>
    %add3A_14 = vector.broadcast %broadcast_in_dim3A_13 : vector<1x4096xf32> to vector<128x4096xf32>
    %add3A_15 = arith.addf %add3A, %add3A_14 : vector<128x4096xf32>
    %mul3A_16 = arith.constant 2.000000e+00 : f32
    %mul3A_17 = vector.broadcast %mul3A_16 : f32 to vector<128x4096xf32>
    %mul3A_18 = arith.mulf %mul3A_17, %dot_general3A_8 : vector<128x4096xf32>
    %sub3A = arith.subf %add3A_15, %mul3A_18 : vector<128x4096xf32>
    %add3A_19 = arith.constant 5.000000e-01 : f32
    %add3A_20 = vector.broadcast %add3A_19 : f32 to vector<128x4096xf32>
    %add3A_21 = arith.addf %sub3A, %add3A_20 : vector<128x4096xf32>
    %iota3A = tpu.iota {dimensions = array<i32: 1>} : vector<128x4096xi32>
    %shift_right_logical3A = arith.constant 8 : i32
    %shift_right_logical3A_22 = vector.broadcast %shift_right_logical3A : i32 to vector<128x4096xi32>
    %shift_right_logical3A_23 = arith.shrui %iota3A, %shift_right_logical3A_22 : vector<128x4096xi32>
    %bitcast_convert_type3A = tpu.bitcast %add3A_21 : vector<128x4096xf32> -> vector<128x4096xi32>
    %and3A = arith.constant -16 : i32
    %and3A_24 = vector.broadcast %and3A : i32 to vector<128x4096xi32>
    %and3A_25 = arith.andi %bitcast_convert_type3A, %and3A_24 : vector<128x4096xi32>
    %or3A = arith.ori %and3A_25, %shift_right_logical3A_23 : vector<128x4096xi32>
    %bitcast_convert_type3A_26 = tpu.bitcast %or3A : vector<128x4096xi32> -> vector<128x4096xf32>
    %iota3A_27 = tpu.iota {dimensions = array<i32: 1>} : vector<128x256xi32>
    %convert_element_type3A_28 = arith.sitofp %iota3A_27 : vector<128x256xi32> to vector<128x256xf32>
    %broadcast_in_dim3A_29 = arith.constant 0.000000e+00 : f32
    %broadcast_in_dim3A_30 = vector.broadcast %broadcast_in_dim3A_29 : f32 to vector<128x1xf32>
    %slice3A = vector.extract_strided_slice %bitcast_convert_type3A_26 {offsets = [0, 0], sizes = [128, 256], strides = [1, 1]} : vector<128x4096xf32> to vector<128x256xf32>
    %gt3A = vector.broadcast %broadcast_in_dim3A_30 : vector<128x1xf32> to vector<128x256xf32>
    %gt3A_31 = arith.cmpf ogt, %slice3A, %gt3A : vector<128x256xf32>
    %slice3A_32 = vector.extract_strided_slice %bitcast_convert_type3A_26 {offsets = [0, 0], sizes = [128, 256], strides = [1, 1]} : vector<128x4096xf32> to vector<128x256xf32>
    %jit3A = arith.constant 0x7F800000 : f32
    %broadcast_in_dim3A_33 = vector.broadcast %jit3A : f32 to vector<128x256xf32>
    %select_n3A = arith.select %gt3A_31, %slice3A_32, %broadcast_in_dim3A_33 : vector<128x256xi1>, vector<128x256xf32>
    %slice3A_34 = vector.extract_strided_slice %bitcast_convert_type3A_26 {offsets = [0, 256], sizes = [128, 256], strides = [1, 1]} : vector<128x4096xf32> to vector<128x256xf32>
    %gt3A_35 = vector.broadcast %broadcast_in_dim3A_30 : vector<128x1xf32> to vector<128x256xf32>
    %gt3A_36 = arith.cmpf ogt, %slice3A_34, %gt3A_35 : vector<128x256xf32>
    %jit3A_37 = arith.constant 0x7F800000 : f32
    %broadcast_in_dim3A_38 = vector.broadcast %jit3A_37 : f32 to vector<128x256xf32>
    %select_n3A_39 = arith.select %gt3A_36, %slice3A_34, %broadcast_in_dim3A_38 : vector<128x256xi1>, vector<128x256xf32>
    %min3A = arith.minimumf %select_n3A, %select_n3A_39 : vector<128x256xf32>
    %slice3A_40 = vector.extract_strided_slice %bitcast_convert_type3A_26 {offsets = [0, 512], sizes = [128, 256], strides = [1, 1]} : vector<128x4096xf32> to vector<128x256xf32>
    %gt3A_41 = vector.broadcast %broadcast_in_dim3A_30 : vector<128x1xf32> to vector<128x256xf32>
    %gt3A_42 = arith.cmpf ogt, %slice3A_40, %gt3A_41 : vector<128x256xf32>
    %jit3A_43 = arith.constant 0x7F800000 : f32
    %broadcast_in_dim3A_44 = vector.broadcast %jit3A_43 : f32 to vector<128x256xf32>
    %select_n3A_45 = arith.select %gt3A_42, %slice3A_40, %broadcast_in_dim3A_44 : vector<128x256xi1>, vector<128x256xf32>
    %min3A_46 = arith.minimumf %min3A, %select_n3A_45 : vector<128x256xf32>
    %slice3A_47 = vector.extract_strided_slice %bitcast_convert_type3A_26 {offsets = [0, 768], sizes = [128, 256], strides = [1, 1]} : vector<128x4096xf32> to vector<128x256xf32>
    %gt3A_48 = vector.broadcast %broadcast_in_dim3A_30 : vector<128x1xf32> to vector<128x256xf32>
    %gt3A_49 = arith.cmpf ogt, %slice3A_47, %gt3A_48 : vector<128x256xf32>
    %jit3A_50 = arith.constant 0x7F800000 : f32
    %broadcast_in_dim3A_51 = vector.broadcast %jit3A_50 : f32 to vector<128x256xf32>
    %select_n3A_52 = arith.select %gt3A_49, %slice3A_47, %broadcast_in_dim3A_51 : vector<128x256xi1>, vector<128x256xf32>
    %min3A_53 = arith.minimumf %min3A_46, %select_n3A_52 : vector<128x256xf32>
    %slice3A_54 = vector.extract_strided_slice %bitcast_convert_type3A_26 {offsets = [0, 1024], sizes = [128, 256], strides = [1, 1]} : vector<128x4096xf32> to vector<128x256xf32>
    %gt3A_55 = vector.broadcast %broadcast_in_dim3A_30 : vector<128x1xf32> to vector<128x256xf32>
    %gt3A_56 = arith.cmpf ogt, %slice3A_54, %gt3A_55 : vector<128x256xf32>
    %jit3A_57 = arith.constant 0x7F800000 : f32
    %broadcast_in_dim3A_58 = vector.broadcast %jit3A_57 : f32 to vector<128x256xf32>
    %select_n3A_59 = arith.select %gt3A_56, %slice3A_54, %broadcast_in_dim3A_58 : vector<128x256xi1>, vector<128x256xf32>
    %min3A_60 = arith.minimumf %min3A_53, %select_n3A_59 : vector<128x256xf32>
    %slice3A_61 = vector.extract_strided_slice %bitcast_convert_type3A_26 {offsets = [0, 1280], sizes = [128, 256], strides = [1, 1]} : vector<128x4096xf32> to vector<128x256xf32>
    %gt3A_62 = vector.broadcast %broadcast_in_dim3A_30 : vector<128x1xf32> to vector<128x256xf32>
    %gt3A_63 = arith.cmpf ogt, %slice3A_61, %gt3A_62 : vector<128x256xf32>
    %jit3A_64 = arith.constant 0x7F800000 : f32
    %broadcast_in_dim3A_65 = vector.broadcast %jit3A_64 : f32 to vector<128x256xf32>
    %select_n3A_66 = arith.select %gt3A_63, %slice3A_61, %broadcast_in_dim3A_65 : vector<128x256xi1>, vector<128x256xf32>
    %min3A_67 = arith.minimumf %min3A_60, %select_n3A_66 : vector<128x256xf32>
    %slice3A_68 = vector.extract_strided_slice %bitcast_convert_type3A_26 {offsets = [0, 1536], sizes = [128, 256], strides = [1, 1]} : vector<128x4096xf32> to vector<128x256xf32>
    %gt3A_69 = vector.broadcast %broadcast_in_dim3A_30 : vector<128x1xf32> to vector<128x256xf32>
    %gt3A_70 = arith.cmpf ogt, %slice3A_68, %gt3A_69 : vector<128x256xf32>
    %jit3A_71 = arith.constant 0x7F800000 : f32
    %broadcast_in_dim3A_72 = vector.broadcast %jit3A_71 : f32 to vector<128x256xf32>
    %select_n3A_73 = arith.select %gt3A_70, %slice3A_68, %broadcast_in_dim3A_72 : vector<128x256xi1>, vector<128x256xf32>
    %min3A_74 = arith.minimumf %min3A_67, %select_n3A_73 : vector<128x256xf32>
    %slice3A_75 = vector.extract_strided_slice %bitcast_convert_type3A_26 {offsets = [0, 1792], sizes = [128, 256], strides = [1, 1]} : vector<128x4096xf32> to vector<128x256xf32>
    %gt3A_76 = vector.broadcast %broadcast_in_dim3A_30 : vector<128x1xf32> to vector<128x256xf32>
    %gt3A_77 = arith.cmpf ogt, %slice3A_75, %gt3A_76 : vector<128x256xf32>
    %jit3A_78 = arith.constant 0x7F800000 : f32
    %broadcast_in_dim3A_79 = vector.broadcast %jit3A_78 : f32 to vector<128x256xf32>
    %select_n3A_80 = arith.select %gt3A_77, %slice3A_75, %broadcast_in_dim3A_79 : vector<128x256xi1>, vector<128x256xf32>
    %min3A_81 = arith.minimumf %min3A_74, %select_n3A_80 : vector<128x256xf32>
    %slice3A_82 = vector.extract_strided_slice %bitcast_convert_type3A_26 {offsets = [0, 2048], sizes = [128, 256], strides = [1, 1]} : vector<128x4096xf32> to vector<128x256xf32>
    %gt3A_83 = vector.broadcast %broadcast_in_dim3A_30 : vector<128x1xf32> to vector<128x256xf32>
    %gt3A_84 = arith.cmpf ogt, %slice3A_82, %gt3A_83 : vector<128x256xf32>
    %jit3A_85 = arith.constant 0x7F800000 : f32
    %broadcast_in_dim3A_86 = vector.broadcast %jit3A_85 : f32 to vector<128x256xf32>
    %select_n3A_87 = arith.select %gt3A_84, %slice3A_82, %broadcast_in_dim3A_86 : vector<128x256xi1>, vector<128x256xf32>
    %min3A_88 = arith.minimumf %min3A_81, %select_n3A_87 : vector<128x256xf32>
    %slice3A_89 = vector.extract_strided_slice %bitcast_convert_type3A_26 {offsets = [0, 2304], sizes = [128, 256], strides = [1, 1]} : vector<128x4096xf32> to vector<128x256xf32>
    %gt3A_90 = vector.broadcast %broadcast_in_dim3A_30 : vector<128x1xf32> to vector<128x256xf32>
    %gt3A_91 = arith.cmpf ogt, %slice3A_89, %gt3A_90 : vector<128x256xf32>
    %jit3A_92 = arith.constant 0x7F800000 : f32
    %broadcast_in_dim3A_93 = vector.broadcast %jit3A_92 : f32 to vector<128x256xf32>
    %select_n3A_94 = arith.select %gt3A_91, %slice3A_89, %broadcast_in_dim3A_93 : vector<128x256xi1>, vector<128x256xf32>
    %min3A_95 = arith.minimumf %min3A_88, %select_n3A_94 : vector<128x256xf32>
    %slice3A_96 = vector.extract_strided_slice %bitcast_convert_type3A_26 {offsets = [0, 2560], sizes = [128, 256], strides = [1, 1]} : vector<128x4096xf32> to vector<128x256xf32>
    %gt3A_97 = vector.broadcast %broadcast_in_dim3A_30 : vector<128x1xf32> to vector<128x256xf32>
    %gt3A_98 = arith.cmpf ogt, %slice3A_96, %gt3A_97 : vector<128x256xf32>
    %jit3A_99 = arith.constant 0x7F800000 : f32
    %broadcast_in_dim3A_100 = vector.broadcast %jit3A_99 : f32 to vector<128x256xf32>
    %select_n3A_101 = arith.select %gt3A_98, %slice3A_96, %broadcast_in_dim3A_100 : vector<128x256xi1>, vector<128x256xf32>
    %min3A_102 = arith.minimumf %min3A_95, %select_n3A_101 : vector<128x256xf32>
    %slice3A_103 = vector.extract_strided_slice %bitcast_convert_type3A_26 {offsets = [0, 2816], sizes = [128, 256], strides = [1, 1]} : vector<128x4096xf32> to vector<128x256xf32>
    %gt3A_104 = vector.broadcast %broadcast_in_dim3A_30 : vector<128x1xf32> to vector<128x256xf32>
    %gt3A_105 = arith.cmpf ogt, %slice3A_103, %gt3A_104 : vector<128x256xf32>
    %jit3A_106 = arith.constant 0x7F800000 : f32
    %broadcast_in_dim3A_107 = vector.broadcast %jit3A_106 : f32 to vector<128x256xf32>
    %select_n3A_108 = arith.select %gt3A_105, %slice3A_103, %broadcast_in_dim3A_107 : vector<128x256xi1>, vector<128x256xf32>
    %min3A_109 = arith.minimumf %min3A_102, %select_n3A_108 : vector<128x256xf32>
    %slice3A_110 = vector.extract_strided_slice %bitcast_convert_type3A_26 {offsets = [0, 3072], sizes = [128, 256], strides = [1, 1]} : vector<128x4096xf32> to vector<128x256xf32>
    %gt3A_111 = vector.broadcast %broadcast_in_dim3A_30 : vector<128x1xf32> to vector<128x256xf32>
    %gt3A_112 = arith.cmpf ogt, %slice3A_110, %gt3A_111 : vector<128x256xf32>
    %jit3A_113 = arith.constant 0x7F800000 : f32
    %broadcast_in_dim3A_114 = vector.broadcast %jit3A_113 : f32 to vector<128x256xf32>
    %select_n3A_115 = arith.select %gt3A_112, %slice3A_110, %broadcast_in_dim3A_114 : vector<128x256xi1>, vector<128x256xf32>
    %min3A_116 = arith.minimumf %min3A_109, %select_n3A_115 : vector<128x256xf32>
    %slice3A_117 = vector.extract_strided_slice %bitcast_convert_type3A_26 {offsets = [0, 3328], sizes = [128, 256], strides = [1, 1]} : vector<128x4096xf32> to vector<128x256xf32>
    %gt3A_118 = vector.broadcast %broadcast_in_dim3A_30 : vector<128x1xf32> to vector<128x256xf32>
    %gt3A_119 = arith.cmpf ogt, %slice3A_117, %gt3A_118 : vector<128x256xf32>
    %jit3A_120 = arith.constant 0x7F800000 : f32
    %broadcast_in_dim3A_121 = vector.broadcast %jit3A_120 : f32 to vector<128x256xf32>
    %select_n3A_122 = arith.select %gt3A_119, %slice3A_117, %broadcast_in_dim3A_121 : vector<128x256xi1>, vector<128x256xf32>
    %min3A_123 = arith.minimumf %min3A_116, %select_n3A_122 : vector<128x256xf32>
    %slice3A_124 = vector.extract_strided_slice %bitcast_convert_type3A_26 {offsets = [0, 3584], sizes = [128, 256], strides = [1, 1]} : vector<128x4096xf32> to vector<128x256xf32>
    %gt3A_125 = vector.broadcast %broadcast_in_dim3A_30 : vector<128x1xf32> to vector<128x256xf32>
    %gt3A_126 = arith.cmpf ogt, %slice3A_124, %gt3A_125 : vector<128x256xf32>
    %jit3A_127 = arith.constant 0x7F800000 : f32
    %broadcast_in_dim3A_128 = vector.broadcast %jit3A_127 : f32 to vector<128x256xf32>
    %select_n3A_129 = arith.select %gt3A_126, %slice3A_124, %broadcast_in_dim3A_128 : vector<128x256xi1>, vector<128x256xf32>
    %min3A_130 = arith.minimumf %min3A_123, %select_n3A_129 : vector<128x256xf32>
    %slice3A_131 = vector.extract_strided_slice %bitcast_convert_type3A_26 {offsets = [0, 3840], sizes = [128, 256], strides = [1, 1]} : vector<128x4096xf32> to vector<128x256xf32>
    %gt3A_132 = vector.broadcast %broadcast_in_dim3A_30 : vector<128x1xf32> to vector<128x256xf32>
    %gt3A_133 = arith.cmpf ogt, %slice3A_131, %gt3A_132 : vector<128x256xf32>
    %jit3A_134 = arith.constant 0x7F800000 : f32
    %broadcast_in_dim3A_135 = vector.broadcast %jit3A_134 : f32 to vector<128x256xf32>
    %select_n3A_136 = arith.select %gt3A_133, %slice3A_131, %broadcast_in_dim3A_135 : vector<128x256xi1>, vector<128x256xf32>
    %min3A_137 = arith.minimumf %min3A_130, %select_n3A_136 : vector<128x256xf32>
    %reduce_min3A = arith.constant dense<0x7F800000> : vector<128xf32>
    %reduce_min3A_138 = vector.multi_reduction <minimumf>, %min3A_137, %reduce_min3A [1] : vector<128x256xf32> to vector<128xf32>
    %broadcast_in_dim3A_139 = vector.shape_cast %reduce_min3A_138 : vector<128xf32> to vector<128x1xf32>
    %eq3A = vector.broadcast %broadcast_in_dim3A_139 : vector<128x1xf32> to vector<128x256xf32>
    %eq3A_140 = arith.cmpf oeq, %min3A_137, %eq3A : vector<128x256xf32>
    %jit3A_141 = arith.constant 2.560000e+02 : f32
    %broadcast_in_dim3A_142 = vector.broadcast %jit3A_141 : f32 to vector<128x256xf32>
    %select_n3A_143 = arith.select %eq3A_140, %convert_element_type3A_28, %broadcast_in_dim3A_142 : vector<128x256xi1>, vector<128x256xf32>
    %reduce_min3A_144 = arith.constant dense<0x7F800000> : vector<128xf32>
    %reduce_min3A_145 = vector.multi_reduction <minimumf>, %select_n3A_143, %reduce_min3A_144 [1] : vector<128x256xf32> to vector<128xf32>
    %broadcast_in_dim3A_146 = vector.shape_cast %reduce_min3A_145 : vector<128xf32> to vector<128x1xf32>
    %bitcast_convert_type3A_147 = tpu.bitcast %broadcast_in_dim3A_139 : vector<128x1xf32> -> vector<128x1xi32>
    %and3A_148 = arith.constant 15 : i32
    %and3A_149 = vector.broadcast %and3A_148 : i32 to vector<128x1xi32>
    %and3A_150 = arith.andi %bitcast_convert_type3A_147, %and3A_149 : vector<128x1xi32>
    %shift_left3A = arith.constant 8 : i32
    %shift_left3A_151 = vector.broadcast %shift_left3A : i32 to vector<128x1xi32>
    %shift_left3A_152 = arith.shli %and3A_150, %shift_left3A_151 : vector<128x1xi32>
    %convert_element_type3A_153 = arith.fptosi %broadcast_in_dim3A_146 : vector<128x1xf32> to vector<128x1xi32>
    %or3A_154 = arith.ori %shift_left3A_152, %convert_element_type3A_153 : vector<128x1xi32>
    %slice3A_155 = vector.extract_strided_slice %bitcast_convert_type3A_26 {offsets = [0, 0], sizes = [128, 256], strides = [1, 1]} : vector<128x4096xf32> to vector<128x256xf32>
    %gt3A_156 = vector.broadcast %broadcast_in_dim3A_139 : vector<128x1xf32> to vector<128x256xf32>
    %gt3A_157 = arith.cmpf ogt, %slice3A_155, %gt3A_156 : vector<128x256xf32>
    %slice3A_158 = vector.extract_strided_slice %bitcast_convert_type3A_26 {offsets = [0, 0], sizes = [128, 256], strides = [1, 1]} : vector<128x4096xf32> to vector<128x256xf32>
    %jit3A_159 = arith.constant 0x7F800000 : f32
    %broadcast_in_dim3A_160 = vector.broadcast %jit3A_159 : f32 to vector<128x256xf32>
    %select_n3A_161 = arith.select %gt3A_157, %slice3A_158, %broadcast_in_dim3A_160 : vector<128x256xi1>, vector<128x256xf32>
    %slice3A_162 = vector.extract_strided_slice %bitcast_convert_type3A_26 {offsets = [0, 256], sizes = [128, 256], strides = [1, 1]} : vector<128x4096xf32> to vector<128x256xf32>
    %gt3A_163 = vector.broadcast %broadcast_in_dim3A_139 : vector<128x1xf32> to vector<128x256xf32>
    %gt3A_164 = arith.cmpf ogt, %slice3A_162, %gt3A_163 : vector<128x256xf32>
    %jit3A_165 = arith.constant 0x7F800000 : f32
    %broadcast_in_dim3A_166 = vector.broadcast %jit3A_165 : f32 to vector<128x256xf32>
    %select_n3A_167 = arith.select %gt3A_164, %slice3A_162, %broadcast_in_dim3A_166 : vector<128x256xi1>, vector<128x256xf32>
    %min3A_168 = arith.minimumf %select_n3A_161, %select_n3A_167 : vector<128x256xf32>
    %slice3A_169 = vector.extract_strided_slice %bitcast_convert_type3A_26 {offsets = [0, 512], sizes = [128, 256], strides = [1, 1]} : vector<128x4096xf32> to vector<128x256xf32>
    %gt3A_170 = vector.broadcast %broadcast_in_dim3A_139 : vector<128x1xf32> to vector<128x256xf32>
    %gt3A_171 = arith.cmpf ogt, %slice3A_169, %gt3A_170 : vector<128x256xf32>
    %jit3A_172 = arith.constant 0x7F800000 : f32
    %broadcast_in_dim3A_173 = vector.broadcast %jit3A_172 : f32 to vector<128x256xf32>
    %select_n3A_174 = arith.select %gt3A_171, %slice3A_169, %broadcast_in_dim3A_173 : vector<128x256xi1>, vector<128x256xf32>
    %min3A_175 = arith.minimumf %min3A_168, %select_n3A_174 : vector<128x256xf32>
    %slice3A_176 = vector.extract_strided_slice %bitcast_convert_type3A_26 {offsets = [0, 768], sizes = [128, 256], strides = [1, 1]} : vector<128x4096xf32> to vector<128x256xf32>
    %gt3A_177 = vector.broadcast %broadcast_in_dim3A_139 : vector<128x1xf32> to vector<128x256xf32>
    %gt3A_178 = arith.cmpf ogt, %slice3A_176, %gt3A_177 : vector<128x256xf32>
    %jit3A_179 = arith.constant 0x7F800000 : f32
    %broadcast_in_dim3A_180 = vector.broadcast %jit3A_179 : f32 to vector<128x256xf32>
    %select_n3A_181 = arith.select %gt3A_178, %slice3A_176, %broadcast_in_dim3A_180 : vector<128x256xi1>, vector<128x256xf32>
    %min3A_182 = arith.minimumf %min3A_175, %select_n3A_181 : vector<128x256xf32>
    %slice3A_183 = vector.extract_strided_slice %bitcast_convert_type3A_26 {offsets = [0, 1024], sizes = [128, 256], strides = [1, 1]} : vector<128x4096xf32> to vector<128x256xf32>
    %gt3A_184 = vector.broadcast %broadcast_in_dim3A_139 : vector<128x1xf32> to vector<128x256xf32>
    %gt3A_185 = arith.cmpf ogt, %slice3A_183, %gt3A_184 : vector<128x256xf32>
    %jit3A_186 = arith.constant 0x7F800000 : f32
    %broadcast_in_dim3A_187 = vector.broadcast %jit3A_186 : f32 to vector<128x256xf32>
    %select_n3A_188 = arith.select %gt3A_185, %slice3A_183, %broadcast_in_dim3A_187 : vector<128x256xi1>, vector<128x256xf32>
    %min3A_189 = arith.minimumf %min3A_182, %select_n3A_188 : vector<128x256xf32>
    %slice3A_190 = vector.extract_strided_slice %bitcast_convert_type3A_26 {offsets = [0, 1280], sizes = [128, 256], strides = [1, 1]} : vector<128x4096xf32> to vector<128x256xf32>
    %gt3A_191 = vector.broadcast %broadcast_in_dim3A_139 : vector<128x1xf32> to vector<128x256xf32>
    %gt3A_192 = arith.cmpf ogt, %slice3A_190, %gt3A_191 : vector<128x256xf32>
    %jit3A_193 = arith.constant 0x7F800000 : f32
    %broadcast_in_dim3A_194 = vector.broadcast %jit3A_193 : f32 to vector<128x256xf32>
    %select_n3A_195 = arith.select %gt3A_192, %slice3A_190, %broadcast_in_dim3A_194 : vector<128x256xi1>, vector<128x256xf32>
    %min3A_196 = arith.minimumf %min3A_189, %select_n3A_195 : vector<128x256xf32>
    %slice3A_197 = vector.extract_strided_slice %bitcast_convert_type3A_26 {offsets = [0, 1536], sizes = [128, 256], strides = [1, 1]} : vector<128x4096xf32> to vector<128x256xf32>
    %gt3A_198 = vector.broadcast %broadcast_in_dim3A_139 : vector<128x1xf32> to vector<128x256xf32>
    %gt3A_199 = arith.cmpf ogt, %slice3A_197, %gt3A_198 : vector<128x256xf32>
    %jit3A_200 = arith.constant 0x7F800000 : f32
    %broadcast_in_dim3A_201 = vector.broadcast %jit3A_200 : f32 to vector<128x256xf32>
    %select_n3A_202 = arith.select %gt3A_199, %slice3A_197, %broadcast_in_dim3A_201 : vector<128x256xi1>, vector<128x256xf32>
    %min3A_203 = arith.minimumf %min3A_196, %select_n3A_202 : vector<128x256xf32>
    %slice3A_204 = vector.extract_strided_slice %bitcast_convert_type3A_26 {offsets = [0, 1792], sizes = [128, 256], strides = [1, 1]} : vector<128x4096xf32> to vector<128x256xf32>
    %gt3A_205 = vector.broadcast %broadcast_in_dim3A_139 : vector<128x1xf32> to vector<128x256xf32>
    %gt3A_206 = arith.cmpf ogt, %slice3A_204, %gt3A_205 : vector<128x256xf32>
    %jit3A_207 = arith.constant 0x7F800000 : f32
    %broadcast_in_dim3A_208 = vector.broadcast %jit3A_207 : f32 to vector<128x256xf32>
    %select_n3A_209 = arith.select %gt3A_206, %slice3A_204, %broadcast_in_dim3A_208 : vector<128x256xi1>, vector<128x256xf32>
    %min3A_210 = arith.minimumf %min3A_203, %select_n3A_209 : vector<128x256xf32>
    %slice3A_211 = vector.extract_strided_slice %bitcast_convert_type3A_26 {offsets = [0, 2048], sizes = [128, 256], strides = [1, 1]} : vector<128x4096xf32> to vector<128x256xf32>
    %gt3A_212 = vector.broadcast %broadcast_in_dim3A_139 : vector<128x1xf32> to vector<128x256xf32>
    %gt3A_213 = arith.cmpf ogt, %slice3A_211, %gt3A_212 : vector<128x256xf32>
    %jit3A_214 = arith.constant 0x7F800000 : f32
    %broadcast_in_dim3A_215 = vector.broadcast %jit3A_214 : f32 to vector<128x256xf32>
    %select_n3A_216 = arith.select %gt3A_213, %slice3A_211, %broadcast_in_dim3A_215 : vector<128x256xi1>, vector<128x256xf32>
    %min3A_217 = arith.minimumf %min3A_210, %select_n3A_216 : vector<128x256xf32>
    %slice3A_218 = vector.extract_strided_slice %bitcast_convert_type3A_26 {offsets = [0, 2304], sizes = [128, 256], strides = [1, 1]} : vector<128x4096xf32> to vector<128x256xf32>
    %gt3A_219 = vector.broadcast %broadcast_in_dim3A_139 : vector<128x1xf32> to vector<128x256xf32>
    %gt3A_220 = arith.cmpf ogt, %slice3A_218, %gt3A_219 : vector<128x256xf32>
    %jit3A_221 = arith.constant 0x7F800000 : f32
    %broadcast_in_dim3A_222 = vector.broadcast %jit3A_221 : f32 to vector<128x256xf32>
    %select_n3A_223 = arith.select %gt3A_220, %slice3A_218, %broadcast_in_dim3A_222 : vector<128x256xi1>, vector<128x256xf32>
    %min3A_224 = arith.minimumf %min3A_217, %select_n3A_223 : vector<128x256xf32>
    %slice3A_225 = vector.extract_strided_slice %bitcast_convert_type3A_26 {offsets = [0, 2560], sizes = [128, 256], strides = [1, 1]} : vector<128x4096xf32> to vector<128x256xf32>
    %gt3A_226 = vector.broadcast %broadcast_in_dim3A_139 : vector<128x1xf32> to vector<128x256xf32>
    %gt3A_227 = arith.cmpf ogt, %slice3A_225, %gt3A_226 : vector<128x256xf32>
    %jit3A_228 = arith.constant 0x7F800000 : f32
    %broadcast_in_dim3A_229 = vector.broadcast %jit3A_228 : f32 to vector<128x256xf32>
    %select_n3A_230 = arith.select %gt3A_227, %slice3A_225, %broadcast_in_dim3A_229 : vector<128x256xi1>, vector<128x256xf32>
    %min3A_231 = arith.minimumf %min3A_224, %select_n3A_230 : vector<128x256xf32>
    %slice3A_232 = vector.extract_strided_slice %bitcast_convert_type3A_26 {offsets = [0, 2816], sizes = [128, 256], strides = [1, 1]} : vector<128x4096xf32> to vector<128x256xf32>
    %gt3A_233 = vector.broadcast %broadcast_in_dim3A_139 : vector<128x1xf32> to vector<128x256xf32>
    %gt3A_234 = arith.cmpf ogt, %slice3A_232, %gt3A_233 : vector<128x256xf32>
    %jit3A_235 = arith.constant 0x7F800000 : f32
    %broadcast_in_dim3A_236 = vector.broadcast %jit3A_235 : f32 to vector<128x256xf32>
    %select_n3A_237 = arith.select %gt3A_234, %slice3A_232, %broadcast_in_dim3A_236 : vector<128x256xi1>, vector<128x256xf32>
    %min3A_238 = arith.minimumf %min3A_231, %select_n3A_237 : vector<128x256xf32>
    %slice3A_239 = vector.extract_strided_slice %bitcast_convert_type3A_26 {offsets = [0, 3072], sizes = [128, 256], strides = [1, 1]} : vector<128x4096xf32> to vector<128x256xf32>
    %gt3A_240 = vector.broadcast %broadcast_in_dim3A_139 : vector<128x1xf32> to vector<128x256xf32>
    %gt3A_241 = arith.cmpf ogt, %slice3A_239, %gt3A_240 : vector<128x256xf32>
    %jit3A_242 = arith.constant 0x7F800000 : f32
    %broadcast_in_dim3A_243 = vector.broadcast %jit3A_242 : f32 to vector<128x256xf32>
    %select_n3A_244 = arith.select %gt3A_241, %slice3A_239, %broadcast_in_dim3A_243 : vector<128x256xi1>, vector<128x256xf32>
    %min3A_245 = arith.minimumf %min3A_238, %select_n3A_244 : vector<128x256xf32>
    %slice3A_246 = vector.extract_strided_slice %bitcast_convert_type3A_26 {offsets = [0, 3328], sizes = [128, 256], strides = [1, 1]} : vector<128x4096xf32> to vector<128x256xf32>
    %gt3A_247 = vector.broadcast %broadcast_in_dim3A_139 : vector<128x1xf32> to vector<128x256xf32>
    %gt3A_248 = arith.cmpf ogt, %slice3A_246, %gt3A_247 : vector<128x256xf32>
    %jit3A_249 = arith.constant 0x7F800000 : f32
    %broadcast_in_dim3A_250 = vector.broadcast %jit3A_249 : f32 to vector<128x256xf32>
    %select_n3A_251 = arith.select %gt3A_248, %slice3A_246, %broadcast_in_dim3A_250 : vector<128x256xi1>, vector<128x256xf32>
    %min3A_252 = arith.minimumf %min3A_245, %select_n3A_251 : vector<128x256xf32>
    %slice3A_253 = vector.extract_strided_slice %bitcast_convert_type3A_26 {offsets = [0, 3584], sizes = [128, 256], strides = [1, 1]} : vector<128x4096xf32> to vector<128x256xf32>
    %gt3A_254 = vector.broadcast %broadcast_in_dim3A_139 : vector<128x1xf32> to vector<128x256xf32>
    %gt3A_255 = arith.cmpf ogt, %slice3A_253, %gt3A_254 : vector<128x256xf32>
    %jit3A_256 = arith.constant 0x7F800000 : f32
    %broadcast_in_dim3A_257 = vector.broadcast %jit3A_256 : f32 to vector<128x256xf32>
    %select_n3A_258 = arith.select %gt3A_255, %slice3A_253, %broadcast_in_dim3A_257 : vector<128x256xi1>, vector<128x256xf32>
    %min3A_259 = arith.minimumf %min3A_252, %select_n3A_258 : vector<128x256xf32>
    %slice3A_260 = vector.extract_strided_slice %bitcast_convert_type3A_26 {offsets = [0, 3840], sizes = [128, 256], strides = [1, 1]} : vector<128x4096xf32> to vector<128x256xf32>
    %gt3A_261 = vector.broadcast %broadcast_in_dim3A_139 : vector<128x1xf32> to vector<128x256xf32>
    %gt3A_262 = arith.cmpf ogt, %slice3A_260, %gt3A_261 : vector<128x256xf32>
    %jit3A_263 = arith.constant 0x7F800000 : f32
    %broadcast_in_dim3A_264 = vector.broadcast %jit3A_263 : f32 to vector<128x256xf32>
    %select_n3A_265 = arith.select %gt3A_262, %slice3A_260, %broadcast_in_dim3A_264 : vector<128x256xi1>, vector<128x256xf32>
    %min3A_266 = arith.minimumf %min3A_259, %select_n3A_265 : vector<128x256xf32>
    %reduce_min3A_267 = arith.constant dense<0x7F800000> : vector<128xf32>
    %reduce_min3A_268 = vector.multi_reduction <minimumf>, %min3A_266, %reduce_min3A_267 [1] : vector<128x256xf32> to vector<128xf32>
    %broadcast_in_dim3A_269 = vector.shape_cast %reduce_min3A_268 : vector<128xf32> to vector<128x1xf32>
    %eq3A_270 = vector.broadcast %broadcast_in_dim3A_269 : vector<128x1xf32> to vector<128x256xf32>
    %eq3A_271 = arith.cmpf oeq, %min3A_266, %eq3A_270 : vector<128x256xf32>
    %jit3A_272 = arith.constant 2.560000e+02 : f32
    %broadcast_in_dim3A_273 = vector.broadcast %jit3A_272 : f32 to vector<128x256xf32>
    %select_n3A_274 = arith.select %eq3A_271, %convert_element_type3A_28, %broadcast_in_dim3A_273 : vector<128x256xi1>, vector<128x256xf32>
    %reduce_min3A_275 = arith.constant dense<0x7F800000> : vector<128xf32>
    %reduce_min3A_276 = vector.multi_reduction <minimumf>, %select_n3A_274, %reduce_min3A_275 [1] : vector<128x256xf32> to vector<128xf32>
    %broadcast_in_dim3A_277 = vector.shape_cast %reduce_min3A_276 : vector<128xf32> to vector<128x1xf32>
    %bitcast_convert_type3A_278 = tpu.bitcast %broadcast_in_dim3A_269 : vector<128x1xf32> -> vector<128x1xi32>
    %and3A_279 = arith.constant 15 : i32
    %and3A_280 = vector.broadcast %and3A_279 : i32 to vector<128x1xi32>
    %and3A_281 = arith.andi %bitcast_convert_type3A_278, %and3A_280 : vector<128x1xi32>
    %shift_left3A_282 = arith.constant 8 : i32
    %shift_left3A_283 = vector.broadcast %shift_left3A_282 : i32 to vector<128x1xi32>
    %shift_left3A_284 = arith.shli %and3A_281, %shift_left3A_283 : vector<128x1xi32>
    %convert_element_type3A_285 = arith.fptosi %broadcast_in_dim3A_277 : vector<128x1xf32> to vector<128x1xi32>
    %or3A_286 = arith.ori %shift_left3A_284, %convert_element_type3A_285 : vector<128x1xi32>
    %slice3A_287 = vector.extract_strided_slice %bitcast_convert_type3A_26 {offsets = [0, 0], sizes = [128, 256], strides = [1, 1]} : vector<128x4096xf32> to vector<128x256xf32>
    %gt3A_288 = vector.broadcast %broadcast_in_dim3A_269 : vector<128x1xf32> to vector<128x256xf32>
    %gt3A_289 = arith.cmpf ogt, %slice3A_287, %gt3A_288 : vector<128x256xf32>
    %slice3A_290 = vector.extract_strided_slice %bitcast_convert_type3A_26 {offsets = [0, 0], sizes = [128, 256], strides = [1, 1]} : vector<128x4096xf32> to vector<128x256xf32>
    %jit3A_291 = arith.constant 0x7F800000 : f32
    %broadcast_in_dim3A_292 = vector.broadcast %jit3A_291 : f32 to vector<128x256xf32>
    %select_n3A_293 = arith.select %gt3A_289, %slice3A_290, %broadcast_in_dim3A_292 : vector<128x256xi1>, vector<128x256xf32>
    %slice3A_294 = vector.extract_strided_slice %bitcast_convert_type3A_26 {offsets = [0, 256], sizes = [128, 256], strides = [1, 1]} : vector<128x4096xf32> to vector<128x256xf32>
    %gt3A_295 = vector.broadcast %broadcast_in_dim3A_269 : vector<128x1xf32> to vector<128x256xf32>
    %gt3A_296 = arith.cmpf ogt, %slice3A_294, %gt3A_295 : vector<128x256xf32>
    %jit3A_297 = arith.constant 0x7F800000 : f32
    %broadcast_in_dim3A_298 = vector.broadcast %jit3A_297 : f32 to vector<128x256xf32>
    %select_n3A_299 = arith.select %gt3A_296, %slice3A_294, %broadcast_in_dim3A_298 : vector<128x256xi1>, vector<128x256xf32>
    %min3A_300 = arith.minimumf %select_n3A_293, %select_n3A_299 : vector<128x256xf32>
    %slice3A_301 = vector.extract_strided_slice %bitcast_convert_type3A_26 {offsets = [0, 512], sizes = [128, 256], strides = [1, 1]} : vector<128x4096xf32> to vector<128x256xf32>
    %gt3A_302 = vector.broadcast %broadcast_in_dim3A_269 : vector<128x1xf32> to vector<128x256xf32>
    %gt3A_303 = arith.cmpf ogt, %slice3A_301, %gt3A_302 : vector<128x256xf32>
    %jit3A_304 = arith.constant 0x7F800000 : f32
    %broadcast_in_dim3A_305 = vector.broadcast %jit3A_304 : f32 to vector<128x256xf32>
    %select_n3A_306 = arith.select %gt3A_303, %slice3A_301, %broadcast_in_dim3A_305 : vector<128x256xi1>, vector<128x256xf32>
    %min3A_307 = arith.minimumf %min3A_300, %select_n3A_306 : vector<128x256xf32>
    %slice3A_308 = vector.extract_strided_slice %bitcast_convert_type3A_26 {offsets = [0, 768], sizes = [128, 256], strides = [1, 1]} : vector<128x4096xf32> to vector<128x256xf32>
    %gt3A_309 = vector.broadcast %broadcast_in_dim3A_269 : vector<128x1xf32> to vector<128x256xf32>
    %gt3A_310 = arith.cmpf ogt, %slice3A_308, %gt3A_309 : vector<128x256xf32>
    %jit3A_311 = arith.constant 0x7F800000 : f32
    %broadcast_in_dim3A_312 = vector.broadcast %jit3A_311 : f32 to vector<128x256xf32>
    %select_n3A_313 = arith.select %gt3A_310, %slice3A_308, %broadcast_in_dim3A_312 : vector<128x256xi1>, vector<128x256xf32>
    %min3A_314 = arith.minimumf %min3A_307, %select_n3A_313 : vector<128x256xf32>
    %slice3A_315 = vector.extract_strided_slice %bitcast_convert_type3A_26 {offsets = [0, 1024], sizes = [128, 256], strides = [1, 1]} : vector<128x4096xf32> to vector<128x256xf32>
    %gt3A_316 = vector.broadcast %broadcast_in_dim3A_269 : vector<128x1xf32> to vector<128x256xf32>
    %gt3A_317 = arith.cmpf ogt, %slice3A_315, %gt3A_316 : vector<128x256xf32>
    %jit3A_318 = arith.constant 0x7F800000 : f32
    %broadcast_in_dim3A_319 = vector.broadcast %jit3A_318 : f32 to vector<128x256xf32>
    %select_n3A_320 = arith.select %gt3A_317, %slice3A_315, %broadcast_in_dim3A_319 : vector<128x256xi1>, vector<128x256xf32>
    %min3A_321 = arith.minimumf %min3A_314, %select_n3A_320 : vector<128x256xf32>
    %slice3A_322 = vector.extract_strided_slice %bitcast_convert_type3A_26 {offsets = [0, 1280], sizes = [128, 256], strides = [1, 1]} : vector<128x4096xf32> to vector<128x256xf32>
    %gt3A_323 = vector.broadcast %broadcast_in_dim3A_269 : vector<128x1xf32> to vector<128x256xf32>
    %gt3A_324 = arith.cmpf ogt, %slice3A_322, %gt3A_323 : vector<128x256xf32>
    %jit3A_325 = arith.constant 0x7F800000 : f32
    %broadcast_in_dim3A_326 = vector.broadcast %jit3A_325 : f32 to vector<128x256xf32>
    %select_n3A_327 = arith.select %gt3A_324, %slice3A_322, %broadcast_in_dim3A_326 : vector<128x256xi1>, vector<128x256xf32>
    %min3A_328 = arith.minimumf %min3A_321, %select_n3A_327 : vector<128x256xf32>
    %slice3A_329 = vector.extract_strided_slice %bitcast_convert_type3A_26 {offsets = [0, 1536], sizes = [128, 256], strides = [1, 1]} : vector<128x4096xf32> to vector<128x256xf32>
    %gt3A_330 = vector.broadcast %broadcast_in_dim3A_269 : vector<128x1xf32> to vector<128x256xf32>
    %gt3A_331 = arith.cmpf ogt, %slice3A_329, %gt3A_330 : vector<128x256xf32>
    %jit3A_332 = arith.constant 0x7F800000 : f32
    %broadcast_in_dim3A_333 = vector.broadcast %jit3A_332 : f32 to vector<128x256xf32>
    %select_n3A_334 = arith.select %gt3A_331, %slice3A_329, %broadcast_in_dim3A_333 : vector<128x256xi1>, vector<128x256xf32>
    %min3A_335 = arith.minimumf %min3A_328, %select_n3A_334 : vector<128x256xf32>
    %slice3A_336 = vector.extract_strided_slice %bitcast_convert_type3A_26 {offsets = [0, 1792], sizes = [128, 256], strides = [1, 1]} : vector<128x4096xf32> to vector<128x256xf32>
    %gt3A_337 = vector.broadcast %broadcast_in_dim3A_269 : vector<128x1xf32> to vector<128x256xf32>
    %gt3A_338 = arith.cmpf ogt, %slice3A_336, %gt3A_337 : vector<128x256xf32>
    %jit3A_339 = arith.constant 0x7F800000 : f32
    %broadcast_in_dim3A_340 = vector.broadcast %jit3A_339 : f32 to vector<128x256xf32>
    %select_n3A_341 = arith.select %gt3A_338, %slice3A_336, %broadcast_in_dim3A_340 : vector<128x256xi1>, vector<128x256xf32>
    %min3A_342 = arith.minimumf %min3A_335, %select_n3A_341 : vector<128x256xf32>
    %slice3A_343 = vector.extract_strided_slice %bitcast_convert_type3A_26 {offsets = [0, 2048], sizes = [128, 256], strides = [1, 1]} : vector<128x4096xf32> to vector<128x256xf32>
    %gt3A_344 = vector.broadcast %broadcast_in_dim3A_269 : vector<128x1xf32> to vector<128x256xf32>
    %gt3A_345 = arith.cmpf ogt, %slice3A_343, %gt3A_344 : vector<128x256xf32>
    %jit3A_346 = arith.constant 0x7F800000 : f32
    %broadcast_in_dim3A_347 = vector.broadcast %jit3A_346 : f32 to vector<128x256xf32>
    %select_n3A_348 = arith.select %gt3A_345, %slice3A_343, %broadcast_in_dim3A_347 : vector<128x256xi1>, vector<128x256xf32>
    %min3A_349 = arith.minimumf %min3A_342, %select_n3A_348 : vector<128x256xf32>
    %slice3A_350 = vector.extract_strided_slice %bitcast_convert_type3A_26 {offsets = [0, 2304], sizes = [128, 256], strides = [1, 1]} : vector<128x4096xf32> to vector<128x256xf32>
    %gt3A_351 = vector.broadcast %broadcast_in_dim3A_269 : vector<128x1xf32> to vector<128x256xf32>
    %gt3A_352 = arith.cmpf ogt, %slice3A_350, %gt3A_351 : vector<128x256xf32>
    %jit3A_353 = arith.constant 0x7F800000 : f32
    %broadcast_in_dim3A_354 = vector.broadcast %jit3A_353 : f32 to vector<128x256xf32>
    %select_n3A_355 = arith.select %gt3A_352, %slice3A_350, %broadcast_in_dim3A_354 : vector<128x256xi1>, vector<128x256xf32>
    %min3A_356 = arith.minimumf %min3A_349, %select_n3A_355 : vector<128x256xf32>
    %slice3A_357 = vector.extract_strided_slice %bitcast_convert_type3A_26 {offsets = [0, 2560], sizes = [128, 256], strides = [1, 1]} : vector<128x4096xf32> to vector<128x256xf32>
    %gt3A_358 = vector.broadcast %broadcast_in_dim3A_269 : vector<128x1xf32> to vector<128x256xf32>
    %gt3A_359 = arith.cmpf ogt, %slice3A_357, %gt3A_358 : vector<128x256xf32>
    %jit3A_360 = arith.constant 0x7F800000 : f32
    %broadcast_in_dim3A_361 = vector.broadcast %jit3A_360 : f32 to vector<128x256xf32>
    %select_n3A_362 = arith.select %gt3A_359, %slice3A_357, %broadcast_in_dim3A_361 : vector<128x256xi1>, vector<128x256xf32>
    %min3A_363 = arith.minimumf %min3A_356, %select_n3A_362 : vector<128x256xf32>
    %slice3A_364 = vector.extract_strided_slice %bitcast_convert_type3A_26 {offsets = [0, 2816], sizes = [128, 256], strides = [1, 1]} : vector<128x4096xf32> to vector<128x256xf32>
    %gt3A_365 = vector.broadcast %broadcast_in_dim3A_269 : vector<128x1xf32> to vector<128x256xf32>
    %gt3A_366 = arith.cmpf ogt, %slice3A_364, %gt3A_365 : vector<128x256xf32>
    %jit3A_367 = arith.constant 0x7F800000 : f32
    %broadcast_in_dim3A_368 = vector.broadcast %jit3A_367 : f32 to vector<128x256xf32>
    %select_n3A_369 = arith.select %gt3A_366, %slice3A_364, %broadcast_in_dim3A_368 : vector<128x256xi1>, vector<128x256xf32>
    %min3A_370 = arith.minimumf %min3A_363, %select_n3A_369 : vector<128x256xf32>
    %slice3A_371 = vector.extract_strided_slice %bitcast_convert_type3A_26 {offsets = [0, 3072], sizes = [128, 256], strides = [1, 1]} : vector<128x4096xf32> to vector<128x256xf32>
    %gt3A_372 = vector.broadcast %broadcast_in_dim3A_269 : vector<128x1xf32> to vector<128x256xf32>
    %gt3A_373 = arith.cmpf ogt, %slice3A_371, %gt3A_372 : vector<128x256xf32>
    %jit3A_374 = arith.constant 0x7F800000 : f32
    %broadcast_in_dim3A_375 = vector.broadcast %jit3A_374 : f32 to vector<128x256xf32>
    %select_n3A_376 = arith.select %gt3A_373, %slice3A_371, %broadcast_in_dim3A_375 : vector<128x256xi1>, vector<128x256xf32>
    %min3A_377 = arith.minimumf %min3A_370, %select_n3A_376 : vector<128x256xf32>
    %slice3A_378 = vector.extract_strided_slice %bitcast_convert_type3A_26 {offsets = [0, 3328], sizes = [128, 256], strides = [1, 1]} : vector<128x4096xf32> to vector<128x256xf32>
    %gt3A_379 = vector.broadcast %broadcast_in_dim3A_269 : vector<128x1xf32> to vector<128x256xf32>
    %gt3A_380 = arith.cmpf ogt, %slice3A_378, %gt3A_379 : vector<128x256xf32>
    %jit3A_381 = arith.constant 0x7F800000 : f32
    %broadcast_in_dim3A_382 = vector.broadcast %jit3A_381 : f32 to vector<128x256xf32>
    %select_n3A_383 = arith.select %gt3A_380, %slice3A_378, %broadcast_in_dim3A_382 : vector<128x256xi1>, vector<128x256xf32>
    %min3A_384 = arith.minimumf %min3A_377, %select_n3A_383 : vector<128x256xf32>
    %slice3A_385 = vector.extract_strided_slice %bitcast_convert_type3A_26 {offsets = [0, 3584], sizes = [128, 256], strides = [1, 1]} : vector<128x4096xf32> to vector<128x256xf32>
    %gt3A_386 = vector.broadcast %broadcast_in_dim3A_269 : vector<128x1xf32> to vector<128x256xf32>
    %gt3A_387 = arith.cmpf ogt, %slice3A_385, %gt3A_386 : vector<128x256xf32>
    %jit3A_388 = arith.constant 0x7F800000 : f32
    %broadcast_in_dim3A_389 = vector.broadcast %jit3A_388 : f32 to vector<128x256xf32>
    %select_n3A_390 = arith.select %gt3A_387, %slice3A_385, %broadcast_in_dim3A_389 : vector<128x256xi1>, vector<128x256xf32>
    %min3A_391 = arith.minimumf %min3A_384, %select_n3A_390 : vector<128x256xf32>
    %slice3A_392 = vector.extract_strided_slice %bitcast_convert_type3A_26 {offsets = [0, 3840], sizes = [128, 256], strides = [1, 1]} : vector<128x4096xf32> to vector<128x256xf32>
    %gt3A_393 = vector.broadcast %broadcast_in_dim3A_269 : vector<128x1xf32> to vector<128x256xf32>
    %gt3A_394 = arith.cmpf ogt, %slice3A_392, %gt3A_393 : vector<128x256xf32>
    %jit3A_395 = arith.constant 0x7F800000 : f32
    %broadcast_in_dim3A_396 = vector.broadcast %jit3A_395 : f32 to vector<128x256xf32>
    %select_n3A_397 = arith.select %gt3A_394, %slice3A_392, %broadcast_in_dim3A_396 : vector<128x256xi1>, vector<128x256xf32>
    %min3A_398 = arith.minimumf %min3A_391, %select_n3A_397 : vector<128x256xf32>
    %reduce_min3A_399 = arith.constant dense<0x7F800000> : vector<128xf32>
    %reduce_min3A_400 = vector.multi_reduction <minimumf>, %min3A_398, %reduce_min3A_399 [1] : vector<128x256xf32> to vector<128xf32>
    %broadcast_in_dim3A_401 = vector.shape_cast %reduce_min3A_400 : vector<128xf32> to vector<128x1xf32>
    %eq3A_402 = vector.broadcast %broadcast_in_dim3A_401 : vector<128x1xf32> to vector<128x256xf32>
    %eq3A_403 = arith.cmpf oeq, %min3A_398, %eq3A_402 : vector<128x256xf32>
    %jit3A_404 = arith.constant 2.560000e+02 : f32
    %broadcast_in_dim3A_405 = vector.broadcast %jit3A_404 : f32 to vector<128x256xf32>
    %select_n3A_406 = arith.select %eq3A_403, %convert_element_type3A_28, %broadcast_in_dim3A_405 : vector<128x256xi1>, vector<128x256xf32>
    %reduce_min3A_407 = arith.constant dense<0x7F800000> : vector<128xf32>
    %reduce_min3A_408 = vector.multi_reduction <minimumf>, %select_n3A_406, %reduce_min3A_407 [1] : vector<128x256xf32> to vector<128xf32>
    %broadcast_in_dim3A_409 = vector.shape_cast %reduce_min3A_408 : vector<128xf32> to vector<128x1xf32>
    %bitcast_convert_type3A_410 = tpu.bitcast %broadcast_in_dim3A_401 : vector<128x1xf32> -> vector<128x1xi32>
    %and3A_411 = arith.constant 15 : i32
    %and3A_412 = vector.broadcast %and3A_411 : i32 to vector<128x1xi32>
    %and3A_413 = arith.andi %bitcast_convert_type3A_410, %and3A_412 : vector<128x1xi32>
    %shift_left3A_414 = arith.constant 8 : i32
    %shift_left3A_415 = vector.broadcast %shift_left3A_414 : i32 to vector<128x1xi32>
    %shift_left3A_416 = arith.shli %and3A_413, %shift_left3A_415 : vector<128x1xi32>
    %convert_element_type3A_417 = arith.fptosi %broadcast_in_dim3A_409 : vector<128x1xf32> to vector<128x1xi32>
    %or3A_418 = arith.ori %shift_left3A_416, %convert_element_type3A_417 : vector<128x1xi32>
    %slice3A_419 = vector.extract_strided_slice %bitcast_convert_type3A_26 {offsets = [0, 0], sizes = [128, 256], strides = [1, 1]} : vector<128x4096xf32> to vector<128x256xf32>
    %gt3A_420 = vector.broadcast %broadcast_in_dim3A_401 : vector<128x1xf32> to vector<128x256xf32>
    %gt3A_421 = arith.cmpf ogt, %slice3A_419, %gt3A_420 : vector<128x256xf32>
    %slice3A_422 = vector.extract_strided_slice %bitcast_convert_type3A_26 {offsets = [0, 0], sizes = [128, 256], strides = [1, 1]} : vector<128x4096xf32> to vector<128x256xf32>
    %jit3A_423 = arith.constant 0x7F800000 : f32
    %broadcast_in_dim3A_424 = vector.broadcast %jit3A_423 : f32 to vector<128x256xf32>
    %select_n3A_425 = arith.select %gt3A_421, %slice3A_422, %broadcast_in_dim3A_424 : vector<128x256xi1>, vector<128x256xf32>
    %slice3A_426 = vector.extract_strided_slice %bitcast_convert_type3A_26 {offsets = [0, 256], sizes = [128, 256], strides = [1, 1]} : vector<128x4096xf32> to vector<128x256xf32>
    %gt3A_427 = vector.broadcast %broadcast_in_dim3A_401 : vector<128x1xf32> to vector<128x256xf32>
    %gt3A_428 = arith.cmpf ogt, %slice3A_426, %gt3A_427 : vector<128x256xf32>
    %jit3A_429 = arith.constant 0x7F800000 : f32
    %broadcast_in_dim3A_430 = vector.broadcast %jit3A_429 : f32 to vector<128x256xf32>
    %select_n3A_431 = arith.select %gt3A_428, %slice3A_426, %broadcast_in_dim3A_430 : vector<128x256xi1>, vector<128x256xf32>
    %min3A_432 = arith.minimumf %select_n3A_425, %select_n3A_431 : vector<128x256xf32>
    %slice3A_433 = vector.extract_strided_slice %bitcast_convert_type3A_26 {offsets = [0, 512], sizes = [128, 256], strides = [1, 1]} : vector<128x4096xf32> to vector<128x256xf32>
    %gt3A_434 = vector.broadcast %broadcast_in_dim3A_401 : vector<128x1xf32> to vector<128x256xf32>
    %gt3A_435 = arith.cmpf ogt, %slice3A_433, %gt3A_434 : vector<128x256xf32>
    %jit3A_436 = arith.constant 0x7F800000 : f32
    %broadcast_in_dim3A_437 = vector.broadcast %jit3A_436 : f32 to vector<128x256xf32>
    %select_n3A_438 = arith.select %gt3A_435, %slice3A_433, %broadcast_in_dim3A_437 : vector<128x256xi1>, vector<128x256xf32>
    %min3A_439 = arith.minimumf %min3A_432, %select_n3A_438 : vector<128x256xf32>
    %slice3A_440 = vector.extract_strided_slice %bitcast_convert_type3A_26 {offsets = [0, 768], sizes = [128, 256], strides = [1, 1]} : vector<128x4096xf32> to vector<128x256xf32>
    %gt3A_441 = vector.broadcast %broadcast_in_dim3A_401 : vector<128x1xf32> to vector<128x256xf32>
    %gt3A_442 = arith.cmpf ogt, %slice3A_440, %gt3A_441 : vector<128x256xf32>
    %jit3A_443 = arith.constant 0x7F800000 : f32
    %broadcast_in_dim3A_444 = vector.broadcast %jit3A_443 : f32 to vector<128x256xf32>
    %select_n3A_445 = arith.select %gt3A_442, %slice3A_440, %broadcast_in_dim3A_444 : vector<128x256xi1>, vector<128x256xf32>
    %min3A_446 = arith.minimumf %min3A_439, %select_n3A_445 : vector<128x256xf32>
    %slice3A_447 = vector.extract_strided_slice %bitcast_convert_type3A_26 {offsets = [0, 1024], sizes = [128, 256], strides = [1, 1]} : vector<128x4096xf32> to vector<128x256xf32>
    %gt3A_448 = vector.broadcast %broadcast_in_dim3A_401 : vector<128x1xf32> to vector<128x256xf32>
    %gt3A_449 = arith.cmpf ogt, %slice3A_447, %gt3A_448 : vector<128x256xf32>
    %jit3A_450 = arith.constant 0x7F800000 : f32
    %broadcast_in_dim3A_451 = vector.broadcast %jit3A_450 : f32 to vector<128x256xf32>
    %select_n3A_452 = arith.select %gt3A_449, %slice3A_447, %broadcast_in_dim3A_451 : vector<128x256xi1>, vector<128x256xf32>
    %min3A_453 = arith.minimumf %min3A_446, %select_n3A_452 : vector<128x256xf32>
    %slice3A_454 = vector.extract_strided_slice %bitcast_convert_type3A_26 {offsets = [0, 1280], sizes = [128, 256], strides = [1, 1]} : vector<128x4096xf32> to vector<128x256xf32>
    %gt3A_455 = vector.broadcast %broadcast_in_dim3A_401 : vector<128x1xf32> to vector<128x256xf32>
    %gt3A_456 = arith.cmpf ogt, %slice3A_454, %gt3A_455 : vector<128x256xf32>
    %jit3A_457 = arith.constant 0x7F800000 : f32
    %broadcast_in_dim3A_458 = vector.broadcast %jit3A_457 : f32 to vector<128x256xf32>
    %select_n3A_459 = arith.select %gt3A_456, %slice3A_454, %broadcast_in_dim3A_458 : vector<128x256xi1>, vector<128x256xf32>
    %min3A_460 = arith.minimumf %min3A_453, %select_n3A_459 : vector<128x256xf32>
    %slice3A_461 = vector.extract_strided_slice %bitcast_convert_type3A_26 {offsets = [0, 1536], sizes = [128, 256], strides = [1, 1]} : vector<128x4096xf32> to vector<128x256xf32>
    %gt3A_462 = vector.broadcast %broadcast_in_dim3A_401 : vector<128x1xf32> to vector<128x256xf32>
    %gt3A_463 = arith.cmpf ogt, %slice3A_461, %gt3A_462 : vector<128x256xf32>
    %jit3A_464 = arith.constant 0x7F800000 : f32
    %broadcast_in_dim3A_465 = vector.broadcast %jit3A_464 : f32 to vector<128x256xf32>
    %select_n3A_466 = arith.select %gt3A_463, %slice3A_461, %broadcast_in_dim3A_465 : vector<128x256xi1>, vector<128x256xf32>
    %min3A_467 = arith.minimumf %min3A_460, %select_n3A_466 : vector<128x256xf32>
    %slice3A_468 = vector.extract_strided_slice %bitcast_convert_type3A_26 {offsets = [0, 1792], sizes = [128, 256], strides = [1, 1]} : vector<128x4096xf32> to vector<128x256xf32>
    %gt3A_469 = vector.broadcast %broadcast_in_dim3A_401 : vector<128x1xf32> to vector<128x256xf32>
    %gt3A_470 = arith.cmpf ogt, %slice3A_468, %gt3A_469 : vector<128x256xf32>
    %jit3A_471 = arith.constant 0x7F800000 : f32
    %broadcast_in_dim3A_472 = vector.broadcast %jit3A_471 : f32 to vector<128x256xf32>
    %select_n3A_473 = arith.select %gt3A_470, %slice3A_468, %broadcast_in_dim3A_472 : vector<128x256xi1>, vector<128x256xf32>
    %min3A_474 = arith.minimumf %min3A_467, %select_n3A_473 : vector<128x256xf32>
    %slice3A_475 = vector.extract_strided_slice %bitcast_convert_type3A_26 {offsets = [0, 2048], sizes = [128, 256], strides = [1, 1]} : vector<128x4096xf32> to vector<128x256xf32>
    %gt3A_476 = vector.broadcast %broadcast_in_dim3A_401 : vector<128x1xf32> to vector<128x256xf32>
    %gt3A_477 = arith.cmpf ogt, %slice3A_475, %gt3A_476 : vector<128x256xf32>
    %jit3A_478 = arith.constant 0x7F800000 : f32
    %broadcast_in_dim3A_479 = vector.broadcast %jit3A_478 : f32 to vector<128x256xf32>
    %select_n3A_480 = arith.select %gt3A_477, %slice3A_475, %broadcast_in_dim3A_479 : vector<128x256xi1>, vector<128x256xf32>
    %min3A_481 = arith.minimumf %min3A_474, %select_n3A_480 : vector<128x256xf32>
    %slice3A_482 = vector.extract_strided_slice %bitcast_convert_type3A_26 {offsets = [0, 2304], sizes = [128, 256], strides = [1, 1]} : vector<128x4096xf32> to vector<128x256xf32>
    %gt3A_483 = vector.broadcast %broadcast_in_dim3A_401 : vector<128x1xf32> to vector<128x256xf32>
    %gt3A_484 = arith.cmpf ogt, %slice3A_482, %gt3A_483 : vector<128x256xf32>
    %jit3A_485 = arith.constant 0x7F800000 : f32
    %broadcast_in_dim3A_486 = vector.broadcast %jit3A_485 : f32 to vector<128x256xf32>
    %select_n3A_487 = arith.select %gt3A_484, %slice3A_482, %broadcast_in_dim3A_486 : vector<128x256xi1>, vector<128x256xf32>
    %min3A_488 = arith.minimumf %min3A_481, %select_n3A_487 : vector<128x256xf32>
    %slice3A_489 = vector.extract_strided_slice %bitcast_convert_type3A_26 {offsets = [0, 2560], sizes = [128, 256], strides = [1, 1]} : vector<128x4096xf32> to vector<128x256xf32>
    %gt3A_490 = vector.broadcast %broadcast_in_dim3A_401 : vector<128x1xf32> to vector<128x256xf32>
    %gt3A_491 = arith.cmpf ogt, %slice3A_489, %gt3A_490 : vector<128x256xf32>
    %jit3A_492 = arith.constant 0x7F800000 : f32
    %broadcast_in_dim3A_493 = vector.broadcast %jit3A_492 : f32 to vector<128x256xf32>
    %select_n3A_494 = arith.select %gt3A_491, %slice3A_489, %broadcast_in_dim3A_493 : vector<128x256xi1>, vector<128x256xf32>
    %min3A_495 = arith.minimumf %min3A_488, %select_n3A_494 : vector<128x256xf32>
    %slice3A_496 = vector.extract_strided_slice %bitcast_convert_type3A_26 {offsets = [0, 2816], sizes = [128, 256], strides = [1, 1]} : vector<128x4096xf32> to vector<128x256xf32>
    %gt3A_497 = vector.broadcast %broadcast_in_dim3A_401 : vector<128x1xf32> to vector<128x256xf32>
    %gt3A_498 = arith.cmpf ogt, %slice3A_496, %gt3A_497 : vector<128x256xf32>
    %jit3A_499 = arith.constant 0x7F800000 : f32
    %broadcast_in_dim3A_500 = vector.broadcast %jit3A_499 : f32 to vector<128x256xf32>
    %select_n3A_501 = arith.select %gt3A_498, %slice3A_496, %broadcast_in_dim3A_500 : vector<128x256xi1>, vector<128x256xf32>
    %min3A_502 = arith.minimumf %min3A_495, %select_n3A_501 : vector<128x256xf32>
    %slice3A_503 = vector.extract_strided_slice %bitcast_convert_type3A_26 {offsets = [0, 3072], sizes = [128, 256], strides = [1, 1]} : vector<128x4096xf32> to vector<128x256xf32>
    %gt3A_504 = vector.broadcast %broadcast_in_dim3A_401 : vector<128x1xf32> to vector<128x256xf32>
    %gt3A_505 = arith.cmpf ogt, %slice3A_503, %gt3A_504 : vector<128x256xf32>
    %jit3A_506 = arith.constant 0x7F800000 : f32
    %broadcast_in_dim3A_507 = vector.broadcast %jit3A_506 : f32 to vector<128x256xf32>
    %select_n3A_508 = arith.select %gt3A_505, %slice3A_503, %broadcast_in_dim3A_507 : vector<128x256xi1>, vector<128x256xf32>
    %min3A_509 = arith.minimumf %min3A_502, %select_n3A_508 : vector<128x256xf32>
    %slice3A_510 = vector.extract_strided_slice %bitcast_convert_type3A_26 {offsets = [0, 3328], sizes = [128, 256], strides = [1, 1]} : vector<128x4096xf32> to vector<128x256xf32>
    %gt3A_511 = vector.broadcast %broadcast_in_dim3A_401 : vector<128x1xf32> to vector<128x256xf32>
    %gt3A_512 = arith.cmpf ogt, %slice3A_510, %gt3A_511 : vector<128x256xf32>
    %jit3A_513 = arith.constant 0x7F800000 : f32
    %broadcast_in_dim3A_514 = vector.broadcast %jit3A_513 : f32 to vector<128x256xf32>
    %select_n3A_515 = arith.select %gt3A_512, %slice3A_510, %broadcast_in_dim3A_514 : vector<128x256xi1>, vector<128x256xf32>
    %min3A_516 = arith.minimumf %min3A_509, %select_n3A_515 : vector<128x256xf32>
    %slice3A_517 = vector.extract_strided_slice %bitcast_convert_type3A_26 {offsets = [0, 3584], sizes = [128, 256], strides = [1, 1]} : vector<128x4096xf32> to vector<128x256xf32>
    %gt3A_518 = vector.broadcast %broadcast_in_dim3A_401 : vector<128x1xf32> to vector<128x256xf32>
    %gt3A_519 = arith.cmpf ogt, %slice3A_517, %gt3A_518 : vector<128x256xf32>
    %jit3A_520 = arith.constant 0x7F800000 : f32
    %broadcast_in_dim3A_521 = vector.broadcast %jit3A_520 : f32 to vector<128x256xf32>
    %select_n3A_522 = arith.select %gt3A_519, %slice3A_517, %broadcast_in_dim3A_521 : vector<128x256xi1>, vector<128x256xf32>
    %min3A_523 = arith.minimumf %min3A_516, %select_n3A_522 : vector<128x256xf32>
    %slice3A_524 = vector.extract_strided_slice %bitcast_convert_type3A_26 {offsets = [0, 3840], sizes = [128, 256], strides = [1, 1]} : vector<128x4096xf32> to vector<128x256xf32>
    %gt3A_525 = vector.broadcast %broadcast_in_dim3A_401 : vector<128x1xf32> to vector<128x256xf32>
    %gt3A_526 = arith.cmpf ogt, %slice3A_524, %gt3A_525 : vector<128x256xf32>
    %jit3A_527 = arith.constant 0x7F800000 : f32
    %broadcast_in_dim3A_528 = vector.broadcast %jit3A_527 : f32 to vector<128x256xf32>
    %select_n3A_529 = arith.select %gt3A_526, %slice3A_524, %broadcast_in_dim3A_528 : vector<128x256xi1>, vector<128x256xf32>
    %min3A_530 = arith.minimumf %min3A_523, %select_n3A_529 : vector<128x256xf32>
    %reduce_min3A_531 = arith.constant dense<0x7F800000> : vector<128xf32>
    %reduce_min3A_532 = vector.multi_reduction <minimumf>, %min3A_530, %reduce_min3A_531 [1] : vector<128x256xf32> to vector<128xf32>
    %broadcast_in_dim3A_533 = vector.shape_cast %reduce_min3A_532 : vector<128xf32> to vector<128x1xf32>
    %eq3A_534 = vector.broadcast %broadcast_in_dim3A_533 : vector<128x1xf32> to vector<128x256xf32>
    %eq3A_535 = arith.cmpf oeq, %min3A_530, %eq3A_534 : vector<128x256xf32>
    %jit3A_536 = arith.constant 2.560000e+02 : f32
    %broadcast_in_dim3A_537 = vector.broadcast %jit3A_536 : f32 to vector<128x256xf32>
    %select_n3A_538 = arith.select %eq3A_535, %convert_element_type3A_28, %broadcast_in_dim3A_537 : vector<128x256xi1>, vector<128x256xf32>
    %reduce_min3A_539 = arith.constant dense<0x7F800000> : vector<128xf32>
    %reduce_min3A_540 = vector.multi_reduction <minimumf>, %select_n3A_538, %reduce_min3A_539 [1] : vector<128x256xf32> to vector<128xf32>
    %broadcast_in_dim3A_541 = vector.shape_cast %reduce_min3A_540 : vector<128xf32> to vector<128x1xf32>
    %bitcast_convert_type3A_542 = tpu.bitcast %broadcast_in_dim3A_533 : vector<128x1xf32> -> vector<128x1xi32>
    %and3A_543 = arith.constant 15 : i32
    %and3A_544 = vector.broadcast %and3A_543 : i32 to vector<128x1xi32>
    %and3A_545 = arith.andi %bitcast_convert_type3A_542, %and3A_544 : vector<128x1xi32>
    %shift_left3A_546 = arith.constant 8 : i32
    %shift_left3A_547 = vector.broadcast %shift_left3A_546 : i32 to vector<128x1xi32>
    %shift_left3A_548 = arith.shli %and3A_545, %shift_left3A_547 : vector<128x1xi32>
    %convert_element_type3A_549 = arith.fptosi %broadcast_in_dim3A_541 : vector<128x1xf32> to vector<128x1xi32>
    %or3A_550 = arith.ori %shift_left3A_548, %convert_element_type3A_549 : vector<128x1xi32>
    %slice3A_551 = vector.extract_strided_slice %bitcast_convert_type3A_26 {offsets = [0, 0], sizes = [128, 256], strides = [1, 1]} : vector<128x4096xf32> to vector<128x256xf32>
    %gt3A_552 = vector.broadcast %broadcast_in_dim3A_533 : vector<128x1xf32> to vector<128x256xf32>
    %gt3A_553 = arith.cmpf ogt, %slice3A_551, %gt3A_552 : vector<128x256xf32>
    %slice3A_554 = vector.extract_strided_slice %bitcast_convert_type3A_26 {offsets = [0, 0], sizes = [128, 256], strides = [1, 1]} : vector<128x4096xf32> to vector<128x256xf32>
    %jit3A_555 = arith.constant 0x7F800000 : f32
    %broadcast_in_dim3A_556 = vector.broadcast %jit3A_555 : f32 to vector<128x256xf32>
    %select_n3A_557 = arith.select %gt3A_553, %slice3A_554, %broadcast_in_dim3A_556 : vector<128x256xi1>, vector<128x256xf32>
    %slice3A_558 = vector.extract_strided_slice %bitcast_convert_type3A_26 {offsets = [0, 256], sizes = [128, 256], strides = [1, 1]} : vector<128x4096xf32> to vector<128x256xf32>
    %gt3A_559 = vector.broadcast %broadcast_in_dim3A_533 : vector<128x1xf32> to vector<128x256xf32>
    %gt3A_560 = arith.cmpf ogt, %slice3A_558, %gt3A_559 : vector<128x256xf32>
    %jit3A_561 = arith.constant 0x7F800000 : f32
    %broadcast_in_dim3A_562 = vector.broadcast %jit3A_561 : f32 to vector<128x256xf32>
    %select_n3A_563 = arith.select %gt3A_560, %slice3A_558, %broadcast_in_dim3A_562 : vector<128x256xi1>, vector<128x256xf32>
    %min3A_564 = arith.minimumf %select_n3A_557, %select_n3A_563 : vector<128x256xf32>
    %slice3A_565 = vector.extract_strided_slice %bitcast_convert_type3A_26 {offsets = [0, 512], sizes = [128, 256], strides = [1, 1]} : vector<128x4096xf32> to vector<128x256xf32>
    %gt3A_566 = vector.broadcast %broadcast_in_dim3A_533 : vector<128x1xf32> to vector<128x256xf32>
    %gt3A_567 = arith.cmpf ogt, %slice3A_565, %gt3A_566 : vector<128x256xf32>
    %jit3A_568 = arith.constant 0x7F800000 : f32
    %broadcast_in_dim3A_569 = vector.broadcast %jit3A_568 : f32 to vector<128x256xf32>
    %select_n3A_570 = arith.select %gt3A_567, %slice3A_565, %broadcast_in_dim3A_569 : vector<128x256xi1>, vector<128x256xf32>
    %min3A_571 = arith.minimumf %min3A_564, %select_n3A_570 : vector<128x256xf32>
    %slice3A_572 = vector.extract_strided_slice %bitcast_convert_type3A_26 {offsets = [0, 768], sizes = [128, 256], strides = [1, 1]} : vector<128x4096xf32> to vector<128x256xf32>
    %gt3A_573 = vector.broadcast %broadcast_in_dim3A_533 : vector<128x1xf32> to vector<128x256xf32>
    %gt3A_574 = arith.cmpf ogt, %slice3A_572, %gt3A_573 : vector<128x256xf32>
    %jit3A_575 = arith.constant 0x7F800000 : f32
    %broadcast_in_dim3A_576 = vector.broadcast %jit3A_575 : f32 to vector<128x256xf32>
    %select_n3A_577 = arith.select %gt3A_574, %slice3A_572, %broadcast_in_dim3A_576 : vector<128x256xi1>, vector<128x256xf32>
    %min3A_578 = arith.minimumf %min3A_571, %select_n3A_577 : vector<128x256xf32>
    %slice3A_579 = vector.extract_strided_slice %bitcast_convert_type3A_26 {offsets = [0, 1024], sizes = [128, 256], strides = [1, 1]} : vector<128x4096xf32> to vector<128x256xf32>
    %gt3A_580 = vector.broadcast %broadcast_in_dim3A_533 : vector<128x1xf32> to vector<128x256xf32>
    %gt3A_581 = arith.cmpf ogt, %slice3A_579, %gt3A_580 : vector<128x256xf32>
    %jit3A_582 = arith.constant 0x7F800000 : f32
    %broadcast_in_dim3A_583 = vector.broadcast %jit3A_582 : f32 to vector<128x256xf32>
    %select_n3A_584 = arith.select %gt3A_581, %slice3A_579, %broadcast_in_dim3A_583 : vector<128x256xi1>, vector<128x256xf32>
    %min3A_585 = arith.minimumf %min3A_578, %select_n3A_584 : vector<128x256xf32>
    %slice3A_586 = vector.extract_strided_slice %bitcast_convert_type3A_26 {offsets = [0, 1280], sizes = [128, 256], strides = [1, 1]} : vector<128x4096xf32> to vector<128x256xf32>
    %gt3A_587 = vector.broadcast %broadcast_in_dim3A_533 : vector<128x1xf32> to vector<128x256xf32>
    %gt3A_588 = arith.cmpf ogt, %slice3A_586, %gt3A_587 : vector<128x256xf32>
    %jit3A_589 = arith.constant 0x7F800000 : f32
    %broadcast_in_dim3A_590 = vector.broadcast %jit3A_589 : f32 to vector<128x256xf32>
    %select_n3A_591 = arith.select %gt3A_588, %slice3A_586, %broadcast_in_dim3A_590 : vector<128x256xi1>, vector<128x256xf32>
    %min3A_592 = arith.minimumf %min3A_585, %select_n3A_591 : vector<128x256xf32>
    %slice3A_593 = vector.extract_strided_slice %bitcast_convert_type3A_26 {offsets = [0, 1536], sizes = [128, 256], strides = [1, 1]} : vector<128x4096xf32> to vector<128x256xf32>
    %gt3A_594 = vector.broadcast %broadcast_in_dim3A_533 : vector<128x1xf32> to vector<128x256xf32>
    %gt3A_595 = arith.cmpf ogt, %slice3A_593, %gt3A_594 : vector<128x256xf32>
    %jit3A_596 = arith.constant 0x7F800000 : f32
    %broadcast_in_dim3A_597 = vector.broadcast %jit3A_596 : f32 to vector<128x256xf32>
    %select_n3A_598 = arith.select %gt3A_595, %slice3A_593, %broadcast_in_dim3A_597 : vector<128x256xi1>, vector<128x256xf32>
    %min3A_599 = arith.minimumf %min3A_592, %select_n3A_598 : vector<128x256xf32>
    %slice3A_600 = vector.extract_strided_slice %bitcast_convert_type3A_26 {offsets = [0, 1792], sizes = [128, 256], strides = [1, 1]} : vector<128x4096xf32> to vector<128x256xf32>
    %gt3A_601 = vector.broadcast %broadcast_in_dim3A_533 : vector<128x1xf32> to vector<128x256xf32>
    %gt3A_602 = arith.cmpf ogt, %slice3A_600, %gt3A_601 : vector<128x256xf32>
    %jit3A_603 = arith.constant 0x7F800000 : f32
    %broadcast_in_dim3A_604 = vector.broadcast %jit3A_603 : f32 to vector<128x256xf32>
    %select_n3A_605 = arith.select %gt3A_602, %slice3A_600, %broadcast_in_dim3A_604 : vector<128x256xi1>, vector<128x256xf32>
    %min3A_606 = arith.minimumf %min3A_599, %select_n3A_605 : vector<128x256xf32>
    %slice3A_607 = vector.extract_strided_slice %bitcast_convert_type3A_26 {offsets = [0, 2048], sizes = [128, 256], strides = [1, 1]} : vector<128x4096xf32> to vector<128x256xf32>
    %gt3A_608 = vector.broadcast %broadcast_in_dim3A_533 : vector<128x1xf32> to vector<128x256xf32>
    %gt3A_609 = arith.cmpf ogt, %slice3A_607, %gt3A_608 : vector<128x256xf32>
    %jit3A_610 = arith.constant 0x7F800000 : f32
    %broadcast_in_dim3A_611 = vector.broadcast %jit3A_610 : f32 to vector<128x256xf32>
    %select_n3A_612 = arith.select %gt3A_609, %slice3A_607, %broadcast_in_dim3A_611 : vector<128x256xi1>, vector<128x256xf32>
    %min3A_613 = arith.minimumf %min3A_606, %select_n3A_612 : vector<128x256xf32>
    %slice3A_614 = vector.extract_strided_slice %bitcast_convert_type3A_26 {offsets = [0, 2304], sizes = [128, 256], strides = [1, 1]} : vector<128x4096xf32> to vector<128x256xf32>
    %gt3A_615 = vector.broadcast %broadcast_in_dim3A_533 : vector<128x1xf32> to vector<128x256xf32>
    %gt3A_616 = arith.cmpf ogt, %slice3A_614, %gt3A_615 : vector<128x256xf32>
    %jit3A_617 = arith.constant 0x7F800000 : f32
    %broadcast_in_dim3A_618 = vector.broadcast %jit3A_617 : f32 to vector<128x256xf32>
    %select_n3A_619 = arith.select %gt3A_616, %slice3A_614, %broadcast_in_dim3A_618 : vector<128x256xi1>, vector<128x256xf32>
    %min3A_620 = arith.minimumf %min3A_613, %select_n3A_619 : vector<128x256xf32>
    %slice3A_621 = vector.extract_strided_slice %bitcast_convert_type3A_26 {offsets = [0, 2560], sizes = [128, 256], strides = [1, 1]} : vector<128x4096xf32> to vector<128x256xf32>
    %gt3A_622 = vector.broadcast %broadcast_in_dim3A_533 : vector<128x1xf32> to vector<128x256xf32>
    %gt3A_623 = arith.cmpf ogt, %slice3A_621, %gt3A_622 : vector<128x256xf32>
    %jit3A_624 = arith.constant 0x7F800000 : f32
    %broadcast_in_dim3A_625 = vector.broadcast %jit3A_624 : f32 to vector<128x256xf32>
    %select_n3A_626 = arith.select %gt3A_623, %slice3A_621, %broadcast_in_dim3A_625 : vector<128x256xi1>, vector<128x256xf32>
    %min3A_627 = arith.minimumf %min3A_620, %select_n3A_626 : vector<128x256xf32>
    %slice3A_628 = vector.extract_strided_slice %bitcast_convert_type3A_26 {offsets = [0, 2816], sizes = [128, 256], strides = [1, 1]} : vector<128x4096xf32> to vector<128x256xf32>
    %gt3A_629 = vector.broadcast %broadcast_in_dim3A_533 : vector<128x1xf32> to vector<128x256xf32>
    %gt3A_630 = arith.cmpf ogt, %slice3A_628, %gt3A_629 : vector<128x256xf32>
    %jit3A_631 = arith.constant 0x7F800000 : f32
    %broadcast_in_dim3A_632 = vector.broadcast %jit3A_631 : f32 to vector<128x256xf32>
    %select_n3A_633 = arith.select %gt3A_630, %slice3A_628, %broadcast_in_dim3A_632 : vector<128x256xi1>, vector<128x256xf32>
    %min3A_634 = arith.minimumf %min3A_627, %select_n3A_633 : vector<128x256xf32>
    %slice3A_635 = vector.extract_strided_slice %bitcast_convert_type3A_26 {offsets = [0, 3072], sizes = [128, 256], strides = [1, 1]} : vector<128x4096xf32> to vector<128x256xf32>
    %gt3A_636 = vector.broadcast %broadcast_in_dim3A_533 : vector<128x1xf32> to vector<128x256xf32>
    %gt3A_637 = arith.cmpf ogt, %slice3A_635, %gt3A_636 : vector<128x256xf32>
    %jit3A_638 = arith.constant 0x7F800000 : f32
    %broadcast_in_dim3A_639 = vector.broadcast %jit3A_638 : f32 to vector<128x256xf32>
    %select_n3A_640 = arith.select %gt3A_637, %slice3A_635, %broadcast_in_dim3A_639 : vector<128x256xi1>, vector<128x256xf32>
    %min3A_641 = arith.minimumf %min3A_634, %select_n3A_640 : vector<128x256xf32>
    %slice3A_642 = vector.extract_strided_slice %bitcast_convert_type3A_26 {offsets = [0, 3328], sizes = [128, 256], strides = [1, 1]} : vector<128x4096xf32> to vector<128x256xf32>
    %gt3A_643 = vector.broadcast %broadcast_in_dim3A_533 : vector<128x1xf32> to vector<128x256xf32>
    %gt3A_644 = arith.cmpf ogt, %slice3A_642, %gt3A_643 : vector<128x256xf32>
    %jit3A_645 = arith.constant 0x7F800000 : f32
    %broadcast_in_dim3A_646 = vector.broadcast %jit3A_645 : f32 to vector<128x256xf32>
    %select_n3A_647 = arith.select %gt3A_644, %slice3A_642, %broadcast_in_dim3A_646 : vector<128x256xi1>, vector<128x256xf32>
    %min3A_648 = arith.minimumf %min3A_641, %select_n3A_647 : vector<128x256xf32>
    %slice3A_649 = vector.extract_strided_slice %bitcast_convert_type3A_26 {offsets = [0, 3584], sizes = [128, 256], strides = [1, 1]} : vector<128x4096xf32> to vector<128x256xf32>
    %gt3A_650 = vector.broadcast %broadcast_in_dim3A_533 : vector<128x1xf32> to vector<128x256xf32>
    %gt3A_651 = arith.cmpf ogt, %slice3A_649, %gt3A_650 : vector<128x256xf32>
    %jit3A_652 = arith.constant 0x7F800000 : f32
    %broadcast_in_dim3A_653 = vector.broadcast %jit3A_652 : f32 to vector<128x256xf32>
    %select_n3A_654 = arith.select %gt3A_651, %slice3A_649, %broadcast_in_dim3A_653 : vector<128x256xi1>, vector<128x256xf32>
    %min3A_655 = arith.minimumf %min3A_648, %select_n3A_654 : vector<128x256xf32>
    %slice3A_656 = vector.extract_strided_slice %bitcast_convert_type3A_26 {offsets = [0, 3840], sizes = [128, 256], strides = [1, 1]} : vector<128x4096xf32> to vector<128x256xf32>
    %gt3A_657 = vector.broadcast %broadcast_in_dim3A_533 : vector<128x1xf32> to vector<128x256xf32>
    %gt3A_658 = arith.cmpf ogt, %slice3A_656, %gt3A_657 : vector<128x256xf32>
    %jit3A_659 = arith.constant 0x7F800000 : f32
    %broadcast_in_dim3A_660 = vector.broadcast %jit3A_659 : f32 to vector<128x256xf32>
    %select_n3A_661 = arith.select %gt3A_658, %slice3A_656, %broadcast_in_dim3A_660 : vector<128x256xi1>, vector<128x256xf32>
    %min3A_662 = arith.minimumf %min3A_655, %select_n3A_661 : vector<128x256xf32>
    %reduce_min3A_663 = arith.constant dense<0x7F800000> : vector<128xf32>
    %reduce_min3A_664 = vector.multi_reduction <minimumf>, %min3A_662, %reduce_min3A_663 [1] : vector<128x256xf32> to vector<128xf32>
    %broadcast_in_dim3A_665 = vector.shape_cast %reduce_min3A_664 : vector<128xf32> to vector<128x1xf32>
    %eq3A_666 = vector.broadcast %broadcast_in_dim3A_665 : vector<128x1xf32> to vector<128x256xf32>
    %eq3A_667 = arith.cmpf oeq, %min3A_662, %eq3A_666 : vector<128x256xf32>
    %jit3A_668 = arith.constant 2.560000e+02 : f32
    %broadcast_in_dim3A_669 = vector.broadcast %jit3A_668 : f32 to vector<128x256xf32>
    %select_n3A_670 = arith.select %eq3A_667, %convert_element_type3A_28, %broadcast_in_dim3A_669 : vector<128x256xi1>, vector<128x256xf32>
    %reduce_min3A_671 = arith.constant dense<0x7F800000> : vector<128xf32>
    %reduce_min3A_672 = vector.multi_reduction <minimumf>, %select_n3A_670, %reduce_min3A_671 [1] : vector<128x256xf32> to vector<128xf32>
    %broadcast_in_dim3A_673 = vector.shape_cast %reduce_min3A_672 : vector<128xf32> to vector<128x1xf32>
    %bitcast_convert_type3A_674 = tpu.bitcast %broadcast_in_dim3A_665 : vector<128x1xf32> -> vector<128x1xi32>
    %and3A_675 = arith.constant 15 : i32
    %and3A_676 = vector.broadcast %and3A_675 : i32 to vector<128x1xi32>
    %and3A_677 = arith.andi %bitcast_convert_type3A_674, %and3A_676 : vector<128x1xi32>
    %shift_left3A_678 = arith.constant 8 : i32
    %shift_left3A_679 = vector.broadcast %shift_left3A_678 : i32 to vector<128x1xi32>
    %shift_left3A_680 = arith.shli %and3A_677, %shift_left3A_679 : vector<128x1xi32>
    %convert_element_type3A_681 = arith.fptosi %broadcast_in_dim3A_673 : vector<128x1xf32> to vector<128x1xi32>
    %or3A_682 = arith.ori %shift_left3A_680, %convert_element_type3A_681 : vector<128x1xi32>
    %slice3A_683 = vector.extract_strided_slice %bitcast_convert_type3A_26 {offsets = [0, 0], sizes = [128, 256], strides = [1, 1]} : vector<128x4096xf32> to vector<128x256xf32>
    %gt3A_684 = vector.broadcast %broadcast_in_dim3A_665 : vector<128x1xf32> to vector<128x256xf32>
    %gt3A_685 = arith.cmpf ogt, %slice3A_683, %gt3A_684 : vector<128x256xf32>
    %slice3A_686 = vector.extract_strided_slice %bitcast_convert_type3A_26 {offsets = [0, 0], sizes = [128, 256], strides = [1, 1]} : vector<128x4096xf32> to vector<128x256xf32>
    %jit3A_687 = arith.constant 0x7F800000 : f32
    %broadcast_in_dim3A_688 = vector.broadcast %jit3A_687 : f32 to vector<128x256xf32>
    %select_n3A_689 = arith.select %gt3A_685, %slice3A_686, %broadcast_in_dim3A_688 : vector<128x256xi1>, vector<128x256xf32>
    %slice3A_690 = vector.extract_strided_slice %bitcast_convert_type3A_26 {offsets = [0, 256], sizes = [128, 256], strides = [1, 1]} : vector<128x4096xf32> to vector<128x256xf32>
    %gt3A_691 = vector.broadcast %broadcast_in_dim3A_665 : vector<128x1xf32> to vector<128x256xf32>
    %gt3A_692 = arith.cmpf ogt, %slice3A_690, %gt3A_691 : vector<128x256xf32>
    %jit3A_693 = arith.constant 0x7F800000 : f32
    %broadcast_in_dim3A_694 = vector.broadcast %jit3A_693 : f32 to vector<128x256xf32>
    %select_n3A_695 = arith.select %gt3A_692, %slice3A_690, %broadcast_in_dim3A_694 : vector<128x256xi1>, vector<128x256xf32>
    %min3A_696 = arith.minimumf %select_n3A_689, %select_n3A_695 : vector<128x256xf32>
    %slice3A_697 = vector.extract_strided_slice %bitcast_convert_type3A_26 {offsets = [0, 512], sizes = [128, 256], strides = [1, 1]} : vector<128x4096xf32> to vector<128x256xf32>
    %gt3A_698 = vector.broadcast %broadcast_in_dim3A_665 : vector<128x1xf32> to vector<128x256xf32>
    %gt3A_699 = arith.cmpf ogt, %slice3A_697, %gt3A_698 : vector<128x256xf32>
    %jit3A_700 = arith.constant 0x7F800000 : f32
    %broadcast_in_dim3A_701 = vector.broadcast %jit3A_700 : f32 to vector<128x256xf32>
    %select_n3A_702 = arith.select %gt3A_699, %slice3A_697, %broadcast_in_dim3A_701 : vector<128x256xi1>, vector<128x256xf32>
    %min3A_703 = arith.minimumf %min3A_696, %select_n3A_702 : vector<128x256xf32>
    %slice3A_704 = vector.extract_strided_slice %bitcast_convert_type3A_26 {offsets = [0, 768], sizes = [128, 256], strides = [1, 1]} : vector<128x4096xf32> to vector<128x256xf32>
    %gt3A_705 = vector.broadcast %broadcast_in_dim3A_665 : vector<128x1xf32> to vector<128x256xf32>
    %gt3A_706 = arith.cmpf ogt, %slice3A_704, %gt3A_705 : vector<128x256xf32>
    %jit3A_707 = arith.constant 0x7F800000 : f32
    %broadcast_in_dim3A_708 = vector.broadcast %jit3A_707 : f32 to vector<128x256xf32>
    %select_n3A_709 = arith.select %gt3A_706, %slice3A_704, %broadcast_in_dim3A_708 : vector<128x256xi1>, vector<128x256xf32>
    %min3A_710 = arith.minimumf %min3A_703, %select_n3A_709 : vector<128x256xf32>
    %slice3A_711 = vector.extract_strided_slice %bitcast_convert_type3A_26 {offsets = [0, 1024], sizes = [128, 256], strides = [1, 1]} : vector<128x4096xf32> to vector<128x256xf32>
    %gt3A_712 = vector.broadcast %broadcast_in_dim3A_665 : vector<128x1xf32> to vector<128x256xf32>
    %gt3A_713 = arith.cmpf ogt, %slice3A_711, %gt3A_712 : vector<128x256xf32>
    %jit3A_714 = arith.constant 0x7F800000 : f32
    %broadcast_in_dim3A_715 = vector.broadcast %jit3A_714 : f32 to vector<128x256xf32>
    %select_n3A_716 = arith.select %gt3A_713, %slice3A_711, %broadcast_in_dim3A_715 : vector<128x256xi1>, vector<128x256xf32>
    %min3A_717 = arith.minimumf %min3A_710, %select_n3A_716 : vector<128x256xf32>
    %slice3A_718 = vector.extract_strided_slice %bitcast_convert_type3A_26 {offsets = [0, 1280], sizes = [128, 256], strides = [1, 1]} : vector<128x4096xf32> to vector<128x256xf32>
    %gt3A_719 = vector.broadcast %broadcast_in_dim3A_665 : vector<128x1xf32> to vector<128x256xf32>
    %gt3A_720 = arith.cmpf ogt, %slice3A_718, %gt3A_719 : vector<128x256xf32>
    %jit3A_721 = arith.constant 0x7F800000 : f32
    %broadcast_in_dim3A_722 = vector.broadcast %jit3A_721 : f32 to vector<128x256xf32>
    %select_n3A_723 = arith.select %gt3A_720, %slice3A_718, %broadcast_in_dim3A_722 : vector<128x256xi1>, vector<128x256xf32>
    %min3A_724 = arith.minimumf %min3A_717, %select_n3A_723 : vector<128x256xf32>
    %slice3A_725 = vector.extract_strided_slice %bitcast_convert_type3A_26 {offsets = [0, 1536], sizes = [128, 256], strides = [1, 1]} : vector<128x4096xf32> to vector<128x256xf32>
    %gt3A_726 = vector.broadcast %broadcast_in_dim3A_665 : vector<128x1xf32> to vector<128x256xf32>
    %gt3A_727 = arith.cmpf ogt, %slice3A_725, %gt3A_726 : vector<128x256xf32>
    %jit3A_728 = arith.constant 0x7F800000 : f32
    %broadcast_in_dim3A_729 = vector.broadcast %jit3A_728 : f32 to vector<128x256xf32>
    %select_n3A_730 = arith.select %gt3A_727, %slice3A_725, %broadcast_in_dim3A_729 : vector<128x256xi1>, vector<128x256xf32>
    %min3A_731 = arith.minimumf %min3A_724, %select_n3A_730 : vector<128x256xf32>
    %slice3A_732 = vector.extract_strided_slice %bitcast_convert_type3A_26 {offsets = [0, 1792], sizes = [128, 256], strides = [1, 1]} : vector<128x4096xf32> to vector<128x256xf32>
    %gt3A_733 = vector.broadcast %broadcast_in_dim3A_665 : vector<128x1xf32> to vector<128x256xf32>
    %gt3A_734 = arith.cmpf ogt, %slice3A_732, %gt3A_733 : vector<128x256xf32>
    %jit3A_735 = arith.constant 0x7F800000 : f32
    %broadcast_in_dim3A_736 = vector.broadcast %jit3A_735 : f32 to vector<128x256xf32>
    %select_n3A_737 = arith.select %gt3A_734, %slice3A_732, %broadcast_in_dim3A_736 : vector<128x256xi1>, vector<128x256xf32>
    %min3A_738 = arith.minimumf %min3A_731, %select_n3A_737 : vector<128x256xf32>
    %slice3A_739 = vector.extract_strided_slice %bitcast_convert_type3A_26 {offsets = [0, 2048], sizes = [128, 256], strides = [1, 1]} : vector<128x4096xf32> to vector<128x256xf32>
    %gt3A_740 = vector.broadcast %broadcast_in_dim3A_665 : vector<128x1xf32> to vector<128x256xf32>
    %gt3A_741 = arith.cmpf ogt, %slice3A_739, %gt3A_740 : vector<128x256xf32>
    %jit3A_742 = arith.constant 0x7F800000 : f32
    %broadcast_in_dim3A_743 = vector.broadcast %jit3A_742 : f32 to vector<128x256xf32>
    %select_n3A_744 = arith.select %gt3A_741, %slice3A_739, %broadcast_in_dim3A_743 : vector<128x256xi1>, vector<128x256xf32>
    %min3A_745 = arith.minimumf %min3A_738, %select_n3A_744 : vector<128x256xf32>
    %slice3A_746 = vector.extract_strided_slice %bitcast_convert_type3A_26 {offsets = [0, 2304], sizes = [128, 256], strides = [1, 1]} : vector<128x4096xf32> to vector<128x256xf32>
    %gt3A_747 = vector.broadcast %broadcast_in_dim3A_665 : vector<128x1xf32> to vector<128x256xf32>
    %gt3A_748 = arith.cmpf ogt, %slice3A_746, %gt3A_747 : vector<128x256xf32>
    %jit3A_749 = arith.constant 0x7F800000 : f32
    %broadcast_in_dim3A_750 = vector.broadcast %jit3A_749 : f32 to vector<128x256xf32>
    %select_n3A_751 = arith.select %gt3A_748, %slice3A_746, %broadcast_in_dim3A_750 : vector<128x256xi1>, vector<128x256xf32>
    %min3A_752 = arith.minimumf %min3A_745, %select_n3A_751 : vector<128x256xf32>
    %slice3A_753 = vector.extract_strided_slice %bitcast_convert_type3A_26 {offsets = [0, 2560], sizes = [128, 256], strides = [1, 1]} : vector<128x4096xf32> to vector<128x256xf32>
    %gt3A_754 = vector.broadcast %broadcast_in_dim3A_665 : vector<128x1xf32> to vector<128x256xf32>
    %gt3A_755 = arith.cmpf ogt, %slice3A_753, %gt3A_754 : vector<128x256xf32>
    %jit3A_756 = arith.constant 0x7F800000 : f32
    %broadcast_in_dim3A_757 = vector.broadcast %jit3A_756 : f32 to vector<128x256xf32>
    %select_n3A_758 = arith.select %gt3A_755, %slice3A_753, %broadcast_in_dim3A_757 : vector<128x256xi1>, vector<128x256xf32>
    %min3A_759 = arith.minimumf %min3A_752, %select_n3A_758 : vector<128x256xf32>
    %slice3A_760 = vector.extract_strided_slice %bitcast_convert_type3A_26 {offsets = [0, 2816], sizes = [128, 256], strides = [1, 1]} : vector<128x4096xf32> to vector<128x256xf32>
    %gt3A_761 = vector.broadcast %broadcast_in_dim3A_665 : vector<128x1xf32> to vector<128x256xf32>
    %gt3A_762 = arith.cmpf ogt, %slice3A_760, %gt3A_761 : vector<128x256xf32>
    %jit3A_763 = arith.constant 0x7F800000 : f32
    %broadcast_in_dim3A_764 = vector.broadcast %jit3A_763 : f32 to vector<128x256xf32>
    %select_n3A_765 = arith.select %gt3A_762, %slice3A_760, %broadcast_in_dim3A_764 : vector<128x256xi1>, vector<128x256xf32>
    %min3A_766 = arith.minimumf %min3A_759, %select_n3A_765 : vector<128x256xf32>
    %slice3A_767 = vector.extract_strided_slice %bitcast_convert_type3A_26 {offsets = [0, 3072], sizes = [128, 256], strides = [1, 1]} : vector<128x4096xf32> to vector<128x256xf32>
    %gt3A_768 = vector.broadcast %broadcast_in_dim3A_665 : vector<128x1xf32> to vector<128x256xf32>
    %gt3A_769 = arith.cmpf ogt, %slice3A_767, %gt3A_768 : vector<128x256xf32>
    %jit3A_770 = arith.constant 0x7F800000 : f32
    %broadcast_in_dim3A_771 = vector.broadcast %jit3A_770 : f32 to vector<128x256xf32>
    %select_n3A_772 = arith.select %gt3A_769, %slice3A_767, %broadcast_in_dim3A_771 : vector<128x256xi1>, vector<128x256xf32>
    %min3A_773 = arith.minimumf %min3A_766, %select_n3A_772 : vector<128x256xf32>
    %slice3A_774 = vector.extract_strided_slice %bitcast_convert_type3A_26 {offsets = [0, 3328], sizes = [128, 256], strides = [1, 1]} : vector<128x4096xf32> to vector<128x256xf32>
    %gt3A_775 = vector.broadcast %broadcast_in_dim3A_665 : vector<128x1xf32> to vector<128x256xf32>
    %gt3A_776 = arith.cmpf ogt, %slice3A_774, %gt3A_775 : vector<128x256xf32>
    %jit3A_777 = arith.constant 0x7F800000 : f32
    %broadcast_in_dim3A_778 = vector.broadcast %jit3A_777 : f32 to vector<128x256xf32>
    %select_n3A_779 = arith.select %gt3A_776, %slice3A_774, %broadcast_in_dim3A_778 : vector<128x256xi1>, vector<128x256xf32>
    %min3A_780 = arith.minimumf %min3A_773, %select_n3A_779 : vector<128x256xf32>
    %slice3A_781 = vector.extract_strided_slice %bitcast_convert_type3A_26 {offsets = [0, 3584], sizes = [128, 256], strides = [1, 1]} : vector<128x4096xf32> to vector<128x256xf32>
    %gt3A_782 = vector.broadcast %broadcast_in_dim3A_665 : vector<128x1xf32> to vector<128x256xf32>
    %gt3A_783 = arith.cmpf ogt, %slice3A_781, %gt3A_782 : vector<128x256xf32>
    %jit3A_784 = arith.constant 0x7F800000 : f32
    %broadcast_in_dim3A_785 = vector.broadcast %jit3A_784 : f32 to vector<128x256xf32>
    %select_n3A_786 = arith.select %gt3A_783, %slice3A_781, %broadcast_in_dim3A_785 : vector<128x256xi1>, vector<128x256xf32>
    %min3A_787 = arith.minimumf %min3A_780, %select_n3A_786 : vector<128x256xf32>
    %slice3A_788 = vector.extract_strided_slice %bitcast_convert_type3A_26 {offsets = [0, 3840], sizes = [128, 256], strides = [1, 1]} : vector<128x4096xf32> to vector<128x256xf32>
    %gt3A_789 = vector.broadcast %broadcast_in_dim3A_665 : vector<128x1xf32> to vector<128x256xf32>
    %gt3A_790 = arith.cmpf ogt, %slice3A_788, %gt3A_789 : vector<128x256xf32>
    %jit3A_791 = arith.constant 0x7F800000 : f32
    %broadcast_in_dim3A_792 = vector.broadcast %jit3A_791 : f32 to vector<128x256xf32>
    %select_n3A_793 = arith.select %gt3A_790, %slice3A_788, %broadcast_in_dim3A_792 : vector<128x256xi1>, vector<128x256xf32>
    %min3A_794 = arith.minimumf %min3A_787, %select_n3A_793 : vector<128x256xf32>
    %reduce_min3A_795 = arith.constant dense<0x7F800000> : vector<128xf32>
    %reduce_min3A_796 = vector.multi_reduction <minimumf>, %min3A_794, %reduce_min3A_795 [1] : vector<128x256xf32> to vector<128xf32>
    %broadcast_in_dim3A_797 = vector.shape_cast %reduce_min3A_796 : vector<128xf32> to vector<128x1xf32>
    %eq3A_798 = vector.broadcast %broadcast_in_dim3A_797 : vector<128x1xf32> to vector<128x256xf32>
    %eq3A_799 = arith.cmpf oeq, %min3A_794, %eq3A_798 : vector<128x256xf32>
    %jit3A_800 = arith.constant 2.560000e+02 : f32
    %broadcast_in_dim3A_801 = vector.broadcast %jit3A_800 : f32 to vector<128x256xf32>
    %select_n3A_802 = arith.select %eq3A_799, %convert_element_type3A_28, %broadcast_in_dim3A_801 : vector<128x256xi1>, vector<128x256xf32>
    %reduce_min3A_803 = arith.constant dense<0x7F800000> : vector<128xf32>
    %reduce_min3A_804 = vector.multi_reduction <minimumf>, %select_n3A_802, %reduce_min3A_803 [1] : vector<128x256xf32> to vector<128xf32>
    %broadcast_in_dim3A_805 = vector.shape_cast %reduce_min3A_804 : vector<128xf32> to vector<128x1xf32>
    %bitcast_convert_type3A_806 = tpu.bitcast %broadcast_in_dim3A_797 : vector<128x1xf32> -> vector<128x1xi32>
    %and3A_807 = arith.constant 15 : i32
    %and3A_808 = vector.broadcast %and3A_807 : i32 to vector<128x1xi32>
    %and3A_809 = arith.andi %bitcast_convert_type3A_806, %and3A_808 : vector<128x1xi32>
    %shift_left3A_810 = arith.constant 8 : i32
    %shift_left3A_811 = vector.broadcast %shift_left3A_810 : i32 to vector<128x1xi32>
    %shift_left3A_812 = arith.shli %and3A_809, %shift_left3A_811 : vector<128x1xi32>
    %convert_element_type3A_813 = arith.fptosi %broadcast_in_dim3A_805 : vector<128x1xf32> to vector<128x1xi32>
    %or3A_814 = arith.ori %shift_left3A_812, %convert_element_type3A_813 : vector<128x1xi32>
    %slice3A_815 = vector.extract_strided_slice %bitcast_convert_type3A_26 {offsets = [0, 0], sizes = [128, 256], strides = [1, 1]} : vector<128x4096xf32> to vector<128x256xf32>
    %gt3A_816 = vector.broadcast %broadcast_in_dim3A_797 : vector<128x1xf32> to vector<128x256xf32>
    %gt3A_817 = arith.cmpf ogt, %slice3A_815, %gt3A_816 : vector<128x256xf32>
    %slice3A_818 = vector.extract_strided_slice %bitcast_convert_type3A_26 {offsets = [0, 0], sizes = [128, 256], strides = [1, 1]} : vector<128x4096xf32> to vector<128x256xf32>
    %jit3A_819 = arith.constant 0x7F800000 : f32
    %broadcast_in_dim3A_820 = vector.broadcast %jit3A_819 : f32 to vector<128x256xf32>
    %select_n3A_821 = arith.select %gt3A_817, %slice3A_818, %broadcast_in_dim3A_820 : vector<128x256xi1>, vector<128x256xf32>
    %slice3A_822 = vector.extract_strided_slice %bitcast_convert_type3A_26 {offsets = [0, 256], sizes = [128, 256], strides = [1, 1]} : vector<128x4096xf32> to vector<128x256xf32>
    %gt3A_823 = vector.broadcast %broadcast_in_dim3A_797 : vector<128x1xf32> to vector<128x256xf32>
    %gt3A_824 = arith.cmpf ogt, %slice3A_822, %gt3A_823 : vector<128x256xf32>
    %jit3A_825 = arith.constant 0x7F800000 : f32
    %broadcast_in_dim3A_826 = vector.broadcast %jit3A_825 : f32 to vector<128x256xf32>
    %select_n3A_827 = arith.select %gt3A_824, %slice3A_822, %broadcast_in_dim3A_826 : vector<128x256xi1>, vector<128x256xf32>
    %min3A_828 = arith.minimumf %select_n3A_821, %select_n3A_827 : vector<128x256xf32>
    %slice3A_829 = vector.extract_strided_slice %bitcast_convert_type3A_26 {offsets = [0, 512], sizes = [128, 256], strides = [1, 1]} : vector<128x4096xf32> to vector<128x256xf32>
    %gt3A_830 = vector.broadcast %broadcast_in_dim3A_797 : vector<128x1xf32> to vector<128x256xf32>
    %gt3A_831 = arith.cmpf ogt, %slice3A_829, %gt3A_830 : vector<128x256xf32>
    %jit3A_832 = arith.constant 0x7F800000 : f32
    %broadcast_in_dim3A_833 = vector.broadcast %jit3A_832 : f32 to vector<128x256xf32>
    %select_n3A_834 = arith.select %gt3A_831, %slice3A_829, %broadcast_in_dim3A_833 : vector<128x256xi1>, vector<128x256xf32>
    %min3A_835 = arith.minimumf %min3A_828, %select_n3A_834 : vector<128x256xf32>
    %slice3A_836 = vector.extract_strided_slice %bitcast_convert_type3A_26 {offsets = [0, 768], sizes = [128, 256], strides = [1, 1]} : vector<128x4096xf32> to vector<128x256xf32>
    %gt3A_837 = vector.broadcast %broadcast_in_dim3A_797 : vector<128x1xf32> to vector<128x256xf32>
    %gt3A_838 = arith.cmpf ogt, %slice3A_836, %gt3A_837 : vector<128x256xf32>
    %jit3A_839 = arith.constant 0x7F800000 : f32
    %broadcast_in_dim3A_840 = vector.broadcast %jit3A_839 : f32 to vector<128x256xf32>
    %select_n3A_841 = arith.select %gt3A_838, %slice3A_836, %broadcast_in_dim3A_840 : vector<128x256xi1>, vector<128x256xf32>
    %min3A_842 = arith.minimumf %min3A_835, %select_n3A_841 : vector<128x256xf32>
    %slice3A_843 = vector.extract_strided_slice %bitcast_convert_type3A_26 {offsets = [0, 1024], sizes = [128, 256], strides = [1, 1]} : vector<128x4096xf32> to vector<128x256xf32>
    %gt3A_844 = vector.broadcast %broadcast_in_dim3A_797 : vector<128x1xf32> to vector<128x256xf32>
    %gt3A_845 = arith.cmpf ogt, %slice3A_843, %gt3A_844 : vector<128x256xf32>
    %jit3A_846 = arith.constant 0x7F800000 : f32
    %broadcast_in_dim3A_847 = vector.broadcast %jit3A_846 : f32 to vector<128x256xf32>
    %select_n3A_848 = arith.select %gt3A_845, %slice3A_843, %broadcast_in_dim3A_847 : vector<128x256xi1>, vector<128x256xf32>
    %min3A_849 = arith.minimumf %min3A_842, %select_n3A_848 : vector<128x256xf32>
    %slice3A_850 = vector.extract_strided_slice %bitcast_convert_type3A_26 {offsets = [0, 1280], sizes = [128, 256], strides = [1, 1]} : vector<128x4096xf32> to vector<128x256xf32>
    %gt3A_851 = vector.broadcast %broadcast_in_dim3A_797 : vector<128x1xf32> to vector<128x256xf32>
    %gt3A_852 = arith.cmpf ogt, %slice3A_850, %gt3A_851 : vector<128x256xf32>
    %jit3A_853 = arith.constant 0x7F800000 : f32
    %broadcast_in_dim3A_854 = vector.broadcast %jit3A_853 : f32 to vector<128x256xf32>
    %select_n3A_855 = arith.select %gt3A_852, %slice3A_850, %broadcast_in_dim3A_854 : vector<128x256xi1>, vector<128x256xf32>
    %min3A_856 = arith.minimumf %min3A_849, %select_n3A_855 : vector<128x256xf32>
    %slice3A_857 = vector.extract_strided_slice %bitcast_convert_type3A_26 {offsets = [0, 1536], sizes = [128, 256], strides = [1, 1]} : vector<128x4096xf32> to vector<128x256xf32>
    %gt3A_858 = vector.broadcast %broadcast_in_dim3A_797 : vector<128x1xf32> to vector<128x256xf32>
    %gt3A_859 = arith.cmpf ogt, %slice3A_857, %gt3A_858 : vector<128x256xf32>
    %jit3A_860 = arith.constant 0x7F800000 : f32
    %broadcast_in_dim3A_861 = vector.broadcast %jit3A_860 : f32 to vector<128x256xf32>
    %select_n3A_862 = arith.select %gt3A_859, %slice3A_857, %broadcast_in_dim3A_861 : vector<128x256xi1>, vector<128x256xf32>
    %min3A_863 = arith.minimumf %min3A_856, %select_n3A_862 : vector<128x256xf32>
    %slice3A_864 = vector.extract_strided_slice %bitcast_convert_type3A_26 {offsets = [0, 1792], sizes = [128, 256], strides = [1, 1]} : vector<128x4096xf32> to vector<128x256xf32>
    %gt3A_865 = vector.broadcast %broadcast_in_dim3A_797 : vector<128x1xf32> to vector<128x256xf32>
    %gt3A_866 = arith.cmpf ogt, %slice3A_864, %gt3A_865 : vector<128x256xf32>
    %jit3A_867 = arith.constant 0x7F800000 : f32
    %broadcast_in_dim3A_868 = vector.broadcast %jit3A_867 : f32 to vector<128x256xf32>
    %select_n3A_869 = arith.select %gt3A_866, %slice3A_864, %broadcast_in_dim3A_868 : vector<128x256xi1>, vector<128x256xf32>
    %min3A_870 = arith.minimumf %min3A_863, %select_n3A_869 : vector<128x256xf32>
    %slice3A_871 = vector.extract_strided_slice %bitcast_convert_type3A_26 {offsets = [0, 2048], sizes = [128, 256], strides = [1, 1]} : vector<128x4096xf32> to vector<128x256xf32>
    %gt3A_872 = vector.broadcast %broadcast_in_dim3A_797 : vector<128x1xf32> to vector<128x256xf32>
    %gt3A_873 = arith.cmpf ogt, %slice3A_871, %gt3A_872 : vector<128x256xf32>
    %jit3A_874 = arith.constant 0x7F800000 : f32
    %broadcast_in_dim3A_875 = vector.broadcast %jit3A_874 : f32 to vector<128x256xf32>
    %select_n3A_876 = arith.select %gt3A_873, %slice3A_871, %broadcast_in_dim3A_875 : vector<128x256xi1>, vector<128x256xf32>
    %min3A_877 = arith.minimumf %min3A_870, %select_n3A_876 : vector<128x256xf32>
    %slice3A_878 = vector.extract_strided_slice %bitcast_convert_type3A_26 {offsets = [0, 2304], sizes = [128, 256], strides = [1, 1]} : vector<128x4096xf32> to vector<128x256xf32>
    %gt3A_879 = vector.broadcast %broadcast_in_dim3A_797 : vector<128x1xf32> to vector<128x256xf32>
    %gt3A_880 = arith.cmpf ogt, %slice3A_878, %gt3A_879 : vector<128x256xf32>
    %jit3A_881 = arith.constant 0x7F800000 : f32
    %broadcast_in_dim3A_882 = vector.broadcast %jit3A_881 : f32 to vector<128x256xf32>
    %select_n3A_883 = arith.select %gt3A_880, %slice3A_878, %broadcast_in_dim3A_882 : vector<128x256xi1>, vector<128x256xf32>
    %min3A_884 = arith.minimumf %min3A_877, %select_n3A_883 : vector<128x256xf32>
    %slice3A_885 = vector.extract_strided_slice %bitcast_convert_type3A_26 {offsets = [0, 2560], sizes = [128, 256], strides = [1, 1]} : vector<128x4096xf32> to vector<128x256xf32>
    %gt3A_886 = vector.broadcast %broadcast_in_dim3A_797 : vector<128x1xf32> to vector<128x256xf32>
    %gt3A_887 = arith.cmpf ogt, %slice3A_885, %gt3A_886 : vector<128x256xf32>
    %jit3A_888 = arith.constant 0x7F800000 : f32
    %broadcast_in_dim3A_889 = vector.broadcast %jit3A_888 : f32 to vector<128x256xf32>
    %select_n3A_890 = arith.select %gt3A_887, %slice3A_885, %broadcast_in_dim3A_889 : vector<128x256xi1>, vector<128x256xf32>
    %min3A_891 = arith.minimumf %min3A_884, %select_n3A_890 : vector<128x256xf32>
    %slice3A_892 = vector.extract_strided_slice %bitcast_convert_type3A_26 {offsets = [0, 2816], sizes = [128, 256], strides = [1, 1]} : vector<128x4096xf32> to vector<128x256xf32>
    %gt3A_893 = vector.broadcast %broadcast_in_dim3A_797 : vector<128x1xf32> to vector<128x256xf32>
    %gt3A_894 = arith.cmpf ogt, %slice3A_892, %gt3A_893 : vector<128x256xf32>
    %jit3A_895 = arith.constant 0x7F800000 : f32
    %broadcast_in_dim3A_896 = vector.broadcast %jit3A_895 : f32 to vector<128x256xf32>
    %select_n3A_897 = arith.select %gt3A_894, %slice3A_892, %broadcast_in_dim3A_896 : vector<128x256xi1>, vector<128x256xf32>
    %min3A_898 = arith.minimumf %min3A_891, %select_n3A_897 : vector<128x256xf32>
    %slice3A_899 = vector.extract_strided_slice %bitcast_convert_type3A_26 {offsets = [0, 3072], sizes = [128, 256], strides = [1, 1]} : vector<128x4096xf32> to vector<128x256xf32>
    %gt3A_900 = vector.broadcast %broadcast_in_dim3A_797 : vector<128x1xf32> to vector<128x256xf32>
    %gt3A_901 = arith.cmpf ogt, %slice3A_899, %gt3A_900 : vector<128x256xf32>
    %jit3A_902 = arith.constant 0x7F800000 : f32
    %broadcast_in_dim3A_903 = vector.broadcast %jit3A_902 : f32 to vector<128x256xf32>
    %select_n3A_904 = arith.select %gt3A_901, %slice3A_899, %broadcast_in_dim3A_903 : vector<128x256xi1>, vector<128x256xf32>
    %min3A_905 = arith.minimumf %min3A_898, %select_n3A_904 : vector<128x256xf32>
    %slice3A_906 = vector.extract_strided_slice %bitcast_convert_type3A_26 {offsets = [0, 3328], sizes = [128, 256], strides = [1, 1]} : vector<128x4096xf32> to vector<128x256xf32>
    %gt3A_907 = vector.broadcast %broadcast_in_dim3A_797 : vector<128x1xf32> to vector<128x256xf32>
    %gt3A_908 = arith.cmpf ogt, %slice3A_906, %gt3A_907 : vector<128x256xf32>
    %jit3A_909 = arith.constant 0x7F800000 : f32
    %broadcast_in_dim3A_910 = vector.broadcast %jit3A_909 : f32 to vector<128x256xf32>
    %select_n3A_911 = arith.select %gt3A_908, %slice3A_906, %broadcast_in_dim3A_910 : vector<128x256xi1>, vector<128x256xf32>
    %min3A_912 = arith.minimumf %min3A_905, %select_n3A_911 : vector<128x256xf32>
    %slice3A_913 = vector.extract_strided_slice %bitcast_convert_type3A_26 {offsets = [0, 3584], sizes = [128, 256], strides = [1, 1]} : vector<128x4096xf32> to vector<128x256xf32>
    %gt3A_914 = vector.broadcast %broadcast_in_dim3A_797 : vector<128x1xf32> to vector<128x256xf32>
    %gt3A_915 = arith.cmpf ogt, %slice3A_913, %gt3A_914 : vector<128x256xf32>
    %jit3A_916 = arith.constant 0x7F800000 : f32
    %broadcast_in_dim3A_917 = vector.broadcast %jit3A_916 : f32 to vector<128x256xf32>
    %select_n3A_918 = arith.select %gt3A_915, %slice3A_913, %broadcast_in_dim3A_917 : vector<128x256xi1>, vector<128x256xf32>
    %min3A_919 = arith.minimumf %min3A_912, %select_n3A_918 : vector<128x256xf32>
    %slice3A_920 = vector.extract_strided_slice %bitcast_convert_type3A_26 {offsets = [0, 3840], sizes = [128, 256], strides = [1, 1]} : vector<128x4096xf32> to vector<128x256xf32>
    %gt3A_921 = vector.broadcast %broadcast_in_dim3A_797 : vector<128x1xf32> to vector<128x256xf32>
    %gt3A_922 = arith.cmpf ogt, %slice3A_920, %gt3A_921 : vector<128x256xf32>
    %jit3A_923 = arith.constant 0x7F800000 : f32
    %broadcast_in_dim3A_924 = vector.broadcast %jit3A_923 : f32 to vector<128x256xf32>
    %select_n3A_925 = arith.select %gt3A_922, %slice3A_920, %broadcast_in_dim3A_924 : vector<128x256xi1>, vector<128x256xf32>
    %min3A_926 = arith.minimumf %min3A_919, %select_n3A_925 : vector<128x256xf32>
    %reduce_min3A_927 = arith.constant dense<0x7F800000> : vector<128xf32>
    %reduce_min3A_928 = vector.multi_reduction <minimumf>, %min3A_926, %reduce_min3A_927 [1] : vector<128x256xf32> to vector<128xf32>
    %broadcast_in_dim3A_929 = vector.shape_cast %reduce_min3A_928 : vector<128xf32> to vector<128x1xf32>
    %eq3A_930 = vector.broadcast %broadcast_in_dim3A_929 : vector<128x1xf32> to vector<128x256xf32>
    %eq3A_931 = arith.cmpf oeq, %min3A_926, %eq3A_930 : vector<128x256xf32>
    %jit3A_932 = arith.constant 2.560000e+02 : f32
    %broadcast_in_dim3A_933 = vector.broadcast %jit3A_932 : f32 to vector<128x256xf32>
    %select_n3A_934 = arith.select %eq3A_931, %convert_element_type3A_28, %broadcast_in_dim3A_933 : vector<128x256xi1>, vector<128x256xf32>
    %reduce_min3A_935 = arith.constant dense<0x7F800000> : vector<128xf32>
    %reduce_min3A_936 = vector.multi_reduction <minimumf>, %select_n3A_934, %reduce_min3A_935 [1] : vector<128x256xf32> to vector<128xf32>
    %broadcast_in_dim3A_937 = vector.shape_cast %reduce_min3A_936 : vector<128xf32> to vector<128x1xf32>
    %bitcast_convert_type3A_938 = tpu.bitcast %broadcast_in_dim3A_929 : vector<128x1xf32> -> vector<128x1xi32>
    %and3A_939 = arith.constant 15 : i32
    %and3A_940 = vector.broadcast %and3A_939 : i32 to vector<128x1xi32>
    %and3A_941 = arith.andi %bitcast_convert_type3A_938, %and3A_940 : vector<128x1xi32>
    %shift_left3A_942 = arith.constant 8 : i32
    %shift_left3A_943 = vector.broadcast %shift_left3A_942 : i32 to vector<128x1xi32>
    %shift_left3A_944 = arith.shli %and3A_941, %shift_left3A_943 : vector<128x1xi32>
    %convert_element_type3A_945 = arith.fptosi %broadcast_in_dim3A_937 : vector<128x1xf32> to vector<128x1xi32>
    %or3A_946 = arith.ori %shift_left3A_944, %convert_element_type3A_945 : vector<128x1xi32>
    %slice3A_947 = vector.extract_strided_slice %bitcast_convert_type3A_26 {offsets = [0, 0], sizes = [128, 256], strides = [1, 1]} : vector<128x4096xf32> to vector<128x256xf32>
    %gt3A_948 = vector.broadcast %broadcast_in_dim3A_929 : vector<128x1xf32> to vector<128x256xf32>
    %gt3A_949 = arith.cmpf ogt, %slice3A_947, %gt3A_948 : vector<128x256xf32>
    %slice3A_950 = vector.extract_strided_slice %bitcast_convert_type3A_26 {offsets = [0, 0], sizes = [128, 256], strides = [1, 1]} : vector<128x4096xf32> to vector<128x256xf32>
    %jit3A_951 = arith.constant 0x7F800000 : f32
    %broadcast_in_dim3A_952 = vector.broadcast %jit3A_951 : f32 to vector<128x256xf32>
    %select_n3A_953 = arith.select %gt3A_949, %slice3A_950, %broadcast_in_dim3A_952 : vector<128x256xi1>, vector<128x256xf32>
    %slice3A_954 = vector.extract_strided_slice %bitcast_convert_type3A_26 {offsets = [0, 256], sizes = [128, 256], strides = [1, 1]} : vector<128x4096xf32> to vector<128x256xf32>
    %gt3A_955 = vector.broadcast %broadcast_in_dim3A_929 : vector<128x1xf32> to vector<128x256xf32>
    %gt3A_956 = arith.cmpf ogt, %slice3A_954, %gt3A_955 : vector<128x256xf32>
    %jit3A_957 = arith.constant 0x7F800000 : f32
    %broadcast_in_dim3A_958 = vector.broadcast %jit3A_957 : f32 to vector<128x256xf32>
    %select_n3A_959 = arith.select %gt3A_956, %slice3A_954, %broadcast_in_dim3A_958 : vector<128x256xi1>, vector<128x256xf32>
    %min3A_960 = arith.minimumf %select_n3A_953, %select_n3A_959 : vector<128x256xf32>
    %slice3A_961 = vector.extract_strided_slice %bitcast_convert_type3A_26 {offsets = [0, 512], sizes = [128, 256], strides = [1, 1]} : vector<128x4096xf32> to vector<128x256xf32>
    %gt3A_962 = vector.broadcast %broadcast_in_dim3A_929 : vector<128x1xf32> to vector<128x256xf32>
    %gt3A_963 = arith.cmpf ogt, %slice3A_961, %gt3A_962 : vector<128x256xf32>
    %jit3A_964 = arith.constant 0x7F800000 : f32
    %broadcast_in_dim3A_965 = vector.broadcast %jit3A_964 : f32 to vector<128x256xf32>
    %select_n3A_966 = arith.select %gt3A_963, %slice3A_961, %broadcast_in_dim3A_965 : vector<128x256xi1>, vector<128x256xf32>
    %min3A_967 = arith.minimumf %min3A_960, %select_n3A_966 : vector<128x256xf32>
    %slice3A_968 = vector.extract_strided_slice %bitcast_convert_type3A_26 {offsets = [0, 768], sizes = [128, 256], strides = [1, 1]} : vector<128x4096xf32> to vector<128x256xf32>
    %gt3A_969 = vector.broadcast %broadcast_in_dim3A_929 : vector<128x1xf32> to vector<128x256xf32>
    %gt3A_970 = arith.cmpf ogt, %slice3A_968, %gt3A_969 : vector<128x256xf32>
    %jit3A_971 = arith.constant 0x7F800000 : f32
    %broadcast_in_dim3A_972 = vector.broadcast %jit3A_971 : f32 to vector<128x256xf32>
    %select_n3A_973 = arith.select %gt3A_970, %slice3A_968, %broadcast_in_dim3A_972 : vector<128x256xi1>, vector<128x256xf32>
    %min3A_974 = arith.minimumf %min3A_967, %select_n3A_973 : vector<128x256xf32>
    %slice3A_975 = vector.extract_strided_slice %bitcast_convert_type3A_26 {offsets = [0, 1024], sizes = [128, 256], strides = [1, 1]} : vector<128x4096xf32> to vector<128x256xf32>
    %gt3A_976 = vector.broadcast %broadcast_in_dim3A_929 : vector<128x1xf32> to vector<128x256xf32>
    %gt3A_977 = arith.cmpf ogt, %slice3A_975, %gt3A_976 : vector<128x256xf32>
    %jit3A_978 = arith.constant 0x7F800000 : f32
    %broadcast_in_dim3A_979 = vector.broadcast %jit3A_978 : f32 to vector<128x256xf32>
    %select_n3A_980 = arith.select %gt3A_977, %slice3A_975, %broadcast_in_dim3A_979 : vector<128x256xi1>, vector<128x256xf32>
    %min3A_981 = arith.minimumf %min3A_974, %select_n3A_980 : vector<128x256xf32>
    %slice3A_982 = vector.extract_strided_slice %bitcast_convert_type3A_26 {offsets = [0, 1280], sizes = [128, 256], strides = [1, 1]} : vector<128x4096xf32> to vector<128x256xf32>
    %gt3A_983 = vector.broadcast %broadcast_in_dim3A_929 : vector<128x1xf32> to vector<128x256xf32>
    %gt3A_984 = arith.cmpf ogt, %slice3A_982, %gt3A_983 : vector<128x256xf32>
    %jit3A_985 = arith.constant 0x7F800000 : f32
    %broadcast_in_dim3A_986 = vector.broadcast %jit3A_985 : f32 to vector<128x256xf32>
    %select_n3A_987 = arith.select %gt3A_984, %slice3A_982, %broadcast_in_dim3A_986 : vector<128x256xi1>, vector<128x256xf32>
    %min3A_988 = arith.minimumf %min3A_981, %select_n3A_987 : vector<128x256xf32>
    %slice3A_989 = vector.extract_strided_slice %bitcast_convert_type3A_26 {offsets = [0, 1536], sizes = [128, 256], strides = [1, 1]} : vector<128x4096xf32> to vector<128x256xf32>
    %gt3A_990 = vector.broadcast %broadcast_in_dim3A_929 : vector<128x1xf32> to vector<128x256xf32>
    %gt3A_991 = arith.cmpf ogt, %slice3A_989, %gt3A_990 : vector<128x256xf32>
    %jit3A_992 = arith.constant 0x7F800000 : f32
    %broadcast_in_dim3A_993 = vector.broadcast %jit3A_992 : f32 to vector<128x256xf32>
    %select_n3A_994 = arith.select %gt3A_991, %slice3A_989, %broadcast_in_dim3A_993 : vector<128x256xi1>, vector<128x256xf32>
    %min3A_995 = arith.minimumf %min3A_988, %select_n3A_994 : vector<128x256xf32>
    %slice3A_996 = vector.extract_strided_slice %bitcast_convert_type3A_26 {offsets = [0, 1792], sizes = [128, 256], strides = [1, 1]} : vector<128x4096xf32> to vector<128x256xf32>
    %gt3A_997 = vector.broadcast %broadcast_in_dim3A_929 : vector<128x1xf32> to vector<128x256xf32>
    %gt3A_998 = arith.cmpf ogt, %slice3A_996, %gt3A_997 : vector<128x256xf32>
    %jit3A_999 = arith.constant 0x7F800000 : f32
    %broadcast_in_dim3A_1000 = vector.broadcast %jit3A_999 : f32 to vector<128x256xf32>
    %select_n3A_1001 = arith.select %gt3A_998, %slice3A_996, %broadcast_in_dim3A_1000 : vector<128x256xi1>, vector<128x256xf32>
    %min3A_1002 = arith.minimumf %min3A_995, %select_n3A_1001 : vector<128x256xf32>
    %slice3A_1003 = vector.extract_strided_slice %bitcast_convert_type3A_26 {offsets = [0, 2048], sizes = [128, 256], strides = [1, 1]} : vector<128x4096xf32> to vector<128x256xf32>
    %gt3A_1004 = vector.broadcast %broadcast_in_dim3A_929 : vector<128x1xf32> to vector<128x256xf32>
    %gt3A_1005 = arith.cmpf ogt, %slice3A_1003, %gt3A_1004 : vector<128x256xf32>
    %jit3A_1006 = arith.constant 0x7F800000 : f32
    %broadcast_in_dim3A_1007 = vector.broadcast %jit3A_1006 : f32 to vector<128x256xf32>
    %select_n3A_1008 = arith.select %gt3A_1005, %slice3A_1003, %broadcast_in_dim3A_1007 : vector<128x256xi1>, vector<128x256xf32>
    %min3A_1009 = arith.minimumf %min3A_1002, %select_n3A_1008 : vector<128x256xf32>
    %slice3A_1010 = vector.extract_strided_slice %bitcast_convert_type3A_26 {offsets = [0, 2304], sizes = [128, 256], strides = [1, 1]} : vector<128x4096xf32> to vector<128x256xf32>
    %gt3A_1011 = vector.broadcast %broadcast_in_dim3A_929 : vector<128x1xf32> to vector<128x256xf32>
    %gt3A_1012 = arith.cmpf ogt, %slice3A_1010, %gt3A_1011 : vector<128x256xf32>
    %jit3A_1013 = arith.constant 0x7F800000 : f32
    %broadcast_in_dim3A_1014 = vector.broadcast %jit3A_1013 : f32 to vector<128x256xf32>
    %select_n3A_1015 = arith.select %gt3A_1012, %slice3A_1010, %broadcast_in_dim3A_1014 : vector<128x256xi1>, vector<128x256xf32>
    %min3A_1016 = arith.minimumf %min3A_1009, %select_n3A_1015 : vector<128x256xf32>
    %slice3A_1017 = vector.extract_strided_slice %bitcast_convert_type3A_26 {offsets = [0, 2560], sizes = [128, 256], strides = [1, 1]} : vector<128x4096xf32> to vector<128x256xf32>
    %gt3A_1018 = vector.broadcast %broadcast_in_dim3A_929 : vector<128x1xf32> to vector<128x256xf32>
    %gt3A_1019 = arith.cmpf ogt, %slice3A_1017, %gt3A_1018 : vector<128x256xf32>
    %jit3A_1020 = arith.constant 0x7F800000 : f32
    %broadcast_in_dim3A_1021 = vector.broadcast %jit3A_1020 : f32 to vector<128x256xf32>
    %select_n3A_1022 = arith.select %gt3A_1019, %slice3A_1017, %broadcast_in_dim3A_1021 : vector<128x256xi1>, vector<128x256xf32>
    %min3A_1023 = arith.minimumf %min3A_1016, %select_n3A_1022 : vector<128x256xf32>
    %slice3A_1024 = vector.extract_strided_slice %bitcast_convert_type3A_26 {offsets = [0, 2816], sizes = [128, 256], strides = [1, 1]} : vector<128x4096xf32> to vector<128x256xf32>
    %gt3A_1025 = vector.broadcast %broadcast_in_dim3A_929 : vector<128x1xf32> to vector<128x256xf32>
    %gt3A_1026 = arith.cmpf ogt, %slice3A_1024, %gt3A_1025 : vector<128x256xf32>
    %jit3A_1027 = arith.constant 0x7F800000 : f32
    %broadcast_in_dim3A_1028 = vector.broadcast %jit3A_1027 : f32 to vector<128x256xf32>
    %select_n3A_1029 = arith.select %gt3A_1026, %slice3A_1024, %broadcast_in_dim3A_1028 : vector<128x256xi1>, vector<128x256xf32>
    %min3A_1030 = arith.minimumf %min3A_1023, %select_n3A_1029 : vector<128x256xf32>
    %slice3A_1031 = vector.extract_strided_slice %bitcast_convert_type3A_26 {offsets = [0, 3072], sizes = [128, 256], strides = [1, 1]} : vector<128x4096xf32> to vector<128x256xf32>
    %gt3A_1032 = vector.broadcast %broadcast_in_dim3A_929 : vector<128x1xf32> to vector<128x256xf32>
    %gt3A_1033 = arith.cmpf ogt, %slice3A_1031, %gt3A_1032 : vector<128x256xf32>
    %jit3A_1034 = arith.constant 0x7F800000 : f32
    %broadcast_in_dim3A_1035 = vector.broadcast %jit3A_1034 : f32 to vector<128x256xf32>
    %select_n3A_1036 = arith.select %gt3A_1033, %slice3A_1031, %broadcast_in_dim3A_1035 : vector<128x256xi1>, vector<128x256xf32>
    %min3A_1037 = arith.minimumf %min3A_1030, %select_n3A_1036 : vector<128x256xf32>
    %slice3A_1038 = vector.extract_strided_slice %bitcast_convert_type3A_26 {offsets = [0, 3328], sizes = [128, 256], strides = [1, 1]} : vector<128x4096xf32> to vector<128x256xf32>
    %gt3A_1039 = vector.broadcast %broadcast_in_dim3A_929 : vector<128x1xf32> to vector<128x256xf32>
    %gt3A_1040 = arith.cmpf ogt, %slice3A_1038, %gt3A_1039 : vector<128x256xf32>
    %jit3A_1041 = arith.constant 0x7F800000 : f32
    %broadcast_in_dim3A_1042 = vector.broadcast %jit3A_1041 : f32 to vector<128x256xf32>
    %select_n3A_1043 = arith.select %gt3A_1040, %slice3A_1038, %broadcast_in_dim3A_1042 : vector<128x256xi1>, vector<128x256xf32>
    %min3A_1044 = arith.minimumf %min3A_1037, %select_n3A_1043 : vector<128x256xf32>
    %slice3A_1045 = vector.extract_strided_slice %bitcast_convert_type3A_26 {offsets = [0, 3584], sizes = [128, 256], strides = [1, 1]} : vector<128x4096xf32> to vector<128x256xf32>
    %gt3A_1046 = vector.broadcast %broadcast_in_dim3A_929 : vector<128x1xf32> to vector<128x256xf32>
    %gt3A_1047 = arith.cmpf ogt, %slice3A_1045, %gt3A_1046 : vector<128x256xf32>
    %jit3A_1048 = arith.constant 0x7F800000 : f32
    %broadcast_in_dim3A_1049 = vector.broadcast %jit3A_1048 : f32 to vector<128x256xf32>
    %select_n3A_1050 = arith.select %gt3A_1047, %slice3A_1045, %broadcast_in_dim3A_1049 : vector<128x256xi1>, vector<128x256xf32>
    %min3A_1051 = arith.minimumf %min3A_1044, %select_n3A_1050 : vector<128x256xf32>
    %slice3A_1052 = vector.extract_strided_slice %bitcast_convert_type3A_26 {offsets = [0, 3840], sizes = [128, 256], strides = [1, 1]} : vector<128x4096xf32> to vector<128x256xf32>
    %gt3A_1053 = vector.broadcast %broadcast_in_dim3A_929 : vector<128x1xf32> to vector<128x256xf32>
    %gt3A_1054 = arith.cmpf ogt, %slice3A_1052, %gt3A_1053 : vector<128x256xf32>
    %jit3A_1055 = arith.constant 0x7F800000 : f32
    %broadcast_in_dim3A_1056 = vector.broadcast %jit3A_1055 : f32 to vector<128x256xf32>
    %select_n3A_1057 = arith.select %gt3A_1054, %slice3A_1052, %broadcast_in_dim3A_1056 : vector<128x256xi1>, vector<128x256xf32>
    %min3A_1058 = arith.minimumf %min3A_1051, %select_n3A_1057 : vector<128x256xf32>
    %reduce_min3A_1059 = arith.constant dense<0x7F800000> : vector<128xf32>
    %reduce_min3A_1060 = vector.multi_reduction <minimumf>, %min3A_1058, %reduce_min3A_1059 [1] : vector<128x256xf32> to vector<128xf32>
    %broadcast_in_dim3A_1061 = vector.shape_cast %reduce_min3A_1060 : vector<128xf32> to vector<128x1xf32>
    %eq3A_1062 = vector.broadcast %broadcast_in_dim3A_1061 : vector<128x1xf32> to vector<128x256xf32>
    %eq3A_1063 = arith.cmpf oeq, %min3A_1058, %eq3A_1062 : vector<128x256xf32>
    %jit3A_1064 = arith.constant 2.560000e+02 : f32
    %broadcast_in_dim3A_1065 = vector.broadcast %jit3A_1064 : f32 to vector<128x256xf32>
    %select_n3A_1066 = arith.select %eq3A_1063, %convert_element_type3A_28, %broadcast_in_dim3A_1065 : vector<128x256xi1>, vector<128x256xf32>
    %reduce_min3A_1067 = arith.constant dense<0x7F800000> : vector<128xf32>
    %reduce_min3A_1068 = vector.multi_reduction <minimumf>, %select_n3A_1066, %reduce_min3A_1067 [1] : vector<128x256xf32> to vector<128xf32>
    %broadcast_in_dim3A_1069 = vector.shape_cast %reduce_min3A_1068 : vector<128xf32> to vector<128x1xf32>
    %bitcast_convert_type3A_1070 = tpu.bitcast %broadcast_in_dim3A_1061 : vector<128x1xf32> -> vector<128x1xi32>
    %and3A_1071 = arith.constant 15 : i32
    %and3A_1072 = vector.broadcast %and3A_1071 : i32 to vector<128x1xi32>
    %and3A_1073 = arith.andi %bitcast_convert_type3A_1070, %and3A_1072 : vector<128x1xi32>
    %shift_left3A_1074 = arith.constant 8 : i32
    %shift_left3A_1075 = vector.broadcast %shift_left3A_1074 : i32 to vector<128x1xi32>
    %shift_left3A_1076 = arith.shli %and3A_1073, %shift_left3A_1075 : vector<128x1xi32>
    %convert_element_type3A_1077 = arith.fptosi %broadcast_in_dim3A_1069 : vector<128x1xf32> to vector<128x1xi32>
    %or3A_1078 = arith.ori %shift_left3A_1076, %convert_element_type3A_1077 : vector<128x1xi32>
    %slice3A_1079 = vector.extract_strided_slice %bitcast_convert_type3A_26 {offsets = [0, 0], sizes = [128, 256], strides = [1, 1]} : vector<128x4096xf32> to vector<128x256xf32>
    %gt3A_1080 = vector.broadcast %broadcast_in_dim3A_1061 : vector<128x1xf32> to vector<128x256xf32>
    %gt3A_1081 = arith.cmpf ogt, %slice3A_1079, %gt3A_1080 : vector<128x256xf32>
    %slice3A_1082 = vector.extract_strided_slice %bitcast_convert_type3A_26 {offsets = [0, 0], sizes = [128, 256], strides = [1, 1]} : vector<128x4096xf32> to vector<128x256xf32>
    %jit3A_1083 = arith.constant 0x7F800000 : f32
    %broadcast_in_dim3A_1084 = vector.broadcast %jit3A_1083 : f32 to vector<128x256xf32>
    %select_n3A_1085 = arith.select %gt3A_1081, %slice3A_1082, %broadcast_in_dim3A_1084 : vector<128x256xi1>, vector<128x256xf32>
    %slice3A_1086 = vector.extract_strided_slice %bitcast_convert_type3A_26 {offsets = [0, 256], sizes = [128, 256], strides = [1, 1]} : vector<128x4096xf32> to vector<128x256xf32>
    %gt3A_1087 = vector.broadcast %broadcast_in_dim3A_1061 : vector<128x1xf32> to vector<128x256xf32>
    %gt3A_1088 = arith.cmpf ogt, %slice3A_1086, %gt3A_1087 : vector<128x256xf32>
    %jit3A_1089 = arith.constant 0x7F800000 : f32
    %broadcast_in_dim3A_1090 = vector.broadcast %jit3A_1089 : f32 to vector<128x256xf32>
    %select_n3A_1091 = arith.select %gt3A_1088, %slice3A_1086, %broadcast_in_dim3A_1090 : vector<128x256xi1>, vector<128x256xf32>
    %min3A_1092 = arith.minimumf %select_n3A_1085, %select_n3A_1091 : vector<128x256xf32>
    %slice3A_1093 = vector.extract_strided_slice %bitcast_convert_type3A_26 {offsets = [0, 512], sizes = [128, 256], strides = [1, 1]} : vector<128x4096xf32> to vector<128x256xf32>
    %gt3A_1094 = vector.broadcast %broadcast_in_dim3A_1061 : vector<128x1xf32> to vector<128x256xf32>
    %gt3A_1095 = arith.cmpf ogt, %slice3A_1093, %gt3A_1094 : vector<128x256xf32>
    %jit3A_1096 = arith.constant 0x7F800000 : f32
    %broadcast_in_dim3A_1097 = vector.broadcast %jit3A_1096 : f32 to vector<128x256xf32>
    %select_n3A_1098 = arith.select %gt3A_1095, %slice3A_1093, %broadcast_in_dim3A_1097 : vector<128x256xi1>, vector<128x256xf32>
    %min3A_1099 = arith.minimumf %min3A_1092, %select_n3A_1098 : vector<128x256xf32>
    %slice3A_1100 = vector.extract_strided_slice %bitcast_convert_type3A_26 {offsets = [0, 768], sizes = [128, 256], strides = [1, 1]} : vector<128x4096xf32> to vector<128x256xf32>
    %gt3A_1101 = vector.broadcast %broadcast_in_dim3A_1061 : vector<128x1xf32> to vector<128x256xf32>
    %gt3A_1102 = arith.cmpf ogt, %slice3A_1100, %gt3A_1101 : vector<128x256xf32>
    %jit3A_1103 = arith.constant 0x7F800000 : f32
    %broadcast_in_dim3A_1104 = vector.broadcast %jit3A_1103 : f32 to vector<128x256xf32>
    %select_n3A_1105 = arith.select %gt3A_1102, %slice3A_1100, %broadcast_in_dim3A_1104 : vector<128x256xi1>, vector<128x256xf32>
    %min3A_1106 = arith.minimumf %min3A_1099, %select_n3A_1105 : vector<128x256xf32>
    %slice3A_1107 = vector.extract_strided_slice %bitcast_convert_type3A_26 {offsets = [0, 1024], sizes = [128, 256], strides = [1, 1]} : vector<128x4096xf32> to vector<128x256xf32>
    %gt3A_1108 = vector.broadcast %broadcast_in_dim3A_1061 : vector<128x1xf32> to vector<128x256xf32>
    %gt3A_1109 = arith.cmpf ogt, %slice3A_1107, %gt3A_1108 : vector<128x256xf32>
    %jit3A_1110 = arith.constant 0x7F800000 : f32
    %broadcast_in_dim3A_1111 = vector.broadcast %jit3A_1110 : f32 to vector<128x256xf32>
    %select_n3A_1112 = arith.select %gt3A_1109, %slice3A_1107, %broadcast_in_dim3A_1111 : vector<128x256xi1>, vector<128x256xf32>
    %min3A_1113 = arith.minimumf %min3A_1106, %select_n3A_1112 : vector<128x256xf32>
    %slice3A_1114 = vector.extract_strided_slice %bitcast_convert_type3A_26 {offsets = [0, 1280], sizes = [128, 256], strides = [1, 1]} : vector<128x4096xf32> to vector<128x256xf32>
    %gt3A_1115 = vector.broadcast %broadcast_in_dim3A_1061 : vector<128x1xf32> to vector<128x256xf32>
    %gt3A_1116 = arith.cmpf ogt, %slice3A_1114, %gt3A_1115 : vector<128x256xf32>
    %jit3A_1117 = arith.constant 0x7F800000 : f32
    %broadcast_in_dim3A_1118 = vector.broadcast %jit3A_1117 : f32 to vector<128x256xf32>
    %select_n3A_1119 = arith.select %gt3A_1116, %slice3A_1114, %broadcast_in_dim3A_1118 : vector<128x256xi1>, vector<128x256xf32>
    %min3A_1120 = arith.minimumf %min3A_1113, %select_n3A_1119 : vector<128x256xf32>
    %slice3A_1121 = vector.extract_strided_slice %bitcast_convert_type3A_26 {offsets = [0, 1536], sizes = [128, 256], strides = [1, 1]} : vector<128x4096xf32> to vector<128x256xf32>
    %gt3A_1122 = vector.broadcast %broadcast_in_dim3A_1061 : vector<128x1xf32> to vector<128x256xf32>
    %gt3A_1123 = arith.cmpf ogt, %slice3A_1121, %gt3A_1122 : vector<128x256xf32>
    %jit3A_1124 = arith.constant 0x7F800000 : f32
    %broadcast_in_dim3A_1125 = vector.broadcast %jit3A_1124 : f32 to vector<128x256xf32>
    %select_n3A_1126 = arith.select %gt3A_1123, %slice3A_1121, %broadcast_in_dim3A_1125 : vector<128x256xi1>, vector<128x256xf32>
    %min3A_1127 = arith.minimumf %min3A_1120, %select_n3A_1126 : vector<128x256xf32>
    %slice3A_1128 = vector.extract_strided_slice %bitcast_convert_type3A_26 {offsets = [0, 1792], sizes = [128, 256], strides = [1, 1]} : vector<128x4096xf32> to vector<128x256xf32>
    %gt3A_1129 = vector.broadcast %broadcast_in_dim3A_1061 : vector<128x1xf32> to vector<128x256xf32>
    %gt3A_1130 = arith.cmpf ogt, %slice3A_1128, %gt3A_1129 : vector<128x256xf32>
    %jit3A_1131 = arith.constant 0x7F800000 : f32
    %broadcast_in_dim3A_1132 = vector.broadcast %jit3A_1131 : f32 to vector<128x256xf32>
    %select_n3A_1133 = arith.select %gt3A_1130, %slice3A_1128, %broadcast_in_dim3A_1132 : vector<128x256xi1>, vector<128x256xf32>
    %min3A_1134 = arith.minimumf %min3A_1127, %select_n3A_1133 : vector<128x256xf32>
    %slice3A_1135 = vector.extract_strided_slice %bitcast_convert_type3A_26 {offsets = [0, 2048], sizes = [128, 256], strides = [1, 1]} : vector<128x4096xf32> to vector<128x256xf32>
    %gt3A_1136 = vector.broadcast %broadcast_in_dim3A_1061 : vector<128x1xf32> to vector<128x256xf32>
    %gt3A_1137 = arith.cmpf ogt, %slice3A_1135, %gt3A_1136 : vector<128x256xf32>
    %jit3A_1138 = arith.constant 0x7F800000 : f32
    %broadcast_in_dim3A_1139 = vector.broadcast %jit3A_1138 : f32 to vector<128x256xf32>
    %select_n3A_1140 = arith.select %gt3A_1137, %slice3A_1135, %broadcast_in_dim3A_1139 : vector<128x256xi1>, vector<128x256xf32>
    %min3A_1141 = arith.minimumf %min3A_1134, %select_n3A_1140 : vector<128x256xf32>
    %slice3A_1142 = vector.extract_strided_slice %bitcast_convert_type3A_26 {offsets = [0, 2304], sizes = [128, 256], strides = [1, 1]} : vector<128x4096xf32> to vector<128x256xf32>
    %gt3A_1143 = vector.broadcast %broadcast_in_dim3A_1061 : vector<128x1xf32> to vector<128x256xf32>
    %gt3A_1144 = arith.cmpf ogt, %slice3A_1142, %gt3A_1143 : vector<128x256xf32>
    %jit3A_1145 = arith.constant 0x7F800000 : f32
    %broadcast_in_dim3A_1146 = vector.broadcast %jit3A_1145 : f32 to vector<128x256xf32>
    %select_n3A_1147 = arith.select %gt3A_1144, %slice3A_1142, %broadcast_in_dim3A_1146 : vector<128x256xi1>, vector<128x256xf32>
    %min3A_1148 = arith.minimumf %min3A_1141, %select_n3A_1147 : vector<128x256xf32>
    %slice3A_1149 = vector.extract_strided_slice %bitcast_convert_type3A_26 {offsets = [0, 2560], sizes = [128, 256], strides = [1, 1]} : vector<128x4096xf32> to vector<128x256xf32>
    %gt3A_1150 = vector.broadcast %broadcast_in_dim3A_1061 : vector<128x1xf32> to vector<128x256xf32>
    %gt3A_1151 = arith.cmpf ogt, %slice3A_1149, %gt3A_1150 : vector<128x256xf32>
    %jit3A_1152 = arith.constant 0x7F800000 : f32
    %broadcast_in_dim3A_1153 = vector.broadcast %jit3A_1152 : f32 to vector<128x256xf32>
    %select_n3A_1154 = arith.select %gt3A_1151, %slice3A_1149, %broadcast_in_dim3A_1153 : vector<128x256xi1>, vector<128x256xf32>
    %min3A_1155 = arith.minimumf %min3A_1148, %select_n3A_1154 : vector<128x256xf32>
    %slice3A_1156 = vector.extract_strided_slice %bitcast_convert_type3A_26 {offsets = [0, 2816], sizes = [128, 256], strides = [1, 1]} : vector<128x4096xf32> to vector<128x256xf32>
    %gt3A_1157 = vector.broadcast %broadcast_in_dim3A_1061 : vector<128x1xf32> to vector<128x256xf32>
    %gt3A_1158 = arith.cmpf ogt, %slice3A_1156, %gt3A_1157 : vector<128x256xf32>
    %jit3A_1159 = arith.constant 0x7F800000 : f32
    %broadcast_in_dim3A_1160 = vector.broadcast %jit3A_1159 : f32 to vector<128x256xf32>
    %select_n3A_1161 = arith.select %gt3A_1158, %slice3A_1156, %broadcast_in_dim3A_1160 : vector<128x256xi1>, vector<128x256xf32>
    %min3A_1162 = arith.minimumf %min3A_1155, %select_n3A_1161 : vector<128x256xf32>
    %slice3A_1163 = vector.extract_strided_slice %bitcast_convert_type3A_26 {offsets = [0, 3072], sizes = [128, 256], strides = [1, 1]} : vector<128x4096xf32> to vector<128x256xf32>
    %gt3A_1164 = vector.broadcast %broadcast_in_dim3A_1061 : vector<128x1xf32> to vector<128x256xf32>
    %gt3A_1165 = arith.cmpf ogt, %slice3A_1163, %gt3A_1164 : vector<128x256xf32>
    %jit3A_1166 = arith.constant 0x7F800000 : f32
    %broadcast_in_dim3A_1167 = vector.broadcast %jit3A_1166 : f32 to vector<128x256xf32>
    %select_n3A_1168 = arith.select %gt3A_1165, %slice3A_1163, %broadcast_in_dim3A_1167 : vector<128x256xi1>, vector<128x256xf32>
    %min3A_1169 = arith.minimumf %min3A_1162, %select_n3A_1168 : vector<128x256xf32>
    %slice3A_1170 = vector.extract_strided_slice %bitcast_convert_type3A_26 {offsets = [0, 3328], sizes = [128, 256], strides = [1, 1]} : vector<128x4096xf32> to vector<128x256xf32>
    %gt3A_1171 = vector.broadcast %broadcast_in_dim3A_1061 : vector<128x1xf32> to vector<128x256xf32>
    %gt3A_1172 = arith.cmpf ogt, %slice3A_1170, %gt3A_1171 : vector<128x256xf32>
    %jit3A_1173 = arith.constant 0x7F800000 : f32
    %broadcast_in_dim3A_1174 = vector.broadcast %jit3A_1173 : f32 to vector<128x256xf32>
    %select_n3A_1175 = arith.select %gt3A_1172, %slice3A_1170, %broadcast_in_dim3A_1174 : vector<128x256xi1>, vector<128x256xf32>
    %min3A_1176 = arith.minimumf %min3A_1169, %select_n3A_1175 : vector<128x256xf32>
    %slice3A_1177 = vector.extract_strided_slice %bitcast_convert_type3A_26 {offsets = [0, 3584], sizes = [128, 256], strides = [1, 1]} : vector<128x4096xf32> to vector<128x256xf32>
    %gt3A_1178 = vector.broadcast %broadcast_in_dim3A_1061 : vector<128x1xf32> to vector<128x256xf32>
    %gt3A_1179 = arith.cmpf ogt, %slice3A_1177, %gt3A_1178 : vector<128x256xf32>
    %jit3A_1180 = arith.constant 0x7F800000 : f32
    %broadcast_in_dim3A_1181 = vector.broadcast %jit3A_1180 : f32 to vector<128x256xf32>
    %select_n3A_1182 = arith.select %gt3A_1179, %slice3A_1177, %broadcast_in_dim3A_1181 : vector<128x256xi1>, vector<128x256xf32>
    %min3A_1183 = arith.minimumf %min3A_1176, %select_n3A_1182 : vector<128x256xf32>
    %slice3A_1184 = vector.extract_strided_slice %bitcast_convert_type3A_26 {offsets = [0, 3840], sizes = [128, 256], strides = [1, 1]} : vector<128x4096xf32> to vector<128x256xf32>
    %gt3A_1185 = vector.broadcast %broadcast_in_dim3A_1061 : vector<128x1xf32> to vector<128x256xf32>
    %gt3A_1186 = arith.cmpf ogt, %slice3A_1184, %gt3A_1185 : vector<128x256xf32>
    %jit3A_1187 = arith.constant 0x7F800000 : f32
    %broadcast_in_dim3A_1188 = vector.broadcast %jit3A_1187 : f32 to vector<128x256xf32>
    %select_n3A_1189 = arith.select %gt3A_1186, %slice3A_1184, %broadcast_in_dim3A_1188 : vector<128x256xi1>, vector<128x256xf32>
    %min3A_1190 = arith.minimumf %min3A_1183, %select_n3A_1189 : vector<128x256xf32>
    %reduce_min3A_1191 = arith.constant dense<0x7F800000> : vector<128xf32>
    %reduce_min3A_1192 = vector.multi_reduction <minimumf>, %min3A_1190, %reduce_min3A_1191 [1] : vector<128x256xf32> to vector<128xf32>
    %broadcast_in_dim3A_1193 = vector.shape_cast %reduce_min3A_1192 : vector<128xf32> to vector<128x1xf32>
    %eq3A_1194 = vector.broadcast %broadcast_in_dim3A_1193 : vector<128x1xf32> to vector<128x256xf32>
    %eq3A_1195 = arith.cmpf oeq, %min3A_1190, %eq3A_1194 : vector<128x256xf32>
    %jit3A_1196 = arith.constant 2.560000e+02 : f32
    %broadcast_in_dim3A_1197 = vector.broadcast %jit3A_1196 : f32 to vector<128x256xf32>
    %select_n3A_1198 = arith.select %eq3A_1195, %convert_element_type3A_28, %broadcast_in_dim3A_1197 : vector<128x256xi1>, vector<128x256xf32>
    %reduce_min3A_1199 = arith.constant dense<0x7F800000> : vector<128xf32>
    %reduce_min3A_1200 = vector.multi_reduction <minimumf>, %select_n3A_1198, %reduce_min3A_1199 [1] : vector<128x256xf32> to vector<128xf32>
    %broadcast_in_dim3A_1201 = vector.shape_cast %reduce_min3A_1200 : vector<128xf32> to vector<128x1xf32>
    %bitcast_convert_type3A_1202 = tpu.bitcast %broadcast_in_dim3A_1193 : vector<128x1xf32> -> vector<128x1xi32>
    %and3A_1203 = arith.constant 15 : i32
    %and3A_1204 = vector.broadcast %and3A_1203 : i32 to vector<128x1xi32>
    %and3A_1205 = arith.andi %bitcast_convert_type3A_1202, %and3A_1204 : vector<128x1xi32>
    %shift_left3A_1206 = arith.constant 8 : i32
    %shift_left3A_1207 = vector.broadcast %shift_left3A_1206 : i32 to vector<128x1xi32>
    %shift_left3A_1208 = arith.shli %and3A_1205, %shift_left3A_1207 : vector<128x1xi32>
    %convert_element_type3A_1209 = arith.fptosi %broadcast_in_dim3A_1201 : vector<128x1xf32> to vector<128x1xi32>
    %or3A_1210 = arith.ori %shift_left3A_1208, %convert_element_type3A_1209 : vector<128x1xi32>
    %slice3A_1211 = vector.extract_strided_slice %bitcast_convert_type3A_26 {offsets = [0, 0], sizes = [128, 256], strides = [1, 1]} : vector<128x4096xf32> to vector<128x256xf32>
    %gt3A_1212 = vector.broadcast %broadcast_in_dim3A_1193 : vector<128x1xf32> to vector<128x256xf32>
    %gt3A_1213 = arith.cmpf ogt, %slice3A_1211, %gt3A_1212 : vector<128x256xf32>
    %slice3A_1214 = vector.extract_strided_slice %bitcast_convert_type3A_26 {offsets = [0, 0], sizes = [128, 256], strides = [1, 1]} : vector<128x4096xf32> to vector<128x256xf32>
    %jit3A_1215 = arith.constant 0x7F800000 : f32
    %broadcast_in_dim3A_1216 = vector.broadcast %jit3A_1215 : f32 to vector<128x256xf32>
    %select_n3A_1217 = arith.select %gt3A_1213, %slice3A_1214, %broadcast_in_dim3A_1216 : vector<128x256xi1>, vector<128x256xf32>
    %slice3A_1218 = vector.extract_strided_slice %bitcast_convert_type3A_26 {offsets = [0, 256], sizes = [128, 256], strides = [1, 1]} : vector<128x4096xf32> to vector<128x256xf32>
    %gt3A_1219 = vector.broadcast %broadcast_in_dim3A_1193 : vector<128x1xf32> to vector<128x256xf32>
    %gt3A_1220 = arith.cmpf ogt, %slice3A_1218, %gt3A_1219 : vector<128x256xf32>
    %jit3A_1221 = arith.constant 0x7F800000 : f32
    %broadcast_in_dim3A_1222 = vector.broadcast %jit3A_1221 : f32 to vector<128x256xf32>
    %select_n3A_1223 = arith.select %gt3A_1220, %slice3A_1218, %broadcast_in_dim3A_1222 : vector<128x256xi1>, vector<128x256xf32>
    %min3A_1224 = arith.minimumf %select_n3A_1217, %select_n3A_1223 : vector<128x256xf32>
    %slice3A_1225 = vector.extract_strided_slice %bitcast_convert_type3A_26 {offsets = [0, 512], sizes = [128, 256], strides = [1, 1]} : vector<128x4096xf32> to vector<128x256xf32>
    %gt3A_1226 = vector.broadcast %broadcast_in_dim3A_1193 : vector<128x1xf32> to vector<128x256xf32>
    %gt3A_1227 = arith.cmpf ogt, %slice3A_1225, %gt3A_1226 : vector<128x256xf32>
    %jit3A_1228 = arith.constant 0x7F800000 : f32
    %broadcast_in_dim3A_1229 = vector.broadcast %jit3A_1228 : f32 to vector<128x256xf32>
    %select_n3A_1230 = arith.select %gt3A_1227, %slice3A_1225, %broadcast_in_dim3A_1229 : vector<128x256xi1>, vector<128x256xf32>
    %min3A_1231 = arith.minimumf %min3A_1224, %select_n3A_1230 : vector<128x256xf32>
    %slice3A_1232 = vector.extract_strided_slice %bitcast_convert_type3A_26 {offsets = [0, 768], sizes = [128, 256], strides = [1, 1]} : vector<128x4096xf32> to vector<128x256xf32>
    %gt3A_1233 = vector.broadcast %broadcast_in_dim3A_1193 : vector<128x1xf32> to vector<128x256xf32>
    %gt3A_1234 = arith.cmpf ogt, %slice3A_1232, %gt3A_1233 : vector<128x256xf32>
    %jit3A_1235 = arith.constant 0x7F800000 : f32
    %broadcast_in_dim3A_1236 = vector.broadcast %jit3A_1235 : f32 to vector<128x256xf32>
    %select_n3A_1237 = arith.select %gt3A_1234, %slice3A_1232, %broadcast_in_dim3A_1236 : vector<128x256xi1>, vector<128x256xf32>
    %min3A_1238 = arith.minimumf %min3A_1231, %select_n3A_1237 : vector<128x256xf32>
    %slice3A_1239 = vector.extract_strided_slice %bitcast_convert_type3A_26 {offsets = [0, 1024], sizes = [128, 256], strides = [1, 1]} : vector<128x4096xf32> to vector<128x256xf32>
    %gt3A_1240 = vector.broadcast %broadcast_in_dim3A_1193 : vector<128x1xf32> to vector<128x256xf32>
    %gt3A_1241 = arith.cmpf ogt, %slice3A_1239, %gt3A_1240 : vector<128x256xf32>
    %jit3A_1242 = arith.constant 0x7F800000 : f32
    %broadcast_in_dim3A_1243 = vector.broadcast %jit3A_1242 : f32 to vector<128x256xf32>
    %select_n3A_1244 = arith.select %gt3A_1241, %slice3A_1239, %broadcast_in_dim3A_1243 : vector<128x256xi1>, vector<128x256xf32>
    %min3A_1245 = arith.minimumf %min3A_1238, %select_n3A_1244 : vector<128x256xf32>
    %slice3A_1246 = vector.extract_strided_slice %bitcast_convert_type3A_26 {offsets = [0, 1280], sizes = [128, 256], strides = [1, 1]} : vector<128x4096xf32> to vector<128x256xf32>
    %gt3A_1247 = vector.broadcast %broadcast_in_dim3A_1193 : vector<128x1xf32> to vector<128x256xf32>
    %gt3A_1248 = arith.cmpf ogt, %slice3A_1246, %gt3A_1247 : vector<128x256xf32>
    %jit3A_1249 = arith.constant 0x7F800000 : f32
    %broadcast_in_dim3A_1250 = vector.broadcast %jit3A_1249 : f32 to vector<128x256xf32>
    %select_n3A_1251 = arith.select %gt3A_1248, %slice3A_1246, %broadcast_in_dim3A_1250 : vector<128x256xi1>, vector<128x256xf32>
    %min3A_1252 = arith.minimumf %min3A_1245, %select_n3A_1251 : vector<128x256xf32>
    %slice3A_1253 = vector.extract_strided_slice %bitcast_convert_type3A_26 {offsets = [0, 1536], sizes = [128, 256], strides = [1, 1]} : vector<128x4096xf32> to vector<128x256xf32>
    %gt3A_1254 = vector.broadcast %broadcast_in_dim3A_1193 : vector<128x1xf32> to vector<128x256xf32>
    %gt3A_1255 = arith.cmpf ogt, %slice3A_1253, %gt3A_1254 : vector<128x256xf32>
    %jit3A_1256 = arith.constant 0x7F800000 : f32
    %broadcast_in_dim3A_1257 = vector.broadcast %jit3A_1256 : f32 to vector<128x256xf32>
    %select_n3A_1258 = arith.select %gt3A_1255, %slice3A_1253, %broadcast_in_dim3A_1257 : vector<128x256xi1>, vector<128x256xf32>
    %min3A_1259 = arith.minimumf %min3A_1252, %select_n3A_1258 : vector<128x256xf32>
    %slice3A_1260 = vector.extract_strided_slice %bitcast_convert_type3A_26 {offsets = [0, 1792], sizes = [128, 256], strides = [1, 1]} : vector<128x4096xf32> to vector<128x256xf32>
    %gt3A_1261 = vector.broadcast %broadcast_in_dim3A_1193 : vector<128x1xf32> to vector<128x256xf32>
    %gt3A_1262 = arith.cmpf ogt, %slice3A_1260, %gt3A_1261 : vector<128x256xf32>
    %jit3A_1263 = arith.constant 0x7F800000 : f32
    %broadcast_in_dim3A_1264 = vector.broadcast %jit3A_1263 : f32 to vector<128x256xf32>
    %select_n3A_1265 = arith.select %gt3A_1262, %slice3A_1260, %broadcast_in_dim3A_1264 : vector<128x256xi1>, vector<128x256xf32>
    %min3A_1266 = arith.minimumf %min3A_1259, %select_n3A_1265 : vector<128x256xf32>
    %slice3A_1267 = vector.extract_strided_slice %bitcast_convert_type3A_26 {offsets = [0, 2048], sizes = [128, 256], strides = [1, 1]} : vector<128x4096xf32> to vector<128x256xf32>
    %gt3A_1268 = vector.broadcast %broadcast_in_dim3A_1193 : vector<128x1xf32> to vector<128x256xf32>
    %gt3A_1269 = arith.cmpf ogt, %slice3A_1267, %gt3A_1268 : vector<128x256xf32>
    %jit3A_1270 = arith.constant 0x7F800000 : f32
    %broadcast_in_dim3A_1271 = vector.broadcast %jit3A_1270 : f32 to vector<128x256xf32>
    %select_n3A_1272 = arith.select %gt3A_1269, %slice3A_1267, %broadcast_in_dim3A_1271 : vector<128x256xi1>, vector<128x256xf32>
    %min3A_1273 = arith.minimumf %min3A_1266, %select_n3A_1272 : vector<128x256xf32>
    %slice3A_1274 = vector.extract_strided_slice %bitcast_convert_type3A_26 {offsets = [0, 2304], sizes = [128, 256], strides = [1, 1]} : vector<128x4096xf32> to vector<128x256xf32>
    %gt3A_1275 = vector.broadcast %broadcast_in_dim3A_1193 : vector<128x1xf32> to vector<128x256xf32>
    %gt3A_1276 = arith.cmpf ogt, %slice3A_1274, %gt3A_1275 : vector<128x256xf32>
    %jit3A_1277 = arith.constant 0x7F800000 : f32
    %broadcast_in_dim3A_1278 = vector.broadcast %jit3A_1277 : f32 to vector<128x256xf32>
    %select_n3A_1279 = arith.select %gt3A_1276, %slice3A_1274, %broadcast_in_dim3A_1278 : vector<128x256xi1>, vector<128x256xf32>
    %min3A_1280 = arith.minimumf %min3A_1273, %select_n3A_1279 : vector<128x256xf32>
    %slice3A_1281 = vector.extract_strided_slice %bitcast_convert_type3A_26 {offsets = [0, 2560], sizes = [128, 256], strides = [1, 1]} : vector<128x4096xf32> to vector<128x256xf32>
    %gt3A_1282 = vector.broadcast %broadcast_in_dim3A_1193 : vector<128x1xf32> to vector<128x256xf32>
    %gt3A_1283 = arith.cmpf ogt, %slice3A_1281, %gt3A_1282 : vector<128x256xf32>
    %jit3A_1284 = arith.constant 0x7F800000 : f32
    %broadcast_in_dim3A_1285 = vector.broadcast %jit3A_1284 : f32 to vector<128x256xf32>
    %select_n3A_1286 = arith.select %gt3A_1283, %slice3A_1281, %broadcast_in_dim3A_1285 : vector<128x256xi1>, vector<128x256xf32>
    %min3A_1287 = arith.minimumf %min3A_1280, %select_n3A_1286 : vector<128x256xf32>
    %slice3A_1288 = vector.extract_strided_slice %bitcast_convert_type3A_26 {offsets = [0, 2816], sizes = [128, 256], strides = [1, 1]} : vector<128x4096xf32> to vector<128x256xf32>
    %gt3A_1289 = vector.broadcast %broadcast_in_dim3A_1193 : vector<128x1xf32> to vector<128x256xf32>
    %gt3A_1290 = arith.cmpf ogt, %slice3A_1288, %gt3A_1289 : vector<128x256xf32>
    %jit3A_1291 = arith.constant 0x7F800000 : f32
    %broadcast_in_dim3A_1292 = vector.broadcast %jit3A_1291 : f32 to vector<128x256xf32>
    %select_n3A_1293 = arith.select %gt3A_1290, %slice3A_1288, %broadcast_in_dim3A_1292 : vector<128x256xi1>, vector<128x256xf32>
    %min3A_1294 = arith.minimumf %min3A_1287, %select_n3A_1293 : vector<128x256xf32>
    %slice3A_1295 = vector.extract_strided_slice %bitcast_convert_type3A_26 {offsets = [0, 3072], sizes = [128, 256], strides = [1, 1]} : vector<128x4096xf32> to vector<128x256xf32>
    %gt3A_1296 = vector.broadcast %broadcast_in_dim3A_1193 : vector<128x1xf32> to vector<128x256xf32>
    %gt3A_1297 = arith.cmpf ogt, %slice3A_1295, %gt3A_1296 : vector<128x256xf32>
    %jit3A_1298 = arith.constant 0x7F800000 : f32
    %broadcast_in_dim3A_1299 = vector.broadcast %jit3A_1298 : f32 to vector<128x256xf32>
    %select_n3A_1300 = arith.select %gt3A_1297, %slice3A_1295, %broadcast_in_dim3A_1299 : vector<128x256xi1>, vector<128x256xf32>
    %min3A_1301 = arith.minimumf %min3A_1294, %select_n3A_1300 : vector<128x256xf32>
    %slice3A_1302 = vector.extract_strided_slice %bitcast_convert_type3A_26 {offsets = [0, 3328], sizes = [128, 256], strides = [1, 1]} : vector<128x4096xf32> to vector<128x256xf32>
    %gt3A_1303 = vector.broadcast %broadcast_in_dim3A_1193 : vector<128x1xf32> to vector<128x256xf32>
    %gt3A_1304 = arith.cmpf ogt, %slice3A_1302, %gt3A_1303 : vector<128x256xf32>
    %jit3A_1305 = arith.constant 0x7F800000 : f32
    %broadcast_in_dim3A_1306 = vector.broadcast %jit3A_1305 : f32 to vector<128x256xf32>
    %select_n3A_1307 = arith.select %gt3A_1304, %slice3A_1302, %broadcast_in_dim3A_1306 : vector<128x256xi1>, vector<128x256xf32>
    %min3A_1308 = arith.minimumf %min3A_1301, %select_n3A_1307 : vector<128x256xf32>
    %slice3A_1309 = vector.extract_strided_slice %bitcast_convert_type3A_26 {offsets = [0, 3584], sizes = [128, 256], strides = [1, 1]} : vector<128x4096xf32> to vector<128x256xf32>
    %gt3A_1310 = vector.broadcast %broadcast_in_dim3A_1193 : vector<128x1xf32> to vector<128x256xf32>
    %gt3A_1311 = arith.cmpf ogt, %slice3A_1309, %gt3A_1310 : vector<128x256xf32>
    %jit3A_1312 = arith.constant 0x7F800000 : f32
    %broadcast_in_dim3A_1313 = vector.broadcast %jit3A_1312 : f32 to vector<128x256xf32>
    %select_n3A_1314 = arith.select %gt3A_1311, %slice3A_1309, %broadcast_in_dim3A_1313 : vector<128x256xi1>, vector<128x256xf32>
    %min3A_1315 = arith.minimumf %min3A_1308, %select_n3A_1314 : vector<128x256xf32>
    %slice3A_1316 = vector.extract_strided_slice %bitcast_convert_type3A_26 {offsets = [0, 3840], sizes = [128, 256], strides = [1, 1]} : vector<128x4096xf32> to vector<128x256xf32>
    %gt3A_1317 = vector.broadcast %broadcast_in_dim3A_1193 : vector<128x1xf32> to vector<128x256xf32>
    %gt3A_1318 = arith.cmpf ogt, %slice3A_1316, %gt3A_1317 : vector<128x256xf32>
    %jit3A_1319 = arith.constant 0x7F800000 : f32
    %broadcast_in_dim3A_1320 = vector.broadcast %jit3A_1319 : f32 to vector<128x256xf32>
    %select_n3A_1321 = arith.select %gt3A_1318, %slice3A_1316, %broadcast_in_dim3A_1320 : vector<128x256xi1>, vector<128x256xf32>
    %min3A_1322 = arith.minimumf %min3A_1315, %select_n3A_1321 : vector<128x256xf32>
    %reduce_min3A_1323 = arith.constant dense<0x7F800000> : vector<128xf32>
    %reduce_min3A_1324 = vector.multi_reduction <minimumf>, %min3A_1322, %reduce_min3A_1323 [1] : vector<128x256xf32> to vector<128xf32>
    %broadcast_in_dim3A_1325 = vector.shape_cast %reduce_min3A_1324 : vector<128xf32> to vector<128x1xf32>
    %eq3A_1326 = vector.broadcast %broadcast_in_dim3A_1325 : vector<128x1xf32> to vector<128x256xf32>
    %eq3A_1327 = arith.cmpf oeq, %min3A_1322, %eq3A_1326 : vector<128x256xf32>
    %jit3A_1328 = arith.constant 2.560000e+02 : f32
    %broadcast_in_dim3A_1329 = vector.broadcast %jit3A_1328 : f32 to vector<128x256xf32>
    %select_n3A_1330 = arith.select %eq3A_1327, %convert_element_type3A_28, %broadcast_in_dim3A_1329 : vector<128x256xi1>, vector<128x256xf32>
    %reduce_min3A_1331 = arith.constant dense<0x7F800000> : vector<128xf32>
    %reduce_min3A_1332 = vector.multi_reduction <minimumf>, %select_n3A_1330, %reduce_min3A_1331 [1] : vector<128x256xf32> to vector<128xf32>
    %broadcast_in_dim3A_1333 = vector.shape_cast %reduce_min3A_1332 : vector<128xf32> to vector<128x1xf32>
    %bitcast_convert_type3A_1334 = tpu.bitcast %broadcast_in_dim3A_1325 : vector<128x1xf32> -> vector<128x1xi32>
    %and3A_1335 = arith.constant 15 : i32
    %and3A_1336 = vector.broadcast %and3A_1335 : i32 to vector<128x1xi32>
    %and3A_1337 = arith.andi %bitcast_convert_type3A_1334, %and3A_1336 : vector<128x1xi32>
    %shift_left3A_1338 = arith.constant 8 : i32
    %shift_left3A_1339 = vector.broadcast %shift_left3A_1338 : i32 to vector<128x1xi32>
    %shift_left3A_1340 = arith.shli %and3A_1337, %shift_left3A_1339 : vector<128x1xi32>
    %convert_element_type3A_1341 = arith.fptosi %broadcast_in_dim3A_1333 : vector<128x1xf32> to vector<128x1xi32>
    %or3A_1342 = arith.ori %shift_left3A_1340, %convert_element_type3A_1341 : vector<128x1xi32>
    %slice3A_1343 = vector.extract_strided_slice %bitcast_convert_type3A_26 {offsets = [0, 0], sizes = [128, 256], strides = [1, 1]} : vector<128x4096xf32> to vector<128x256xf32>
    %gt3A_1344 = vector.broadcast %broadcast_in_dim3A_1325 : vector<128x1xf32> to vector<128x256xf32>
    %gt3A_1345 = arith.cmpf ogt, %slice3A_1343, %gt3A_1344 : vector<128x256xf32>
    %slice3A_1346 = vector.extract_strided_slice %bitcast_convert_type3A_26 {offsets = [0, 0], sizes = [128, 256], strides = [1, 1]} : vector<128x4096xf32> to vector<128x256xf32>
    %jit3A_1347 = arith.constant 0x7F800000 : f32
    %broadcast_in_dim3A_1348 = vector.broadcast %jit3A_1347 : f32 to vector<128x256xf32>
    %select_n3A_1349 = arith.select %gt3A_1345, %slice3A_1346, %broadcast_in_dim3A_1348 : vector<128x256xi1>, vector<128x256xf32>
    %slice3A_1350 = vector.extract_strided_slice %bitcast_convert_type3A_26 {offsets = [0, 256], sizes = [128, 256], strides = [1, 1]} : vector<128x4096xf32> to vector<128x256xf32>
    %gt3A_1351 = vector.broadcast %broadcast_in_dim3A_1325 : vector<128x1xf32> to vector<128x256xf32>
    %gt3A_1352 = arith.cmpf ogt, %slice3A_1350, %gt3A_1351 : vector<128x256xf32>
    %jit3A_1353 = arith.constant 0x7F800000 : f32
    %broadcast_in_dim3A_1354 = vector.broadcast %jit3A_1353 : f32 to vector<128x256xf32>
    %select_n3A_1355 = arith.select %gt3A_1352, %slice3A_1350, %broadcast_in_dim3A_1354 : vector<128x256xi1>, vector<128x256xf32>
    %min3A_1356 = arith.minimumf %select_n3A_1349, %select_n3A_1355 : vector<128x256xf32>
    %slice3A_1357 = vector.extract_strided_slice %bitcast_convert_type3A_26 {offsets = [0, 512], sizes = [128, 256], strides = [1, 1]} : vector<128x4096xf32> to vector<128x256xf32>
    %gt3A_1358 = vector.broadcast %broadcast_in_dim3A_1325 : vector<128x1xf32> to vector<128x256xf32>
    %gt3A_1359 = arith.cmpf ogt, %slice3A_1357, %gt3A_1358 : vector<128x256xf32>
    %jit3A_1360 = arith.constant 0x7F800000 : f32
    %broadcast_in_dim3A_1361 = vector.broadcast %jit3A_1360 : f32 to vector<128x256xf32>
    %select_n3A_1362 = arith.select %gt3A_1359, %slice3A_1357, %broadcast_in_dim3A_1361 : vector<128x256xi1>, vector<128x256xf32>
    %min3A_1363 = arith.minimumf %min3A_1356, %select_n3A_1362 : vector<128x256xf32>
    %slice3A_1364 = vector.extract_strided_slice %bitcast_convert_type3A_26 {offsets = [0, 768], sizes = [128, 256], strides = [1, 1]} : vector<128x4096xf32> to vector<128x256xf32>
    %gt3A_1365 = vector.broadcast %broadcast_in_dim3A_1325 : vector<128x1xf32> to vector<128x256xf32>
    %gt3A_1366 = arith.cmpf ogt, %slice3A_1364, %gt3A_1365 : vector<128x256xf32>
    %jit3A_1367 = arith.constant 0x7F800000 : f32
    %broadcast_in_dim3A_1368 = vector.broadcast %jit3A_1367 : f32 to vector<128x256xf32>
    %select_n3A_1369 = arith.select %gt3A_1366, %slice3A_1364, %broadcast_in_dim3A_1368 : vector<128x256xi1>, vector<128x256xf32>
    %min3A_1370 = arith.minimumf %min3A_1363, %select_n3A_1369 : vector<128x256xf32>
    %slice3A_1371 = vector.extract_strided_slice %bitcast_convert_type3A_26 {offsets = [0, 1024], sizes = [128, 256], strides = [1, 1]} : vector<128x4096xf32> to vector<128x256xf32>
    %gt3A_1372 = vector.broadcast %broadcast_in_dim3A_1325 : vector<128x1xf32> to vector<128x256xf32>
    %gt3A_1373 = arith.cmpf ogt, %slice3A_1371, %gt3A_1372 : vector<128x256xf32>
    %jit3A_1374 = arith.constant 0x7F800000 : f32
    %broadcast_in_dim3A_1375 = vector.broadcast %jit3A_1374 : f32 to vector<128x256xf32>
    %select_n3A_1376 = arith.select %gt3A_1373, %slice3A_1371, %broadcast_in_dim3A_1375 : vector<128x256xi1>, vector<128x256xf32>
    %min3A_1377 = arith.minimumf %min3A_1370, %select_n3A_1376 : vector<128x256xf32>
    %slice3A_1378 = vector.extract_strided_slice %bitcast_convert_type3A_26 {offsets = [0, 1280], sizes = [128, 256], strides = [1, 1]} : vector<128x4096xf32> to vector<128x256xf32>
    %gt3A_1379 = vector.broadcast %broadcast_in_dim3A_1325 : vector<128x1xf32> to vector<128x256xf32>
    %gt3A_1380 = arith.cmpf ogt, %slice3A_1378, %gt3A_1379 : vector<128x256xf32>
    %jit3A_1381 = arith.constant 0x7F800000 : f32
    %broadcast_in_dim3A_1382 = vector.broadcast %jit3A_1381 : f32 to vector<128x256xf32>
    %select_n3A_1383 = arith.select %gt3A_1380, %slice3A_1378, %broadcast_in_dim3A_1382 : vector<128x256xi1>, vector<128x256xf32>
    %min3A_1384 = arith.minimumf %min3A_1377, %select_n3A_1383 : vector<128x256xf32>
    %slice3A_1385 = vector.extract_strided_slice %bitcast_convert_type3A_26 {offsets = [0, 1536], sizes = [128, 256], strides = [1, 1]} : vector<128x4096xf32> to vector<128x256xf32>
    %gt3A_1386 = vector.broadcast %broadcast_in_dim3A_1325 : vector<128x1xf32> to vector<128x256xf32>
    %gt3A_1387 = arith.cmpf ogt, %slice3A_1385, %gt3A_1386 : vector<128x256xf32>
    %jit3A_1388 = arith.constant 0x7F800000 : f32
    %broadcast_in_dim3A_1389 = vector.broadcast %jit3A_1388 : f32 to vector<128x256xf32>
    %select_n3A_1390 = arith.select %gt3A_1387, %slice3A_1385, %broadcast_in_dim3A_1389 : vector<128x256xi1>, vector<128x256xf32>
    %min3A_1391 = arith.minimumf %min3A_1384, %select_n3A_1390 : vector<128x256xf32>
    %slice3A_1392 = vector.extract_strided_slice %bitcast_convert_type3A_26 {offsets = [0, 1792], sizes = [128, 256], strides = [1, 1]} : vector<128x4096xf32> to vector<128x256xf32>
    %gt3A_1393 = vector.broadcast %broadcast_in_dim3A_1325 : vector<128x1xf32> to vector<128x256xf32>
    %gt3A_1394 = arith.cmpf ogt, %slice3A_1392, %gt3A_1393 : vector<128x256xf32>
    %jit3A_1395 = arith.constant 0x7F800000 : f32
    %broadcast_in_dim3A_1396 = vector.broadcast %jit3A_1395 : f32 to vector<128x256xf32>
    %select_n3A_1397 = arith.select %gt3A_1394, %slice3A_1392, %broadcast_in_dim3A_1396 : vector<128x256xi1>, vector<128x256xf32>
    %min3A_1398 = arith.minimumf %min3A_1391, %select_n3A_1397 : vector<128x256xf32>
    %slice3A_1399 = vector.extract_strided_slice %bitcast_convert_type3A_26 {offsets = [0, 2048], sizes = [128, 256], strides = [1, 1]} : vector<128x4096xf32> to vector<128x256xf32>
    %gt3A_1400 = vector.broadcast %broadcast_in_dim3A_1325 : vector<128x1xf32> to vector<128x256xf32>
    %gt3A_1401 = arith.cmpf ogt, %slice3A_1399, %gt3A_1400 : vector<128x256xf32>
    %jit3A_1402 = arith.constant 0x7F800000 : f32
    %broadcast_in_dim3A_1403 = vector.broadcast %jit3A_1402 : f32 to vector<128x256xf32>
    %select_n3A_1404 = arith.select %gt3A_1401, %slice3A_1399, %broadcast_in_dim3A_1403 : vector<128x256xi1>, vector<128x256xf32>
    %min3A_1405 = arith.minimumf %min3A_1398, %select_n3A_1404 : vector<128x256xf32>
    %slice3A_1406 = vector.extract_strided_slice %bitcast_convert_type3A_26 {offsets = [0, 2304], sizes = [128, 256], strides = [1, 1]} : vector<128x4096xf32> to vector<128x256xf32>
    %gt3A_1407 = vector.broadcast %broadcast_in_dim3A_1325 : vector<128x1xf32> to vector<128x256xf32>
    %gt3A_1408 = arith.cmpf ogt, %slice3A_1406, %gt3A_1407 : vector<128x256xf32>
    %jit3A_1409 = arith.constant 0x7F800000 : f32
    %broadcast_in_dim3A_1410 = vector.broadcast %jit3A_1409 : f32 to vector<128x256xf32>
    %select_n3A_1411 = arith.select %gt3A_1408, %slice3A_1406, %broadcast_in_dim3A_1410 : vector<128x256xi1>, vector<128x256xf32>
    %min3A_1412 = arith.minimumf %min3A_1405, %select_n3A_1411 : vector<128x256xf32>
    %slice3A_1413 = vector.extract_strided_slice %bitcast_convert_type3A_26 {offsets = [0, 2560], sizes = [128, 256], strides = [1, 1]} : vector<128x4096xf32> to vector<128x256xf32>
    %gt3A_1414 = vector.broadcast %broadcast_in_dim3A_1325 : vector<128x1xf32> to vector<128x256xf32>
    %gt3A_1415 = arith.cmpf ogt, %slice3A_1413, %gt3A_1414 : vector<128x256xf32>
    %jit3A_1416 = arith.constant 0x7F800000 : f32
    %broadcast_in_dim3A_1417 = vector.broadcast %jit3A_1416 : f32 to vector<128x256xf32>
    %select_n3A_1418 = arith.select %gt3A_1415, %slice3A_1413, %broadcast_in_dim3A_1417 : vector<128x256xi1>, vector<128x256xf32>
    %min3A_1419 = arith.minimumf %min3A_1412, %select_n3A_1418 : vector<128x256xf32>
    %slice3A_1420 = vector.extract_strided_slice %bitcast_convert_type3A_26 {offsets = [0, 2816], sizes = [128, 256], strides = [1, 1]} : vector<128x4096xf32> to vector<128x256xf32>
    %gt3A_1421 = vector.broadcast %broadcast_in_dim3A_1325 : vector<128x1xf32> to vector<128x256xf32>
    %gt3A_1422 = arith.cmpf ogt, %slice3A_1420, %gt3A_1421 : vector<128x256xf32>
    %jit3A_1423 = arith.constant 0x7F800000 : f32
    %broadcast_in_dim3A_1424 = vector.broadcast %jit3A_1423 : f32 to vector<128x256xf32>
    %select_n3A_1425 = arith.select %gt3A_1422, %slice3A_1420, %broadcast_in_dim3A_1424 : vector<128x256xi1>, vector<128x256xf32>
    %min3A_1426 = arith.minimumf %min3A_1419, %select_n3A_1425 : vector<128x256xf32>
    %slice3A_1427 = vector.extract_strided_slice %bitcast_convert_type3A_26 {offsets = [0, 3072], sizes = [128, 256], strides = [1, 1]} : vector<128x4096xf32> to vector<128x256xf32>
    %gt3A_1428 = vector.broadcast %broadcast_in_dim3A_1325 : vector<128x1xf32> to vector<128x256xf32>
    %gt3A_1429 = arith.cmpf ogt, %slice3A_1427, %gt3A_1428 : vector<128x256xf32>
    %jit3A_1430 = arith.constant 0x7F800000 : f32
    %broadcast_in_dim3A_1431 = vector.broadcast %jit3A_1430 : f32 to vector<128x256xf32>
    %select_n3A_1432 = arith.select %gt3A_1429, %slice3A_1427, %broadcast_in_dim3A_1431 : vector<128x256xi1>, vector<128x256xf32>
    %min3A_1433 = arith.minimumf %min3A_1426, %select_n3A_1432 : vector<128x256xf32>
    %slice3A_1434 = vector.extract_strided_slice %bitcast_convert_type3A_26 {offsets = [0, 3328], sizes = [128, 256], strides = [1, 1]} : vector<128x4096xf32> to vector<128x256xf32>
    %gt3A_1435 = vector.broadcast %broadcast_in_dim3A_1325 : vector<128x1xf32> to vector<128x256xf32>
    %gt3A_1436 = arith.cmpf ogt, %slice3A_1434, %gt3A_1435 : vector<128x256xf32>
    %jit3A_1437 = arith.constant 0x7F800000 : f32
    %broadcast_in_dim3A_1438 = vector.broadcast %jit3A_1437 : f32 to vector<128x256xf32>
    %select_n3A_1439 = arith.select %gt3A_1436, %slice3A_1434, %broadcast_in_dim3A_1438 : vector<128x256xi1>, vector<128x256xf32>
    %min3A_1440 = arith.minimumf %min3A_1433, %select_n3A_1439 : vector<128x256xf32>
    %slice3A_1441 = vector.extract_strided_slice %bitcast_convert_type3A_26 {offsets = [0, 3584], sizes = [128, 256], strides = [1, 1]} : vector<128x4096xf32> to vector<128x256xf32>
    %gt3A_1442 = vector.broadcast %broadcast_in_dim3A_1325 : vector<128x1xf32> to vector<128x256xf32>
    %gt3A_1443 = arith.cmpf ogt, %slice3A_1441, %gt3A_1442 : vector<128x256xf32>
    %jit3A_1444 = arith.constant 0x7F800000 : f32
    %broadcast_in_dim3A_1445 = vector.broadcast %jit3A_1444 : f32 to vector<128x256xf32>
    %select_n3A_1446 = arith.select %gt3A_1443, %slice3A_1441, %broadcast_in_dim3A_1445 : vector<128x256xi1>, vector<128x256xf32>
    %min3A_1447 = arith.minimumf %min3A_1440, %select_n3A_1446 : vector<128x256xf32>
    %slice3A_1448 = vector.extract_strided_slice %bitcast_convert_type3A_26 {offsets = [0, 3840], sizes = [128, 256], strides = [1, 1]} : vector<128x4096xf32> to vector<128x256xf32>
    %gt3A_1449 = vector.broadcast %broadcast_in_dim3A_1325 : vector<128x1xf32> to vector<128x256xf32>
    %gt3A_1450 = arith.cmpf ogt, %slice3A_1448, %gt3A_1449 : vector<128x256xf32>
    %jit3A_1451 = arith.constant 0x7F800000 : f32
    %broadcast_in_dim3A_1452 = vector.broadcast %jit3A_1451 : f32 to vector<128x256xf32>
    %select_n3A_1453 = arith.select %gt3A_1450, %slice3A_1448, %broadcast_in_dim3A_1452 : vector<128x256xi1>, vector<128x256xf32>
    %min3A_1454 = arith.minimumf %min3A_1447, %select_n3A_1453 : vector<128x256xf32>
    %reduce_min3A_1455 = arith.constant dense<0x7F800000> : vector<128xf32>
    %reduce_min3A_1456 = vector.multi_reduction <minimumf>, %min3A_1454, %reduce_min3A_1455 [1] : vector<128x256xf32> to vector<128xf32>
    %broadcast_in_dim3A_1457 = vector.shape_cast %reduce_min3A_1456 : vector<128xf32> to vector<128x1xf32>
    %eq3A_1458 = vector.broadcast %broadcast_in_dim3A_1457 : vector<128x1xf32> to vector<128x256xf32>
    %eq3A_1459 = arith.cmpf oeq, %min3A_1454, %eq3A_1458 : vector<128x256xf32>
    %jit3A_1460 = arith.constant 2.560000e+02 : f32
    %broadcast_in_dim3A_1461 = vector.broadcast %jit3A_1460 : f32 to vector<128x256xf32>
    %select_n3A_1462 = arith.select %eq3A_1459, %convert_element_type3A_28, %broadcast_in_dim3A_1461 : vector<128x256xi1>, vector<128x256xf32>
    %reduce_min3A_1463 = arith.constant dense<0x7F800000> : vector<128xf32>
    %reduce_min3A_1464 = vector.multi_reduction <minimumf>, %select_n3A_1462, %reduce_min3A_1463 [1] : vector<128x256xf32> to vector<128xf32>
    %broadcast_in_dim3A_1465 = vector.shape_cast %reduce_min3A_1464 : vector<128xf32> to vector<128x1xf32>
    %bitcast_convert_type3A_1466 = tpu.bitcast %broadcast_in_dim3A_1457 : vector<128x1xf32> -> vector<128x1xi32>
    %and3A_1467 = arith.constant 15 : i32
    %and3A_1468 = vector.broadcast %and3A_1467 : i32 to vector<128x1xi32>
    %and3A_1469 = arith.andi %bitcast_convert_type3A_1466, %and3A_1468 : vector<128x1xi32>
    %shift_left3A_1470 = arith.constant 8 : i32
    %shift_left3A_1471 = vector.broadcast %shift_left3A_1470 : i32 to vector<128x1xi32>
    %shift_left3A_1472 = arith.shli %and3A_1469, %shift_left3A_1471 : vector<128x1xi32>
    %convert_element_type3A_1473 = arith.fptosi %broadcast_in_dim3A_1465 : vector<128x1xf32> to vector<128x1xi32>
    %or3A_1474 = arith.ori %shift_left3A_1472, %convert_element_type3A_1473 : vector<128x1xi32>
    %slice3A_1475 = vector.extract_strided_slice %bitcast_convert_type3A_26 {offsets = [0, 0], sizes = [128, 256], strides = [1, 1]} : vector<128x4096xf32> to vector<128x256xf32>
    %gt3A_1476 = vector.broadcast %broadcast_in_dim3A_1457 : vector<128x1xf32> to vector<128x256xf32>
    %gt3A_1477 = arith.cmpf ogt, %slice3A_1475, %gt3A_1476 : vector<128x256xf32>
    %slice3A_1478 = vector.extract_strided_slice %bitcast_convert_type3A_26 {offsets = [0, 0], sizes = [128, 256], strides = [1, 1]} : vector<128x4096xf32> to vector<128x256xf32>
    %jit3A_1479 = arith.constant 0x7F800000 : f32
    %broadcast_in_dim3A_1480 = vector.broadcast %jit3A_1479 : f32 to vector<128x256xf32>
    %select_n3A_1481 = arith.select %gt3A_1477, %slice3A_1478, %broadcast_in_dim3A_1480 : vector<128x256xi1>, vector<128x256xf32>
    %slice3A_1482 = vector.extract_strided_slice %bitcast_convert_type3A_26 {offsets = [0, 256], sizes = [128, 256], strides = [1, 1]} : vector<128x4096xf32> to vector<128x256xf32>
    %gt3A_1483 = vector.broadcast %broadcast_in_dim3A_1457 : vector<128x1xf32> to vector<128x256xf32>
    %gt3A_1484 = arith.cmpf ogt, %slice3A_1482, %gt3A_1483 : vector<128x256xf32>
    %jit3A_1485 = arith.constant 0x7F800000 : f32
    %broadcast_in_dim3A_1486 = vector.broadcast %jit3A_1485 : f32 to vector<128x256xf32>
    %select_n3A_1487 = arith.select %gt3A_1484, %slice3A_1482, %broadcast_in_dim3A_1486 : vector<128x256xi1>, vector<128x256xf32>
    %min3A_1488 = arith.minimumf %select_n3A_1481, %select_n3A_1487 : vector<128x256xf32>
    %slice3A_1489 = vector.extract_strided_slice %bitcast_convert_type3A_26 {offsets = [0, 512], sizes = [128, 256], strides = [1, 1]} : vector<128x4096xf32> to vector<128x256xf32>
    %gt3A_1490 = vector.broadcast %broadcast_in_dim3A_1457 : vector<128x1xf32> to vector<128x256xf32>
    %gt3A_1491 = arith.cmpf ogt, %slice3A_1489, %gt3A_1490 : vector<128x256xf32>
    %jit3A_1492 = arith.constant 0x7F800000 : f32
    %broadcast_in_dim3A_1493 = vector.broadcast %jit3A_1492 : f32 to vector<128x256xf32>
    %select_n3A_1494 = arith.select %gt3A_1491, %slice3A_1489, %broadcast_in_dim3A_1493 : vector<128x256xi1>, vector<128x256xf32>
    %min3A_1495 = arith.minimumf %min3A_1488, %select_n3A_1494 : vector<128x256xf32>
    %slice3A_1496 = vector.extract_strided_slice %bitcast_convert_type3A_26 {offsets = [0, 768], sizes = [128, 256], strides = [1, 1]} : vector<128x4096xf32> to vector<128x256xf32>
    %gt3A_1497 = vector.broadcast %broadcast_in_dim3A_1457 : vector<128x1xf32> to vector<128x256xf32>
    %gt3A_1498 = arith.cmpf ogt, %slice3A_1496, %gt3A_1497 : vector<128x256xf32>
    %jit3A_1499 = arith.constant 0x7F800000 : f32
    %broadcast_in_dim3A_1500 = vector.broadcast %jit3A_1499 : f32 to vector<128x256xf32>
    %select_n3A_1501 = arith.select %gt3A_1498, %slice3A_1496, %broadcast_in_dim3A_1500 : vector<128x256xi1>, vector<128x256xf32>
    %min3A_1502 = arith.minimumf %min3A_1495, %select_n3A_1501 : vector<128x256xf32>
    %slice3A_1503 = vector.extract_strided_slice %bitcast_convert_type3A_26 {offsets = [0, 1024], sizes = [128, 256], strides = [1, 1]} : vector<128x4096xf32> to vector<128x256xf32>
    %gt3A_1504 = vector.broadcast %broadcast_in_dim3A_1457 : vector<128x1xf32> to vector<128x256xf32>
    %gt3A_1505 = arith.cmpf ogt, %slice3A_1503, %gt3A_1504 : vector<128x256xf32>
    %jit3A_1506 = arith.constant 0x7F800000 : f32
    %broadcast_in_dim3A_1507 = vector.broadcast %jit3A_1506 : f32 to vector<128x256xf32>
    %select_n3A_1508 = arith.select %gt3A_1505, %slice3A_1503, %broadcast_in_dim3A_1507 : vector<128x256xi1>, vector<128x256xf32>
    %min3A_1509 = arith.minimumf %min3A_1502, %select_n3A_1508 : vector<128x256xf32>
    %slice3A_1510 = vector.extract_strided_slice %bitcast_convert_type3A_26 {offsets = [0, 1280], sizes = [128, 256], strides = [1, 1]} : vector<128x4096xf32> to vector<128x256xf32>
    %gt3A_1511 = vector.broadcast %broadcast_in_dim3A_1457 : vector<128x1xf32> to vector<128x256xf32>
    %gt3A_1512 = arith.cmpf ogt, %slice3A_1510, %gt3A_1511 : vector<128x256xf32>
    %jit3A_1513 = arith.constant 0x7F800000 : f32
    %broadcast_in_dim3A_1514 = vector.broadcast %jit3A_1513 : f32 to vector<128x256xf32>
    %select_n3A_1515 = arith.select %gt3A_1512, %slice3A_1510, %broadcast_in_dim3A_1514 : vector<128x256xi1>, vector<128x256xf32>
    %min3A_1516 = arith.minimumf %min3A_1509, %select_n3A_1515 : vector<128x256xf32>
    %slice3A_1517 = vector.extract_strided_slice %bitcast_convert_type3A_26 {offsets = [0, 1536], sizes = [128, 256], strides = [1, 1]} : vector<128x4096xf32> to vector<128x256xf32>
    %gt3A_1518 = vector.broadcast %broadcast_in_dim3A_1457 : vector<128x1xf32> to vector<128x256xf32>
    %gt3A_1519 = arith.cmpf ogt, %slice3A_1517, %gt3A_1518 : vector<128x256xf32>
    %jit3A_1520 = arith.constant 0x7F800000 : f32
    %broadcast_in_dim3A_1521 = vector.broadcast %jit3A_1520 : f32 to vector<128x256xf32>
    %select_n3A_1522 = arith.select %gt3A_1519, %slice3A_1517, %broadcast_in_dim3A_1521 : vector<128x256xi1>, vector<128x256xf32>
    %min3A_1523 = arith.minimumf %min3A_1516, %select_n3A_1522 : vector<128x256xf32>
    %slice3A_1524 = vector.extract_strided_slice %bitcast_convert_type3A_26 {offsets = [0, 1792], sizes = [128, 256], strides = [1, 1]} : vector<128x4096xf32> to vector<128x256xf32>
    %gt3A_1525 = vector.broadcast %broadcast_in_dim3A_1457 : vector<128x1xf32> to vector<128x256xf32>
    %gt3A_1526 = arith.cmpf ogt, %slice3A_1524, %gt3A_1525 : vector<128x256xf32>
    %jit3A_1527 = arith.constant 0x7F800000 : f32
    %broadcast_in_dim3A_1528 = vector.broadcast %jit3A_1527 : f32 to vector<128x256xf32>
    %select_n3A_1529 = arith.select %gt3A_1526, %slice3A_1524, %broadcast_in_dim3A_1528 : vector<128x256xi1>, vector<128x256xf32>
    %min3A_1530 = arith.minimumf %min3A_1523, %select_n3A_1529 : vector<128x256xf32>
    %slice3A_1531 = vector.extract_strided_slice %bitcast_convert_type3A_26 {offsets = [0, 2048], sizes = [128, 256], strides = [1, 1]} : vector<128x4096xf32> to vector<128x256xf32>
    %gt3A_1532 = vector.broadcast %broadcast_in_dim3A_1457 : vector<128x1xf32> to vector<128x256xf32>
    %gt3A_1533 = arith.cmpf ogt, %slice3A_1531, %gt3A_1532 : vector<128x256xf32>
    %jit3A_1534 = arith.constant 0x7F800000 : f32
    %broadcast_in_dim3A_1535 = vector.broadcast %jit3A_1534 : f32 to vector<128x256xf32>
    %select_n3A_1536 = arith.select %gt3A_1533, %slice3A_1531, %broadcast_in_dim3A_1535 : vector<128x256xi1>, vector<128x256xf32>
    %min3A_1537 = arith.minimumf %min3A_1530, %select_n3A_1536 : vector<128x256xf32>
    %slice3A_1538 = vector.extract_strided_slice %bitcast_convert_type3A_26 {offsets = [0, 2304], sizes = [128, 256], strides = [1, 1]} : vector<128x4096xf32> to vector<128x256xf32>
    %gt3A_1539 = vector.broadcast %broadcast_in_dim3A_1457 : vector<128x1xf32> to vector<128x256xf32>
    %gt3A_1540 = arith.cmpf ogt, %slice3A_1538, %gt3A_1539 : vector<128x256xf32>
    %jit3A_1541 = arith.constant 0x7F800000 : f32
    %broadcast_in_dim3A_1542 = vector.broadcast %jit3A_1541 : f32 to vector<128x256xf32>
    %select_n3A_1543 = arith.select %gt3A_1540, %slice3A_1538, %broadcast_in_dim3A_1542 : vector<128x256xi1>, vector<128x256xf32>
    %min3A_1544 = arith.minimumf %min3A_1537, %select_n3A_1543 : vector<128x256xf32>
    %slice3A_1545 = vector.extract_strided_slice %bitcast_convert_type3A_26 {offsets = [0, 2560], sizes = [128, 256], strides = [1, 1]} : vector<128x4096xf32> to vector<128x256xf32>
    %gt3A_1546 = vector.broadcast %broadcast_in_dim3A_1457 : vector<128x1xf32> to vector<128x256xf32>
    %gt3A_1547 = arith.cmpf ogt, %slice3A_1545, %gt3A_1546 : vector<128x256xf32>
    %jit3A_1548 = arith.constant 0x7F800000 : f32
    %broadcast_in_dim3A_1549 = vector.broadcast %jit3A_1548 : f32 to vector<128x256xf32>
    %select_n3A_1550 = arith.select %gt3A_1547, %slice3A_1545, %broadcast_in_dim3A_1549 : vector<128x256xi1>, vector<128x256xf32>
    %min3A_1551 = arith.minimumf %min3A_1544, %select_n3A_1550 : vector<128x256xf32>
    %slice3A_1552 = vector.extract_strided_slice %bitcast_convert_type3A_26 {offsets = [0, 2816], sizes = [128, 256], strides = [1, 1]} : vector<128x4096xf32> to vector<128x256xf32>
    %gt3A_1553 = vector.broadcast %broadcast_in_dim3A_1457 : vector<128x1xf32> to vector<128x256xf32>
    %gt3A_1554 = arith.cmpf ogt, %slice3A_1552, %gt3A_1553 : vector<128x256xf32>
    %jit3A_1555 = arith.constant 0x7F800000 : f32
    %broadcast_in_dim3A_1556 = vector.broadcast %jit3A_1555 : f32 to vector<128x256xf32>
    %select_n3A_1557 = arith.select %gt3A_1554, %slice3A_1552, %broadcast_in_dim3A_1556 : vector<128x256xi1>, vector<128x256xf32>
    %min3A_1558 = arith.minimumf %min3A_1551, %select_n3A_1557 : vector<128x256xf32>
    %slice3A_1559 = vector.extract_strided_slice %bitcast_convert_type3A_26 {offsets = [0, 3072], sizes = [128, 256], strides = [1, 1]} : vector<128x4096xf32> to vector<128x256xf32>
    %gt3A_1560 = vector.broadcast %broadcast_in_dim3A_1457 : vector<128x1xf32> to vector<128x256xf32>
    %gt3A_1561 = arith.cmpf ogt, %slice3A_1559, %gt3A_1560 : vector<128x256xf32>
    %jit3A_1562 = arith.constant 0x7F800000 : f32
    %broadcast_in_dim3A_1563 = vector.broadcast %jit3A_1562 : f32 to vector<128x256xf32>
    %select_n3A_1564 = arith.select %gt3A_1561, %slice3A_1559, %broadcast_in_dim3A_1563 : vector<128x256xi1>, vector<128x256xf32>
    %min3A_1565 = arith.minimumf %min3A_1558, %select_n3A_1564 : vector<128x256xf32>
    %slice3A_1566 = vector.extract_strided_slice %bitcast_convert_type3A_26 {offsets = [0, 3328], sizes = [128, 256], strides = [1, 1]} : vector<128x4096xf32> to vector<128x256xf32>
    %gt3A_1567 = vector.broadcast %broadcast_in_dim3A_1457 : vector<128x1xf32> to vector<128x256xf32>
    %gt3A_1568 = arith.cmpf ogt, %slice3A_1566, %gt3A_1567 : vector<128x256xf32>
    %jit3A_1569 = arith.constant 0x7F800000 : f32
    %broadcast_in_dim3A_1570 = vector.broadcast %jit3A_1569 : f32 to vector<128x256xf32>
    %select_n3A_1571 = arith.select %gt3A_1568, %slice3A_1566, %broadcast_in_dim3A_1570 : vector<128x256xi1>, vector<128x256xf32>
    %min3A_1572 = arith.minimumf %min3A_1565, %select_n3A_1571 : vector<128x256xf32>
    %slice3A_1573 = vector.extract_strided_slice %bitcast_convert_type3A_26 {offsets = [0, 3584], sizes = [128, 256], strides = [1, 1]} : vector<128x4096xf32> to vector<128x256xf32>
    %gt3A_1574 = vector.broadcast %broadcast_in_dim3A_1457 : vector<128x1xf32> to vector<128x256xf32>
    %gt3A_1575 = arith.cmpf ogt, %slice3A_1573, %gt3A_1574 : vector<128x256xf32>
    %jit3A_1576 = arith.constant 0x7F800000 : f32
    %broadcast_in_dim3A_1577 = vector.broadcast %jit3A_1576 : f32 to vector<128x256xf32>
    %select_n3A_1578 = arith.select %gt3A_1575, %slice3A_1573, %broadcast_in_dim3A_1577 : vector<128x256xi1>, vector<128x256xf32>
    %min3A_1579 = arith.minimumf %min3A_1572, %select_n3A_1578 : vector<128x256xf32>
    %slice3A_1580 = vector.extract_strided_slice %bitcast_convert_type3A_26 {offsets = [0, 3840], sizes = [128, 256], strides = [1, 1]} : vector<128x4096xf32> to vector<128x256xf32>
    %gt3A_1581 = vector.broadcast %broadcast_in_dim3A_1457 : vector<128x1xf32> to vector<128x256xf32>
    %gt3A_1582 = arith.cmpf ogt, %slice3A_1580, %gt3A_1581 : vector<128x256xf32>
    %jit3A_1583 = arith.constant 0x7F800000 : f32
    %broadcast_in_dim3A_1584 = vector.broadcast %jit3A_1583 : f32 to vector<128x256xf32>
    %select_n3A_1585 = arith.select %gt3A_1582, %slice3A_1580, %broadcast_in_dim3A_1584 : vector<128x256xi1>, vector<128x256xf32>
    %min3A_1586 = arith.minimumf %min3A_1579, %select_n3A_1585 : vector<128x256xf32>
    %reduce_min3A_1587 = arith.constant dense<0x7F800000> : vector<128xf32>
    %reduce_min3A_1588 = vector.multi_reduction <minimumf>, %min3A_1586, %reduce_min3A_1587 [1] : vector<128x256xf32> to vector<128xf32>
    %broadcast_in_dim3A_1589 = vector.shape_cast %reduce_min3A_1588 : vector<128xf32> to vector<128x1xf32>
    %eq3A_1590 = vector.broadcast %broadcast_in_dim3A_1589 : vector<128x1xf32> to vector<128x256xf32>
    %eq3A_1591 = arith.cmpf oeq, %min3A_1586, %eq3A_1590 : vector<128x256xf32>
    %jit3A_1592 = arith.constant 2.560000e+02 : f32
    %broadcast_in_dim3A_1593 = vector.broadcast %jit3A_1592 : f32 to vector<128x256xf32>
    %select_n3A_1594 = arith.select %eq3A_1591, %convert_element_type3A_28, %broadcast_in_dim3A_1593 : vector<128x256xi1>, vector<128x256xf32>
    %reduce_min3A_1595 = arith.constant dense<0x7F800000> : vector<128xf32>
    %reduce_min3A_1596 = vector.multi_reduction <minimumf>, %select_n3A_1594, %reduce_min3A_1595 [1] : vector<128x256xf32> to vector<128xf32>
    %broadcast_in_dim3A_1597 = vector.shape_cast %reduce_min3A_1596 : vector<128xf32> to vector<128x1xf32>
    %bitcast_convert_type3A_1598 = tpu.bitcast %broadcast_in_dim3A_1589 : vector<128x1xf32> -> vector<128x1xi32>
    %and3A_1599 = arith.constant 15 : i32
    %and3A_1600 = vector.broadcast %and3A_1599 : i32 to vector<128x1xi32>
    %and3A_1601 = arith.andi %bitcast_convert_type3A_1598, %and3A_1600 : vector<128x1xi32>
    %shift_left3A_1602 = arith.constant 8 : i32
    %shift_left3A_1603 = vector.broadcast %shift_left3A_1602 : i32 to vector<128x1xi32>
    %shift_left3A_1604 = arith.shli %and3A_1601, %shift_left3A_1603 : vector<128x1xi32>
    %convert_element_type3A_1605 = arith.fptosi %broadcast_in_dim3A_1597 : vector<128x1xf32> to vector<128x1xi32>
    %or3A_1606 = arith.ori %shift_left3A_1604, %convert_element_type3A_1605 : vector<128x1xi32>
    %slice3A_1607 = vector.extract_strided_slice %bitcast_convert_type3A_26 {offsets = [0, 0], sizes = [128, 256], strides = [1, 1]} : vector<128x4096xf32> to vector<128x256xf32>
    %gt3A_1608 = vector.broadcast %broadcast_in_dim3A_1589 : vector<128x1xf32> to vector<128x256xf32>
    %gt3A_1609 = arith.cmpf ogt, %slice3A_1607, %gt3A_1608 : vector<128x256xf32>
    %slice3A_1610 = vector.extract_strided_slice %bitcast_convert_type3A_26 {offsets = [0, 0], sizes = [128, 256], strides = [1, 1]} : vector<128x4096xf32> to vector<128x256xf32>
    %jit3A_1611 = arith.constant 0x7F800000 : f32
    %broadcast_in_dim3A_1612 = vector.broadcast %jit3A_1611 : f32 to vector<128x256xf32>
    %select_n3A_1613 = arith.select %gt3A_1609, %slice3A_1610, %broadcast_in_dim3A_1612 : vector<128x256xi1>, vector<128x256xf32>
    %slice3A_1614 = vector.extract_strided_slice %bitcast_convert_type3A_26 {offsets = [0, 256], sizes = [128, 256], strides = [1, 1]} : vector<128x4096xf32> to vector<128x256xf32>
    %gt3A_1615 = vector.broadcast %broadcast_in_dim3A_1589 : vector<128x1xf32> to vector<128x256xf32>
    %gt3A_1616 = arith.cmpf ogt, %slice3A_1614, %gt3A_1615 : vector<128x256xf32>
    %jit3A_1617 = arith.constant 0x7F800000 : f32
    %broadcast_in_dim3A_1618 = vector.broadcast %jit3A_1617 : f32 to vector<128x256xf32>
    %select_n3A_1619 = arith.select %gt3A_1616, %slice3A_1614, %broadcast_in_dim3A_1618 : vector<128x256xi1>, vector<128x256xf32>
    %min3A_1620 = arith.minimumf %select_n3A_1613, %select_n3A_1619 : vector<128x256xf32>
    %slice3A_1621 = vector.extract_strided_slice %bitcast_convert_type3A_26 {offsets = [0, 512], sizes = [128, 256], strides = [1, 1]} : vector<128x4096xf32> to vector<128x256xf32>
    %gt3A_1622 = vector.broadcast %broadcast_in_dim3A_1589 : vector<128x1xf32> to vector<128x256xf32>
    %gt3A_1623 = arith.cmpf ogt, %slice3A_1621, %gt3A_1622 : vector<128x256xf32>
    %jit3A_1624 = arith.constant 0x7F800000 : f32
    %broadcast_in_dim3A_1625 = vector.broadcast %jit3A_1624 : f32 to vector<128x256xf32>
    %select_n3A_1626 = arith.select %gt3A_1623, %slice3A_1621, %broadcast_in_dim3A_1625 : vector<128x256xi1>, vector<128x256xf32>
    %min3A_1627 = arith.minimumf %min3A_1620, %select_n3A_1626 : vector<128x256xf32>
    %slice3A_1628 = vector.extract_strided_slice %bitcast_convert_type3A_26 {offsets = [0, 768], sizes = [128, 256], strides = [1, 1]} : vector<128x4096xf32> to vector<128x256xf32>
    %gt3A_1629 = vector.broadcast %broadcast_in_dim3A_1589 : vector<128x1xf32> to vector<128x256xf32>
    %gt3A_1630 = arith.cmpf ogt, %slice3A_1628, %gt3A_1629 : vector<128x256xf32>
    %jit3A_1631 = arith.constant 0x7F800000 : f32
    %broadcast_in_dim3A_1632 = vector.broadcast %jit3A_1631 : f32 to vector<128x256xf32>
    %select_n3A_1633 = arith.select %gt3A_1630, %slice3A_1628, %broadcast_in_dim3A_1632 : vector<128x256xi1>, vector<128x256xf32>
    %min3A_1634 = arith.minimumf %min3A_1627, %select_n3A_1633 : vector<128x256xf32>
    %slice3A_1635 = vector.extract_strided_slice %bitcast_convert_type3A_26 {offsets = [0, 1024], sizes = [128, 256], strides = [1, 1]} : vector<128x4096xf32> to vector<128x256xf32>
    %gt3A_1636 = vector.broadcast %broadcast_in_dim3A_1589 : vector<128x1xf32> to vector<128x256xf32>
    %gt3A_1637 = arith.cmpf ogt, %slice3A_1635, %gt3A_1636 : vector<128x256xf32>
    %jit3A_1638 = arith.constant 0x7F800000 : f32
    %broadcast_in_dim3A_1639 = vector.broadcast %jit3A_1638 : f32 to vector<128x256xf32>
    %select_n3A_1640 = arith.select %gt3A_1637, %slice3A_1635, %broadcast_in_dim3A_1639 : vector<128x256xi1>, vector<128x256xf32>
    %min3A_1641 = arith.minimumf %min3A_1634, %select_n3A_1640 : vector<128x256xf32>
    %slice3A_1642 = vector.extract_strided_slice %bitcast_convert_type3A_26 {offsets = [0, 1280], sizes = [128, 256], strides = [1, 1]} : vector<128x4096xf32> to vector<128x256xf32>
    %gt3A_1643 = vector.broadcast %broadcast_in_dim3A_1589 : vector<128x1xf32> to vector<128x256xf32>
    %gt3A_1644 = arith.cmpf ogt, %slice3A_1642, %gt3A_1643 : vector<128x256xf32>
    %jit3A_1645 = arith.constant 0x7F800000 : f32
    %broadcast_in_dim3A_1646 = vector.broadcast %jit3A_1645 : f32 to vector<128x256xf32>
    %select_n3A_1647 = arith.select %gt3A_1644, %slice3A_1642, %broadcast_in_dim3A_1646 : vector<128x256xi1>, vector<128x256xf32>
    %min3A_1648 = arith.minimumf %min3A_1641, %select_n3A_1647 : vector<128x256xf32>
    %slice3A_1649 = vector.extract_strided_slice %bitcast_convert_type3A_26 {offsets = [0, 1536], sizes = [128, 256], strides = [1, 1]} : vector<128x4096xf32> to vector<128x256xf32>
    %gt3A_1650 = vector.broadcast %broadcast_in_dim3A_1589 : vector<128x1xf32> to vector<128x256xf32>
    %gt3A_1651 = arith.cmpf ogt, %slice3A_1649, %gt3A_1650 : vector<128x256xf32>
    %jit3A_1652 = arith.constant 0x7F800000 : f32
    %broadcast_in_dim3A_1653 = vector.broadcast %jit3A_1652 : f32 to vector<128x256xf32>
    %select_n3A_1654 = arith.select %gt3A_1651, %slice3A_1649, %broadcast_in_dim3A_1653 : vector<128x256xi1>, vector<128x256xf32>
    %min3A_1655 = arith.minimumf %min3A_1648, %select_n3A_1654 : vector<128x256xf32>
    %slice3A_1656 = vector.extract_strided_slice %bitcast_convert_type3A_26 {offsets = [0, 1792], sizes = [128, 256], strides = [1, 1]} : vector<128x4096xf32> to vector<128x256xf32>
    %gt3A_1657 = vector.broadcast %broadcast_in_dim3A_1589 : vector<128x1xf32> to vector<128x256xf32>
    %gt3A_1658 = arith.cmpf ogt, %slice3A_1656, %gt3A_1657 : vector<128x256xf32>
    %jit3A_1659 = arith.constant 0x7F800000 : f32
    %broadcast_in_dim3A_1660 = vector.broadcast %jit3A_1659 : f32 to vector<128x256xf32>
    %select_n3A_1661 = arith.select %gt3A_1658, %slice3A_1656, %broadcast_in_dim3A_1660 : vector<128x256xi1>, vector<128x256xf32>
    %min3A_1662 = arith.minimumf %min3A_1655, %select_n3A_1661 : vector<128x256xf32>
    %slice3A_1663 = vector.extract_strided_slice %bitcast_convert_type3A_26 {offsets = [0, 2048], sizes = [128, 256], strides = [1, 1]} : vector<128x4096xf32> to vector<128x256xf32>
    %gt3A_1664 = vector.broadcast %broadcast_in_dim3A_1589 : vector<128x1xf32> to vector<128x256xf32>
    %gt3A_1665 = arith.cmpf ogt, %slice3A_1663, %gt3A_1664 : vector<128x256xf32>
    %jit3A_1666 = arith.constant 0x7F800000 : f32
    %broadcast_in_dim3A_1667 = vector.broadcast %jit3A_1666 : f32 to vector<128x256xf32>
    %select_n3A_1668 = arith.select %gt3A_1665, %slice3A_1663, %broadcast_in_dim3A_1667 : vector<128x256xi1>, vector<128x256xf32>
    %min3A_1669 = arith.minimumf %min3A_1662, %select_n3A_1668 : vector<128x256xf32>
    %slice3A_1670 = vector.extract_strided_slice %bitcast_convert_type3A_26 {offsets = [0, 2304], sizes = [128, 256], strides = [1, 1]} : vector<128x4096xf32> to vector<128x256xf32>
    %gt3A_1671 = vector.broadcast %broadcast_in_dim3A_1589 : vector<128x1xf32> to vector<128x256xf32>
    %gt3A_1672 = arith.cmpf ogt, %slice3A_1670, %gt3A_1671 : vector<128x256xf32>
    %jit3A_1673 = arith.constant 0x7F800000 : f32
    %broadcast_in_dim3A_1674 = vector.broadcast %jit3A_1673 : f32 to vector<128x256xf32>
    %select_n3A_1675 = arith.select %gt3A_1672, %slice3A_1670, %broadcast_in_dim3A_1674 : vector<128x256xi1>, vector<128x256xf32>
    %min3A_1676 = arith.minimumf %min3A_1669, %select_n3A_1675 : vector<128x256xf32>
    %slice3A_1677 = vector.extract_strided_slice %bitcast_convert_type3A_26 {offsets = [0, 2560], sizes = [128, 256], strides = [1, 1]} : vector<128x4096xf32> to vector<128x256xf32>
    %gt3A_1678 = vector.broadcast %broadcast_in_dim3A_1589 : vector<128x1xf32> to vector<128x256xf32>
    %gt3A_1679 = arith.cmpf ogt, %slice3A_1677, %gt3A_1678 : vector<128x256xf32>
    %jit3A_1680 = arith.constant 0x7F800000 : f32
    %broadcast_in_dim3A_1681 = vector.broadcast %jit3A_1680 : f32 to vector<128x256xf32>
    %select_n3A_1682 = arith.select %gt3A_1679, %slice3A_1677, %broadcast_in_dim3A_1681 : vector<128x256xi1>, vector<128x256xf32>
    %min3A_1683 = arith.minimumf %min3A_1676, %select_n3A_1682 : vector<128x256xf32>
    %slice3A_1684 = vector.extract_strided_slice %bitcast_convert_type3A_26 {offsets = [0, 2816], sizes = [128, 256], strides = [1, 1]} : vector<128x4096xf32> to vector<128x256xf32>
    %gt3A_1685 = vector.broadcast %broadcast_in_dim3A_1589 : vector<128x1xf32> to vector<128x256xf32>
    %gt3A_1686 = arith.cmpf ogt, %slice3A_1684, %gt3A_1685 : vector<128x256xf32>
    %jit3A_1687 = arith.constant 0x7F800000 : f32
    %broadcast_in_dim3A_1688 = vector.broadcast %jit3A_1687 : f32 to vector<128x256xf32>
    %select_n3A_1689 = arith.select %gt3A_1686, %slice3A_1684, %broadcast_in_dim3A_1688 : vector<128x256xi1>, vector<128x256xf32>
    %min3A_1690 = arith.minimumf %min3A_1683, %select_n3A_1689 : vector<128x256xf32>
    %slice3A_1691 = vector.extract_strided_slice %bitcast_convert_type3A_26 {offsets = [0, 3072], sizes = [128, 256], strides = [1, 1]} : vector<128x4096xf32> to vector<128x256xf32>
    %gt3A_1692 = vector.broadcast %broadcast_in_dim3A_1589 : vector<128x1xf32> to vector<128x256xf32>
    %gt3A_1693 = arith.cmpf ogt, %slice3A_1691, %gt3A_1692 : vector<128x256xf32>
    %jit3A_1694 = arith.constant 0x7F800000 : f32
    %broadcast_in_dim3A_1695 = vector.broadcast %jit3A_1694 : f32 to vector<128x256xf32>
    %select_n3A_1696 = arith.select %gt3A_1693, %slice3A_1691, %broadcast_in_dim3A_1695 : vector<128x256xi1>, vector<128x256xf32>
    %min3A_1697 = arith.minimumf %min3A_1690, %select_n3A_1696 : vector<128x256xf32>
    %slice3A_1698 = vector.extract_strided_slice %bitcast_convert_type3A_26 {offsets = [0, 3328], sizes = [128, 256], strides = [1, 1]} : vector<128x4096xf32> to vector<128x256xf32>
    %gt3A_1699 = vector.broadcast %broadcast_in_dim3A_1589 : vector<128x1xf32> to vector<128x256xf32>
    %gt3A_1700 = arith.cmpf ogt, %slice3A_1698, %gt3A_1699 : vector<128x256xf32>
    %jit3A_1701 = arith.constant 0x7F800000 : f32
    %broadcast_in_dim3A_1702 = vector.broadcast %jit3A_1701 : f32 to vector<128x256xf32>
    %select_n3A_1703 = arith.select %gt3A_1700, %slice3A_1698, %broadcast_in_dim3A_1702 : vector<128x256xi1>, vector<128x256xf32>
    %min3A_1704 = arith.minimumf %min3A_1697, %select_n3A_1703 : vector<128x256xf32>
    %slice3A_1705 = vector.extract_strided_slice %bitcast_convert_type3A_26 {offsets = [0, 3584], sizes = [128, 256], strides = [1, 1]} : vector<128x4096xf32> to vector<128x256xf32>
    %gt3A_1706 = vector.broadcast %broadcast_in_dim3A_1589 : vector<128x1xf32> to vector<128x256xf32>
    %gt3A_1707 = arith.cmpf ogt, %slice3A_1705, %gt3A_1706 : vector<128x256xf32>
    %jit3A_1708 = arith.constant 0x7F800000 : f32
    %broadcast_in_dim3A_1709 = vector.broadcast %jit3A_1708 : f32 to vector<128x256xf32>
    %select_n3A_1710 = arith.select %gt3A_1707, %slice3A_1705, %broadcast_in_dim3A_1709 : vector<128x256xi1>, vector<128x256xf32>
    %min3A_1711 = arith.minimumf %min3A_1704, %select_n3A_1710 : vector<128x256xf32>
    %slice3A_1712 = vector.extract_strided_slice %bitcast_convert_type3A_26 {offsets = [0, 3840], sizes = [128, 256], strides = [1, 1]} : vector<128x4096xf32> to vector<128x256xf32>
    %gt3A_1713 = vector.broadcast %broadcast_in_dim3A_1589 : vector<128x1xf32> to vector<128x256xf32>
    %gt3A_1714 = arith.cmpf ogt, %slice3A_1712, %gt3A_1713 : vector<128x256xf32>
    %jit3A_1715 = arith.constant 0x7F800000 : f32
    %broadcast_in_dim3A_1716 = vector.broadcast %jit3A_1715 : f32 to vector<128x256xf32>
    %select_n3A_1717 = arith.select %gt3A_1714, %slice3A_1712, %broadcast_in_dim3A_1716 : vector<128x256xi1>, vector<128x256xf32>
    %min3A_1718 = arith.minimumf %min3A_1711, %select_n3A_1717 : vector<128x256xf32>
    %reduce_min3A_1719 = arith.constant dense<0x7F800000> : vector<128xf32>
    %reduce_min3A_1720 = vector.multi_reduction <minimumf>, %min3A_1718, %reduce_min3A_1719 [1] : vector<128x256xf32> to vector<128xf32>
    %broadcast_in_dim3A_1721 = vector.shape_cast %reduce_min3A_1720 : vector<128xf32> to vector<128x1xf32>
    %eq3A_1722 = vector.broadcast %broadcast_in_dim3A_1721 : vector<128x1xf32> to vector<128x256xf32>
    %eq3A_1723 = arith.cmpf oeq, %min3A_1718, %eq3A_1722 : vector<128x256xf32>
    %jit3A_1724 = arith.constant 2.560000e+02 : f32
    %broadcast_in_dim3A_1725 = vector.broadcast %jit3A_1724 : f32 to vector<128x256xf32>
    %select_n3A_1726 = arith.select %eq3A_1723, %convert_element_type3A_28, %broadcast_in_dim3A_1725 : vector<128x256xi1>, vector<128x256xf32>
    %reduce_min3A_1727 = arith.constant dense<0x7F800000> : vector<128xf32>
    %reduce_min3A_1728 = vector.multi_reduction <minimumf>, %select_n3A_1726, %reduce_min3A_1727 [1] : vector<128x256xf32> to vector<128xf32>
    %broadcast_in_dim3A_1729 = vector.shape_cast %reduce_min3A_1728 : vector<128xf32> to vector<128x1xf32>
    %bitcast_convert_type3A_1730 = tpu.bitcast %broadcast_in_dim3A_1721 : vector<128x1xf32> -> vector<128x1xi32>
    %and3A_1731 = arith.constant 15 : i32
    %and3A_1732 = vector.broadcast %and3A_1731 : i32 to vector<128x1xi32>
    %and3A_1733 = arith.andi %bitcast_convert_type3A_1730, %and3A_1732 : vector<128x1xi32>
    %shift_left3A_1734 = arith.constant 8 : i32
    %shift_left3A_1735 = vector.broadcast %shift_left3A_1734 : i32 to vector<128x1xi32>
    %shift_left3A_1736 = arith.shli %and3A_1733, %shift_left3A_1735 : vector<128x1xi32>
    %convert_element_type3A_1737 = arith.fptosi %broadcast_in_dim3A_1729 : vector<128x1xf32> to vector<128x1xi32>
    %or3A_1738 = arith.ori %shift_left3A_1736, %convert_element_type3A_1737 : vector<128x1xi32>
    %slice3A_1739 = vector.extract_strided_slice %bitcast_convert_type3A_26 {offsets = [0, 0], sizes = [128, 256], strides = [1, 1]} : vector<128x4096xf32> to vector<128x256xf32>
    %gt3A_1740 = vector.broadcast %broadcast_in_dim3A_1721 : vector<128x1xf32> to vector<128x256xf32>
    %gt3A_1741 = arith.cmpf ogt, %slice3A_1739, %gt3A_1740 : vector<128x256xf32>
    %slice3A_1742 = vector.extract_strided_slice %bitcast_convert_type3A_26 {offsets = [0, 0], sizes = [128, 256], strides = [1, 1]} : vector<128x4096xf32> to vector<128x256xf32>
    %jit3A_1743 = arith.constant 0x7F800000 : f32
    %broadcast_in_dim3A_1744 = vector.broadcast %jit3A_1743 : f32 to vector<128x256xf32>
    %select_n3A_1745 = arith.select %gt3A_1741, %slice3A_1742, %broadcast_in_dim3A_1744 : vector<128x256xi1>, vector<128x256xf32>
    %slice3A_1746 = vector.extract_strided_slice %bitcast_convert_type3A_26 {offsets = [0, 256], sizes = [128, 256], strides = [1, 1]} : vector<128x4096xf32> to vector<128x256xf32>
    %gt3A_1747 = vector.broadcast %broadcast_in_dim3A_1721 : vector<128x1xf32> to vector<128x256xf32>
    %gt3A_1748 = arith.cmpf ogt, %slice3A_1746, %gt3A_1747 : vector<128x256xf32>
    %jit3A_1749 = arith.constant 0x7F800000 : f32
    %broadcast_in_dim3A_1750 = vector.broadcast %jit3A_1749 : f32 to vector<128x256xf32>
    %select_n3A_1751 = arith.select %gt3A_1748, %slice3A_1746, %broadcast_in_dim3A_1750 : vector<128x256xi1>, vector<128x256xf32>
    %min3A_1752 = arith.minimumf %select_n3A_1745, %select_n3A_1751 : vector<128x256xf32>
    %slice3A_1753 = vector.extract_strided_slice %bitcast_convert_type3A_26 {offsets = [0, 512], sizes = [128, 256], strides = [1, 1]} : vector<128x4096xf32> to vector<128x256xf32>
    %gt3A_1754 = vector.broadcast %broadcast_in_dim3A_1721 : vector<128x1xf32> to vector<128x256xf32>
    %gt3A_1755 = arith.cmpf ogt, %slice3A_1753, %gt3A_1754 : vector<128x256xf32>
    %jit3A_1756 = arith.constant 0x7F800000 : f32
    %broadcast_in_dim3A_1757 = vector.broadcast %jit3A_1756 : f32 to vector<128x256xf32>
    %select_n3A_1758 = arith.select %gt3A_1755, %slice3A_1753, %broadcast_in_dim3A_1757 : vector<128x256xi1>, vector<128x256xf32>
    %min3A_1759 = arith.minimumf %min3A_1752, %select_n3A_1758 : vector<128x256xf32>
    %slice3A_1760 = vector.extract_strided_slice %bitcast_convert_type3A_26 {offsets = [0, 768], sizes = [128, 256], strides = [1, 1]} : vector<128x4096xf32> to vector<128x256xf32>
    %gt3A_1761 = vector.broadcast %broadcast_in_dim3A_1721 : vector<128x1xf32> to vector<128x256xf32>
    %gt3A_1762 = arith.cmpf ogt, %slice3A_1760, %gt3A_1761 : vector<128x256xf32>
    %jit3A_1763 = arith.constant 0x7F800000 : f32
    %broadcast_in_dim3A_1764 = vector.broadcast %jit3A_1763 : f32 to vector<128x256xf32>
    %select_n3A_1765 = arith.select %gt3A_1762, %slice3A_1760, %broadcast_in_dim3A_1764 : vector<128x256xi1>, vector<128x256xf32>
    %min3A_1766 = arith.minimumf %min3A_1759, %select_n3A_1765 : vector<128x256xf32>
    %slice3A_1767 = vector.extract_strided_slice %bitcast_convert_type3A_26 {offsets = [0, 1024], sizes = [128, 256], strides = [1, 1]} : vector<128x4096xf32> to vector<128x256xf32>
    %gt3A_1768 = vector.broadcast %broadcast_in_dim3A_1721 : vector<128x1xf32> to vector<128x256xf32>
    %gt3A_1769 = arith.cmpf ogt, %slice3A_1767, %gt3A_1768 : vector<128x256xf32>
    %jit3A_1770 = arith.constant 0x7F800000 : f32
    %broadcast_in_dim3A_1771 = vector.broadcast %jit3A_1770 : f32 to vector<128x256xf32>
    %select_n3A_1772 = arith.select %gt3A_1769, %slice3A_1767, %broadcast_in_dim3A_1771 : vector<128x256xi1>, vector<128x256xf32>
    %min3A_1773 = arith.minimumf %min3A_1766, %select_n3A_1772 : vector<128x256xf32>
    %slice3A_1774 = vector.extract_strided_slice %bitcast_convert_type3A_26 {offsets = [0, 1280], sizes = [128, 256], strides = [1, 1]} : vector<128x4096xf32> to vector<128x256xf32>
    %gt3A_1775 = vector.broadcast %broadcast_in_dim3A_1721 : vector<128x1xf32> to vector<128x256xf32>
    %gt3A_1776 = arith.cmpf ogt, %slice3A_1774, %gt3A_1775 : vector<128x256xf32>
    %jit3A_1777 = arith.constant 0x7F800000 : f32
    %broadcast_in_dim3A_1778 = vector.broadcast %jit3A_1777 : f32 to vector<128x256xf32>
    %select_n3A_1779 = arith.select %gt3A_1776, %slice3A_1774, %broadcast_in_dim3A_1778 : vector<128x256xi1>, vector<128x256xf32>
    %min3A_1780 = arith.minimumf %min3A_1773, %select_n3A_1779 : vector<128x256xf32>
    %slice3A_1781 = vector.extract_strided_slice %bitcast_convert_type3A_26 {offsets = [0, 1536], sizes = [128, 256], strides = [1, 1]} : vector<128x4096xf32> to vector<128x256xf32>
    %gt3A_1782 = vector.broadcast %broadcast_in_dim3A_1721 : vector<128x1xf32> to vector<128x256xf32>
    %gt3A_1783 = arith.cmpf ogt, %slice3A_1781, %gt3A_1782 : vector<128x256xf32>
    %jit3A_1784 = arith.constant 0x7F800000 : f32
    %broadcast_in_dim3A_1785 = vector.broadcast %jit3A_1784 : f32 to vector<128x256xf32>
    %select_n3A_1786 = arith.select %gt3A_1783, %slice3A_1781, %broadcast_in_dim3A_1785 : vector<128x256xi1>, vector<128x256xf32>
    %min3A_1787 = arith.minimumf %min3A_1780, %select_n3A_1786 : vector<128x256xf32>
    %slice3A_1788 = vector.extract_strided_slice %bitcast_convert_type3A_26 {offsets = [0, 1792], sizes = [128, 256], strides = [1, 1]} : vector<128x4096xf32> to vector<128x256xf32>
    %gt3A_1789 = vector.broadcast %broadcast_in_dim3A_1721 : vector<128x1xf32> to vector<128x256xf32>
    %gt3A_1790 = arith.cmpf ogt, %slice3A_1788, %gt3A_1789 : vector<128x256xf32>
    %jit3A_1791 = arith.constant 0x7F800000 : f32
    %broadcast_in_dim3A_1792 = vector.broadcast %jit3A_1791 : f32 to vector<128x256xf32>
    %select_n3A_1793 = arith.select %gt3A_1790, %slice3A_1788, %broadcast_in_dim3A_1792 : vector<128x256xi1>, vector<128x256xf32>
    %min3A_1794 = arith.minimumf %min3A_1787, %select_n3A_1793 : vector<128x256xf32>
    %slice3A_1795 = vector.extract_strided_slice %bitcast_convert_type3A_26 {offsets = [0, 2048], sizes = [128, 256], strides = [1, 1]} : vector<128x4096xf32> to vector<128x256xf32>
    %gt3A_1796 = vector.broadcast %broadcast_in_dim3A_1721 : vector<128x1xf32> to vector<128x256xf32>
    %gt3A_1797 = arith.cmpf ogt, %slice3A_1795, %gt3A_1796 : vector<128x256xf32>
    %jit3A_1798 = arith.constant 0x7F800000 : f32
    %broadcast_in_dim3A_1799 = vector.broadcast %jit3A_1798 : f32 to vector<128x256xf32>
    %select_n3A_1800 = arith.select %gt3A_1797, %slice3A_1795, %broadcast_in_dim3A_1799 : vector<128x256xi1>, vector<128x256xf32>
    %min3A_1801 = arith.minimumf %min3A_1794, %select_n3A_1800 : vector<128x256xf32>
    %slice3A_1802 = vector.extract_strided_slice %bitcast_convert_type3A_26 {offsets = [0, 2304], sizes = [128, 256], strides = [1, 1]} : vector<128x4096xf32> to vector<128x256xf32>
    %gt3A_1803 = vector.broadcast %broadcast_in_dim3A_1721 : vector<128x1xf32> to vector<128x256xf32>
    %gt3A_1804 = arith.cmpf ogt, %slice3A_1802, %gt3A_1803 : vector<128x256xf32>
    %jit3A_1805 = arith.constant 0x7F800000 : f32
    %broadcast_in_dim3A_1806 = vector.broadcast %jit3A_1805 : f32 to vector<128x256xf32>
    %select_n3A_1807 = arith.select %gt3A_1804, %slice3A_1802, %broadcast_in_dim3A_1806 : vector<128x256xi1>, vector<128x256xf32>
    %min3A_1808 = arith.minimumf %min3A_1801, %select_n3A_1807 : vector<128x256xf32>
    %slice3A_1809 = vector.extract_strided_slice %bitcast_convert_type3A_26 {offsets = [0, 2560], sizes = [128, 256], strides = [1, 1]} : vector<128x4096xf32> to vector<128x256xf32>
    %gt3A_1810 = vector.broadcast %broadcast_in_dim3A_1721 : vector<128x1xf32> to vector<128x256xf32>
    %gt3A_1811 = arith.cmpf ogt, %slice3A_1809, %gt3A_1810 : vector<128x256xf32>
    %jit3A_1812 = arith.constant 0x7F800000 : f32
    %broadcast_in_dim3A_1813 = vector.broadcast %jit3A_1812 : f32 to vector<128x256xf32>
    %select_n3A_1814 = arith.select %gt3A_1811, %slice3A_1809, %broadcast_in_dim3A_1813 : vector<128x256xi1>, vector<128x256xf32>
    %min3A_1815 = arith.minimumf %min3A_1808, %select_n3A_1814 : vector<128x256xf32>
    %slice3A_1816 = vector.extract_strided_slice %bitcast_convert_type3A_26 {offsets = [0, 2816], sizes = [128, 256], strides = [1, 1]} : vector<128x4096xf32> to vector<128x256xf32>
    %gt3A_1817 = vector.broadcast %broadcast_in_dim3A_1721 : vector<128x1xf32> to vector<128x256xf32>
    %gt3A_1818 = arith.cmpf ogt, %slice3A_1816, %gt3A_1817 : vector<128x256xf32>
    %jit3A_1819 = arith.constant 0x7F800000 : f32
    %broadcast_in_dim3A_1820 = vector.broadcast %jit3A_1819 : f32 to vector<128x256xf32>
    %select_n3A_1821 = arith.select %gt3A_1818, %slice3A_1816, %broadcast_in_dim3A_1820 : vector<128x256xi1>, vector<128x256xf32>
    %min3A_1822 = arith.minimumf %min3A_1815, %select_n3A_1821 : vector<128x256xf32>
    %slice3A_1823 = vector.extract_strided_slice %bitcast_convert_type3A_26 {offsets = [0, 3072], sizes = [128, 256], strides = [1, 1]} : vector<128x4096xf32> to vector<128x256xf32>
    %gt3A_1824 = vector.broadcast %broadcast_in_dim3A_1721 : vector<128x1xf32> to vector<128x256xf32>
    %gt3A_1825 = arith.cmpf ogt, %slice3A_1823, %gt3A_1824 : vector<128x256xf32>
    %jit3A_1826 = arith.constant 0x7F800000 : f32
    %broadcast_in_dim3A_1827 = vector.broadcast %jit3A_1826 : f32 to vector<128x256xf32>
    %select_n3A_1828 = arith.select %gt3A_1825, %slice3A_1823, %broadcast_in_dim3A_1827 : vector<128x256xi1>, vector<128x256xf32>
    %min3A_1829 = arith.minimumf %min3A_1822, %select_n3A_1828 : vector<128x256xf32>
    %slice3A_1830 = vector.extract_strided_slice %bitcast_convert_type3A_26 {offsets = [0, 3328], sizes = [128, 256], strides = [1, 1]} : vector<128x4096xf32> to vector<128x256xf32>
    %gt3A_1831 = vector.broadcast %broadcast_in_dim3A_1721 : vector<128x1xf32> to vector<128x256xf32>
    %gt3A_1832 = arith.cmpf ogt, %slice3A_1830, %gt3A_1831 : vector<128x256xf32>
    %jit3A_1833 = arith.constant 0x7F800000 : f32
    %broadcast_in_dim3A_1834 = vector.broadcast %jit3A_1833 : f32 to vector<128x256xf32>
    %select_n3A_1835 = arith.select %gt3A_1832, %slice3A_1830, %broadcast_in_dim3A_1834 : vector<128x256xi1>, vector<128x256xf32>
    %min3A_1836 = arith.minimumf %min3A_1829, %select_n3A_1835 : vector<128x256xf32>
    %slice3A_1837 = vector.extract_strided_slice %bitcast_convert_type3A_26 {offsets = [0, 3584], sizes = [128, 256], strides = [1, 1]} : vector<128x4096xf32> to vector<128x256xf32>
    %gt3A_1838 = vector.broadcast %broadcast_in_dim3A_1721 : vector<128x1xf32> to vector<128x256xf32>
    %gt3A_1839 = arith.cmpf ogt, %slice3A_1837, %gt3A_1838 : vector<128x256xf32>
    %jit3A_1840 = arith.constant 0x7F800000 : f32
    %broadcast_in_dim3A_1841 = vector.broadcast %jit3A_1840 : f32 to vector<128x256xf32>
    %select_n3A_1842 = arith.select %gt3A_1839, %slice3A_1837, %broadcast_in_dim3A_1841 : vector<128x256xi1>, vector<128x256xf32>
    %min3A_1843 = arith.minimumf %min3A_1836, %select_n3A_1842 : vector<128x256xf32>
    %slice3A_1844 = vector.extract_strided_slice %bitcast_convert_type3A_26 {offsets = [0, 3840], sizes = [128, 256], strides = [1, 1]} : vector<128x4096xf32> to vector<128x256xf32>
    %gt3A_1845 = vector.broadcast %broadcast_in_dim3A_1721 : vector<128x1xf32> to vector<128x256xf32>
    %gt3A_1846 = arith.cmpf ogt, %slice3A_1844, %gt3A_1845 : vector<128x256xf32>
    %jit3A_1847 = arith.constant 0x7F800000 : f32
    %broadcast_in_dim3A_1848 = vector.broadcast %jit3A_1847 : f32 to vector<128x256xf32>
    %select_n3A_1849 = arith.select %gt3A_1846, %slice3A_1844, %broadcast_in_dim3A_1848 : vector<128x256xi1>, vector<128x256xf32>
    %min3A_1850 = arith.minimumf %min3A_1843, %select_n3A_1849 : vector<128x256xf32>
    %reduce_min3A_1851 = arith.constant dense<0x7F800000> : vector<128xf32>
    %reduce_min3A_1852 = vector.multi_reduction <minimumf>, %min3A_1850, %reduce_min3A_1851 [1] : vector<128x256xf32> to vector<128xf32>
    %broadcast_in_dim3A_1853 = vector.shape_cast %reduce_min3A_1852 : vector<128xf32> to vector<128x1xf32>
    %eq3A_1854 = vector.broadcast %broadcast_in_dim3A_1853 : vector<128x1xf32> to vector<128x256xf32>
    %eq3A_1855 = arith.cmpf oeq, %min3A_1850, %eq3A_1854 : vector<128x256xf32>
    %jit3A_1856 = arith.constant 2.560000e+02 : f32
    %broadcast_in_dim3A_1857 = vector.broadcast %jit3A_1856 : f32 to vector<128x256xf32>
    %select_n3A_1858 = arith.select %eq3A_1855, %convert_element_type3A_28, %broadcast_in_dim3A_1857 : vector<128x256xi1>, vector<128x256xf32>
    %reduce_min3A_1859 = arith.constant dense<0x7F800000> : vector<128xf32>
    %reduce_min3A_1860 = vector.multi_reduction <minimumf>, %select_n3A_1858, %reduce_min3A_1859 [1] : vector<128x256xf32> to vector<128xf32>
    %broadcast_in_dim3A_1861 = vector.shape_cast %reduce_min3A_1860 : vector<128xf32> to vector<128x1xf32>
    %bitcast_convert_type3A_1862 = tpu.bitcast %broadcast_in_dim3A_1853 : vector<128x1xf32> -> vector<128x1xi32>
    %and3A_1863 = arith.constant 15 : i32
    %and3A_1864 = vector.broadcast %and3A_1863 : i32 to vector<128x1xi32>
    %and3A_1865 = arith.andi %bitcast_convert_type3A_1862, %and3A_1864 : vector<128x1xi32>
    %shift_left3A_1866 = arith.constant 8 : i32
    %shift_left3A_1867 = vector.broadcast %shift_left3A_1866 : i32 to vector<128x1xi32>
    %shift_left3A_1868 = arith.shli %and3A_1865, %shift_left3A_1867 : vector<128x1xi32>
    %convert_element_type3A_1869 = arith.fptosi %broadcast_in_dim3A_1861 : vector<128x1xf32> to vector<128x1xi32>
    %or3A_1870 = arith.ori %shift_left3A_1868, %convert_element_type3A_1869 : vector<128x1xi32>
    %slice3A_1871 = vector.extract_strided_slice %bitcast_convert_type3A_26 {offsets = [0, 0], sizes = [128, 256], strides = [1, 1]} : vector<128x4096xf32> to vector<128x256xf32>
    %gt3A_1872 = vector.broadcast %broadcast_in_dim3A_1853 : vector<128x1xf32> to vector<128x256xf32>
    %gt3A_1873 = arith.cmpf ogt, %slice3A_1871, %gt3A_1872 : vector<128x256xf32>
    %slice3A_1874 = vector.extract_strided_slice %bitcast_convert_type3A_26 {offsets = [0, 0], sizes = [128, 256], strides = [1, 1]} : vector<128x4096xf32> to vector<128x256xf32>
    %jit3A_1875 = arith.constant 0x7F800000 : f32
    %broadcast_in_dim3A_1876 = vector.broadcast %jit3A_1875 : f32 to vector<128x256xf32>
    %select_n3A_1877 = arith.select %gt3A_1873, %slice3A_1874, %broadcast_in_dim3A_1876 : vector<128x256xi1>, vector<128x256xf32>
    %slice3A_1878 = vector.extract_strided_slice %bitcast_convert_type3A_26 {offsets = [0, 256], sizes = [128, 256], strides = [1, 1]} : vector<128x4096xf32> to vector<128x256xf32>
    %gt3A_1879 = vector.broadcast %broadcast_in_dim3A_1853 : vector<128x1xf32> to vector<128x256xf32>
    %gt3A_1880 = arith.cmpf ogt, %slice3A_1878, %gt3A_1879 : vector<128x256xf32>
    %jit3A_1881 = arith.constant 0x7F800000 : f32
    %broadcast_in_dim3A_1882 = vector.broadcast %jit3A_1881 : f32 to vector<128x256xf32>
    %select_n3A_1883 = arith.select %gt3A_1880, %slice3A_1878, %broadcast_in_dim3A_1882 : vector<128x256xi1>, vector<128x256xf32>
    %min3A_1884 = arith.minimumf %select_n3A_1877, %select_n3A_1883 : vector<128x256xf32>
    %slice3A_1885 = vector.extract_strided_slice %bitcast_convert_type3A_26 {offsets = [0, 512], sizes = [128, 256], strides = [1, 1]} : vector<128x4096xf32> to vector<128x256xf32>
    %gt3A_1886 = vector.broadcast %broadcast_in_dim3A_1853 : vector<128x1xf32> to vector<128x256xf32>
    %gt3A_1887 = arith.cmpf ogt, %slice3A_1885, %gt3A_1886 : vector<128x256xf32>
    %jit3A_1888 = arith.constant 0x7F800000 : f32
    %broadcast_in_dim3A_1889 = vector.broadcast %jit3A_1888 : f32 to vector<128x256xf32>
    %select_n3A_1890 = arith.select %gt3A_1887, %slice3A_1885, %broadcast_in_dim3A_1889 : vector<128x256xi1>, vector<128x256xf32>
    %min3A_1891 = arith.minimumf %min3A_1884, %select_n3A_1890 : vector<128x256xf32>
    %slice3A_1892 = vector.extract_strided_slice %bitcast_convert_type3A_26 {offsets = [0, 768], sizes = [128, 256], strides = [1, 1]} : vector<128x4096xf32> to vector<128x256xf32>
    %gt3A_1893 = vector.broadcast %broadcast_in_dim3A_1853 : vector<128x1xf32> to vector<128x256xf32>
    %gt3A_1894 = arith.cmpf ogt, %slice3A_1892, %gt3A_1893 : vector<128x256xf32>
    %jit3A_1895 = arith.constant 0x7F800000 : f32
    %broadcast_in_dim3A_1896 = vector.broadcast %jit3A_1895 : f32 to vector<128x256xf32>
    %select_n3A_1897 = arith.select %gt3A_1894, %slice3A_1892, %broadcast_in_dim3A_1896 : vector<128x256xi1>, vector<128x256xf32>
    %min3A_1898 = arith.minimumf %min3A_1891, %select_n3A_1897 : vector<128x256xf32>
    %slice3A_1899 = vector.extract_strided_slice %bitcast_convert_type3A_26 {offsets = [0, 1024], sizes = [128, 256], strides = [1, 1]} : vector<128x4096xf32> to vector<128x256xf32>
    %gt3A_1900 = vector.broadcast %broadcast_in_dim3A_1853 : vector<128x1xf32> to vector<128x256xf32>
    %gt3A_1901 = arith.cmpf ogt, %slice3A_1899, %gt3A_1900 : vector<128x256xf32>
    %jit3A_1902 = arith.constant 0x7F800000 : f32
    %broadcast_in_dim3A_1903 = vector.broadcast %jit3A_1902 : f32 to vector<128x256xf32>
    %select_n3A_1904 = arith.select %gt3A_1901, %slice3A_1899, %broadcast_in_dim3A_1903 : vector<128x256xi1>, vector<128x256xf32>
    %min3A_1905 = arith.minimumf %min3A_1898, %select_n3A_1904 : vector<128x256xf32>
    %slice3A_1906 = vector.extract_strided_slice %bitcast_convert_type3A_26 {offsets = [0, 1280], sizes = [128, 256], strides = [1, 1]} : vector<128x4096xf32> to vector<128x256xf32>
    %gt3A_1907 = vector.broadcast %broadcast_in_dim3A_1853 : vector<128x1xf32> to vector<128x256xf32>
    %gt3A_1908 = arith.cmpf ogt, %slice3A_1906, %gt3A_1907 : vector<128x256xf32>
    %jit3A_1909 = arith.constant 0x7F800000 : f32
    %broadcast_in_dim3A_1910 = vector.broadcast %jit3A_1909 : f32 to vector<128x256xf32>
    %select_n3A_1911 = arith.select %gt3A_1908, %slice3A_1906, %broadcast_in_dim3A_1910 : vector<128x256xi1>, vector<128x256xf32>
    %min3A_1912 = arith.minimumf %min3A_1905, %select_n3A_1911 : vector<128x256xf32>
    %slice3A_1913 = vector.extract_strided_slice %bitcast_convert_type3A_26 {offsets = [0, 1536], sizes = [128, 256], strides = [1, 1]} : vector<128x4096xf32> to vector<128x256xf32>
    %gt3A_1914 = vector.broadcast %broadcast_in_dim3A_1853 : vector<128x1xf32> to vector<128x256xf32>
    %gt3A_1915 = arith.cmpf ogt, %slice3A_1913, %gt3A_1914 : vector<128x256xf32>
    %jit3A_1916 = arith.constant 0x7F800000 : f32
    %broadcast_in_dim3A_1917 = vector.broadcast %jit3A_1916 : f32 to vector<128x256xf32>
    %select_n3A_1918 = arith.select %gt3A_1915, %slice3A_1913, %broadcast_in_dim3A_1917 : vector<128x256xi1>, vector<128x256xf32>
    %min3A_1919 = arith.minimumf %min3A_1912, %select_n3A_1918 : vector<128x256xf32>
    %slice3A_1920 = vector.extract_strided_slice %bitcast_convert_type3A_26 {offsets = [0, 1792], sizes = [128, 256], strides = [1, 1]} : vector<128x4096xf32> to vector<128x256xf32>
    %gt3A_1921 = vector.broadcast %broadcast_in_dim3A_1853 : vector<128x1xf32> to vector<128x256xf32>
    %gt3A_1922 = arith.cmpf ogt, %slice3A_1920, %gt3A_1921 : vector<128x256xf32>
    %jit3A_1923 = arith.constant 0x7F800000 : f32
    %broadcast_in_dim3A_1924 = vector.broadcast %jit3A_1923 : f32 to vector<128x256xf32>
    %select_n3A_1925 = arith.select %gt3A_1922, %slice3A_1920, %broadcast_in_dim3A_1924 : vector<128x256xi1>, vector<128x256xf32>
    %min3A_1926 = arith.minimumf %min3A_1919, %select_n3A_1925 : vector<128x256xf32>
    %slice3A_1927 = vector.extract_strided_slice %bitcast_convert_type3A_26 {offsets = [0, 2048], sizes = [128, 256], strides = [1, 1]} : vector<128x4096xf32> to vector<128x256xf32>
    %gt3A_1928 = vector.broadcast %broadcast_in_dim3A_1853 : vector<128x1xf32> to vector<128x256xf32>
    %gt3A_1929 = arith.cmpf ogt, %slice3A_1927, %gt3A_1928 : vector<128x256xf32>
    %jit3A_1930 = arith.constant 0x7F800000 : f32
    %broadcast_in_dim3A_1931 = vector.broadcast %jit3A_1930 : f32 to vector<128x256xf32>
    %select_n3A_1932 = arith.select %gt3A_1929, %slice3A_1927, %broadcast_in_dim3A_1931 : vector<128x256xi1>, vector<128x256xf32>
    %min3A_1933 = arith.minimumf %min3A_1926, %select_n3A_1932 : vector<128x256xf32>
    %slice3A_1934 = vector.extract_strided_slice %bitcast_convert_type3A_26 {offsets = [0, 2304], sizes = [128, 256], strides = [1, 1]} : vector<128x4096xf32> to vector<128x256xf32>
    %gt3A_1935 = vector.broadcast %broadcast_in_dim3A_1853 : vector<128x1xf32> to vector<128x256xf32>
    %gt3A_1936 = arith.cmpf ogt, %slice3A_1934, %gt3A_1935 : vector<128x256xf32>
    %jit3A_1937 = arith.constant 0x7F800000 : f32
    %broadcast_in_dim3A_1938 = vector.broadcast %jit3A_1937 : f32 to vector<128x256xf32>
    %select_n3A_1939 = arith.select %gt3A_1936, %slice3A_1934, %broadcast_in_dim3A_1938 : vector<128x256xi1>, vector<128x256xf32>
    %min3A_1940 = arith.minimumf %min3A_1933, %select_n3A_1939 : vector<128x256xf32>
    %slice3A_1941 = vector.extract_strided_slice %bitcast_convert_type3A_26 {offsets = [0, 2560], sizes = [128, 256], strides = [1, 1]} : vector<128x4096xf32> to vector<128x256xf32>
    %gt3A_1942 = vector.broadcast %broadcast_in_dim3A_1853 : vector<128x1xf32> to vector<128x256xf32>
    %gt3A_1943 = arith.cmpf ogt, %slice3A_1941, %gt3A_1942 : vector<128x256xf32>
    %jit3A_1944 = arith.constant 0x7F800000 : f32
    %broadcast_in_dim3A_1945 = vector.broadcast %jit3A_1944 : f32 to vector<128x256xf32>
    %select_n3A_1946 = arith.select %gt3A_1943, %slice3A_1941, %broadcast_in_dim3A_1945 : vector<128x256xi1>, vector<128x256xf32>
    %min3A_1947 = arith.minimumf %min3A_1940, %select_n3A_1946 : vector<128x256xf32>
    %slice3A_1948 = vector.extract_strided_slice %bitcast_convert_type3A_26 {offsets = [0, 2816], sizes = [128, 256], strides = [1, 1]} : vector<128x4096xf32> to vector<128x256xf32>
    %gt3A_1949 = vector.broadcast %broadcast_in_dim3A_1853 : vector<128x1xf32> to vector<128x256xf32>
    %gt3A_1950 = arith.cmpf ogt, %slice3A_1948, %gt3A_1949 : vector<128x256xf32>
    %jit3A_1951 = arith.constant 0x7F800000 : f32
    %broadcast_in_dim3A_1952 = vector.broadcast %jit3A_1951 : f32 to vector<128x256xf32>
    %select_n3A_1953 = arith.select %gt3A_1950, %slice3A_1948, %broadcast_in_dim3A_1952 : vector<128x256xi1>, vector<128x256xf32>
    %min3A_1954 = arith.minimumf %min3A_1947, %select_n3A_1953 : vector<128x256xf32>
    %slice3A_1955 = vector.extract_strided_slice %bitcast_convert_type3A_26 {offsets = [0, 3072], sizes = [128, 256], strides = [1, 1]} : vector<128x4096xf32> to vector<128x256xf32>
    %gt3A_1956 = vector.broadcast %broadcast_in_dim3A_1853 : vector<128x1xf32> to vector<128x256xf32>
    %gt3A_1957 = arith.cmpf ogt, %slice3A_1955, %gt3A_1956 : vector<128x256xf32>
    %jit3A_1958 = arith.constant 0x7F800000 : f32
    %broadcast_in_dim3A_1959 = vector.broadcast %jit3A_1958 : f32 to vector<128x256xf32>
    %select_n3A_1960 = arith.select %gt3A_1957, %slice3A_1955, %broadcast_in_dim3A_1959 : vector<128x256xi1>, vector<128x256xf32>
    %min3A_1961 = arith.minimumf %min3A_1954, %select_n3A_1960 : vector<128x256xf32>
    %slice3A_1962 = vector.extract_strided_slice %bitcast_convert_type3A_26 {offsets = [0, 3328], sizes = [128, 256], strides = [1, 1]} : vector<128x4096xf32> to vector<128x256xf32>
    %gt3A_1963 = vector.broadcast %broadcast_in_dim3A_1853 : vector<128x1xf32> to vector<128x256xf32>
    %gt3A_1964 = arith.cmpf ogt, %slice3A_1962, %gt3A_1963 : vector<128x256xf32>
    %jit3A_1965 = arith.constant 0x7F800000 : f32
    %broadcast_in_dim3A_1966 = vector.broadcast %jit3A_1965 : f32 to vector<128x256xf32>
    %select_n3A_1967 = arith.select %gt3A_1964, %slice3A_1962, %broadcast_in_dim3A_1966 : vector<128x256xi1>, vector<128x256xf32>
    %min3A_1968 = arith.minimumf %min3A_1961, %select_n3A_1967 : vector<128x256xf32>
    %slice3A_1969 = vector.extract_strided_slice %bitcast_convert_type3A_26 {offsets = [0, 3584], sizes = [128, 256], strides = [1, 1]} : vector<128x4096xf32> to vector<128x256xf32>
    %gt3A_1970 = vector.broadcast %broadcast_in_dim3A_1853 : vector<128x1xf32> to vector<128x256xf32>
    %gt3A_1971 = arith.cmpf ogt, %slice3A_1969, %gt3A_1970 : vector<128x256xf32>
    %jit3A_1972 = arith.constant 0x7F800000 : f32
    %broadcast_in_dim3A_1973 = vector.broadcast %jit3A_1972 : f32 to vector<128x256xf32>
    %select_n3A_1974 = arith.select %gt3A_1971, %slice3A_1969, %broadcast_in_dim3A_1973 : vector<128x256xi1>, vector<128x256xf32>
    %min3A_1975 = arith.minimumf %min3A_1968, %select_n3A_1974 : vector<128x256xf32>
    %slice3A_1976 = vector.extract_strided_slice %bitcast_convert_type3A_26 {offsets = [0, 3840], sizes = [128, 256], strides = [1, 1]} : vector<128x4096xf32> to vector<128x256xf32>
    %gt3A_1977 = vector.broadcast %broadcast_in_dim3A_1853 : vector<128x1xf32> to vector<128x256xf32>
    %gt3A_1978 = arith.cmpf ogt, %slice3A_1976, %gt3A_1977 : vector<128x256xf32>
    %jit3A_1979 = arith.constant 0x7F800000 : f32
    %broadcast_in_dim3A_1980 = vector.broadcast %jit3A_1979 : f32 to vector<128x256xf32>
    %select_n3A_1981 = arith.select %gt3A_1978, %slice3A_1976, %broadcast_in_dim3A_1980 : vector<128x256xi1>, vector<128x256xf32>
    %min3A_1982 = arith.minimumf %min3A_1975, %select_n3A_1981 : vector<128x256xf32>
    %reduce_min3A_1983 = arith.constant dense<0x7F800000> : vector<128xf32>
    %reduce_min3A_1984 = vector.multi_reduction <minimumf>, %min3A_1982, %reduce_min3A_1983 [1] : vector<128x256xf32> to vector<128xf32>
    %broadcast_in_dim3A_1985 = vector.shape_cast %reduce_min3A_1984 : vector<128xf32> to vector<128x1xf32>
    %eq3A_1986 = vector.broadcast %broadcast_in_dim3A_1985 : vector<128x1xf32> to vector<128x256xf32>
    %eq3A_1987 = arith.cmpf oeq, %min3A_1982, %eq3A_1986 : vector<128x256xf32>
    %jit3A_1988 = arith.constant 2.560000e+02 : f32
    %broadcast_in_dim3A_1989 = vector.broadcast %jit3A_1988 : f32 to vector<128x256xf32>
    %select_n3A_1990 = arith.select %eq3A_1987, %convert_element_type3A_28, %broadcast_in_dim3A_1989 : vector<128x256xi1>, vector<128x256xf32>
    %reduce_min3A_1991 = arith.constant dense<0x7F800000> : vector<128xf32>
    %reduce_min3A_1992 = vector.multi_reduction <minimumf>, %select_n3A_1990, %reduce_min3A_1991 [1] : vector<128x256xf32> to vector<128xf32>
    %broadcast_in_dim3A_1993 = vector.shape_cast %reduce_min3A_1992 : vector<128xf32> to vector<128x1xf32>
    %bitcast_convert_type3A_1994 = tpu.bitcast %broadcast_in_dim3A_1985 : vector<128x1xf32> -> vector<128x1xi32>
    %and3A_1995 = arith.constant 15 : i32
    %and3A_1996 = vector.broadcast %and3A_1995 : i32 to vector<128x1xi32>
    %and3A_1997 = arith.andi %bitcast_convert_type3A_1994, %and3A_1996 : vector<128x1xi32>
    %shift_left3A_1998 = arith.constant 8 : i32
    %shift_left3A_1999 = vector.broadcast %shift_left3A_1998 : i32 to vector<128x1xi32>
    %shift_left3A_2000 = arith.shli %and3A_1997, %shift_left3A_1999 : vector<128x1xi32>
    %convert_element_type3A_2001 = arith.fptosi %broadcast_in_dim3A_1993 : vector<128x1xf32> to vector<128x1xi32>
    %or3A_2002 = arith.ori %shift_left3A_2000, %convert_element_type3A_2001 : vector<128x1xi32>
    %slice3A_2003 = vector.extract_strided_slice %bitcast_convert_type3A_26 {offsets = [0, 0], sizes = [128, 256], strides = [1, 1]} : vector<128x4096xf32> to vector<128x256xf32>
    %gt3A_2004 = vector.broadcast %broadcast_in_dim3A_1985 : vector<128x1xf32> to vector<128x256xf32>
    %gt3A_2005 = arith.cmpf ogt, %slice3A_2003, %gt3A_2004 : vector<128x256xf32>
    %slice3A_2006 = vector.extract_strided_slice %bitcast_convert_type3A_26 {offsets = [0, 0], sizes = [128, 256], strides = [1, 1]} : vector<128x4096xf32> to vector<128x256xf32>
    %jit3A_2007 = arith.constant 0x7F800000 : f32
    %broadcast_in_dim3A_2008 = vector.broadcast %jit3A_2007 : f32 to vector<128x256xf32>
    %select_n3A_2009 = arith.select %gt3A_2005, %slice3A_2006, %broadcast_in_dim3A_2008 : vector<128x256xi1>, vector<128x256xf32>
    %slice3A_2010 = vector.extract_strided_slice %bitcast_convert_type3A_26 {offsets = [0, 256], sizes = [128, 256], strides = [1, 1]} : vector<128x4096xf32> to vector<128x256xf32>
    %gt3A_2011 = vector.broadcast %broadcast_in_dim3A_1985 : vector<128x1xf32> to vector<128x256xf32>
    %gt3A_2012 = arith.cmpf ogt, %slice3A_2010, %gt3A_2011 : vector<128x256xf32>
    %jit3A_2013 = arith.constant 0x7F800000 : f32
    %broadcast_in_dim3A_2014 = vector.broadcast %jit3A_2013 : f32 to vector<128x256xf32>
    %select_n3A_2015 = arith.select %gt3A_2012, %slice3A_2010, %broadcast_in_dim3A_2014 : vector<128x256xi1>, vector<128x256xf32>
    %min3A_2016 = arith.minimumf %select_n3A_2009, %select_n3A_2015 : vector<128x256xf32>
    %slice3A_2017 = vector.extract_strided_slice %bitcast_convert_type3A_26 {offsets = [0, 512], sizes = [128, 256], strides = [1, 1]} : vector<128x4096xf32> to vector<128x256xf32>
    %gt3A_2018 = vector.broadcast %broadcast_in_dim3A_1985 : vector<128x1xf32> to vector<128x256xf32>
    %gt3A_2019 = arith.cmpf ogt, %slice3A_2017, %gt3A_2018 : vector<128x256xf32>
    %jit3A_2020 = arith.constant 0x7F800000 : f32
    %broadcast_in_dim3A_2021 = vector.broadcast %jit3A_2020 : f32 to vector<128x256xf32>
    %select_n3A_2022 = arith.select %gt3A_2019, %slice3A_2017, %broadcast_in_dim3A_2021 : vector<128x256xi1>, vector<128x256xf32>
    %min3A_2023 = arith.minimumf %min3A_2016, %select_n3A_2022 : vector<128x256xf32>
    %slice3A_2024 = vector.extract_strided_slice %bitcast_convert_type3A_26 {offsets = [0, 768], sizes = [128, 256], strides = [1, 1]} : vector<128x4096xf32> to vector<128x256xf32>
    %gt3A_2025 = vector.broadcast %broadcast_in_dim3A_1985 : vector<128x1xf32> to vector<128x256xf32>
    %gt3A_2026 = arith.cmpf ogt, %slice3A_2024, %gt3A_2025 : vector<128x256xf32>
    %jit3A_2027 = arith.constant 0x7F800000 : f32
    %broadcast_in_dim3A_2028 = vector.broadcast %jit3A_2027 : f32 to vector<128x256xf32>
    %select_n3A_2029 = arith.select %gt3A_2026, %slice3A_2024, %broadcast_in_dim3A_2028 : vector<128x256xi1>, vector<128x256xf32>
    %min3A_2030 = arith.minimumf %min3A_2023, %select_n3A_2029 : vector<128x256xf32>
    %slice3A_2031 = vector.extract_strided_slice %bitcast_convert_type3A_26 {offsets = [0, 1024], sizes = [128, 256], strides = [1, 1]} : vector<128x4096xf32> to vector<128x256xf32>
    %gt3A_2032 = vector.broadcast %broadcast_in_dim3A_1985 : vector<128x1xf32> to vector<128x256xf32>
    %gt3A_2033 = arith.cmpf ogt, %slice3A_2031, %gt3A_2032 : vector<128x256xf32>
    %jit3A_2034 = arith.constant 0x7F800000 : f32
    %broadcast_in_dim3A_2035 = vector.broadcast %jit3A_2034 : f32 to vector<128x256xf32>
    %select_n3A_2036 = arith.select %gt3A_2033, %slice3A_2031, %broadcast_in_dim3A_2035 : vector<128x256xi1>, vector<128x256xf32>
    %min3A_2037 = arith.minimumf %min3A_2030, %select_n3A_2036 : vector<128x256xf32>
    %slice3A_2038 = vector.extract_strided_slice %bitcast_convert_type3A_26 {offsets = [0, 1280], sizes = [128, 256], strides = [1, 1]} : vector<128x4096xf32> to vector<128x256xf32>
    %gt3A_2039 = vector.broadcast %broadcast_in_dim3A_1985 : vector<128x1xf32> to vector<128x256xf32>
    %gt3A_2040 = arith.cmpf ogt, %slice3A_2038, %gt3A_2039 : vector<128x256xf32>
    %jit3A_2041 = arith.constant 0x7F800000 : f32
    %broadcast_in_dim3A_2042 = vector.broadcast %jit3A_2041 : f32 to vector<128x256xf32>
    %select_n3A_2043 = arith.select %gt3A_2040, %slice3A_2038, %broadcast_in_dim3A_2042 : vector<128x256xi1>, vector<128x256xf32>
    %min3A_2044 = arith.minimumf %min3A_2037, %select_n3A_2043 : vector<128x256xf32>
    %slice3A_2045 = vector.extract_strided_slice %bitcast_convert_type3A_26 {offsets = [0, 1536], sizes = [128, 256], strides = [1, 1]} : vector<128x4096xf32> to vector<128x256xf32>
    %gt3A_2046 = vector.broadcast %broadcast_in_dim3A_1985 : vector<128x1xf32> to vector<128x256xf32>
    %gt3A_2047 = arith.cmpf ogt, %slice3A_2045, %gt3A_2046 : vector<128x256xf32>
    %jit3A_2048 = arith.constant 0x7F800000 : f32
    %broadcast_in_dim3A_2049 = vector.broadcast %jit3A_2048 : f32 to vector<128x256xf32>
    %select_n3A_2050 = arith.select %gt3A_2047, %slice3A_2045, %broadcast_in_dim3A_2049 : vector<128x256xi1>, vector<128x256xf32>
    %min3A_2051 = arith.minimumf %min3A_2044, %select_n3A_2050 : vector<128x256xf32>
    %slice3A_2052 = vector.extract_strided_slice %bitcast_convert_type3A_26 {offsets = [0, 1792], sizes = [128, 256], strides = [1, 1]} : vector<128x4096xf32> to vector<128x256xf32>
    %gt3A_2053 = vector.broadcast %broadcast_in_dim3A_1985 : vector<128x1xf32> to vector<128x256xf32>
    %gt3A_2054 = arith.cmpf ogt, %slice3A_2052, %gt3A_2053 : vector<128x256xf32>
    %jit3A_2055 = arith.constant 0x7F800000 : f32
    %broadcast_in_dim3A_2056 = vector.broadcast %jit3A_2055 : f32 to vector<128x256xf32>
    %select_n3A_2057 = arith.select %gt3A_2054, %slice3A_2052, %broadcast_in_dim3A_2056 : vector<128x256xi1>, vector<128x256xf32>
    %min3A_2058 = arith.minimumf %min3A_2051, %select_n3A_2057 : vector<128x256xf32>
    %slice3A_2059 = vector.extract_strided_slice %bitcast_convert_type3A_26 {offsets = [0, 2048], sizes = [128, 256], strides = [1, 1]} : vector<128x4096xf32> to vector<128x256xf32>
    %gt3A_2060 = vector.broadcast %broadcast_in_dim3A_1985 : vector<128x1xf32> to vector<128x256xf32>
    %gt3A_2061 = arith.cmpf ogt, %slice3A_2059, %gt3A_2060 : vector<128x256xf32>
    %jit3A_2062 = arith.constant 0x7F800000 : f32
    %broadcast_in_dim3A_2063 = vector.broadcast %jit3A_2062 : f32 to vector<128x256xf32>
    %select_n3A_2064 = arith.select %gt3A_2061, %slice3A_2059, %broadcast_in_dim3A_2063 : vector<128x256xi1>, vector<128x256xf32>
    %min3A_2065 = arith.minimumf %min3A_2058, %select_n3A_2064 : vector<128x256xf32>
    %slice3A_2066 = vector.extract_strided_slice %bitcast_convert_type3A_26 {offsets = [0, 2304], sizes = [128, 256], strides = [1, 1]} : vector<128x4096xf32> to vector<128x256xf32>
    %gt3A_2067 = vector.broadcast %broadcast_in_dim3A_1985 : vector<128x1xf32> to vector<128x256xf32>
    %gt3A_2068 = arith.cmpf ogt, %slice3A_2066, %gt3A_2067 : vector<128x256xf32>
    %jit3A_2069 = arith.constant 0x7F800000 : f32
    %broadcast_in_dim3A_2070 = vector.broadcast %jit3A_2069 : f32 to vector<128x256xf32>
    %select_n3A_2071 = arith.select %gt3A_2068, %slice3A_2066, %broadcast_in_dim3A_2070 : vector<128x256xi1>, vector<128x256xf32>
    %min3A_2072 = arith.minimumf %min3A_2065, %select_n3A_2071 : vector<128x256xf32>
    %slice3A_2073 = vector.extract_strided_slice %bitcast_convert_type3A_26 {offsets = [0, 2560], sizes = [128, 256], strides = [1, 1]} : vector<128x4096xf32> to vector<128x256xf32>
    %gt3A_2074 = vector.broadcast %broadcast_in_dim3A_1985 : vector<128x1xf32> to vector<128x256xf32>
    %gt3A_2075 = arith.cmpf ogt, %slice3A_2073, %gt3A_2074 : vector<128x256xf32>
    %jit3A_2076 = arith.constant 0x7F800000 : f32
    %broadcast_in_dim3A_2077 = vector.broadcast %jit3A_2076 : f32 to vector<128x256xf32>
    %select_n3A_2078 = arith.select %gt3A_2075, %slice3A_2073, %broadcast_in_dim3A_2077 : vector<128x256xi1>, vector<128x256xf32>
    %min3A_2079 = arith.minimumf %min3A_2072, %select_n3A_2078 : vector<128x256xf32>
    %slice3A_2080 = vector.extract_strided_slice %bitcast_convert_type3A_26 {offsets = [0, 2816], sizes = [128, 256], strides = [1, 1]} : vector<128x4096xf32> to vector<128x256xf32>
    %gt3A_2081 = vector.broadcast %broadcast_in_dim3A_1985 : vector<128x1xf32> to vector<128x256xf32>
    %gt3A_2082 = arith.cmpf ogt, %slice3A_2080, %gt3A_2081 : vector<128x256xf32>
    %jit3A_2083 = arith.constant 0x7F800000 : f32
    %broadcast_in_dim3A_2084 = vector.broadcast %jit3A_2083 : f32 to vector<128x256xf32>
    %select_n3A_2085 = arith.select %gt3A_2082, %slice3A_2080, %broadcast_in_dim3A_2084 : vector<128x256xi1>, vector<128x256xf32>
    %min3A_2086 = arith.minimumf %min3A_2079, %select_n3A_2085 : vector<128x256xf32>
    %slice3A_2087 = vector.extract_strided_slice %bitcast_convert_type3A_26 {offsets = [0, 3072], sizes = [128, 256], strides = [1, 1]} : vector<128x4096xf32> to vector<128x256xf32>
    %gt3A_2088 = vector.broadcast %broadcast_in_dim3A_1985 : vector<128x1xf32> to vector<128x256xf32>
    %gt3A_2089 = arith.cmpf ogt, %slice3A_2087, %gt3A_2088 : vector<128x256xf32>
    %jit3A_2090 = arith.constant 0x7F800000 : f32
    %broadcast_in_dim3A_2091 = vector.broadcast %jit3A_2090 : f32 to vector<128x256xf32>
    %select_n3A_2092 = arith.select %gt3A_2089, %slice3A_2087, %broadcast_in_dim3A_2091 : vector<128x256xi1>, vector<128x256xf32>
    %min3A_2093 = arith.minimumf %min3A_2086, %select_n3A_2092 : vector<128x256xf32>
    %slice3A_2094 = vector.extract_strided_slice %bitcast_convert_type3A_26 {offsets = [0, 3328], sizes = [128, 256], strides = [1, 1]} : vector<128x4096xf32> to vector<128x256xf32>
    %gt3A_2095 = vector.broadcast %broadcast_in_dim3A_1985 : vector<128x1xf32> to vector<128x256xf32>
    %gt3A_2096 = arith.cmpf ogt, %slice3A_2094, %gt3A_2095 : vector<128x256xf32>
    %jit3A_2097 = arith.constant 0x7F800000 : f32
    %broadcast_in_dim3A_2098 = vector.broadcast %jit3A_2097 : f32 to vector<128x256xf32>
    %select_n3A_2099 = arith.select %gt3A_2096, %slice3A_2094, %broadcast_in_dim3A_2098 : vector<128x256xi1>, vector<128x256xf32>
    %min3A_2100 = arith.minimumf %min3A_2093, %select_n3A_2099 : vector<128x256xf32>
    %slice3A_2101 = vector.extract_strided_slice %bitcast_convert_type3A_26 {offsets = [0, 3584], sizes = [128, 256], strides = [1, 1]} : vector<128x4096xf32> to vector<128x256xf32>
    %gt3A_2102 = vector.broadcast %broadcast_in_dim3A_1985 : vector<128x1xf32> to vector<128x256xf32>
    %gt3A_2103 = arith.cmpf ogt, %slice3A_2101, %gt3A_2102 : vector<128x256xf32>
    %jit3A_2104 = arith.constant 0x7F800000 : f32
    %broadcast_in_dim3A_2105 = vector.broadcast %jit3A_2104 : f32 to vector<128x256xf32>
    %select_n3A_2106 = arith.select %gt3A_2103, %slice3A_2101, %broadcast_in_dim3A_2105 : vector<128x256xi1>, vector<128x256xf32>
    %min3A_2107 = arith.minimumf %min3A_2100, %select_n3A_2106 : vector<128x256xf32>
    %slice3A_2108 = vector.extract_strided_slice %bitcast_convert_type3A_26 {offsets = [0, 3840], sizes = [128, 256], strides = [1, 1]} : vector<128x4096xf32> to vector<128x256xf32>
    %gt3A_2109 = vector.broadcast %broadcast_in_dim3A_1985 : vector<128x1xf32> to vector<128x256xf32>
    %gt3A_2110 = arith.cmpf ogt, %slice3A_2108, %gt3A_2109 : vector<128x256xf32>
    %jit3A_2111 = arith.constant 0x7F800000 : f32
    %broadcast_in_dim3A_2112 = vector.broadcast %jit3A_2111 : f32 to vector<128x256xf32>
    %select_n3A_2113 = arith.select %gt3A_2110, %slice3A_2108, %broadcast_in_dim3A_2112 : vector<128x256xi1>, vector<128x256xf32>
    %min3A_2114 = arith.minimumf %min3A_2107, %select_n3A_2113 : vector<128x256xf32>
    %reduce_min3A_2115 = arith.constant dense<0x7F800000> : vector<128xf32>
    %reduce_min3A_2116 = vector.multi_reduction <minimumf>, %min3A_2114, %reduce_min3A_2115 [1] : vector<128x256xf32> to vector<128xf32>
    %broadcast_in_dim3A_2117 = vector.shape_cast %reduce_min3A_2116 : vector<128xf32> to vector<128x1xf32>
    %eq3A_2118 = vector.broadcast %broadcast_in_dim3A_2117 : vector<128x1xf32> to vector<128x256xf32>
    %eq3A_2119 = arith.cmpf oeq, %min3A_2114, %eq3A_2118 : vector<128x256xf32>
    %jit3A_2120 = arith.constant 2.560000e+02 : f32
    %broadcast_in_dim3A_2121 = vector.broadcast %jit3A_2120 : f32 to vector<128x256xf32>
    %select_n3A_2122 = arith.select %eq3A_2119, %convert_element_type3A_28, %broadcast_in_dim3A_2121 : vector<128x256xi1>, vector<128x256xf32>
    %reduce_min3A_2123 = arith.constant dense<0x7F800000> : vector<128xf32>
    %reduce_min3A_2124 = vector.multi_reduction <minimumf>, %select_n3A_2122, %reduce_min3A_2123 [1] : vector<128x256xf32> to vector<128xf32>
    %broadcast_in_dim3A_2125 = vector.shape_cast %reduce_min3A_2124 : vector<128xf32> to vector<128x1xf32>
    %bitcast_convert_type3A_2126 = tpu.bitcast %broadcast_in_dim3A_2117 : vector<128x1xf32> -> vector<128x1xi32>
    %and3A_2127 = arith.constant 15 : i32
    %and3A_2128 = vector.broadcast %and3A_2127 : i32 to vector<128x1xi32>
    %and3A_2129 = arith.andi %bitcast_convert_type3A_2126, %and3A_2128 : vector<128x1xi32>
    %shift_left3A_2130 = arith.constant 8 : i32
    %shift_left3A_2131 = vector.broadcast %shift_left3A_2130 : i32 to vector<128x1xi32>
    %shift_left3A_2132 = arith.shli %and3A_2129, %shift_left3A_2131 : vector<128x1xi32>
    %convert_element_type3A_2133 = arith.fptosi %broadcast_in_dim3A_2125 : vector<128x1xf32> to vector<128x1xi32>
    %or3A_2134 = arith.ori %shift_left3A_2132, %convert_element_type3A_2133 : vector<128x1xi32>
    %concatenate3A = tpu.concatenate %or3A_154, %or3A_286, %or3A_418, %or3A_550, %or3A_682, %or3A_814, %or3A_946, %or3A_1078, %or3A_1210, %or3A_1342, %or3A_1474, %or3A_1606, %or3A_1738, %or3A_1870, %or3A_2002, %or3A_2134 in 1 : vector<128x1xi32>, vector<128x1xi32>, vector<128x1xi32>, vector<128x1xi32>, vector<128x1xi32>, vector<128x1xi32>, vector<128x1xi32>, vector<128x1xi32>, vector<128x1xi32>, vector<128x1xi32>, vector<128x1xi32>, vector<128x1xi32>, vector<128x1xi32>, vector<128x1xi32>, vector<128x1xi32>, vector<128x1xi32> -> vector<128x16xi32>
    %add3A_2135 = arith.constant 0 : i32
    %add3A_2136 = vector.broadcast %add3A_2135 : i32 to vector<128x16xi32>
    %add3A_2137 = arith.addi %concatenate3A, %add3A_2136 : vector<128x16xi32>
    %swap3A = arith.constant 0 : index
    %swap3A_2138 = arith.constant 0 : index
    %swap3A_2139 = vector.load %arg3[%swap3A, %swap3A_2138] : memref<128x16xi32, #tpu.memory_space<vmem>>, vector<128x16xi32>
    tpu.vector_store %arg3[%swap3A, %swap3A_2138], %add3A_2137 {strides = array<i32>} : memref<128x16xi32, #tpu.memory_space<vmem>>, vector<128x16xi32>,
    return
  }
  func.func @transform_0(%arg0: i32) -> (i32, i32) {
    %c0_i32 = arith.constant 0 : i32
    %c0_i32_0 = arith.constant 0 : i32
    return %arg0, %c0_i32 : i32, i32
  }
  func.func @transform_1(%arg0: i32) -> (i32, i32) {
    %c0_i32 = arith.constant 0 : i32
    %c0_i32_0 = arith.constant 0 : i32
    %c0_i32_1 = arith.constant 0 : i32
    return %c0_i32, %c0_i32_0 : i32, i32
  }
  func.func @transform_2(%arg0: i32) -> (i32, i32) {
    %c0_i32 = arith.constant 0 : i32
    %c0_i32_0 = arith.constant 0 : i32
    return %arg0, %c0_i32 : i32, i32
  }
}

module attributes {stable_mosaic.version = 14 : i64} {
  func.func @_mlp_kernel(%arg0: i32, %arg1: memref<2048x256xf32, #tpu.memory_space<vmem>>, %arg2: memref<128x16xf32, #tpu.memory_space<vmem>>, %arg3: memref<16x64xf32, #tpu.memory_space<vmem>>, %arg4: memref<1x64xf32, #tpu.memory_space<vmem>>, %arg5: memref<64x64xf32, #tpu.memory_space<vmem>>, %arg6: memref<1x64xf32, #tpu.memory_space<vmem>>, %arg7: memref<64x256xf32, #tpu.memory_space<vmem>>, %arg8: memref<1x256xf32, #tpu.memory_space<vmem>>, %arg9: memref<256x64xf32, #tpu.memory_space<vmem>>, %arg10: memref<1x64xf32, #tpu.memory_space<vmem>>, %arg11: memref<64x128xf32, #tpu.memory_space<vmem>>, %arg12: memref<1x128xf32, #tpu.memory_space<vmem>>, %arg13: memref<128x128xf32, #tpu.memory_space<vmem>>) attributes {dimension_semantics = [#tpu.dimension_semantics<arbitrary>], iteration_bounds = array<i64: 32>, scalar_prefetch = 0 : i64, scratch_operands = 0 : i64, tpu.core_type = #tpu.core_type<tc>, window_params = [{transform_indices = @transform_0, window_bounds = array<i64: 2048, 256>}, {transform_indices = @transform_1, window_bounds = array<i64: 128, 16>}, {pipeline_mode = #tpu.pipeline_mode<synchronous>, transform_indices = @transform_2, window_bounds = array<i64: 16, 64>}, {pipeline_mode = #tpu.pipeline_mode<synchronous>, transform_indices = @transform_3, window_bounds = array<i64: 1, 64>}, {pipeline_mode = #tpu.pipeline_mode<synchronous>, transform_indices = @transform_4, window_bounds = array<i64: 64, 64>}, {pipeline_mode = #tpu.pipeline_mode<synchronous>, transform_indices = @transform_5, window_bounds = array<i64: 1, 64>}, {pipeline_mode = #tpu.pipeline_mode<synchronous>, transform_indices = @transform_6, window_bounds = array<i64: 64, 256>}, {pipeline_mode = #tpu.pipeline_mode<synchronous>, transform_indices = @transform_7, window_bounds = array<i64: 1, 256>}, {pipeline_mode = #tpu.pipeline_mode<synchronous>, transform_indices = @transform_8, window_bounds = array<i64: 256, 64>}, {pipeline_mode = #tpu.pipeline_mode<synchronous>, transform_indices = @transform_9, window_bounds = array<i64: 1, 64>}, {pipeline_mode = #tpu.pipeline_mode<synchronous>, transform_indices = @transform_10, window_bounds = array<i64: 64, 128>}, {pipeline_mode = #tpu.pipeline_mode<synchronous>, transform_indices = @transform_11, window_bounds = array<i64: 1, 128>}, {transform_indices = @transform_12, window_bounds = array<i64: 128, 128>}]} {
    %get3A = arith.constant 0 : index
    %get3A_0 = arith.constant 0 : index
    %get3A_1 = vector.load %arg1[%get3A, %get3A_0] : memref<2048x256xf32, #tpu.memory_space<vmem>>, vector<2048x256xf32>
    %slice3A = vector.extract_strided_slice %get3A_1 {offsets = [0, 0], sizes = [2048, 64], strides = [1, 1]} : vector<2048x256xf32> to vector<2048x64xf32>
    %slice3A_2 = vector.extract_strided_slice %get3A_1 {offsets = [0, 64], sizes = [2048, 64], strides = [1, 1]} : vector<2048x256xf32> to vector<2048x64xf32>
    %slice3A_3 = vector.extract_strided_slice %get3A_1 {offsets = [0, 128], sizes = [2048, 16], strides = [1, 1]} : vector<2048x256xf32> to vector<2048x16xf32>
    %get3A_4 = arith.constant 0 : index
    %get3A_5 = arith.constant 0 : index
    %get3A_6 = vector.load %arg2[%get3A_4, %get3A_5] : memref<128x16xf32, #tpu.memory_space<vmem>>, vector<128x16xf32>
    %broadcast_in_dim3A = vector.shape_cast %get3A_6 : vector<128x16xf32> to vector<128x1x16xf32>
    %broadcast_in_dim3A_7 = vector.shape_cast %broadcast_in_dim3A : vector<128x1x16xf32> to vector<128x1x16xf32>
    %broadcast_in_dim3A_8 = vector.broadcast %broadcast_in_dim3A_7 : vector<128x1x16xf32> to vector<128x16x16xf32>
    %reshape3A = vector.shape_cast %broadcast_in_dim3A_8 : vector<128x16x16xf32> to vector<2048x16xf32>
    %sub3A = arith.subf %slice3A_3, %reshape3A : vector<2048x16xf32>
    %get3A_9 = arith.constant 0 : index
    %get3A_10 = arith.constant 0 : index
    %get3A_11 = vector.load %arg3[%get3A_9, %get3A_10] : memref<16x64xf32, #tpu.memory_space<vmem>>, vector<16x64xf32>
    %dot_general3A = arith.constant dense<0.000000e+00> : vector<2048x64xf32>
    %dot_general3A_12 = tpu.matmul %sub3A, %get3A_11, %dot_general3A {dimension_numbers = #tpu.dot_dimension_numbers<[1], [0], [0], [1], [0, 0, 1, 1], [], []>, transpose_lhs_hint = false} : vector<2048x16xf32>, vector<16x64xf32>, vector<2048x64xf32> -> vector<2048x64xf32>
    %get3A_13 = arith.constant 0 : index
    %get3A_14 = arith.constant 0 : index
    %get3A_15 = vector.load %arg4[%get3A_13, %get3A_14] : memref<1x64xf32, #tpu.memory_space<vmem>>, vector<1x64xf32>
    %add3A = vector.broadcast %get3A_15 : vector<1x64xf32> to vector<2048x64xf32>
    %add3A_16 = arith.addf %dot_general3A_12, %add3A : vector<2048x64xf32>
    %max3A = arith.constant 0.000000e+00 : f32
    %max3A_17 = vector.broadcast %max3A : f32 to vector<2048x64xf32>
    %max3A_18 = arith.maximumf %add3A_16, %max3A_17 : vector<2048x64xf32>
    %get3A_19 = arith.constant 0 : index
    %get3A_20 = arith.constant 0 : index
    %get3A_21 = vector.load %arg5[%get3A_19, %get3A_20] : memref<64x64xf32, #tpu.memory_space<vmem>>, vector<64x64xf32>
    %dot_general3A_22 = arith.constant dense<0.000000e+00> : vector<2048x64xf32>
    %dot_general3A_23 = tpu.matmul %max3A_18, %get3A_21, %dot_general3A_22 {dimension_numbers = #tpu.dot_dimension_numbers<[1], [0], [0], [1], [0, 0, 1, 1], [], []>, transpose_lhs_hint = false} : vector<2048x64xf32>, vector<64x64xf32>, vector<2048x64xf32> -> vector<2048x64xf32>
    %get3A_24 = arith.constant 0 : index
    %get3A_25 = arith.constant 0 : index
    %get3A_26 = vector.load %arg6[%get3A_24, %get3A_25] : memref<1x64xf32, #tpu.memory_space<vmem>>, vector<1x64xf32>
    %add3A_27 = vector.broadcast %get3A_26 : vector<1x64xf32> to vector<2048x64xf32>
    %add3A_28 = arith.addf %dot_general3A_23, %add3A_27 : vector<2048x64xf32>
    %add3A_29 = arith.addf %slice3A, %add3A_28 : vector<2048x64xf32>
    %get3A_30 = arith.constant 0 : index
    %get3A_31 = arith.constant 0 : index
    %get3A_32 = vector.load %arg7[%get3A_30, %get3A_31] : memref<64x256xf32, #tpu.memory_space<vmem>>, vector<64x256xf32>
    %dot_general3A_33 = arith.constant dense<0.000000e+00> : vector<2048x256xf32>
    %dot_general3A_34 = tpu.matmul %add3A_29, %get3A_32, %dot_general3A_33 {dimension_numbers = #tpu.dot_dimension_numbers<[1], [0], [0], [1], [0, 0, 1, 1], [], []>, transpose_lhs_hint = false} : vector<2048x64xf32>, vector<64x256xf32>, vector<2048x256xf32> -> vector<2048x256xf32>
    %get3A_35 = arith.constant 0 : index
    %get3A_36 = arith.constant 0 : index
    %get3A_37 = vector.load %arg8[%get3A_35, %get3A_36] : memref<1x256xf32, #tpu.memory_space<vmem>>, vector<1x256xf32>
    %add3A_38 = vector.broadcast %get3A_37 : vector<1x256xf32> to vector<2048x256xf32>
    %add3A_39 = arith.addf %dot_general3A_34, %add3A_38 : vector<2048x256xf32>
    %max3A_40 = arith.constant 0.000000e+00 : f32
    %max3A_41 = vector.broadcast %max3A_40 : f32 to vector<2048x256xf32>
    %max3A_42 = arith.maximumf %add3A_39, %max3A_41 : vector<2048x256xf32>
    %get3A_43 = arith.constant 0 : index
    %get3A_44 = arith.constant 0 : index
    %get3A_45 = vector.load %arg9[%get3A_43, %get3A_44] : memref<256x64xf32, #tpu.memory_space<vmem>>, vector<256x64xf32>
    %dot_general3A_46 = arith.constant dense<0.000000e+00> : vector<2048x64xf32>
    %dot_general3A_47 = tpu.matmul %max3A_42, %get3A_45, %dot_general3A_46 {dimension_numbers = #tpu.dot_dimension_numbers<[1], [0], [0], [1], [0, 0, 1, 1], [], []>, transpose_lhs_hint = false} : vector<2048x256xf32>, vector<256x64xf32>, vector<2048x64xf32> -> vector<2048x64xf32>
    %get3A_48 = arith.constant 0 : index
    %get3A_49 = arith.constant 0 : index
    %get3A_50 = vector.load %arg10[%get3A_48, %get3A_49] : memref<1x64xf32, #tpu.memory_space<vmem>>, vector<1x64xf32>
    %add3A_51 = vector.broadcast %get3A_50 : vector<1x64xf32> to vector<2048x64xf32>
    %add3A_52 = arith.addf %dot_general3A_47, %add3A_51 : vector<2048x64xf32>
    %exp3A = math.exp %add3A_52 : vector<2048x64xf32>
    %reduce_sum3A = arith.constant dense<0.000000e+00> : vector<2048xf32>
    %reduce_sum3A_53 = vector.multi_reduction <add>, %exp3A, %reduce_sum3A [1] : vector<2048x64xf32> to vector<2048xf32>
    %broadcast_in_dim3A_54 = vector.shape_cast %reduce_sum3A_53 : vector<2048xf32> to vector<2048x1xf32>
    %div3A = vector.broadcast %broadcast_in_dim3A_54 : vector<2048x1xf32> to vector<2048x64xf32>
    %div3A_55 = arith.divf %exp3A, %div3A : vector<2048x64xf32>
    %add3A_56 = arith.addf %slice3A_2, %add3A_28 : vector<2048x64xf32>
    %reshape3A_57 = vector.shape_cast %div3A_55 : vector<2048x64xf32> to vector<128x16x64xf32>
    %reshape3A_58 = vector.shape_cast %add3A_56 : vector<2048x64xf32> to vector<128x16x64xf32>
    %mul3A = arith.mulf %reshape3A_57, %reshape3A_58 : vector<128x16x64xf32>
    %reduce_sum3A_59 = arith.constant dense<0.000000e+00> : vector<128x64xf32>
    %reduce_sum3A_60 = vector.multi_reduction <add>, %mul3A, %reduce_sum3A_59 [1] : vector<128x16x64xf32> to vector<128x64xf32>
    %mul3A_61 = arith.mulf %reshape3A_57, %reshape3A_57 : vector<128x16x64xf32>
    %reduce_sum3A_62 = arith.constant dense<0.000000e+00> : vector<128x64xf32>
    %reduce_sum3A_63 = vector.multi_reduction <add>, %mul3A_61, %reduce_sum3A_62 [1] : vector<128x16x64xf32> to vector<128x64xf32>
    %sqrt3A = math.sqrt %reduce_sum3A_63 : vector<128x64xf32>
    %max3A_64 = arith.constant 9.99999996E-13 : f32
    %max3A_65 = vector.broadcast %max3A_64 : f32 to vector<128x64xf32>
    %max3A_66 = arith.maximumf %sqrt3A, %max3A_65 : vector<128x64xf32>
    %div3A_67 = arith.divf %reduce_sum3A_60, %max3A_66 : vector<128x64xf32>
    %get3A_68 = arith.constant 0 : index
    %get3A_69 = arith.constant 0 : index
    %get3A_70 = vector.load %arg11[%get3A_68, %get3A_69] : memref<64x128xf32, #tpu.memory_space<vmem>>, vector<64x128xf32>
    %dot_general3A_71 = arith.constant dense<0.000000e+00> : vector<128x128xf32>
    %dot_general3A_72 = tpu.matmul %div3A_67, %get3A_70, %dot_general3A_71 {dimension_numbers = #tpu.dot_dimension_numbers<[1], [0], [0], [1], [0, 0, 1, 1], [], []>, transpose_lhs_hint = false} : vector<128x64xf32>, vector<64x128xf32>, vector<128x128xf32> -> vector<128x128xf32>
    %get3A_73 = arith.constant 0 : index
    %get3A_74 = arith.constant 0 : index
    %get3A_75 = vector.load %arg12[%get3A_73, %get3A_74] : memref<1x128xf32, #tpu.memory_space<vmem>>, vector<1x128xf32>
    %add3A_76 = vector.broadcast %get3A_75 : vector<1x128xf32> to vector<128x128xf32>
    %add3A_77 = arith.addf %dot_general3A_72, %add3A_76 : vector<128x128xf32>
    %swap3A = arith.constant 0 : index
    %swap3A_78 = arith.constant 0 : index
    %swap3A_79 = vector.load %arg13[%swap3A, %swap3A_78] : memref<128x128xf32, #tpu.memory_space<vmem>>, vector<128x128xf32>
    tpu.vector_store %arg13[%swap3A, %swap3A_78], %add3A_77 {strides = array<i32>} : memref<128x128xf32, #tpu.memory_space<vmem>>, vector<128x128xf32>,
    return
  }
  func.func @transform_0(%arg0: i32) -> (i32, i32) {
    %c0_i32 = arith.constant 0 : i32
    %c0_i32_0 = arith.constant 0 : i32
    return %arg0, %c0_i32 : i32, i32
  }
  func.func @transform_1(%arg0: i32) -> (i32, i32) {
    %c0_i32 = arith.constant 0 : i32
    %c0_i32_0 = arith.constant 0 : i32
    return %arg0, %c0_i32 : i32, i32
  }
  func.func @transform_2(%arg0: i32) -> (i32, i32) {
    %c0_i32 = arith.constant 0 : i32
    %c0_i32_0 = arith.constant 0 : i32
    %c0_i32_1 = arith.constant 0 : i32
    return %c0_i32, %c0_i32_0 : i32, i32
  }
  func.func @transform_3(%arg0: i32) -> (i32, i32) {
    %c0_i32 = arith.constant 0 : i32
    %c0_i32_0 = arith.constant 0 : i32
    %c0_i32_1 = arith.constant 0 : i32
    return %c0_i32, %c0_i32_0 : i32, i32
  }
  func.func @transform_4(%arg0: i32) -> (i32, i32) {
    %c0_i32 = arith.constant 0 : i32
    %c0_i32_0 = arith.constant 0 : i32
    %c0_i32_1 = arith.constant 0 : i32
    return %c0_i32, %c0_i32_0 : i32, i32
  }
  func.func @transform_5(%arg0: i32) -> (i32, i32) {
    %c0_i32 = arith.constant 0 : i32
    %c0_i32_0 = arith.constant 0 : i32
    %c0_i32_1 = arith.constant 0 : i32
    return %c0_i32, %c0_i32_0 : i32, i32
  }
  func.func @transform_6(%arg0: i32) -> (i32, i32) {
    %c0_i32 = arith.constant 0 : i32
    %c0_i32_0 = arith.constant 0 : i32
    %c0_i32_1 = arith.constant 0 : i32
    return %c0_i32, %c0_i32_0 : i32, i32
  }
  func.func @transform_7(%arg0: i32) -> (i32, i32) {
    %c0_i32 = arith.constant 0 : i32
    %c0_i32_0 = arith.constant 0 : i32
    %c0_i32_1 = arith.constant 0 : i32
    return %c0_i32, %c0_i32_0 : i32, i32
  }
  func.func @transform_8(%arg0: i32) -> (i32, i32) {
    %c0_i32 = arith.constant 0 : i32
    %c0_i32_0 = arith.constant 0 : i32
    %c0_i32_1 = arith.constant 0 : i32
    return %c0_i32, %c0_i32_0 : i32, i32
  }
  func.func @transform_9(%arg0: i32) -> (i32, i32) {
    %c0_i32 = arith.constant 0 : i32
    %c0_i32_0 = arith.constant 0 : i32
    %c0_i32_1 = arith.constant 0 : i32
    return %c0_i32, %c0_i32_0 : i32, i32
  }
  func.func @transform_10(%arg0: i32) -> (i32, i32) {
    %c0_i32 = arith.constant 0 : i32
    %c0_i32_0 = arith.constant 0 : i32
    %c0_i32_1 = arith.constant 0 : i32
    return %c0_i32, %c0_i32_0 : i32, i32
  }
  func.func @transform_11(%arg0: i32) -> (i32, i32) {
    %c0_i32 = arith.constant 0 : i32
    %c0_i32_0 = arith.constant 0 : i32
    %c0_i32_1 = arith.constant 0 : i32
    return %c0_i32, %c0_i32_0 : i32, i32
  }
  func.func @transform_12(%arg0: i32) -> (i32, i32) {
    %c0_i32 = arith.constant 0 : i32
    %c0_i32_0 = arith.constant 0 : i32
    return %arg0, %c0_i32 : i32, i32
  }
}

</mosaic_0001>

<sc_bundles>
// kernel: kernel.12.cloned.1.call-start
scs
__scs_entry_jumppad:
0x0: {  	(pc) =	sbr.rel $0x88, $3  }
0x1: {  	(tag) =	ssettag $0x0;
	lr =	simm.s32 $0x1  }
0x2: {  	[smem:$0x3F90] =	sst lr;
	_ =	strace $0xD0000000  }
0x3: {  	_ = 	snop  }
0x4: {  	_ = 	snop  }
0x5: {  	_ = 	snop  }
0x6: {  	_ = 	snop  }
0x7: {  	_ = 	snop  }
__scs_overlays_trampoline_lowered:
0x8: {  	[smem:$0x3F9F] =	sst s0  }
0x9: {  	[smem:$0x3FA0] =	sst s1  }
0xa: {  	[smem:$0x3FA1] =	sst s2  }
0xb: {  	[smem:$0x3FA2] =	sst s3  }
0xc: {  	[smem:$0x3FA3] =	sst s4  }
0xd: {  	[smem:$0x3FA4] =	sst s5  }
0xe: {  	[smem:$0x3FA5] =	sst s6  }
0xf: {  	[smem:$0x3FA6] =	sst s7  }
0x10: {  	[smem:$0x3FA7] =	sst s8  }
0x11: {  	[smem:$0x3FA8] =	sst s9;
	s0 =	simm.s32 @!p0 $0x0  }
0x12: {  	s1 =	sld [smem:$0x3F8E];
	s0 =	simm.s32 @p0 $0x1  }
0x13: {  	[smem:$0x3FA9] =	sst s0;
	s0 =	simm.s32 @!p1 $0x0  }
0x14: {  	s2 =	sld [smem:$0x3F8D];
	s0 =	simm.s32 @p1 $0x1  }
0x15: {  	[smem:$0x3FAA] =	sst s0;
	s0 =	simm.s32 @!p2 $0x0  }
0x16: {  	s3 =	sld [smem:$0x3FDB];
	s0 =	simm.s32 @p2 $0x1  }
0x17: {  	s4 =	simm.s32 $0x1BF5;
	[smem:$0x3FAC] =	sst s0  }
0x18: {  	s0 =	sld [smem:$0x3F8F];
	_ =	swait.ge [sflag:s4], $0x0  }
0x19: {  	s7 =	sld [smem:$0x3F90]  }
0x1a: {  	s8 =	sadd.s32 $0xFFFFE003, lr  }
0x1b: {  	s9 =	sadd.s32 $0xFFFFFEF7, lr;
	s5 =	simm.s32 $0xFFFFFFFF;
	p2 =	slt.u32 s8, $0xFFFFF086  }
0x1c: {  	p1 =	slt.u32 s9, $0xF7A;
	s5 =	simm.s32 @!p2 $0x0  }
0x1d: {  	s5 =	simm.s32 @p1 $0x1;
	p0 =	seq.s32 s7, s2  }
0x1e: {  	s7 =	smul.u32 @!p0 $0xF7A, s2;
	p2 =	seq.s32 @!p0 s5, $0x0  }
0x1f: {  	s9 =	smul.u32 $0xF7A, s1;
	s8 =	simm.s32 @!p0 $0x1BF5;
	p2 =	por !p2, p0  }
0x20: {  	[sflag:s8] =	ssyncset.s32 @!p0 $0xFFFFF086;
	s6 =	sadd.s32 @!p0 s3, s7;
	s7 =	simm.s32 @!p0 $0x108  }
0x21: {  	s3 =	sadd.s32 s3, s9;
	s6 =	sadd.s32 @!p0 $0x88, s6;
	s7 =	simm.s32 @p2 $0x1082  }
0x22: {  	[simem:s7], [sflag:s8] =	dma.local @!p0 [hbm:s6], $0xF7A  }
0x23: {  	s9 =	sor.u32 $0xD0000000, s2;
	s6 =	simm.s32 $0x108;
	_ =	swait.ge @!p0 [sflag:s8], $0x0  }
0x24: {  	s3 =	sadd.s32 $0x88, s3;
	s6 =	simm.s32 @!p1 $0x1082;
	[sflag:s4] =	ssyncset.s32 $0xFFFFF086  }
0x25: {  	[simem:s6], [sflag:s4] =	dma.local [hbm:s3], $0xF7A  }
0x26: {  	[smem:$0x3F90] =	sst s1;
	(tag) =	ssettag s2;
	_ =	strace s9  }
0x27: {  	s1 =	sld [smem:$0x3FA0]  }
0x28: {  	s2 =	sld [smem:$0x3FA1]  }
0x29: {  	s4 =	sld [smem:$0x3FA3]  }
0x2a: {  	p0 =	seq.s32 s5, $0x0;
	s5 =	sld [smem:$0x3FA4]  }
0x2b: {  	s6 =	sld [smem:$0x3FA5]  }
0x2c: {  	s7 =	sld [smem:$0x3FA6]  }
0x2d: {  	s3 =	simm.s32 $0x108;
	s8 =	sld [smem:$0x3FA7]  }
0x2e: {  	s3 =	simm.s32 @!p0 $0x1082;
	s9 =	sld [smem:$0x3FA8]  }
0x2f: {  	lr =	sadd.s32 s0, s3;
	s0 =	sld [smem:$0x3F9F]  }
0x30: {  	s3 =	sld [smem:$0x3FA2]  }
0x31: {  	[smem:$0x3FAB] =	sst s10  }
0x32: {  	s10 =	sld [smem:$0x3FA9];
	_ =	sdelay $0x3  }
0x33: {  	p0 =	seq.s32 s10, $0x1;
	s10 =	sld [smem:$0x3FAB];
	_ =	sdelay $0x3  }
0x34: {  	[smem:$0x3FAB] =	sst s10  }
0x35: {  	s10 =	sld [smem:$0x3FAA];
	_ =	sdelay $0x3  }
0x36: {  	p1 =	seq.s32 s10, $0x1;
	s10 =	sld [smem:$0x3FAB];
	_ =	sdelay $0x3  }
0x37: {  	[smem:$0x3FAB] =	sst s10  }
0x38: {  	s10 =	sld [smem:$0x3FAC]  }
0x39: {  	_ = 	snop;
	(pc) =	sbr.ind lr, $3  }
0x3a: {  	_ = 	snop  }
0x3b: {  	_ = 	snop  }
0x3c: {  	p2 =	seq.s32 s10, $0x1;
	s10 =	sld [smem:$0x3FAB]  }
0x3d: {  	_ =	shalt  }
0x3e: {  	_ =	shalt  }
0x3f: {  	_ =	shalt  }
0x40: {  	_ =	shalt  }
0x41: {  	_ =	shalt  }
0x42: {  	_ =	shalt  }
0x43: {  	_ =	shalt  }
0x44: {  	_ =	shalt  }
0x45: {  	_ =	shalt  }
0x46: {  	_ =	shalt  }
0x47: {  	_ =	shalt  }
0x48: {  	_ =	shalt  }
0x49: {  	_ =	shalt  }
0x4a: {  	_ =	shalt  }
0x4b: {  	_ =	shalt  }
0x4c: {  	_ =	shalt  }
0x4d: {  	_ =	shalt  }
0x4e: {  	_ =	shalt  }
0x4f: {  	_ =	shalt  }
0x50: {  	_ =	shalt  }
0x51: {  	_ =	shalt  }
0x52: {  	_ =	shalt  }
0x53: {  	_ =	shalt  }
0x54: {  	_ =	shalt  }
0x55: {  	_ =	shalt  }
0x56: {  	_ =	shalt  }
0x57: {  	_ =	shalt  }
0x58: {  	_ =	shalt  }
0x59: {  	_ =	shalt  }
0x5a: {  	_ =	shalt  }
0x5b: {  	_ =	shalt  }
0x5c: {  	_ =	shalt  }
0x5d: {  	_ =	shalt  }
0x5e: {  	_ =	shalt  }
0x5f: {  	_ =	shalt  }
0x60: {  	_ =	shalt  }
0x61: {  	_ =	shalt  }
0x62: {  	_ =	shalt  }
0x63: {  	_ =	shalt  }
0x64: {  	_ =	shalt  }
0x65: {  	_ =	shalt  }
0x66: {  	_ =	shalt  }
0x67: {  	_ =	shalt  }
0x68: {  	_ =	shalt  }
0x69: {  	_ =	shalt  }
0x6a: {  	_ =	shalt  }
0x6b: {  	_ =	shalt  }
0x6c: {  	_ =	shalt  }
0x6d: {  	_ =	shalt  }
0x6e: {  	_ =	shalt  }
0x6f: {  	_ =	shalt  }
0x70: {  	_ =	shalt  }
0x71: {  	_ =	shalt  }
0x72: {  	_ =	shalt  }
0x73: {  	_ =	shalt  }
0x74: {  	_ =	shalt  }
0x75: {  	_ =	shalt  }
0x76: {  	_ =	shalt  }
0x77: {  	_ =	shalt  }
0x78: {  	_ =	shalt  }
0x79: {  	_ =	shalt  }
0x7a: {  	_ =	shalt  }
0x7b: {  	_ =	shalt  }
0x7c: {  	_ =	shalt  }
0x7d: {  	_ =	shalt  }
0x7e: {  	_ =	shalt  }
0x7f: {  	_ =	shalt  }
0x80: {  	_ =	shalt  }
0x81: {  	_ =	shalt  }
0x82: {  	_ =	shalt  }
0x83: {  	_ =	shalt  }
0x84: {  	_ =	shalt  }
0x85: {  	_ =	shalt  }
0x86: {  	_ =	shalt  }
0x87: {  	_ =	shalt  }
.Lfunc_end0:
.L_simem_size_0:
called_computation.1_lowered:
.L_overlay_start_0:
0x88: {  	s2 =	sld [smem:$0x3FD9]  }
0x89: {  	s3 =	sld [smem:$0x3FFE];
	_ =	sdelay $0x1  }
0x8a: {  	s1 =	srdreg.scid  }
0x8b: {  	s0 =	sand.u32 $0x1, s1  }
0x8c: {  	s16 =	sshll.u32 s0, $0xA;
	s2 =	sadd.s32 s3, s2  }
0x8d: {  	s2 =	sadd.s32 s2, s16  }
0x8e: {  	[smem:$0x3FB7] =	sst s2  }
0x8f: {  	_ = 	snop  }
0x90: {  	(tm) =	ssettm $0x1  }
0x91: {  	s17 =	sld [smem:$0x3FFB];
	_ =	sdelay $0x3  }
0x92: {  	_ =	strace s17  }
0x93: {  	s2 =	sld [smem:$0x3FFC];
	_ =	sdelay $0x3  }
0x94: {  	_ =	strace s2  }
0x95: {  	s2 =	sld [smem:$0x3FFD];
	_ =	sdelay $0x3  }
0x96: {  	_ =	strace s2  }
0x97: {  	_ =	strace $0x8FFFFFFF  }
0x98: {  	s18 =	sld [smem:$0x3FDB];
	_ =	sdelay $0x1  }
0x99: {  	s19 =	simm.s32 $_scs_section_size  }
0x9a: {  	s4 =	simm.s32 $_size__tile_overlayer_lowered;
	s5 =	simm.s32 $_tile_overlayer_lowered  }
0x9b: {  	s22 =	simm.s32 $0x1BFF;
	s21 =	sshll.u32 s5, $0x1;
	s2 =	sadd.s32 s19, s18  }
0x9c: {  	s6 =	simm.s32 $0x0;
	s20 =	sshll.u32 s4, $0x1;
	s4 =	sadd.s32 s21, s2  }
0x9d: {  	[timem:s6], [sflag:s22] =	dma.local [hbm:s4], s20  }
0x9e: {  	_ =	swait.ge [sflag:s22], s20  }
0x9f: {  	s3 =	ssub.s32 $0x0, s20;
	[sflag:s22] =	ssyncset.done $0x0  }
0xa0: {  	[sflag:s22] =	ssyncadd.s32 s3;
	_ =	sdelay $0x1  }
0xa1: {  	s23 =	simm.s32 $0x1B8B  }
0xa2: {  	_ =	swait.ge [sflag:s23], $0x1  }
0xa3: {  	[sflag:s23] =	ssyncset.done $0x0  }
0xa4: {  	s25 =	simm.s32 $0x1B8E;
	s24 =	sld [smem:$0x3FFE];
	[sflag:s23] =	ssyncadd.s32 $0xFFFFFFFF  }
0xa5: {  	s26 =	simm.s32 $execute0_lowered;
	[smem:$0x3FD2] =	sst s25  }
0xa6: {  	s4 =	sshll.u32 s26, $0x1;
	_ =	strace $0x80000046;
	[dreg:$0x1] =	wrdreg $0xFFFFFFFF  }
0xa7: {  	s28 =	simm.s32 $_size_execute0_lowered;
	s2 =	sadd.s32 s2, s4;
	[dreg:$0x0] =	wrdreg $0x0  }
0xa8: {  	s4 =	sshll.u32 s28, $0x1;
	[dreg:$0x2] =	wrdreg s2  }
0xa9: {  	[dreg:$0x3] =	wrdreg s4  }
0xaa: {  	[dreg:$0x4] =	wrdreg $0xC0  }
0xab: {  	_ =	task [dreg:s6], $0x5FFFF  }
0xac: {  	[dreg:$0x1] =	wrdreg $0xFFFFFFFF  }
0xad: {  	[dreg:$0x0] =	wrdreg $0x60  }
0xae: {  	[dreg:$0x2] =	wrdreg s24  }
0xaf: {  	[dreg:$0x3] =	wrdreg $0xA  }
0xb0: {  	_ =	task.clear_ibuf [dreg:s6], $0x4FFFF;
	_ =	strace $0x90000046  }
0xb1: {  	s29 =	simm.s32 $0xA;
	_ =	strace $0x80000048  }
0xb2: {  	_ =	swait.ge [sflag:s29], $0x1  }
0xb3: {  	[sflag:s29] =	ssyncadd.s32 $0xFFFFFFFF  }
0xb4: {  	_ =	strace $0x90000048  }
0xb5: {  	_ =	sfence  }
0xb6: {  	s30 =	sld [smem:$0x0];
	_ =	sdelay $0x2  }
0xb7: {  	s31 =	sshll.u32 s1, $0xD;
	s1 =	sshrl.u32 s1, $0x2  }
0xb8: {  	s3 =	sand.u32 $0x4000, s31;
	s1 =	sadd.s32 s1, s30  }
0xb9: {  	s0 =	sor.u32 s3, s0;
	s1 =	sshll.u32 s1, $0x11  }
0xba: {  	s0 =	sor.u32 s1, s0  }
0xbb: {  	s0 =	sadd.s32 $0x8F2B, s0  }
0xbc: {  	[sflag:s0] =	ssyncadd.remote.s32 $0x1  }
0xbd: {  	_ =	sfence.sel $0xFFFF  }
0xbe: {  	[dreg:$0x0] =	wrdreg $0xFFFFFFFF;
	(pc) =	sbr.abs _section_cstart, $3  }
0xbf: {  	[dreg:$0x1] =	wrdreg $0xFFFFFFFF  }
0xc0: {  	_ =	task.clear_ibuf [dreg:s6], $0x2FFFF;
	_ =	strace $0x9FFFFFFF  }
0xc1: {  	(tm) =	ssettm $0x7FFFFFFF  }
tec
execute0_lowered:
.L_overlay_start_1:
0x0: {  	(tag) =	ssettag $0x1  }
0x1: {  	s4 =	rddreg [dreg:$0x0]  }
0x2: {  	s0 =	rddreg [dreg:$0x1];
	s2 =	simm.s32 $0x0;
	s3 =	srdreg.scid  }
0x3: {  	s1 =	stileid.u32;
	s10 =	simm.s32 $0x1080;
	s11 =	simm.s32 $0x1880  }
0x4: {  	s12 =	simm.s32 $0x2080;
	s13 =	simm.s32 $0x2880;
	s14 =	simm.s32 $0x3080  }
0x5: {  	s15 =	simm.s32 $0x3880;
	s16 =	simm.s32 $0x4080;
	s17 =	simm.s32 $0x4880  }
0x6: {  	s18 =	simm.s32 $0x5080;
	s19 =	simm.s32 $0x5880;
	s20 =	simm.s32 $0x6080  }
0x7: {  	s21 =	simm.s32 $0x6880;
	s22 =	simm.s32 $0x7080;
	s23 =	simm.s32 $0x7880  }
0x8: {  	s24 =	simm.s32 $0x1;
	s25 =	simm.s32 $0x0;
	[smem:$0x7FF] =	sst s2  }
0x9: {  	s5 =	sand.u32 $0x1, s3;
	s6 =	sshll.u32 s1, $0xC;
	s3 =	sadd.s32 $0x5200, s4  }
0xa: {  	s8 =	sshll.u32 s1, $0x11;
	_ =	strace $0x80000047;
	s7 =	sshll.u32 s5, $0xB  }
0xb: {  	s31 =	ssub.s32 $0x2, s5;
	s8 =	sadd.s32 s8, s4;
	s5 =	sshll.u32 s5, $0x10  }
0xc: {  	s6 =	sor.u32 s7, s6;
	s9 =	sshrl.u32 s31, $0x1;
	s5 =	sadd.s32 s5, s8  }
0xd: {  	v2 =	vlaneseq.u32;
	s8 =	simm.s32 $0x80;
	s6 =	sshrl.u32 s6, $0x3;
	s7 =	ssub.s32 s31, s9  }
0xe: {  	vm0 =	vmmov $0xffff;
	v1 =	vshrl.u32 v2, $0x3;
	s5 =	sadd.s32 $0x45200, s5;
	s9 =	simm.s32 $0x880;
	s6 =	sadd.s32 s6, s4  }
0xf: {  	v0 =	vand.u32 $0x7, v2;
	v2 =	vor.u32 $0x8, v2;
	v1 =	vmul.u32 $0x8, v1;
	s4 =	smax.u32 s7, $0x1;
	s7 =	simm.s32 $0x2;
	s6 =	sadd.s32 $0x3200, s6  }
.LBB2_1:
0x10: {  	s26 =	smov.u32 s5;
	s28 =	simm.s32 $0x0  }
.LBB2_2:
0x11: {  	s29 =	sadd.s32 s28, s6  }
0x12: {  	[tilespmem:s2], [sflag:$0x2] =	stream.linear.gather [hbm4b:s29+s2], $0x80, $0x38;
	[tilespmem:$0x8080] =	vst v63  }
0x13: {  	_ =	swait.ge [sflag:s7], $0x80  }
0x14: {  	[sflag:s7] =	ssyncset.done $0x0  }
0x15: {  	[sflag:s7] =	ssyncadd.s32 $0xFFFFFF80  }
0x16: {  	v3 =	vld [tilespmem:$0x0];
	_ =	sdelay $0x4  }
0x17: {  	v4 =	vshll.u32 v3, $0x1  }
0x18: {  	v3 =	vand.u32 $0x7, v3;
	v4 =	vand.u32 $0xFFFFFFF0, v4  }
0x19: {  	v3 =	vor.u32 v3, v4  }
0x1a: {  	v4 =	vperm.xlane v3, v0;
	_ =	sdelay $0x1  }
0x1b: {  	v3 =	vperm.xlane v3, v2;
	v4 =	vadd.s32 v1, v4;
	_ =	sdelay $0x1  }
0x1c: {  	v3 =	vadd.s32 v1, v3;
	_ =	sdelay $0x2  }
0x1d: {  	[tilespmem:s8], [sflag:$0x1] =	stream.indirect_vreg.gather [hbm4b:s3+s2], $0x80, v4, vm0, $0xb8;
	[tilespmem:$0x8080] =	vst v63  }
0x1e: {  	_ = 	snop  }
0x1f: {  	[tilespmem:s9], [sflag:$0x1] =	stream.indirect_vreg.gather [hbm4b:s3+s2], $0x80, v3, vm0, $0xb8;
	[tilespmem:$0x8080] =	vst v63  }
0x20: {  	v3 =	vld [tilespmem:$0x10];
	_ =	sdelay $0x4  }
0x21: {  	v57 =	vshll.u32 v3, $0x1  }
0x22: {  	v3 =	vand.u32 $0x7, v3;
	v4 =	vand.u32 $0xFFFFFFF0, v57  }
0x23: {  	v3 =	vor.u32 v3, v4  }
0x24: {  	v4 =	vperm.xlane v3, v0;
	_ =	sdelay $0x1  }
0x25: {  	v3 =	vperm.xlane v3, v2;
	v4 =	vadd.s32 v1, v4;
	_ =	sdelay $0x1  }
0x26: {  	v3 =	vadd.s32 v1, v3;
	_ =	sdelay $0x2  }
0x27: {  	[tilespmem:s10], [sflag:$0x1] =	stream.indirect_vreg.gather [hbm4b:s3+s2], $0x80, v4, vm0, $0xb8;
	[tilespmem:$0x8080] =	vst v63  }
0x28: {  	_ = 	snop  }
0x29: {  	[tilespmem:s11], [sflag:$0x1] =	stream.indirect_vreg.gather [hbm4b:s3+s2], $0x80, v3, vm0, $0xb8;
	[tilespmem:$0x8080] =	vst v63  }
0x2a: {  	v3 =	vld [tilespmem:$0x20];
	_ =	sdelay $0x4  }
0x2b: {  	v58 =	vshll.u32 v3, $0x1  }
0x2c: {  	v3 =	vand.u32 $0x7, v3;
	v4 =	vand.u32 $0xFFFFFFF0, v58  }
0x2d: {  	v3 =	vor.u32 v3, v4  }
0x2e: {  	v4 =	vperm.xlane v3, v0;
	_ =	sdelay $0x1  }
0x2f: {  	v3 =	vperm.xlane v3, v2;
	v4 =	vadd.s32 v1, v4;
	_ =	sdelay $0x1  }
0x30: {  	v3 =	vadd.s32 v1, v3;
	_ =	sdelay $0x2  }
0x31: {  	[tilespmem:s12], [sflag:$0x1] =	stream.indirect_vreg.gather [hbm4b:s3+s2], $0x80, v4, vm0, $0xb8;
	[tilespmem:$0x8080] =	vst v63  }
0x32: {  	_ = 	snop  }
0x33: {  	[tilespmem:s13], [sflag:$0x1] =	stream.indirect_vreg.gather [hbm4b:s3+s2], $0x80, v3, vm0, $0xb8;
	[tilespmem:$0x8080] =	vst v63  }
0x34: {  	v3 =	vld [tilespmem:$0x30];
	_ =	sdelay $0x4  }
0x35: {  	v59 =	vshll.u32 v3, $0x1  }
0x36: {  	v3 =	vand.u32 $0x7, v3;
	v4 =	vand.u32 $0xFFFFFFF0, v59  }
0x37: {  	v3 =	vor.u32 v3, v4  }
0x38: {  	v4 =	vperm.xlane v3, v0;
	_ =	sdelay $0x1  }
0x39: {  	v3 =	vperm.xlane v3, v2;
	v4 =	vadd.s32 v1, v4;
	_ =	sdelay $0x1  }
0x3a: {  	v3 =	vadd.s32 v1, v3;
	_ =	sdelay $0x2  }
0x3b: {  	[tilespmem:s14], [sflag:$0x1] =	stream.indirect_vreg.gather [hbm4b:s3+s2], $0x80, v4, vm0, $0xb8;
	[tilespmem:$0x8080] =	vst v63  }
0x3c: {  	_ = 	snop  }
0x3d: {  	[tilespmem:s15], [sflag:$0x1] =	stream.indirect_vreg.gather [hbm4b:s3+s2], $0x80, v3, vm0, $0xb8;
	[tilespmem:$0x8080] =	vst v63  }
0x3e: {  	v3 =	vld [tilespmem:$0x40];
	_ =	sdelay $0x4  }
0x3f: {  	v60 =	vshll.u32 v3, $0x1  }
0x40: {  	v3 =	vand.u32 $0x7, v3;
	v4 =	vand.u32 $0xFFFFFFF0, v60  }
0x41: {  	v3 =	vor.u32 v3, v4  }
0x42: {  	v4 =	vperm.xlane v3, v0;
	_ =	sdelay $0x1  }
0x43: {  	v3 =	vperm.xlane v3, v2;
	v4 =	vadd.s32 v1, v4;
	_ =	sdelay $0x1  }
0x44: {  	v3 =	vadd.s32 v1, v3;
	_ =	sdelay $0x2  }
0x45: {  	[tilespmem:s16], [sflag:$0x1] =	stream.indirect_vreg.gather [hbm4b:s3+s2], $0x80, v4, vm0, $0xb8;
	[tilespmem:$0x8080] =	vst v63  }
0x46: {  	_ = 	snop  }
0x47: {  	[tilespmem:s17], [sflag:$0x1] =	stream.indirect_vreg.gather [hbm4b:s3+s2], $0x80, v3, vm0, $0xb8;
	[tilespmem:$0x8080] =	vst v63  }
0x48: {  	v3 =	vld [tilespmem:$0x50];
	_ =	sdelay $0x4  }
0x49: {  	v61 =	vshll.u32 v3, $0x1  }
0x4a: {  	v3 =	vand.u32 $0x7, v3;
	v4 =	vand.u32 $0xFFFFFFF0, v61  }
0x4b: {  	v3 =	vor.u32 v3, v4  }
0x4c: {  	v4 =	vperm.xlane v3, v0;
	_ =	sdelay $0x1  }
0x4d: {  	v3 =	vperm.xlane v3, v2;
	v4 =	vadd.s32 v1, v4;
	_ =	sdelay $0x1  }
0x4e: {  	v3 =	vadd.s32 v1, v3;
	_ =	sdelay $0x2  }
0x4f: {  	[tilespmem:s18], [sflag:$0x1] =	stream.indirect_vreg.gather [hbm4b:s3+s2], $0x80, v4, vm0, $0xb8;
	[tilespmem:$0x8080] =	vst v63  }
0x50: {  	_ = 	snop  }
0x51: {  	[tilespmem:s19], [sflag:$0x1] =	stream.indirect_vreg.gather [hbm4b:s3+s2], $0x80, v3, vm0, $0xb8;
	[tilespmem:$0x8080] =	vst v63  }
0x52: {  	v3 =	vld [tilespmem:$0x60];
	_ =	sdelay $0x4  }
0x53: {  	v62 =	vshll.u32 v3, $0x1  }
0x54: {  	v3 =	vand.u32 $0x7, v3;
	v4 =	vand.u32 $0xFFFFFFF0, v62  }
0x55: {  	v3 =	vor.u32 v3, v4  }
0x56: {  	v4 =	vperm.xlane v3, v0;
	_ =	sdelay $0x1  }
0x57: {  	v3 =	vperm.xlane v3, v2;
	v4 =	vadd.s32 v1, v4;
	_ =	sdelay $0x1  }
0x58: {  	v3 =	vadd.s32 v1, v3;
	_ =	sdelay $0x2  }
0x59: {  	[tilespmem:s20], [sflag:$0x1] =	stream.indirect_vreg.gather [hbm4b:s3+s2], $0x80, v4, vm0, $0xb8;
	[tilespmem:$0x8080] =	vst v63  }
0x5a: {  	_ = 	snop  }
0x5b: {  	[tilespmem:s21], [sflag:$0x1] =	stream.indirect_vreg.gather [hbm4b:s3+s2], $0x80, v3, vm0, $0xb8;
	[tilespmem:$0x8080] =	vst v63  }
0x5c: {  	v3 =	vld [tilespmem:$0x70];
	_ =	sdelay $0x4  }
0x5d: {  	v63 =	vshll.u32 v3, $0x1  }
0x5e: {  	v3 =	vand.u32 $0x7, v3;
	v4 =	vand.u32 $0xFFFFFFF0, v63  }
0x5f: {  	v3 =	vor.u32 v3, v4  }
0x60: {  	v4 =	vperm.xlane v3, v0;
	_ =	sdelay $0x1  }
0x61: {  	v3 =	vperm.xlane v3, v2;
	v4 =	vadd.s32 v1, v4;
	_ =	sdelay $0x1  }
0x62: {  	v3 =	vadd.s32 v1, v3;
	_ =	sdelay $0x2  }
0x63: {  	[tilespmem:s22], [sflag:$0x1] =	stream.indirect_vreg.gather [hbm4b:s3+s2], $0x80, v4, vm0, $0xb8;
	[tilespmem:$0x8080] =	vst v63  }
0x64: {  	_ = 	snop  }
0x65: {  	[tilespmem:s23], [sflag:$0x1] =	stream.indirect_vreg.gather [hbm4b:s3+s2], $0x80, v3, vm0, $0xb8;
	[tilespmem:$0x8080] =	vst v63  }
0x66: {  	_ =	swait.ge [sflag:s24], $0x8000  }
0x67: {  	p0 =	sne.s32 s28, $0xF0;
	[sflag:s24] =	ssyncset.done $0x0  }
.Ltmp0:
0x68: {  	[sflag:s24] =	ssyncadd.s32 $0xFFFF8000;
	(pc) =	sbr.rel @p0 .LBB2_2-.Ltmp0, $4  }
0x69: {  	[hbm4b:s26+s2] =	stream.linear.scatter [tilespmem:s8], [sflag:$0x2], $0x8000, $0x38;
	[tilespmem:$0x8080] =	vst v63  }
0x6a: {  	_ =	swait.ge [sflag:s7], $0x8000  }
0x6b: {  	[sflag:s7] =	ssyncset.done $0x0  }
0x6c: {  	s28 =	sadd.s32 $0x10, s28;
	s26 =	sadd.s32 $0x1000, s26;
	[sflag:s7] =	ssyncadd.s32 $0xFFFF8000  }
0x6d: {  	s25 =	sadd.s32 $0x1, s25  }
0x6e: {  	p0 =	sne.s32 s25, s4  }
.Ltmp1:
0x6f: {  	_ = 	snop;
	(pc) =	sbr.rel @p0 .LBB2_1-.Ltmp1, $1  }
0x70: {  	_ =	sdelay $0x3  }
0x71: {  	_ =	sfence.sel $0x180000  }
0x72: {  	[bflag:$0x0] =	sbarrier.arrive $0xFFFF  }
0x73: {  	p0 =	sne.s32 s1, $0x0;
	_ =	strace $0x90000047  }
0x74: {  	s0 =	sadd.s32 @!p0 $0x100000, s0;
	[bflag:$0x2] =	sbarrier.arrive $0xFFFF  }
0x75: {  	[sflag:s0] =	ssyncadd.tile.s32 @!p0 $0x1;
	_ =	shalt  }
.Lfunc_end2:
_tile_overlayer_lowered:
.L_overlay_start_2:
0x76: {  	(tag) =	ssettag $0x2  }
0x77: {  	s0 =	rddreg [dreg:$0x0];
	s2 =	stileid.u32  }
0x78: {  	s1 =	rddreg [dreg:$0x1];
	p0 =	sne.s32 s2, $0x0  }
0x79: {  	s3 =	rddreg [dreg:$0x2];
	[bflag:$0x3] =	sbarrier.arrive $0xFFFF;
	s2 =	simm.s32 @!p0 $0x1C02  }
0x7a: {  	[timem:s3], [sflag:s2] =	dma.local @!p0 [hbm:s0], s1  }
0x7b: {  	s0 =	simm.s32 @!p0 $0x2  }
0x7c: {  	_ =	swait.ge @!p0 [sflag:s0], s1  }
0x7d: {  	s1 =	ssub.s32 @!p0 $0x0, s1;
	[sflag:s0] =	ssyncset.done @!p0 $0x0  }
0x7e: {  	[sflag:s0] =	ssyncadd.s32 @!p0 s1  }
0x7f: {  	[bflag:$0x3] =	sbarrier.arrive $0xFFFF  }
0x80: {  	_ =	shalt  }

// kernel: kernel.9.cloned.1.call-start
scs
__scs_entry_jumppad:
0x0: {  	(pc) =	sbr.rel $0x88, $3  }
0x1: {  	(tag) =	ssettag $0x0;
	lr =	simm.s32 $0x1  }
0x2: {  	[smem:$0x3F90] =	sst lr;
	_ =	strace $0xD0000000  }
0x3: {  	_ = 	snop  }
0x4: {  	_ = 	snop  }
0x5: {  	_ = 	snop  }
0x6: {  	_ = 	snop  }
0x7: {  	_ = 	snop  }
__scs_overlays_trampoline_lowered:
0x8: {  	[smem:$0x3F9F] =	sst s0  }
0x9: {  	[smem:$0x3FA0] =	sst s1  }
0xa: {  	[smem:$0x3FA1] =	sst s2  }
0xb: {  	[smem:$0x3FA2] =	sst s3  }
0xc: {  	[smem:$0x3FA3] =	sst s4  }
0xd: {  	[smem:$0x3FA4] =	sst s5  }
0xe: {  	[smem:$0x3FA5] =	sst s6  }
0xf: {  	[smem:$0x3FA6] =	sst s7  }
0x10: {  	[smem:$0x3FA7] =	sst s8  }
0x11: {  	[smem:$0x3FA8] =	sst s9;
	s0 =	simm.s32 @!p0 $0x0  }
0x12: {  	s1 =	sld [smem:$0x3F8E];
	s0 =	simm.s32 @p0 $0x1  }
0x13: {  	[smem:$0x3FA9] =	sst s0;
	s0 =	simm.s32 @!p1 $0x0  }
0x14: {  	s2 =	sld [smem:$0x3F8D];
	s0 =	simm.s32 @p1 $0x1  }
0x15: {  	[smem:$0x3FAA] =	sst s0;
	s0 =	simm.s32 @!p2 $0x0  }
0x16: {  	s3 =	sld [smem:$0x3FDB];
	s0 =	simm.s32 @p2 $0x1  }
0x17: {  	s4 =	simm.s32 $0x1BF5;
	[smem:$0x3FAC] =	sst s0  }
0x18: {  	s0 =	sld [smem:$0x3F8F];
	_ =	swait.ge [sflag:s4], $0x0  }
0x19: {  	s7 =	sld [smem:$0x3F90]  }
0x1a: {  	s8 =	sadd.s32 $0xFFFFE003, lr  }
0x1b: {  	s9 =	sadd.s32 $0xFFFFFEF7, lr;
	s5 =	simm.s32 $0xFFFFFFFF;
	p2 =	slt.u32 s8, $0xFFFFF086  }
0x1c: {  	p1 =	slt.u32 s9, $0xF7A;
	s5 =	simm.s32 @!p2 $0x0  }
0x1d: {  	s5 =	simm.s32 @p1 $0x1;
	p0 =	seq.s32 s7, s2  }
0x1e: {  	s7 =	smul.u32 @!p0 $0xF7A, s2;
	p2 =	seq.s32 @!p0 s5, $0x0  }
0x1f: {  	s9 =	smul.u32 $0xF7A, s1;
	s8 =	simm.s32 @!p0 $0x1BF5;
	p2 =	por !p2, p0  }
0x20: {  	[sflag:s8] =	ssyncset.s32 @!p0 $0xFFFFF086;
	s6 =	sadd.s32 @!p0 s3, s7;
	s7 =	simm.s32 @!p0 $0x108  }
0x21: {  	s3 =	sadd.s32 s3, s9;
	s6 =	sadd.s32 @!p0 $0x88, s6;
	s7 =	simm.s32 @p2 $0x1082  }
0x22: {  	[simem:s7], [sflag:s8] =	dma.local @!p0 [hbm:s6], $0xF7A  }
0x23: {  	s9 =	sor.u32 $0xD0000000, s2;
	s6 =	simm.s32 $0x108;
	_ =	swait.ge @!p0 [sflag:s8], $0x0  }
0x24: {  	s3 =	sadd.s32 $0x88, s3;
	s6 =	simm.s32 @!p1 $0x1082;
	[sflag:s4] =	ssyncset.s32 $0xFFFFF086  }
0x25: {  	[simem:s6], [sflag:s4] =	dma.local [hbm:s3], $0xF7A  }
0x26: {  	[smem:$0x3F90] =	sst s1;
	(tag) =	ssettag s2;
	_ =	strace s9  }
0x27: {  	s1 =	sld [smem:$0x3FA0]  }
0x28: {  	s2 =	sld [smem:$0x3FA1]  }
0x29: {  	s4 =	sld [smem:$0x3FA3]  }
0x2a: {  	p0 =	seq.s32 s5, $0x0;
	s5 =	sld [smem:$0x3FA4]  }
0x2b: {  	s6 =	sld [smem:$0x3FA5]  }
0x2c: {  	s7 =	sld [smem:$0x3FA6]  }
0x2d: {  	s3 =	simm.s32 $0x108;
	s8 =	sld [smem:$0x3FA7]  }
0x2e: {  	s3 =	simm.s32 @!p0 $0x1082;
	s9 =	sld [smem:$0x3FA8]  }
0x2f: {  	lr =	sadd.s32 s0, s3;
	s0 =	sld [smem:$0x3F9F]  }
0x30: {  	s3 =	sld [smem:$0x3FA2]  }
0x31: {  	[smem:$0x3FAB] =	sst s10  }
0x32: {  	s10 =	sld [smem:$0x3FA9];
	_ =	sdelay $0x3  }
0x33: {  	p0 =	seq.s32 s10, $0x1;
	s10 =	sld [smem:$0x3FAB];
	_ =	sdelay $0x3  }
0x34: {  	[smem:$0x3FAB] =	sst s10  }
0x35: {  	s10 =	sld [smem:$0x3FAA];
	_ =	sdelay $0x3  }
0x36: {  	p1 =	seq.s32 s10, $0x1;
	s10 =	sld [smem:$0x3FAB];
	_ =	sdelay $0x3  }
0x37: {  	[smem:$0x3FAB] =	sst s10  }
0x38: {  	s10 =	sld [smem:$0x3FAC]  }
0x39: {  	_ = 	snop;
	(pc) =	sbr.ind lr, $3  }
0x3a: {  	_ = 	snop  }
0x3b: {  	_ = 	snop  }
0x3c: {  	p2 =	seq.s32 s10, $0x1;
	s10 =	sld [smem:$0x3FAB]  }
0x3d: {  	_ =	shalt  }
0x3e: {  	_ =	shalt  }
0x3f: {  	_ =	shalt  }
0x40: {  	_ =	shalt  }
0x41: {  	_ =	shalt  }
0x42: {  	_ =	shalt  }
0x43: {  	_ =	shalt  }
0x44: {  	_ =	shalt  }
0x45: {  	_ =	shalt  }
0x46: {  	_ =	shalt  }
0x47: {  	_ =	shalt  }
0x48: {  	_ =	shalt  }
0x49: {  	_ =	shalt  }
0x4a: {  	_ =	shalt  }
0x4b: {  	_ =	shalt  }
0x4c: {  	_ =	shalt  }
0x4d: {  	_ =	shalt  }
0x4e: {  	_ =	shalt  }
0x4f: {  	_ =	shalt  }
0x50: {  	_ =	shalt  }
0x51: {  	_ =	shalt  }
0x52: {  	_ =	shalt  }
0x53: {  	_ =	shalt  }
0x54: {  	_ =	shalt  }
0x55: {  	_ =	shalt  }
0x56: {  	_ =	shalt  }
0x57: {  	_ =	shalt  }
0x58: {  	_ =	shalt  }
0x59: {  	_ =	shalt  }
0x5a: {  	_ =	shalt  }
0x5b: {  	_ =	shalt  }
0x5c: {  	_ =	shalt  }
0x5d: {  	_ =	shalt  }
0x5e: {  	_ =	shalt  }
0x5f: {  	_ =	shalt  }
0x60: {  	_ =	shalt  }
0x61: {  	_ =	shalt  }
0x62: {  	_ =	shalt  }
0x63: {  	_ =	shalt  }
0x64: {  	_ =	shalt  }
0x65: {  	_ =	shalt  }
0x66: {  	_ =	shalt  }
0x67: {  	_ =	shalt  }
0x68: {  	_ =	shalt  }
0x69: {  	_ =	shalt  }
0x6a: {  	_ =	shalt  }
0x6b: {  	_ =	shalt  }
0x6c: {  	_ =	shalt  }
0x6d: {  	_ =	shalt  }
0x6e: {  	_ =	shalt  }
0x6f: {  	_ =	shalt  }
0x70: {  	_ =	shalt  }
0x71: {  	_ =	shalt  }
0x72: {  	_ =	shalt  }
0x73: {  	_ =	shalt  }
0x74: {  	_ =	shalt  }
0x75: {  	_ =	shalt  }
0x76: {  	_ =	shalt  }
0x77: {  	_ =	shalt  }
0x78: {  	_ =	shalt  }
0x79: {  	_ =	shalt  }
0x7a: {  	_ =	shalt  }
0x7b: {  	_ =	shalt  }
0x7c: {  	_ =	shalt  }
0x7d: {  	_ =	shalt  }
0x7e: {  	_ =	shalt  }
0x7f: {  	_ =	shalt  }
0x80: {  	_ =	shalt  }
0x81: {  	_ =	shalt  }
0x82: {  	_ =	shalt  }
0x83: {  	_ =	shalt  }
0x84: {  	_ =	shalt  }
0x85: {  	_ =	shalt  }
0x86: {  	_ =	shalt  }
0x87: {  	_ =	shalt  }
.Lfunc_end0:
.L_simem_size_0:
called_computation_lowered:
.L_overlay_start_0:
0x88: {  	s2 =	sld [smem:$0x3FD9]  }
0x89: {  	s3 =	sld [smem:$0x3FFE];
	_ =	sdelay $0x1  }
0x8a: {  	s1 =	srdreg.scid  }
0x8b: {  	s0 =	sand.u32 $0x1, s1  }
0x8c: {  	s17 =	sshll.u32 s0, $0xA;
	s2 =	sadd.s32 s3, s2  }
0x8d: {  	s2 =	sadd.s32 s2, s17  }
0x8e: {  	[smem:$0x3FB7] =	sst s2  }
0x8f: {  	_ = 	snop  }
0x90: {  	(tm) =	ssettm $0x1  }
0x91: {  	s18 =	sld [smem:$0x3FFB];
	_ =	sdelay $0x3  }
0x92: {  	_ =	strace s18  }
0x93: {  	s2 =	sld [smem:$0x3FFC];
	_ =	sdelay $0x3  }
0x94: {  	_ =	strace s2  }
0x95: {  	s2 =	sld [smem:$0x3FFD];
	_ =	sdelay $0x3  }
0x96: {  	_ =	strace s2  }
0x97: {  	_ =	strace $0x8FFFFFFF  }
0x98: {  	s19 =	sld [smem:$0x3FDB];
	_ =	sdelay $0x1  }
0x99: {  	s20 =	simm.s32 $_scs_section_size  }
0x9a: {  	s4 =	simm.s32 $_size__tile_overlayer_lowered;
	s5 =	simm.s32 $_tile_overlayer_lowered  }
0x9b: {  	s6 =	simm.s32 $0x1BFF;
	s21 =	sshll.u32 s5, $0x1;
	s3 =	sadd.s32 s20, s19  }
0x9c: {  	s22 =	simm.s32 $0x0;
	s4 =	sshll.u32 s4, $0x1;
	s5 =	sadd.s32 s21, s3  }
0x9d: {  	[timem:s22], [sflag:s6] =	dma.local [hbm:s5], s4  }
0x9e: {  	_ =	swait.ge [sflag:s6], s4  }
0x9f: {  	s4 =	ssub.s32 $0x0, s4;
	[sflag:s6] =	ssyncset.done $0x0  }
0xa0: {  	[sflag:s6] =	ssyncadd.s32 s4;
	_ =	sdelay $0x1  }
0xa1: {  	s23 =	simm.s32 $0x1B8B  }
0xa2: {  	_ =	swait.ge [sflag:s23], $0x1  }
0xa3: {  	[sflag:s23] =	ssyncset.done $0x0  }
0xa4: {  	[sflag:s23] =	ssyncadd.s32 $0xFFFFFFFF  }
0xa5: {  	s4 =	sld [smem:$0x0]  }
0xa6: {  	s5 =	sand.u32 $0xFFFFFFFE, s1  }
0xa7: {  	p0 =	sne.s32 s1, s5  }
0xa8: {  	s5 =	sshll.u32 @p0 s5, $0xE  }
0xa9: {  	s5 =	sadd.s32 @p0 $0x11B8D, s5;
	s6 =	sshll.u32 @p0 s4, $0x11  }
0xaa: {  	s5 =	sor.u32 @p0 s6, s5  }
0xab: {  	[sflag:s5] =	ssyncadd.remote.s32 @p0 $0x1;
	_ =	sdelay $0x1  }
0xac: {  	s5 =	simm.s32 @p0 $0x1B8D  }
0xad: {  	_ =	swait.eq @p0 [sflag:s5], $0x1  }
0xae: {  	[sflag:s5] =	ssyncadd.s32 @p0 $0xFFFFFFFF  }
0xaf: {  	s6 =	sshll.u32 @!p0 s1, $0xE  }
0xb0: {  	s6 =	sor.u32 @!p0 $0x4000, s6;
	s5 =	simm.s32 @!p0 $0x1B8D  }
0xb1: {  	s4 =	sshll.u32 @!p0 s4, $0x11;
	s6 =	sadd.s32 @!p0 $0x11B8D, s6;
	_ =	swait.eq @!p0 [sflag:s5], $0x1  }
0xb2: {  	s4 =	sor.u32 @!p0 s4, s6;
	[sflag:s5] =	ssyncadd.s32 @!p0 $0xFFFFFFFF  }
0xb3: {  	s25 =	simm.s32 $0x1B8E;
	s24 =	sld [smem:$0x3FFE];
	[sflag:s4] =	ssyncadd.remote.s32 @!p0 $0x1  }
0xb4: {  	s26 =	simm.s32 $execute0_lowered;
	[smem:$0x3FD2] =	sst s25  }
0xb5: {  	s5 =	sshll.u32 s26, $0x1;
	_ =	strace $0x80000049;
	[dreg:$0x1] =	wrdreg $0xFFFFFFFF  }
0xb6: {  	s28 =	simm.s32 $_size_execute0_lowered;
	s3 =	sadd.s32 s3, s5;
	[dreg:$0x0] =	wrdreg $0x0  }
0xb7: {  	s5 =	sshll.u32 s28, $0x1;
	[dreg:$0x2] =	wrdreg s3  }
0xb8: {  	[dreg:$0x3] =	wrdreg s5  }
0xb9: {  	[dreg:$0x4] =	wrdreg $0xC0  }
0xba: {  	_ =	task [dreg:s22], $0x5FFFF  }
0xbb: {  	[dreg:$0x1] =	wrdreg $0xFFFFFFFF  }
0xbc: {  	[dreg:$0x0] =	wrdreg $0x60  }
0xbd: {  	[dreg:$0x2] =	wrdreg s24  }
0xbe: {  	[dreg:$0x3] =	wrdreg $0x9  }
0xbf: {  	_ =	task.clear_ibuf [dreg:s22], $0x4FFFF;
	_ =	strace $0x90000049  }
0xc0: {  	s29 =	simm.s32 $0x9;
	_ =	strace $0x8000004B  }
0xc1: {  	_ =	swait.ge [sflag:s29], $0x1  }
0xc2: {  	[sflag:s29] =	ssyncadd.s32 $0xFFFFFFFF  }
0xc3: {  	_ =	strace $0x9000004B  }
0xc4: {  	_ =	sfence  }
0xc5: {  	s30 =	sld [smem:$0x0];
	_ =	sdelay $0x2  }
0xc6: {  	s31 =	sshll.u32 s1, $0xD;
	s1 =	sshrl.u32 s1, $0x2  }
0xc7: {  	s4 =	sand.u32 $0x4000, s31;
	s1 =	sadd.s32 s1, s30  }
0xc8: {  	s0 =	sor.u32 s4, s0;
	s1 =	sshll.u32 s1, $0x11  }
0xc9: {  	s0 =	sor.u32 s1, s0  }
0xca: {  	s0 =	sadd.s32 $0x8F2B, s0  }
0xcb: {  	[sflag:s0] =	ssyncadd.remote.s32 $0x1  }
0xcc: {  	_ =	sfence.sel $0xFFFF  }
0xcd: {  	[dreg:$0x0] =	wrdreg $0xFFFFFFFF;
	(pc) =	sbr.abs _section_cstart, $3  }
0xce: {  	[dreg:$0x1] =	wrdreg $0xFFFFFFFF  }
0xcf: {  	_ =	task.clear_ibuf [dreg:s22], $0x2FFFF;
	_ =	strace $0x9FFFFFFF  }
0xd0: {  	(tm) =	ssettm $0x7FFFFFFF  }
0xd1: {  	_ =	shalt  }
tec
execute0_lowered:
.L_overlay_start_1:
0x0: {  	(tag) =	ssettag $0x1  }
0x1: {  	s4 =	rddreg [dreg:$0x0]  }
0x2: {  	s0 =	rddreg [dreg:$0x1];
	s2 =	simm.s32 $0x0;
	s3 =	srdreg.scid  }
0x3: {  	s1 =	stileid.u32;
	s10 =	simm.s32 $0x1080;
	s11 =	simm.s32 $0x1880  }
0x4: {  	s12 =	simm.s32 $0x2080;
	s13 =	simm.s32 $0x2880;
	s14 =	simm.s32 $0x3080  }
0x5: {  	s15 =	simm.s32 $0x3880;
	s16 =	simm.s32 $0x4080;
	s17 =	simm.s32 $0x4880  }
0x6: {  	s18 =	simm.s32 $0x5080;
	s19 =	simm.s32 $0x5880;
	s20 =	simm.s32 $0x6080  }
0x7: {  	s21 =	simm.s32 $0x6880;
	s22 =	simm.s32 $0x7080;
	s23 =	simm.s32 $0x7880  }
0x8: {  	s24 =	simm.s32 $0x1;
	s25 =	simm.s32 $0x0;
	[smem:$0x7FF] =	sst s2  }
0x9: {  	s5 =	sand.u32 $0x1, s3;
	s6 =	sshll.u32 s1, $0xC;
	s3 =	sadd.s32 $0x5200, s4  }
0xa: {  	s8 =	sshll.u32 s1, $0x11;
	_ =	strace $0x8000004A;
	s7 =	sshll.u32 s5, $0xB  }
0xb: {  	s31 =	ssub.s32 $0x2, s5;
	s8 =	sadd.s32 s8, s4;
	s5 =	sshll.u32 s5, $0x10  }
0xc: {  	s6 =	sor.u32 s7, s6;
	s9 =	sshrl.u32 s31, $0x1;
	s5 =	sadd.s32 s5, s8  }
0xd: {  	v2 =	vlaneseq.u32;
	s8 =	simm.s32 $0x80;
	s6 =	sshrl.u32 s6, $0x3;
	s7 =	ssub.s32 s31, s9  }
0xe: {  	vm0 =	vmmov $0xffff;
	v1 =	vshrl.u32 v2, $0x3;
	s5 =	sadd.s32 $0x247200, s5;
	s9 =	simm.s32 $0x880;
	s6 =	sadd.s32 s6, s4  }
0xf: {  	v0 =	vand.u32 $0x7, v2;
	v2 =	vor.u32 $0x8, v2;
	v1 =	vmul.u32 $0x8, v1;
	s4 =	smax.u32 s7, $0x1;
	s7 =	simm.s32 $0x2;
	s6 =	sadd.s32 $0x245200, s6  }
.LBB2_1:
0x10: {  	s26 =	smov.u32 s5;
	s28 =	simm.s32 $0x0  }
.LBB2_2:
0x11: {  	s29 =	sadd.s32 s28, s6  }
0x12: {  	[tilespmem:s2], [sflag:$0x2] =	stream.linear.gather [hbm4b:s29+s2], $0x80, $0x38;
	[tilespmem:$0x8080] =	vst v63  }
0x13: {  	_ =	swait.ge [sflag:s7], $0x80  }
0x14: {  	[sflag:s7] =	ssyncset.done $0x0  }
0x15: {  	[sflag:s7] =	ssyncadd.s32 $0xFFFFFF80  }
0x16: {  	v3 =	vld [tilespmem:$0x0];
	_ =	sdelay $0x4  }
0x17: {  	v4 =	vshll.u32 v3, $0x1  }
0x18: {  	v3 =	vand.u32 $0x7, v3;
	v4 =	vand.u32 $0xFFFFFFF0, v4  }
0x19: {  	v3 =	vor.u32 v3, v4  }
0x1a: {  	v4 =	vperm.xlane v3, v0;
	_ =	sdelay $0x1  }
0x1b: {  	v3 =	vperm.xlane v3, v2;
	v4 =	vadd.s32 v1, v4;
	_ =	sdelay $0x1  }
0x1c: {  	v3 =	vadd.s32 v1, v3;
	_ =	sdelay $0x2  }
0x1d: {  	[tilespmem:s8], [sflag:$0x1] =	stream.indirect_vreg.gather [hbm4b:s3+s2], $0x80, v4, vm0, $0xb8;
	[tilespmem:$0x8080] =	vst v63  }
0x1e: {  	_ = 	snop  }
0x1f: {  	[tilespmem:s9], [sflag:$0x1] =	stream.indirect_vreg.gather [hbm4b:s3+s2], $0x80, v3, vm0, $0xb8;
	[tilespmem:$0x8080] =	vst v63  }
0x20: {  	v3 =	vld [tilespmem:$0x10];
	_ =	sdelay $0x4  }
0x21: {  	v57 =	vshll.u32 v3, $0x1  }
0x22: {  	v3 =	vand.u32 $0x7, v3;
	v4 =	vand.u32 $0xFFFFFFF0, v57  }
0x23: {  	v3 =	vor.u32 v3, v4  }
0x24: {  	v4 =	vperm.xlane v3, v0;
	_ =	sdelay $0x1  }
0x25: {  	v3 =	vperm.xlane v3, v2;
	v4 =	vadd.s32 v1, v4;
	_ =	sdelay $0x1  }
0x26: {  	v3 =	vadd.s32 v1, v3;
	_ =	sdelay $0x2  }
0x27: {  	[tilespmem:s10], [sflag:$0x1] =	stream.indirect_vreg.gather [hbm4b:s3+s2], $0x80, v4, vm0, $0xb8;
	[tilespmem:$0x8080] =	vst v63  }
0x28: {  	_ = 	snop  }
0x29: {  	[tilespmem:s11], [sflag:$0x1] =	stream.indirect_vreg.gather [hbm4b:s3+s2], $0x80, v3, vm0, $0xb8;
	[tilespmem:$0x8080] =	vst v63  }
0x2a: {  	v3 =	vld [tilespmem:$0x20];
	_ =	sdelay $0x4  }
0x2b: {  	v58 =	vshll.u32 v3, $0x1  }
0x2c: {  	v3 =	vand.u32 $0x7, v3;
	v4 =	vand.u32 $0xFFFFFFF0, v58  }
0x2d: {  	v3 =	vor.u32 v3, v4  }
0x2e: {  	v4 =	vperm.xlane v3, v0;
	_ =	sdelay $0x1  }
0x2f: {  	v3 =	vperm.xlane v3, v2;
	v4 =	vadd.s32 v1, v4;
	_ =	sdelay $0x1  }
0x30: {  	v3 =	vadd.s32 v1, v3;
	_ =	sdelay $0x2  }
0x31: {  	[tilespmem:s12], [sflag:$0x1] =	stream.indirect_vreg.gather [hbm4b:s3+s2], $0x80, v4, vm0, $0xb8;
	[tilespmem:$0x8080] =	vst v63  }
0x32: {  	_ = 	snop  }
0x33: {  	[tilespmem:s13], [sflag:$0x1] =	stream.indirect_vreg.gather [hbm4b:s3+s2], $0x80, v3, vm0, $0xb8;
	[tilespmem:$0x8080] =	vst v63  }
0x34: {  	v3 =	vld [tilespmem:$0x30];
	_ =	sdelay $0x4  }
0x35: {  	v59 =	vshll.u32 v3, $0x1  }
0x36: {  	v3 =	vand.u32 $0x7, v3;
	v4 =	vand.u32 $0xFFFFFFF0, v59  }
0x37: {  	v3 =	vor.u32 v3, v4  }
0x38: {  	v4 =	vperm.xlane v3, v0;
	_ =	sdelay $0x1  }
0x39: {  	v3 =	vperm.xlane v3, v2;
	v4 =	vadd.s32 v1, v4;
	_ =	sdelay $0x1  }
0x3a: {  	v3 =	vadd.s32 v1, v3;
	_ =	sdelay $0x2  }
0x3b: {  	[tilespmem:s14], [sflag:$0x1] =	stream.indirect_vreg.gather [hbm4b:s3+s2], $0x80, v4, vm0, $0xb8;
	[tilespmem:$0x8080] =	vst v63  }
0x3c: {  	_ = 	snop  }
0x3d: {  	[tilespmem:s15], [sflag:$0x1] =	stream.indirect_vreg.gather [hbm4b:s3+s2], $0x80, v3, vm0, $0xb8;
	[tilespmem:$0x8080] =	vst v63  }
0x3e: {  	v3 =	vld [tilespmem:$0x40];
	_ =	sdelay $0x4  }
0x3f: {  	v60 =	vshll.u32 v3, $0x1  }
0x40: {  	v3 =	vand.u32 $0x7, v3;
	v4 =	vand.u32 $0xFFFFFFF0, v60  }
0x41: {  	v3 =	vor.u32 v3, v4  }
0x42: {  	v4 =	vperm.xlane v3, v0;
	_ =	sdelay $0x1  }
0x43: {  	v3 =	vperm.xlane v3, v2;
	v4 =	vadd.s32 v1, v4;
	_ =	sdelay $0x1  }
0x44: {  	v3 =	vadd.s32 v1, v3;
	_ =	sdelay $0x2  }
0x45: {  	[tilespmem:s16], [sflag:$0x1] =	stream.indirect_vreg.gather [hbm4b:s3+s2], $0x80, v4, vm0, $0xb8;
	[tilespmem:$0x8080] =	vst v63  }
0x46: {  	_ = 	snop  }
0x47: {  	[tilespmem:s17], [sflag:$0x1] =	stream.indirect_vreg.gather [hbm4b:s3+s2], $0x80, v3, vm0, $0xb8;
	[tilespmem:$0x8080] =	vst v63  }
0x48: {  	v3 =	vld [tilespmem:$0x50];
	_ =	sdelay $0x4  }
0x49: {  	v61 =	vshll.u32 v3, $0x1  }
0x4a: {  	v3 =	vand.u32 $0x7, v3;
	v4 =	vand.u32 $0xFFFFFFF0, v61  }
0x4b: {  	v3 =	vor.u32 v3, v4  }
0x4c: {  	v4 =	vperm.xlane v3, v0;
	_ =	sdelay $0x1  }
0x4d: {  	v3 =	vperm.xlane v3, v2;
	v4 =	vadd.s32 v1, v4;
	_ =	sdelay $0x1  }
0x4e: {  	v3 =	vadd.s32 v1, v3;
	_ =	sdelay $0x2  }
0x4f: {  	[tilespmem:s18], [sflag:$0x1] =	stream.indirect_vreg.gather [hbm4b:s3+s2], $0x80, v4, vm0, $0xb8;
	[tilespmem:$0x8080] =	vst v63  }
0x50: {  	_ = 	snop  }
0x51: {  	[tilespmem:s19], [sflag:$0x1] =	stream.indirect_vreg.gather [hbm4b:s3+s2], $0x80, v3, vm0, $0xb8;
	[tilespmem:$0x8080] =	vst v63  }
0x52: {  	v3 =	vld [tilespmem:$0x60];
	_ =	sdelay $0x4  }
0x53: {  	v62 =	vshll.u32 v3, $0x1  }
0x54: {  	v3 =	vand.u32 $0x7, v3;
	v4 =	vand.u32 $0xFFFFFFF0, v62  }
0x55: {  	v3 =	vor.u32 v3, v4  }
0x56: {  	v4 =	vperm.xlane v3, v0;
	_ =	sdelay $0x1  }
0x57: {  	v3 =	vperm.xlane v3, v2;
	v4 =	vadd.s32 v1, v4;
	_ =	sdelay $0x1  }
0x58: {  	v3 =	vadd.s32 v1, v3;
	_ =	sdelay $0x2  }
0x59: {  	[tilespmem:s20], [sflag:$0x1] =	stream.indirect_vreg.gather [hbm4b:s3+s2], $0x80, v4, vm0, $0xb8;
	[tilespmem:$0x8080] =	vst v63  }
0x5a: {  	_ = 	snop  }
0x5b: {  	[tilespmem:s21], [sflag:$0x1] =	stream.indirect_vreg.gather [hbm4b:s3+s2], $0x80, v3, vm0, $0xb8;
	[tilespmem:$0x8080] =	vst v63  }
0x5c: {  	v3 =	vld [tilespmem:$0x70];
	_ =	sdelay $0x4  }
0x5d: {  	v63 =	vshll.u32 v3, $0x1  }
0x5e: {  	v3 =	vand.u32 $0x7, v3;
	v4 =	vand.u32 $0xFFFFFFF0, v63  }
0x5f: {  	v3 =	vor.u32 v3, v4  }
0x60: {  	v4 =	vperm.xlane v3, v0;
	_ =	sdelay $0x1  }
0x61: {  	v3 =	vperm.xlane v3, v2;
	v4 =	vadd.s32 v1, v4;
	_ =	sdelay $0x1  }
0x62: {  	v3 =	vadd.s32 v1, v3;
	_ =	sdelay $0x2  }
0x63: {  	[tilespmem:s22], [sflag:$0x1] =	stream.indirect_vreg.gather [hbm4b:s3+s2], $0x80, v4, vm0, $0xb8;
	[tilespmem:$0x8080] =	vst v63  }
0x64: {  	_ = 	snop  }
0x65: {  	[tilespmem:s23], [sflag:$0x1] =	stream.indirect_vreg.gather [hbm4b:s3+s2], $0x80, v3, vm0, $0xb8;
	[tilespmem:$0x8080] =	vst v63  }
0x66: {  	_ =	swait.ge [sflag:s24], $0x8000  }
0x67: {  	p0 =	sne.s32 s28, $0xF0;
	[sflag:s24] =	ssyncset.done $0x0  }
.Ltmp0:
0x68: {  	[sflag:s24] =	ssyncadd.s32 $0xFFFF8000;
	(pc) =	sbr.rel @p0 .LBB2_2-.Ltmp0, $4  }
0x69: {  	[hbm4b:s26+s2] =	stream.linear.scatter [tilespmem:s8], [sflag:$0x2], $0x8000, $0x38;
	[tilespmem:$0x8080] =	vst v63  }
0x6a: {  	_ =	swait.ge [sflag:s7], $0x8000  }
0x6b: {  	[sflag:s7] =	ssyncset.done $0x0  }
0x6c: {  	s28 =	sadd.s32 $0x10, s28;
	s26 =	sadd.s32 $0x1000, s26;
	[sflag:s7] =	ssyncadd.s32 $0xFFFF8000  }
0x6d: {  	s25 =	sadd.s32 $0x1, s25  }
0x6e: {  	p0 =	sne.s32 s25, s4  }
.Ltmp1:
0x6f: {  	_ = 	snop;
	(pc) =	sbr.rel @p0 .LBB2_1-.Ltmp1, $1  }
0x70: {  	_ =	sdelay $0x3  }
0x71: {  	_ =	sfence.sel $0x180000  }
0x72: {  	[bflag:$0x0] =	sbarrier.arrive $0xFFFF  }
0x73: {  	p0 =	sne.s32 s1, $0x0;
	_ =	strace $0x9000004A  }
0x74: {  	s0 =	sadd.s32 @!p0 $0x100000, s0;
	[bflag:$0x2] =	sbarrier.arrive $0xFFFF  }
0x75: {  	[sflag:s0] =	ssyncadd.tile.s32 @!p0 $0x1;
	_ =	shalt  }
.Lfunc_end2:
_tile_overlayer_lowered:
.L_overlay_start_2:
0x76: {  	(tag) =	ssettag $0x2  }
0x77: {  	s0 =	rddreg [dreg:$0x0];
	s2 =	stileid.u32  }
0x78: {  	s1 =	rddreg [dreg:$0x1];
	p0 =	sne.s32 s2, $0x0  }
0x79: {  	s3 =	rddreg [dreg:$0x2];
	[bflag:$0x3] =	sbarrier.arrive $0xFFFF;
	s2 =	simm.s32 @!p0 $0x1C02  }
0x7a: {  	[timem:s3], [sflag:s2] =	dma.local @!p0 [hbm:s0], s1  }
0x7b: {  	s0 =	simm.s32 @!p0 $0x2  }
0x7c: {  	_ =	swait.ge @!p0 [sflag:s0], s1  }
0x7d: {  	s1 =	ssub.s32 @!p0 $0x0, s1;
	[sflag:s0] =	ssyncset.done @!p0 $0x0  }
0x7e: {  	[sflag:s0] =	ssyncadd.s32 @!p0 s1  }
0x7f: {  	[bflag:$0x3] =	sbarrier.arrive $0xFFFF  }
0x80: {  	_ =	shalt  }

</sc_bundles>
